<compile_context>
chip_gen: v7x
topology: tpu7x:2x2x1
jax: 0.10.2.dev20260603
libtpu: 0.0.44.dev20260713+nightly
codegen_flags: <defaults>
</compile_context>

<pallas_src>
import functools

import jax
import jax.numpy as jnp
from jax import lax
from jax.experimental import pallas as pl
from jax.experimental.pallas import tpu as pltpu
from jax.experimental.pallas import tpu_sc as plsc

N = 10000
E = 160000
D = 256
GENE = 512
H = 256
H2 = 128
NTRAIN = 20000

NSC = 2
NT = 16
CH = 128
TROWS = 632
NP = NT * TROWS
EC = 80
EPAD = NT * EC * CH
DC = 40
DPAD = NT * DC * CH
PC = 5
PPAD = NSC * NT * PC * CH

_mesh = plsc.VectorSubcoreMesh(core_axis_name="c", subcore_axis_name="s")



DG = 8


def _deg_body(idx_hbm, ones_hbm, out_hbm, idx_v, ones_v, accum, dsem):
  c = lax.axis_index("c")
  t = lax.axis_index("s")
  pltpu.sync_copy(idx_hbm.at[c, t], idx_v)
  pltpu.sync_copy(ones_hbm.at[pl.ds(0, CH)], ones_v)
  pltpu.sync_copy(ones_hbm, accum.at[pl.ds(t * TROWS, TROWS)])
  plsc.subcore_barrier()

  def body(g, carry):
    cps = [pltpu.async_copy(ones_v, accum.at[idx_v.at[g * DG + k]], dsem,
                            add=True) for k in range(DG)]
    for cp in cps:
      cp.wait()
    return carry

  lax.fori_loop(0, DC // DG, body, 0)
  plsc.subcore_barrier()
  pltpu.sync_copy(accum.at[pl.ds(t * TROWS, TROWS)],
                  out_hbm.at[c, pl.ds(t * TROWS, TROWS)])


_deg_kernel = pl.kernel(
    _deg_body,
    out_type=jax.ShapeDtypeStruct((NSC, NP, CH), jnp.float32),
    mesh=_mesh,
    scratch_types=[
        pltpu.VMEM((DC, CH), jnp.int32),
        pltpu.VMEM((CH, CH), jnp.float32),
        pltpu.VMEM_SHARED((NP, CH), jnp.float32),
        pltpu.SemaphoreType.DMA,
    ],
)


G = 8
NG = EC // G


def _edge_body(xs_hbm, src_hbm, dst_hbm, out_hbm, sring, dring, buf0, buf1,
               accum, sem0, sem1):
  c = lax.axis_index("c")
  t = lax.axis_index("s")
  pltpu.sync_copy(xs_hbm.at[pl.ds(c * NP + t * TROWS, TROWS)],
                  accum.at[pl.ds(t * TROWS, TROWS)])
  plsc.subcore_barrier()

  bufs = (buf0, buf1)
  sems = (sem0, sem1)

  def group(g, carry):
    pltpu.sync_copy(src_hbm.at[c, t, pl.ds(g * G, G)], sring)
    pltpu.sync_copy(dst_hbm.at[t, pl.ds(g * G, G)], dring)
    cp = [None] * G
    cp[0] = pltpu.async_copy(xs_hbm.at[sring.at[0]], buf0, sem0)
    for k in range(G):
      if k + 1 < G:
        cp[k + 1] = pltpu.async_copy(xs_hbm.at[sring.at[k + 1]],
                                     bufs[(k + 1) % 2], sems[(k + 1) % 2])
      cp[k].wait()
      pltpu.sync_copy(bufs[k % 2], accum.at[dring.at[k]], add=True)
    return carry

  lax.fori_loop(0, NG, group, 0)
  plsc.subcore_barrier()
  pltpu.sync_copy(accum.at[pl.ds(t * TROWS, TROWS)],
                  out_hbm.at[c, pl.ds(t * TROWS, TROWS)])


_edge_kernel = pl.kernel(
    _edge_body,
    out_type=jax.ShapeDtypeStruct((NSC, NP, H // NSC), jnp.float32),
    mesh=_mesh,
    scratch_types=[
        pltpu.VMEM((G, CH), jnp.int32),
        pltpu.VMEM((G, CH), jnp.int32),
        pltpu.VMEM((CH, H // NSC), jnp.float32),
        pltpu.VMEM((CH, H // NSC), jnp.float32),
        pltpu.VMEM_SHARED((NP, H // NSC), jnp.float32),
        pltpu.SemaphoreType.DMA,
        pltpu.SemaphoreType.DMA,
    ],
)


def _pair_body(z_hbm, fidx_hbm, gidx_hbm, outf_hbm, outg_hbm, fidx_v, gidx_v,
               buf0, buf1, sem0, sem1):
  c = lax.axis_index("c")
  t = lax.axis_index("s")
  w = c * NT + t
  pltpu.sync_copy(fidx_hbm.at[c, t], fidx_v)
  pltpu.sync_copy(gidx_hbm.at[c, t], gidx_v)

  idxs = [(fidx_v, 0)] * PC
  bufs = (buf0, buf1)
  sems = (sem0, sem1)
  work = []
  for j in range(PC):
    work.append((fidx_v, j, 0))
    work.append((gidx_v, j, 1))

  def start(k):
    iv, j, _ = work[k]
    return pltpu.async_copy(z_hbm.at[iv.at[j]], bufs[k % 2], sems[k % 2])

  cp = [None] * len(work)
  cp[0] = start(0)
  for k in range(len(work)):
    if k + 1 < len(work):
      cp[k + 1] = start(k + 1)
    cp[k].wait()
    _, j, which = work[k]
    base = w * (PC * CH) + j * CH
    if which == 0:
      pltpu.sync_copy(bufs[k % 2], outf_hbm.at[pl.ds(base, CH)])
    else:
      pltpu.sync_copy(bufs[k % 2], outg_hbm.at[pl.ds(base, CH)])


_pair_kernel = pl.kernel(
    _pair_body,
    out_type=[
        jax.ShapeDtypeStruct((PPAD, H2), jnp.float32),
        jax.ShapeDtypeStruct((PPAD, H2), jnp.float32),
    ],
    mesh=_mesh,
    scratch_types=[
        pltpu.VMEM((PC, CH), jnp.int32),
        pltpu.VMEM((PC, CH), jnp.int32),
        pltpu.VMEM((CH, H2), jnp.float32),
        pltpu.VMEM((CH, H2), jnp.float32),
        pltpu.SemaphoreType.DMA,
        pltpu.SemaphoreType.DMA,
    ],
)



BM = 400


def _mm0_body(x_ref, w_ref, out_ref):
  out_ref[...] = jnp.dot(x_ref[...], w_ref[...],
                         preferred_element_type=jnp.float32)


def _mm1_body(xw_ref, degp_ref, out_ref, dinv_ref):
  deg = degp_ref[0, :, 0:1] + degp_ref[1, :, 0:1] - 1.0
  dinv = lax.rsqrt(deg)
  dinv_ref[...] = dinv
  xs = xw_ref[...] * dinv
  out_ref[0] = xs[:, :H // 2]
  out_ref[1] = xs[:, H // 2:]


def _mm2_body(acc_ref, w_ref, b_ref, dinv_ref, out_ref):
  dinv = dinv_ref[...]
  h = jnp.concatenate([acc_ref[0], acc_ref[1]], axis=1) * dinv + b_ref[...]
  h = jnp.maximum(h, 0.0)
  xw = jnp.dot(h, w_ref[...], preferred_element_type=jnp.float32)
  xs = xw * dinv
  out_ref[0] = xs[:, :H // 2]
  out_ref[1] = xs[:, H // 2:]


def _lrelu(x):
  return jnp.where(x > 0, x, 0.01 * x)


def _mlp_body(acc_ref, dinv_ref, b2_ref, llm_ref, m1l_ref, m1r_ref, c1_ref,
              m2_ref, c2_ref, out_ref):
  dinv = dinv_ref[...]
  h = jnp.concatenate([acc_ref[0], acc_ref[1]], axis=1) * dinv + b2_ref[...]
  e = (jnp.dot(llm_ref[...], m1l_ref[...], preferred_element_type=jnp.float32)
       + jnp.dot(h, m1r_ref[...], preferred_element_type=jnp.float32)
       + c1_ref[...])
  z1 = _lrelu(e)
  z2 = _lrelu(jnp.dot(z1, m2_ref[...], preferred_element_type=jnp.float32)
              + c2_ref[...])
  out_ref[...] = z2


def _dot_body(tf_ref, tg_ref, out_ref):
  out_ref[...] = jnp.sum(tf_ref[...] * tg_ref[...], axis=1, keepdims=True)


def _row_spec(shape):
  nd = len(shape)
  return pl.BlockSpec((None,) * 0 + shape, lambda i: (i,) + (0,) * (nd - 1))


def _full_spec(shape):
  nd = len(shape)
  return pl.BlockSpec(shape, lambda i: (0,) * nd)


_mm0 = pl.pallas_call(
    _mm0_body,
    grid=(N // BM,),
    in_specs=[
        _row_spec((BM, D)),
        _full_spec((D, H)),
    ],
    out_specs=_row_spec((BM, H)),
    out_shape=jax.ShapeDtypeStruct((N, H), jnp.float32),
)

_mm1 = pl.pallas_call(
    _mm1_body,
    grid=(N // BM,),
    in_specs=[
        _row_spec((BM, H)),
        pl.BlockSpec((2, BM, CH), lambda i: (0, i, 0)),
    ],
    out_specs=[
        pl.BlockSpec((2, BM, H // 2), lambda i: (0, i, 0)),
        pl.BlockSpec((BM, 1), lambda i: (i, 0)),
    ],
    out_shape=[
        jax.ShapeDtypeStruct((2, NP, H // 2), jnp.float32),
        jax.ShapeDtypeStruct((NP, 1), jnp.float32),
    ],
)

_mm2 = pl.pallas_call(
    _mm2_body,
    grid=(N // BM,),
    in_specs=[
        pl.BlockSpec((2, BM, H // 2), lambda i: (0, i, 0)),
        _full_spec((H, H)),
        _full_spec((1, H)),
        pl.BlockSpec((BM, 1), lambda i: (i, 0)),
    ],
    out_specs=pl.BlockSpec((2, BM, H // 2), lambda i: (0, i, 0)),
    out_shape=jax.ShapeDtypeStruct((2, NP, H // 2), jnp.float32),
)

_mlp = pl.pallas_call(
    _mlp_body,
    grid=(N // BM,),
    in_specs=[
        pl.BlockSpec((2, BM, H // 2), lambda i: (0, i, 0)),
        pl.BlockSpec((BM, 1), lambda i: (i, 0)),
        _full_spec((1, H)),
        _row_spec((BM, GENE)),
        _full_spec((GENE, H)),
        _full_spec((H, H)),
        _full_spec((1, H)),
        _full_spec((H, H2)),
        _full_spec((1, H2)),
    ],
    out_specs=_row_spec((BM, H2)),
    out_shape=jax.ShapeDtypeStruct((N, H2), jnp.float32),
)

_BP = 512

_pair_dot = pl.pallas_call(
    _dot_body,
    grid=(PPAD // _BP,),
    in_specs=[_row_spec((_BP, H2)), _row_spec((_BP, H2))],
    out_specs=pl.BlockSpec((_BP, 1), lambda i: (i, 0)),
    out_shape=jax.ShapeDtypeStruct((PPAD, 1), jnp.float32),
)



def _pad_reshape(a, total, fill, shape):
  pad = jnp.full((total - a.shape[0],), fill, dtype=a.dtype)
  return jnp.concatenate([a, pad]).reshape(shape)


def _pad_spread(a, total, shape):
  n = total - a.shape[0]
  pad = N + (jnp.arange(n, dtype=a.dtype) % (NP - N))
  return jnp.concatenate([a, pad]).reshape(shape)


@jax.jit
def kernel(x, adj, train_sample, llm_emb, W1, b1, W2, b2, M1, c1, M2, c2):
  src = adj[0]
  dst = adj[1]

  src_pad = _pad_spread(src, EPAD, (NT, EC, CH))
  src_idx = jnp.stack([src_pad, src_pad + NP])
  dst_idx = _pad_spread(dst, EPAD, (NT, EC, CH))
  deg_idx = jnp.stack([
      _pad_spread(dst[:E // 2], DPAD, (NT, DC, CH)),
      _pad_spread(dst[E // 2:], DPAD, (NT, DC, CH)),
  ])
  nppad = PPAD - NTRAIN
  pspread = (jnp.arange(nppad, dtype=jnp.int32) * 61) % N
  fidx = jnp.concatenate([train_sample[:, 0], pspread]).reshape(
      (NSC, NT, PC, CH))
  gidx = jnp.concatenate([train_sample[:, 1], pspread]).reshape(
      (NSC, NT, PC, CH))
  ones = jnp.ones((TROWS, CH), jnp.float32)

  degp = _deg_kernel(deg_idx, ones)
  xw1 = _mm0(x, W1)

  xs1, dinv = _mm1(xw1, degp)
  xs1 = xs1.reshape(NSC * NP, H // 2)
  acc1 = _edge_kernel(xs1, src_idx, dst_idx)

  xs2 = _mm2(acc1, W2, b1.reshape(1, H), dinv).reshape(NSC * NP, H // 2)
  acc2 = _edge_kernel(xs2, src_idx, dst_idx)

  z = _mlp(acc2, dinv, b2.reshape(1, H), llm_emb,
           M1[:, :GENE].T, M1[:, GENE:].T, c1.reshape(1, H),
           M2.T, c2.reshape(1, H2))

  tf, tg = _pair_kernel(z, fidx, gidx)
  pred = _pair_dot(tf, tg)
  return pred[:NTRAIN]

# --- scband reference (transcript-rebuilt; emitter-appended) ---
"""Pipeline reference for scband-sc-trans-net-gcn-26611617366514 (READ-ONLY COPY).

The authoritative reference and input builder live on the scoring server;
editing this copy changes nothing except your own understanding.
"""

import jax, jax.numpy as jnp
import numpy as np

N = 10000
E = 160000
D = 256
GENE = 512
H_GNN = 256
H1 = 256
H2 = 128
NTRAIN = 20000


def gcn_conv(x, src, dst, W, b):
    # PyG GCNConv with default add_self_loops=True, normalize=True, symmetric norm
    num_nodes = x.shape[0]
    loop = jnp.arange(num_nodes, dtype=src.dtype)
    row = jnp.concatenate([src, loop])
    col = jnp.concatenate([dst, loop])
    deg = jnp.zeros((num_nodes,), x.dtype).at[col].add(1.0)
    dinv = jnp.where(deg > 0, 1.0 / jnp.sqrt(deg), 0.0)
    norm = dinv[row] * dinv[col]
    xw = x @ W
    msg = xw[row] * norm[:, None]
    out = jnp.zeros((num_nodes, W.shape[1]), x.dtype).at[col].add(msg)
    return out + b


def setup_inputs(seed: int = 0):
    key = jax.random.key(seed)
    ks = jax.random.split(key, 12)
    x = jax.random.normal(ks[0], (N, D), dtype=jnp.float32)
    adj = jax.random.randint(ks[1], (2, E), 0, N, dtype=jnp.int32)
    train_sample = jax.random.randint(ks[2], (NTRAIN, 2), 0, N, dtype=jnp.int32)
    llm_emb = jax.random.normal(ks[3], (N, GENE), dtype=jnp.float32)
    # GCN layer weights (glorot-ish scaling)
    W1 = jax.random.normal(ks[4], (D, H_GNN), dtype=jnp.float32) / np.sqrt(D)
    b1 = jnp.zeros((H_GNN,), dtype=jnp.float32)
    W2 = jax.random.normal(ks[5], (H_GNN, H_GNN), dtype=jnp.float32) / np.sqrt(H_GNN)
    b2 = jnp.zeros((H_GNN,), dtype=jnp.float32)
    # MLP layers: nn.Linear(in, out) -> weight [out, in]
    M1 = jax.random.normal(ks[6], (H1, H_GNN + GENE), dtype=jnp.float32) / np.sqrt(H_GNN + GENE)
    c1 = jax.random.normal(ks[7], (H1,), dtype=jnp.float32) * 0.01
    M2 = jax.random.normal(ks[8], (H2, H1), dtype=jnp.float32) / np.sqrt(H1)
    c2 = jax.random.normal(ks[9], (H2,), dtype=jnp.float32) * 0.01
    return {"x": x, "adj": adj, "train_sample": train_sample, "llm_emb": llm_emb,
            "W1": W1, "b1": b1, "W2": W2, "b2": b2,
            "M1": M1, "c1": c1, "M2": M2, "c2": c2}


def reference(x, adj, train_sample, llm_emb, W1, b1, W2, b2, M1, c1, M2, c2):
    src = adj[0]
    dst = adj[1]
    # encode: 2 GCN layers, relu between (dropout p=0.0 -> identity)
    h = jax.nn.relu(gcn_conv(x, src, dst, W1, b1))
    h = gcn_conv(h, src, dst, W2, b2)
    embed = jnp.concatenate([llm_emb, h], axis=1)
    # MLP applied identically to tf and target branches
    z = jax.nn.leaky_relu(embed @ M1.T + c1, negative_slope=0.01)
    z = jax.nn.leaky_relu(z @ M2.T + c2, negative_slope=0.01)
    tf = z[train_sample[:, 0]]
    tg = z[train_sample[:, 1]]
    # decode type 'dot'
    pred = jnp.sum(tf * tg, axis=1).reshape(-1, 1)
    return pred

if __name__ == "__main__":
    import jax
    _d = setup_inputs()
    print(jax.jit(kernel)(*tuple(_d.values())))

</pallas_src>

<mosaic_0001>
#map = affine_map<(d0, d1) -> (0, 0, 0, 0)>
#map1 = affine_map<(d0, d1) -> (0, 0)>
#map2 = affine_map<(d0, d1) -> (0, 0, 0)>
module attributes {stable_mosaic.version = 14 : i64} {
  func.func @_deg_body(%arg0: i32, %arg1: i32, %arg2: memref<2x16x40x128xi32, #tpu.memory_space<hbm>>, %arg3: memref<632x128xf32, #tpu.memory_space<hbm>>, %arg4: memref<2x10112x128xf32, #tpu.memory_space<hbm>>, %arg5: memref<40x128xi32, #tpu.memory_space<vmem>>, %arg6: memref<128x128xf32, #tpu.memory_space<vmem>>, %arg7: memref<10112x128xf32, #tpu.memory_space<vmem_shared>>, %arg8: memref<!tpu.dma_semaphore, #tpu.memory_space<semaphore_mem>>) attributes {dimension_semantics = [#tpu.dimension_semantics<core_parallel>, #tpu.dimension_semantics<subcore_parallel>], iteration_bounds = array<i64: 2, 16>, scalar_prefetch = 0 : i64, scratch_operands = 4 : i64, tpu.core_type = #tpu.core_type<sc_vector_subcore>, window_params = [{transform_indices = #map}, {transform_indices = #map1}, {transform_indices = #map2}]} {
    "tpu.region"() ({
      %run_scoped3A = tpu.sem_alloc : memref<!tpu.dma_semaphore, #tpu.memory_space<semaphore_mem>>
      %dma_start3A = arith.constant 0 : i32
      %dma_start3A_11 = arith.constant 0 : i32
      %dma_start3A_12 = tpu.memref_slice %arg2[%arg0, %arg1, %dma_start3A, %dma_start3A_11] : memref<2x16x40x128xi32, #tpu.memory_space<hbm>> -> memref<1x1x40x128xi32, #tpu.memory_space<hbm>>
      %dma_start3A_13 = tpu.memref_squeeze %dma_start3A_12 : memref<1x1x40x128xi32, #tpu.memory_space<hbm>> -> memref<40x128xi32, #tpu.memory_space<hbm>>
      %dma_start3A_14 = arith.constant 0 : i32
      %dma_start3A_15 = arith.constant 0 : i32
      %dma_start3A_16 = tpu.memref_slice %arg2[%arg0, %arg1, %dma_start3A_14, %dma_start3A_15] : memref<2x16x40x128xi32, #tpu.memory_space<hbm>> -> memref<1x1x40x128xi32, #tpu.memory_space<hbm>>
      %dma_start3A_17 = tpu.memref_squeeze %dma_start3A_16 : memref<1x1x40x128xi32, #tpu.memory_space<hbm>> -> memref<40x128xi32, #tpu.memory_space<hbm>>
      tpu.enqueue_dma source(%dma_start3A_17 : memref<40x128xi32, #tpu.memory_space<hbm>>) target(%arg5 : memref<40x128xi32, #tpu.memory_space<vmem>>) target_semaphore(%run_scoped3A : memref<!tpu.dma_semaphore, #tpu.memory_space<semaphore_mem>>)
      %dma_wait3A = arith.constant 0 : i32
      %dma_wait3A_18 = arith.constant 0 : i32
      %dma_wait3A_19 = tpu.memref_slice %arg2[%arg0, %arg1, %dma_wait3A, %dma_wait3A_18] : memref<2x16x40x128xi32, #tpu.memory_space<hbm>> -> memref<1x1x40x128xi32, #tpu.memory_space<hbm>>
      %dma_wait3A_20 = tpu.memref_squeeze %dma_wait3A_19 : memref<1x1x40x128xi32, #tpu.memory_space<hbm>> -> memref<40x128xi32, #tpu.memory_space<hbm>>
      %dma_wait3A_21 = arith.constant 0 : i32
      %dma_wait3A_22 = arith.constant 0 : i32
      %dma_wait3A_23 = tpu.memref_slice %arg2[%arg0, %arg1, %dma_wait3A_21, %dma_wait3A_22] : memref<2x16x40x128xi32, #tpu.memory_space<hbm>> -> memref<1x1x40x128xi32, #tpu.memory_space<hbm>>
      %dma_wait3A_24 = tpu.memref_squeeze %dma_wait3A_23 : memref<1x1x40x128xi32, #tpu.memory_space<hbm>> -> memref<40x128xi32, #tpu.memory_space<hbm>>
      tpu.wait_dma2 semaphore(%run_scoped3A : memref<!tpu.dma_semaphore, #tpu.memory_space<semaphore_mem>>) src(%dma_wait3A_24 : memref<40x128xi32, #tpu.memory_space<hbm>>) dst(%arg5 : memref<40x128xi32, #tpu.memory_space<vmem>>)
      tpu.yield
    }) : () -> ()
    "tpu.region"() ({
      %run_scoped3A = tpu.sem_alloc : memref<!tpu.dma_semaphore, #tpu.memory_space<semaphore_mem>>
      %dma_start3A = arith.constant 0 : i32
      %dma_start3A_11 = arith.constant 0 : i32
      %dma_start3A_12 = tpu.memref_slice %arg3[%dma_start3A, %dma_start3A_11] : memref<632x128xf32, #tpu.memory_space<hbm>> -> memref<128x128xf32, #tpu.memory_space<hbm>>
      %dma_start3A_13 = arith.constant 0 : i32
      %dma_start3A_14 = arith.constant 0 : i32
      %dma_start3A_15 = tpu.memref_slice %arg3[%dma_start3A_13, %dma_start3A_14] : memref<632x128xf32, #tpu.memory_space<hbm>> -> memref<128x128xf32, #tpu.memory_space<hbm>>
      tpu.enqueue_dma source(%dma_start3A_15 : memref<128x128xf32, #tpu.memory_space<hbm>>) target(%arg6 : memref<128x128xf32, #tpu.memory_space<vmem>>) target_semaphore(%run_scoped3A : memref<!tpu.dma_semaphore, #tpu.memory_space<semaphore_mem>>)
      %dma_wait3A = arith.constant 0 : i32
      %dma_wait3A_16 = arith.constant 0 : i32
      %dma_wait3A_17 = tpu.memref_slice %arg3[%dma_wait3A, %dma_wait3A_16] : memref<632x128xf32, #tpu.memory_space<hbm>> -> memref<128x128xf32, #tpu.memory_space<hbm>>
      %dma_wait3A_18 = arith.constant 0 : i32
      %dma_wait3A_19 = arith.constant 0 : i32
      %dma_wait3A_20 = tpu.memref_slice %arg3[%dma_wait3A_18, %dma_wait3A_19] : memref<632x128xf32, #tpu.memory_space<hbm>> -> memref<128x128xf32, #tpu.memory_space<hbm>>
      tpu.wait_dma2 semaphore(%run_scoped3A : memref<!tpu.dma_semaphore, #tpu.memory_space<semaphore_mem>>) src(%dma_wait3A_20 : memref<128x128xf32, #tpu.memory_space<hbm>>) dst(%arg6 : memref<128x128xf32, #tpu.memory_space<vmem>>)
      tpu.yield
    }) : () -> ()
    %mul3A = arith.constant 632 : i32
    %mul3A_0 = arith.muli %arg1, %mul3A : i32
    "tpu.region"() ({
      %run_scoped3A = tpu.sem_alloc : memref<!tpu.dma_semaphore, #tpu.memory_space<semaphore_mem>>
      %dma_start3A = arith.constant 0 : i32
      %dma_start3A_11 = tpu.memref_slice %arg7[%mul3A_0, %dma_start3A] : memref<10112x128xf32, #tpu.memory_space<vmem_shared>> -> memref<632x128xf32, #tpu.memory_space<vmem_shared>>
      tpu.enqueue_dma source(%arg3 : memref<632x128xf32, #tpu.memory_space<hbm>>) target(%dma_start3A_11 : memref<632x128xf32, #tpu.memory_space<vmem_shared>>) target_semaphore(%run_scoped3A : memref<!tpu.dma_semaphore, #tpu.memory_space<semaphore_mem>>)
      %dma_wait3A = arith.constant 0 : i32
      %dma_wait3A_12 = tpu.memref_slice %arg7[%mul3A_0, %dma_wait3A] : memref<10112x128xf32, #tpu.memory_space<vmem_shared>> -> memref<632x128xf32, #tpu.memory_space<vmem_shared>>
      tpu.wait_dma2 semaphore(%run_scoped3A : memref<!tpu.dma_semaphore, #tpu.memory_space<semaphore_mem>>) src(%arg3 : memref<632x128xf32, #tpu.memory_space<hbm>>) dst(%dma_wait3A_12 : memref<632x128xf32, #tpu.memory_space<vmem_shared>>)
      tpu.yield
    }) : () -> ()
    %barrier3A = arith.constant 0 : index
    tpu.barrier barrier_id(%barrier3A)
    %scan3A = arith.constant 0 : i32
    %scan3A_1 = arith.constant 0 : i32
    %scan3A_2 = arith.constant 5 : i32
    %scan3A_3 = arith.addi %scan3A_1, %scan3A_2 : i32
    %scan3A_4 = arith.constant 1 : i32
    scf.for %scan3A_11 = %scan3A_1 to %scan3A_3 step %scan3A_4  : i32 {
      %mul3A_12 = arith.constant 8 : i32
      %mul3A_13 = arith.muli %scan3A_11, %mul3A_12 : i32
      %add3A = arith.constant 0 : i32
      %add3A_14 = arith.addi %mul3A_13, %add3A : i32
      %dma_start3A = arith.constant 0 : i32
      %dma_start3A_15 = tpu.memref_slice %arg5[%add3A_14, %dma_start3A] : memref<40x128xi32, #tpu.memory_space<vmem>> -> memref<1x128xi32, #tpu.memory_space<vmem>>
      %dma_start3A_16 = tpu.memref_squeeze %dma_start3A_15 : memref<1x128xi32, #tpu.memory_space<vmem>> -> memref<128xi32, #tpu.memory_space<vmem>>
      %dma_start3A_17 = arith.constant 0 : i32
      %dma_start3A_18 = arith.constant 0 : i32
      %dma_start3A_19 = tpu.memref_slice %arg7[%dma_start3A_17, %dma_start3A_18] : memref<10112x128xf32, #tpu.memory_space<vmem_shared>> -> memref<10112x128xf32, #tpu.memory_space<vmem_shared>>
      tpu.enqueue_indirect_dma source(%arg6 : memref<128x128xf32, #tpu.memory_space<vmem>>) target(%dma_start3A_19 : memref<10112x128xf32, #tpu.memory_space<vmem_shared>>) offsets(%dma_start3A_16 : memref<128xi32, #tpu.memory_space<vmem>>) semaphore(%arg8 : memref<!tpu.dma_semaphore, #tpu.memory_space<semaphore_mem>>) {add = true}
      %mul3A_20 = arith.constant 8 : i32
      %mul3A_21 = arith.muli %scan3A_11, %mul3A_20 : i32
      %add3A_22 = arith.constant 1 : i32
      %add3A_23 = arith.addi %mul3A_21, %add3A_22 : i32
      %dma_start3A_24 = arith.constant 0 : i32
      %dma_start3A_25 = tpu.memref_slice %arg5[%add3A_23, %dma_start3A_24] : memref<40x128xi32, #tpu.memory_space<vmem>> -> memref<1x128xi32, #tpu.memory_space<vmem>>
      %dma_start3A_26 = tpu.memref_squeeze %dma_start3A_25 : memref<1x128xi32, #tpu.memory_space<vmem>> -> memref<128xi32, #tpu.memory_space<vmem>>
      %dma_start3A_27 = arith.constant 0 : i32
      %dma_start3A_28 = arith.constant 0 : i32
      %dma_start3A_29 = tpu.memref_slice %arg7[%dma_start3A_27, %dma_start3A_28] : memref<10112x128xf32, #tpu.memory_space<vmem_shared>> -> memref<10112x128xf32, #tpu.memory_space<vmem_shared>>
      tpu.enqueue_indirect_dma source(%arg6 : memref<128x128xf32, #tpu.memory_space<vmem>>) target(%dma_start3A_29 : memref<10112x128xf32, #tpu.memory_space<vmem_shared>>) offsets(%dma_start3A_26 : memref<128xi32, #tpu.memory_space<vmem>>) semaphore(%arg8 : memref<!tpu.dma_semaphore, #tpu.memory_space<semaphore_mem>>) {add = true}
      %mul3A_30 = arith.constant 8 : i32
      %mul3A_31 = arith.muli %scan3A_11, %mul3A_30 : i32
      %add3A_32 = arith.constant 2 : i32
      %add3A_33 = arith.addi %mul3A_31, %add3A_32 : i32
      %dma_start3A_34 = arith.constant 0 : i32
      %dma_start3A_35 = tpu.memref_slice %arg5[%add3A_33, %dma_start3A_34] : memref<40x128xi32, #tpu.memory_space<vmem>> -> memref<1x128xi32, #tpu.memory_space<vmem>>
      %dma_start3A_36 = tpu.memref_squeeze %dma_start3A_35 : memref<1x128xi32, #tpu.memory_space<vmem>> -> memref<128xi32, #tpu.memory_space<vmem>>
      %dma_start3A_37 = arith.constant 0 : i32
      %dma_start3A_38 = arith.constant 0 : i32
      %dma_start3A_39 = tpu.memref_slice %arg7[%dma_start3A_37, %dma_start3A_38] : memref<10112x128xf32, #tpu.memory_space<vmem_shared>> -> memref<10112x128xf32, #tpu.memory_space<vmem_shared>>
      tpu.enqueue_indirect_dma source(%arg6 : memref<128x128xf32, #tpu.memory_space<vmem>>) target(%dma_start3A_39 : memref<10112x128xf32, #tpu.memory_space<vmem_shared>>) offsets(%dma_start3A_36 : memref<128xi32, #tpu.memory_space<vmem>>) semaphore(%arg8 : memref<!tpu.dma_semaphore, #tpu.memory_space<semaphore_mem>>) {add = true}
      %mul3A_40 = arith.constant 8 : i32
      %mul3A_41 = arith.muli %scan3A_11, %mul3A_40 : i32
      %add3A_42 = arith.constant 3 : i32
      %add3A_43 = arith.addi %mul3A_41, %add3A_42 : i32
      %dma_start3A_44 = arith.constant 0 : i32
      %dma_start3A_45 = tpu.memref_slice %arg5[%add3A_43, %dma_start3A_44] : memref<40x128xi32, #tpu.memory_space<vmem>> -> memref<1x128xi32, #tpu.memory_space<vmem>>
      %dma_start3A_46 = tpu.memref_squeeze %dma_start3A_45 : memref<1x128xi32, #tpu.memory_space<vmem>> -> memref<128xi32, #tpu.memory_space<vmem>>
      %dma_start3A_47 = arith.constant 0 : i32
      %dma_start3A_48 = arith.constant 0 : i32
      %dma_start3A_49 = tpu.memref_slice %arg7[%dma_start3A_47, %dma_start3A_48] : memref<10112x128xf32, #tpu.memory_space<vmem_shared>> -> memref<10112x128xf32, #tpu.memory_space<vmem_shared>>
      tpu.enqueue_indirect_dma source(%arg6 : memref<128x128xf32, #tpu.memory_space<vmem>>) target(%dma_start3A_49 : memref<10112x128xf32, #tpu.memory_space<vmem_shared>>) offsets(%dma_start3A_46 : memref<128xi32, #tpu.memory_space<vmem>>) semaphore(%arg8 : memref<!tpu.dma_semaphore, #tpu.memory_space<semaphore_mem>>) {add = true}
      %mul3A_50 = arith.constant 8 : i32
      %mul3A_51 = arith.muli %scan3A_11, %mul3A_50 : i32
      %add3A_52 = arith.constant 4 : i32
      %add3A_53 = arith.addi %mul3A_51, %add3A_52 : i32
      %dma_start3A_54 = arith.constant 0 : i32
      %dma_start3A_55 = tpu.memref_slice %arg5[%add3A_53, %dma_start3A_54] : memref<40x128xi32, #tpu.memory_space<vmem>> -> memref<1x128xi32, #tpu.memory_space<vmem>>
      %dma_start3A_56 = tpu.memref_squeeze %dma_start3A_55 : memref<1x128xi32, #tpu.memory_space<vmem>> -> memref<128xi32, #tpu.memory_space<vmem>>
      %dma_start3A_57 = arith.constant 0 : i32
      %dma_start3A_58 = arith.constant 0 : i32
      %dma_start3A_59 = tpu.memref_slice %arg7[%dma_start3A_57, %dma_start3A_58] : memref<10112x128xf32, #tpu.memory_space<vmem_shared>> -> memref<10112x128xf32, #tpu.memory_space<vmem_shared>>
      tpu.enqueue_indirect_dma source(%arg6 : memref<128x128xf32, #tpu.memory_space<vmem>>) target(%dma_start3A_59 : memref<10112x128xf32, #tpu.memory_space<vmem_shared>>) offsets(%dma_start3A_56 : memref<128xi32, #tpu.memory_space<vmem>>) semaphore(%arg8 : memref<!tpu.dma_semaphore, #tpu.memory_space<semaphore_mem>>) {add = true}
      %mul3A_60 = arith.constant 8 : i32
      %mul3A_61 = arith.muli %scan3A_11, %mul3A_60 : i32
      %add3A_62 = arith.constant 5 : i32
      %add3A_63 = arith.addi %mul3A_61, %add3A_62 : i32
      %dma_start3A_64 = arith.constant 0 : i32
      %dma_start3A_65 = tpu.memref_slice %arg5[%add3A_63, %dma_start3A_64] : memref<40x128xi32, #tpu.memory_space<vmem>> -> memref<1x128xi32, #tpu.memory_space<vmem>>
      %dma_start3A_66 = tpu.memref_squeeze %dma_start3A_65 : memref<1x128xi32, #tpu.memory_space<vmem>> -> memref<128xi32, #tpu.memory_space<vmem>>
      %dma_start3A_67 = arith.constant 0 : i32
      %dma_start3A_68 = arith.constant 0 : i32
      %dma_start3A_69 = tpu.memref_slice %arg7[%dma_start3A_67, %dma_start3A_68] : memref<10112x128xf32, #tpu.memory_space<vmem_shared>> -> memref<10112x128xf32, #tpu.memory_space<vmem_shared>>
      tpu.enqueue_indirect_dma source(%arg6 : memref<128x128xf32, #tpu.memory_space<vmem>>) target(%dma_start3A_69 : memref<10112x128xf32, #tpu.memory_space<vmem_shared>>) offsets(%dma_start3A_66 : memref<128xi32, #tpu.memory_space<vmem>>) semaphore(%arg8 : memref<!tpu.dma_semaphore, #tpu.memory_space<semaphore_mem>>) {add = true}
      %mul3A_70 = arith.constant 8 : i32
      %mul3A_71 = arith.muli %scan3A_11, %mul3A_70 : i32
      %add3A_72 = arith.constant 6 : i32
      %add3A_73 = arith.addi %mul3A_71, %add3A_72 : i32
      %dma_start3A_74 = arith.constant 0 : i32
      %dma_start3A_75 = tpu.memref_slice %arg5[%add3A_73, %dma_start3A_74] : memref<40x128xi32, #tpu.memory_space<vmem>> -> memref<1x128xi32, #tpu.memory_space<vmem>>
      %dma_start3A_76 = tpu.memref_squeeze %dma_start3A_75 : memref<1x128xi32, #tpu.memory_space<vmem>> -> memref<128xi32, #tpu.memory_space<vmem>>
      %dma_start3A_77 = arith.constant 0 : i32
      %dma_start3A_78 = arith.constant 0 : i32
      %dma_start3A_79 = tpu.memref_slice %arg7[%dma_start3A_77, %dma_start3A_78] : memref<10112x128xf32, #tpu.memory_space<vmem_shared>> -> memref<10112x128xf32, #tpu.memory_space<vmem_shared>>
      tpu.enqueue_indirect_dma source(%arg6 : memref<128x128xf32, #tpu.memory_space<vmem>>) target(%dma_start3A_79 : memref<10112x128xf32, #tpu.memory_space<vmem_shared>>) offsets(%dma_start3A_76 : memref<128xi32, #tpu.memory_space<vmem>>) semaphore(%arg8 : memref<!tpu.dma_semaphore, #tpu.memory_space<semaphore_mem>>) {add = true}
      %mul3A_80 = arith.constant 8 : i32
      %mul3A_81 = arith.muli %scan3A_11, %mul3A_80 : i32
      %add3A_82 = arith.constant 7 : i32
      %add3A_83 = arith.addi %mul3A_81, %add3A_82 : i32
      %dma_start3A_84 = arith.constant 0 : i32
      %dma_start3A_85 = tpu.memref_slice %arg5[%add3A_83, %dma_start3A_84] : memref<40x128xi32, #tpu.memory_space<vmem>> -> memref<1x128xi32, #tpu.memory_space<vmem>>
      %dma_start3A_86 = tpu.memref_squeeze %dma_start3A_85 : memref<1x128xi32, #tpu.memory_space<vmem>> -> memref<128xi32, #tpu.memory_space<vmem>>
      %dma_start3A_87 = arith.constant 0 : i32
      %dma_start3A_88 = arith.constant 0 : i32
      %dma_start3A_89 = tpu.memref_slice %arg7[%dma_start3A_87, %dma_start3A_88] : memref<10112x128xf32, #tpu.memory_space<vmem_shared>> -> memref<10112x128xf32, #tpu.memory_space<vmem_shared>>
      tpu.enqueue_indirect_dma source(%arg6 : memref<128x128xf32, #tpu.memory_space<vmem>>) target(%dma_start3A_89 : memref<10112x128xf32, #tpu.memory_space<vmem_shared>>) offsets(%dma_start3A_86 : memref<128xi32, #tpu.memory_space<vmem>>) semaphore(%arg8 : memref<!tpu.dma_semaphore, #tpu.memory_space<semaphore_mem>>) {add = true}
      %dma_wait3A = arith.constant 0 : i32
      %dma_wait3A_90 = tpu.memref_slice %arg5[%add3A_14, %dma_wait3A] : memref<40x128xi32, #tpu.memory_space<vmem>> -> memref<1x128xi32, #tpu.memory_space<vmem>>
      %dma_wait3A_91 = tpu.memref_squeeze %dma_wait3A_90 : memref<1x128xi32, #tpu.memory_space<vmem>> -> memref<128xi32, #tpu.memory_space<vmem>>
      %dma_wait3A_92 = arith.constant 0 : i32
      %dma_wait3A_93 = arith.constant 0 : i32
      %dma_wait3A_94 = tpu.memref_slice %arg7[%dma_wait3A_92, %dma_wait3A_93] : memref<10112x128xf32, #tpu.memory_space<vmem_shared>> -> memref<10112x128xf32, #tpu.memory_space<vmem_shared>>
      tpu.wait_indirect_dma semaphore(%arg8 : memref<!tpu.dma_semaphore, #tpu.memory_space<semaphore_mem>>) src(%arg6 : memref<128x128xf32, #tpu.memory_space<vmem>>) dst(%dma_wait3A_94 : memref<10112x128xf32, #tpu.memory_space<vmem_shared>>)
      %dma_wait3A_95 = arith.constant 0 : i32
      %dma_wait3A_96 = tpu.memref_slice %arg5[%add3A_23, %dma_wait3A_95] : memref<40x128xi32, #tpu.memory_space<vmem>> -> memref<1x128xi32, #tpu.memory_space<vmem>>
      %dma_wait3A_97 = tpu.memref_squeeze %dma_wait3A_96 : memref<1x128xi32, #tpu.memory_space<vmem>> -> memref<128xi32, #tpu.memory_space<vmem>>
      %dma_wait3A_98 = arith.constant 0 : i32
      %dma_wait3A_99 = arith.constant 0 : i32
      %dma_wait3A_100 = tpu.memref_slice %arg7[%dma_wait3A_98, %dma_wait3A_99] : memref<10112x128xf32, #tpu.memory_space<vmem_shared>> -> memref<10112x128xf32, #tpu.memory_space<vmem_shared>>
      tpu.wait_indirect_dma semaphore(%arg8 : memref<!tpu.dma_semaphore, #tpu.memory_space<semaphore_mem>>) src(%arg6 : memref<128x128xf32, #tpu.memory_space<vmem>>) dst(%dma_wait3A_100 : memref<10112x128xf32, #tpu.memory_space<vmem_shared>>)
      %dma_wait3A_101 = arith.constant 0 : i32
      %dma_wait3A_102 = tpu.memref_slice %arg5[%add3A_33, %dma_wait3A_101] : memref<40x128xi32, #tpu.memory_space<vmem>> -> memref<1x128xi32, #tpu.memory_space<vmem>>
      %dma_wait3A_103 = tpu.memref_squeeze %dma_wait3A_102 : memref<1x128xi32, #tpu.memory_space<vmem>> -> memref<128xi32, #tpu.memory_space<vmem>>
      %dma_wait3A_104 = arith.constant 0 : i32
      %dma_wait3A_105 = arith.constant 0 : i32
      %dma_wait3A_106 = tpu.memref_slice %arg7[%dma_wait3A_104, %dma_wait3A_105] : memref<10112x128xf32, #tpu.memory_space<vmem_shared>> -> memref<10112x128xf32, #tpu.memory_space<vmem_shared>>
      tpu.wait_indirect_dma semaphore(%arg8 : memref<!tpu.dma_semaphore, #tpu.memory_space<semaphore_mem>>) src(%arg6 : memref<128x128xf32, #tpu.memory_space<vmem>>) dst(%dma_wait3A_106 : memref<10112x128xf32, #tpu.memory_space<vmem_shared>>)
      %dma_wait3A_107 = arith.constant 0 : i32
      %dma_wait3A_108 = tpu.memref_slice %arg5[%add3A_43, %dma_wait3A_107] : memref<40x128xi32, #tpu.memory_space<vmem>> -> memref<1x128xi32, #tpu.memory_space<vmem>>
      %dma_wait3A_109 = tpu.memref_squeeze %dma_wait3A_108 : memref<1x128xi32, #tpu.memory_space<vmem>> -> memref<128xi32, #tpu.memory_space<vmem>>
      %dma_wait3A_110 = arith.constant 0 : i32
      %dma_wait3A_111 = arith.constant 0 : i32
      %dma_wait3A_112 = tpu.memref_slice %arg7[%dma_wait3A_110, %dma_wait3A_111] : memref<10112x128xf32, #tpu.memory_space<vmem_shared>> -> memref<10112x128xf32, #tpu.memory_space<vmem_shared>>
      tpu.wait_indirect_dma semaphore(%arg8 : memref<!tpu.dma_semaphore, #tpu.memory_space<semaphore_mem>>) src(%arg6 : memref<128x128xf32, #tpu.memory_space<vmem>>) dst(%dma_wait3A_112 : memref<10112x128xf32, #tpu.memory_space<vmem_shared>>)
      %dma_wait3A_113 = arith.constant 0 : i32
      %dma_wait3A_114 = tpu.memref_slice %arg5[%add3A_53, %dma_wait3A_113] : memref<40x128xi32, #tpu.memory_space<vmem>> -> memref<1x128xi32, #tpu.memory_space<vmem>>
      %dma_wait3A_115 = tpu.memref_squeeze %dma_wait3A_114 : memref<1x128xi32, #tpu.memory_space<vmem>> -> memref<128xi32, #tpu.memory_space<vmem>>
      %dma_wait3A_116 = arith.constant 0 : i32
      %dma_wait3A_117 = arith.constant 0 : i32
      %dma_wait3A_118 = tpu.memref_slice %arg7[%dma_wait3A_116, %dma_wait3A_117] : memref<10112x128xf32, #tpu.memory_space<vmem_shared>> -> memref<10112x128xf32, #tpu.memory_space<vmem_shared>>
      tpu.wait_indirect_dma semaphore(%arg8 : memref<!tpu.dma_semaphore, #tpu.memory_space<semaphore_mem>>) src(%arg6 : memref<128x128xf32, #tpu.memory_space<vmem>>) dst(%dma_wait3A_118 : memref<10112x128xf32, #tpu.memory_space<vmem_shared>>)
      %dma_wait3A_119 = arith.constant 0 : i32
      %dma_wait3A_120 = tpu.memref_slice %arg5[%add3A_63, %dma_wait3A_119] : memref<40x128xi32, #tpu.memory_space<vmem>> -> memref<1x128xi32, #tpu.memory_space<vmem>>
      %dma_wait3A_121 = tpu.memref_squeeze %dma_wait3A_120 : memref<1x128xi32, #tpu.memory_space<vmem>> -> memref<128xi32, #tpu.memory_space<vmem>>
      %dma_wait3A_122 = arith.constant 0 : i32
      %dma_wait3A_123 = arith.constant 0 : i32
      %dma_wait3A_124 = tpu.memref_slice %arg7[%dma_wait3A_122, %dma_wait3A_123] : memref<10112x128xf32, #tpu.memory_space<vmem_shared>> -> memref<10112x128xf32, #tpu.memory_space<vmem_shared>>
      tpu.wait_indirect_dma semaphore(%arg8 : memref<!tpu.dma_semaphore, #tpu.memory_space<semaphore_mem>>) src(%arg6 : memref<128x128xf32, #tpu.memory_space<vmem>>) dst(%dma_wait3A_124 : memref<10112x128xf32, #tpu.memory_space<vmem_shared>>)
      %dma_wait3A_125 = arith.constant 0 : i32
      %dma_wait3A_126 = tpu.memref_slice %arg5[%add3A_73, %dma_wait3A_125] : memref<40x128xi32, #tpu.memory_space<vmem>> -> memref<1x128xi32, #tpu.memory_space<vmem>>
      %dma_wait3A_127 = tpu.memref_squeeze %dma_wait3A_126 : memref<1x128xi32, #tpu.memory_space<vmem>> -> memref<128xi32, #tpu.memory_space<vmem>>
      %dma_wait3A_128 = arith.constant 0 : i32
      %dma_wait3A_129 = arith.constant 0 : i32
      %dma_wait3A_130 = tpu.memref_slice %arg7[%dma_wait3A_128, %dma_wait3A_129] : memref<10112x128xf32, #tpu.memory_space<vmem_shared>> -> memref<10112x128xf32, #tpu.memory_space<vmem_shared>>
      tpu.wait_indirect_dma semaphore(%arg8 : memref<!tpu.dma_semaphore, #tpu.memory_space<semaphore_mem>>) src(%arg6 : memref<128x128xf32, #tpu.memory_space<vmem>>) dst(%dma_wait3A_130 : memref<10112x128xf32, #tpu.memory_space<vmem_shared>>)
      %dma_wait3A_131 = arith.constant 0 : i32
      %dma_wait3A_132 = tpu.memref_slice %arg5[%add3A_83, %dma_wait3A_131] : memref<40x128xi32, #tpu.memory_space<vmem>> -> memref<1x128xi32, #tpu.memory_space<vmem>>
      %dma_wait3A_133 = tpu.memref_squeeze %dma_wait3A_132 : memref<1x128xi32, #tpu.memory_space<vmem>> -> memref<128xi32, #tpu.memory_space<vmem>>
      %dma_wait3A_134 = arith.constant 0 : i32
      %dma_wait3A_135 = arith.constant 0 : i32
      %dma_wait3A_136 = tpu.memref_slice %arg7[%dma_wait3A_134, %dma_wait3A_135] : memref<10112x128xf32, #tpu.memory_space<vmem_shared>> -> memref<10112x128xf32, #tpu.memory_space<vmem_shared>>
      tpu.wait_indirect_dma semaphore(%arg8 : memref<!tpu.dma_semaphore, #tpu.memory_space<semaphore_mem>>) src(%arg6 : memref<128x128xf32, #tpu.memory_space<vmem>>) dst(%dma_wait3A_136 : memref<10112x128xf32, #tpu.memory_space<vmem_shared>>)
    }
    %scan3A_5 = arith.constant 5 : i32
    %barrier3A_6 = arith.constant 0 : index
    tpu.barrier barrier_id(%barrier3A_6)
    %mul3A_7 = arith.constant 632 : i32
    %mul3A_8 = arith.muli %arg1, %mul3A_7 : i32
    %mul3A_9 = arith.constant 632 : i32
    %mul3A_10 = arith.muli %arg1, %mul3A_9 : i32
    "tpu.region"() ({
      %run_scoped3A = tpu.sem_alloc : memref<!tpu.dma_semaphore, #tpu.memory_space<semaphore_mem>>
      %dma_start3A = arith.constant 0 : i32
      %dma_start3A_11 = tpu.memref_slice %arg4[%arg0, %mul3A_10, %dma_start3A] : memref<2x10112x128xf32, #tpu.memory_space<hbm>> -> memref<1x632x128xf32, #tpu.memory_space<hbm>>
      %dma_start3A_12 = tpu.memref_squeeze %dma_start3A_11 : memref<1x632x128xf32, #tpu.memory_space<hbm>> -> memref<632x128xf32, #tpu.memory_space<hbm>>
      %dma_start3A_13 = arith.constant 0 : i32
      %dma_start3A_14 = tpu.memref_slice %arg7[%mul3A_8, %dma_start3A_13] : memref<10112x128xf32, #tpu.memory_space<vmem_shared>> -> memref<632x128xf32, #tpu.memory_space<vmem_shared>>
      tpu.enqueue_dma source(%dma_start3A_14 : memref<632x128xf32, #tpu.memory_space<vmem_shared>>) target(%dma_start3A_12 : memref<632x128xf32, #tpu.memory_space<hbm>>) target_semaphore(%run_scoped3A : memref<!tpu.dma_semaphore, #tpu.memory_space<semaphore_mem>>)
      %dma_wait3A = arith.constant 0 : i32
      %dma_wait3A_15 = tpu.memref_slice %arg4[%arg0, %mul3A_10, %dma_wait3A] : memref<2x10112x128xf32, #tpu.memory_space<hbm>> -> memref<1x632x128xf32, #tpu.memory_space<hbm>>
      %dma_wait3A_16 = tpu.memref_squeeze %dma_wait3A_15 : memref<1x632x128xf32, #tpu.memory_space<hbm>> -> memref<632x128xf32, #tpu.memory_space<hbm>>
      %dma_wait3A_17 = arith.constant 0 : i32
      %dma_wait3A_18 = tpu.memref_slice %arg7[%mul3A_8, %dma_wait3A_17] : memref<10112x128xf32, #tpu.memory_space<vmem_shared>> -> memref<632x128xf32, #tpu.memory_space<vmem_shared>>
      tpu.wait_dma2 semaphore(%run_scoped3A : memref<!tpu.dma_semaphore, #tpu.memory_space<semaphore_mem>>) src(%dma_wait3A_18 : memref<632x128xf32, #tpu.memory_space<vmem_shared>>) dst(%dma_wait3A_16 : memref<632x128xf32, #tpu.memory_space<hbm>>)
      tpu.yield
    }) : () -> ()
    return
  }
}

#map = affine_map<(d0, d1) -> (0, 0)>
#map1 = affine_map<(d0, d1) -> (0, 0, 0, 0)>
module attributes {stable_mosaic.version = 14 : i64} {
  func.func @_pair_body(%arg0: i32, %arg1: i32, %arg2: memref<10000x128xf32, #tpu.memory_space<hbm>>, %arg3: memref<2x16x5x128xi32, #tpu.memory_space<hbm>>, %arg4: memref<2x16x5x128xi32, #tpu.memory_space<hbm>>, %arg5: memref<20480x128xf32, #tpu.memory_space<hbm>>, %arg6: memref<20480x128xf32, #tpu.memory_space<hbm>>, %arg7: memref<5x128xi32, #tpu.memory_space<vmem>>, %arg8: memref<5x128xi32, #tpu.memory_space<vmem>>, %arg9: memref<128x128xf32, #tpu.memory_space<vmem>>, %arg10: memref<128x128xf32, #tpu.memory_space<vmem>>, %arg11: memref<!tpu.dma_semaphore, #tpu.memory_space<semaphore_mem>>, %arg12: memref<!tpu.dma_semaphore, #tpu.memory_space<semaphore_mem>>) attributes {dimension_semantics = [#tpu.dimension_semantics<core_parallel>, #tpu.dimension_semantics<subcore_parallel>], iteration_bounds = array<i64: 2, 16>, scalar_prefetch = 0 : i64, scratch_operands = 6 : i64, tpu.core_type = #tpu.core_type<sc_vector_subcore>, window_params = [{transform_indices = #map}, {transform_indices = #map1}, {transform_indices = #map1}, {transform_indices = #map}, {transform_indices = #map}]} {
    %mul3A = arith.constant 16 : i32
    %mul3A_0 = arith.muli %arg0, %mul3A : i32
    %add3A = arith.addi %mul3A_0, %arg1 : i32
    "tpu.region"() ({
      %run_scoped3A = tpu.sem_alloc : memref<!tpu.dma_semaphore, #tpu.memory_space<semaphore_mem>>
      %dma_start3A_179 = arith.constant 0 : i32
      %dma_start3A_180 = arith.constant 0 : i32
      %dma_start3A_181 = tpu.memref_slice %arg3[%arg0, %arg1, %dma_start3A_179, %dma_start3A_180] : memref<2x16x5x128xi32, #tpu.memory_space<hbm>> -> memref<1x1x5x128xi32, #tpu.memory_space<hbm>>
      %dma_start3A_182 = tpu.memref_squeeze %dma_start3A_181 : memref<1x1x5x128xi32, #tpu.memory_space<hbm>> -> memref<5x128xi32, #tpu.memory_space<hbm>>
      %dma_start3A_183 = arith.constant 0 : i32
      %dma_start3A_184 = arith.constant 0 : i32
      %dma_start3A_185 = tpu.memref_slice %arg3[%arg0, %arg1, %dma_start3A_183, %dma_start3A_184] : memref<2x16x5x128xi32, #tpu.memory_space<hbm>> -> memref<1x1x5x128xi32, #tpu.memory_space<hbm>>
      %dma_start3A_186 = tpu.memref_squeeze %dma_start3A_185 : memref<1x1x5x128xi32, #tpu.memory_space<hbm>> -> memref<5x128xi32, #tpu.memory_space<hbm>>
      tpu.enqueue_dma source(%dma_start3A_186 : memref<5x128xi32, #tpu.memory_space<hbm>>) target(%arg7 : memref<5x128xi32, #tpu.memory_space<vmem>>) target_semaphore(%run_scoped3A : memref<!tpu.dma_semaphore, #tpu.memory_space<semaphore_mem>>)
      %dma_wait3A_187 = arith.constant 0 : i32
      %dma_wait3A_188 = arith.constant 0 : i32
      %dma_wait3A_189 = tpu.memref_slice %arg3[%arg0, %arg1, %dma_wait3A_187, %dma_wait3A_188] : memref<2x16x5x128xi32, #tpu.memory_space<hbm>> -> memref<1x1x5x128xi32, #tpu.memory_space<hbm>>
      %dma_wait3A_190 = tpu.memref_squeeze %dma_wait3A_189 : memref<1x1x5x128xi32, #tpu.memory_space<hbm>> -> memref<5x128xi32, #tpu.memory_space<hbm>>
      %dma_wait3A_191 = arith.constant 0 : i32
      %dma_wait3A_192 = arith.constant 0 : i32
      %dma_wait3A_193 = tpu.memref_slice %arg3[%arg0, %arg1, %dma_wait3A_191, %dma_wait3A_192] : memref<2x16x5x128xi32, #tpu.memory_space<hbm>> -> memref<1x1x5x128xi32, #tpu.memory_space<hbm>>
      %dma_wait3A_194 = tpu.memref_squeeze %dma_wait3A_193 : memref<1x1x5x128xi32, #tpu.memory_space<hbm>> -> memref<5x128xi32, #tpu.memory_space<hbm>>
      tpu.wait_dma2 semaphore(%run_scoped3A : memref<!tpu.dma_semaphore, #tpu.memory_space<semaphore_mem>>) src(%dma_wait3A_194 : memref<5x128xi32, #tpu.memory_space<hbm>>) dst(%arg7 : memref<5x128xi32, #tpu.memory_space<vmem>>)
      tpu.yield
    }) : () -> ()
    "tpu.region"() ({
      %run_scoped3A = tpu.sem_alloc : memref<!tpu.dma_semaphore, #tpu.memory_space<semaphore_mem>>
      %dma_start3A_179 = arith.constant 0 : i32
      %dma_start3A_180 = arith.constant 0 : i32
      %dma_start3A_181 = tpu.memref_slice %arg4[%arg0, %arg1, %dma_start3A_179, %dma_start3A_180] : memref<2x16x5x128xi32, #tpu.memory_space<hbm>> -> memref<1x1x5x128xi32, #tpu.memory_space<hbm>>
      %dma_start3A_182 = tpu.memref_squeeze %dma_start3A_181 : memref<1x1x5x128xi32, #tpu.memory_space<hbm>> -> memref<5x128xi32, #tpu.memory_space<hbm>>
      %dma_start3A_183 = arith.constant 0 : i32
      %dma_start3A_184 = arith.constant 0 : i32
      %dma_start3A_185 = tpu.memref_slice %arg4[%arg0, %arg1, %dma_start3A_183, %dma_start3A_184] : memref<2x16x5x128xi32, #tpu.memory_space<hbm>> -> memref<1x1x5x128xi32, #tpu.memory_space<hbm>>
      %dma_start3A_186 = tpu.memref_squeeze %dma_start3A_185 : memref<1x1x5x128xi32, #tpu.memory_space<hbm>> -> memref<5x128xi32, #tpu.memory_space<hbm>>
      tpu.enqueue_dma source(%dma_start3A_186 : memref<5x128xi32, #tpu.memory_space<hbm>>) target(%arg8 : memref<5x128xi32, #tpu.memory_space<vmem>>) target_semaphore(%run_scoped3A : memref<!tpu.dma_semaphore, #tpu.memory_space<semaphore_mem>>)
      %dma_wait3A_187 = arith.constant 0 : i32
      %dma_wait3A_188 = arith.constant 0 : i32
      %dma_wait3A_189 = tpu.memref_slice %arg4[%arg0, %arg1, %dma_wait3A_187, %dma_wait3A_188] : memref<2x16x5x128xi32, #tpu.memory_space<hbm>> -> memref<1x1x5x128xi32, #tpu.memory_space<hbm>>
      %dma_wait3A_190 = tpu.memref_squeeze %dma_wait3A_189 : memref<1x1x5x128xi32, #tpu.memory_space<hbm>> -> memref<5x128xi32, #tpu.memory_space<hbm>>
      %dma_wait3A_191 = arith.constant 0 : i32
      %dma_wait3A_192 = arith.constant 0 : i32
      %dma_wait3A_193 = tpu.memref_slice %arg4[%arg0, %arg1, %dma_wait3A_191, %dma_wait3A_192] : memref<2x16x5x128xi32, #tpu.memory_space<hbm>> -> memref<1x1x5x128xi32, #tpu.memory_space<hbm>>
      %dma_wait3A_194 = tpu.memref_squeeze %dma_wait3A_193 : memref<1x1x5x128xi32, #tpu.memory_space<hbm>> -> memref<5x128xi32, #tpu.memory_space<hbm>>
      tpu.wait_dma2 semaphore(%run_scoped3A : memref<!tpu.dma_semaphore, #tpu.memory_space<semaphore_mem>>) src(%dma_wait3A_194 : memref<5x128xi32, #tpu.memory_space<hbm>>) dst(%arg8 : memref<5x128xi32, #tpu.memory_space<vmem>>)
      tpu.yield
    }) : () -> ()
    %dma_start3A = arith.constant 0 : i32
    %dma_start3A_1 = arith.constant 0 : i32
    %dma_start3A_2 = tpu.memref_slice %arg7[%dma_start3A, %dma_start3A_1] : memref<5x128xi32, #tpu.memory_space<vmem>> -> memref<1x128xi32, #tpu.memory_space<vmem>>
    %dma_start3A_3 = tpu.memref_squeeze %dma_start3A_2 : memref<1x128xi32, #tpu.memory_space<vmem>> -> memref<128xi32, #tpu.memory_space<vmem>>
    %dma_start3A_4 = arith.constant 0 : i32
    %dma_start3A_5 = arith.constant 0 : i32
    %dma_start3A_6 = tpu.memref_slice %arg2[%dma_start3A_4, %dma_start3A_5] : memref<10000x128xf32, #tpu.memory_space<hbm>> -> memref<10000x128xf32, #tpu.memory_space<hbm>>
    tpu.enqueue_indirect_dma source(%dma_start3A_6 : memref<10000x128xf32, #tpu.memory_space<hbm>>) target(%arg9 : memref<128x128xf32, #tpu.memory_space<vmem>>) offsets(%dma_start3A_3 : memref<128xi32, #tpu.memory_space<vmem>>) semaphore(%arg11 : memref<!tpu.dma_semaphore, #tpu.memory_space<semaphore_mem>>)
    %dma_start3A_7 = arith.constant 0 : i32
    %dma_start3A_8 = arith.constant 0 : i32
    %dma_start3A_9 = tpu.memref_slice %arg8[%dma_start3A_7, %dma_start3A_8] : memref<5x128xi32, #tpu.memory_space<vmem>> -> memref<1x128xi32, #tpu.memory_space<vmem>>
    %dma_start3A_10 = tpu.memref_squeeze %dma_start3A_9 : memref<1x128xi32, #tpu.memory_space<vmem>> -> memref<128xi32, #tpu.memory_space<vmem>>
    %dma_start3A_11 = arith.constant 0 : i32
    %dma_start3A_12 = arith.constant 0 : i32
    %dma_start3A_13 = tpu.memref_slice %arg2[%dma_start3A_11, %dma_start3A_12] : memref<10000x128xf32, #tpu.memory_space<hbm>> -> memref<10000x128xf32, #tpu.memory_space<hbm>>
    tpu.enqueue_indirect_dma source(%dma_start3A_13 : memref<10000x128xf32, #tpu.memory_space<hbm>>) target(%arg10 : memref<128x128xf32, #tpu.memory_space<vmem>>) offsets(%dma_start3A_10 : memref<128xi32, #tpu.memory_space<vmem>>) semaphore(%arg12 : memref<!tpu.dma_semaphore, #tpu.memory_space<semaphore_mem>>)
    %dma_wait3A = arith.constant 0 : i32
    %dma_wait3A_14 = arith.constant 0 : i32
    %dma_wait3A_15 = tpu.memref_slice %arg7[%dma_wait3A, %dma_wait3A_14] : memref<5x128xi32, #tpu.memory_space<vmem>> -> memref<1x128xi32, #tpu.memory_space<vmem>>
    %dma_wait3A_16 = tpu.memref_squeeze %dma_wait3A_15 : memref<1x128xi32, #tpu.memory_space<vmem>> -> memref<128xi32, #tpu.memory_space<vmem>>
    %dma_wait3A_17 = arith.constant 0 : i32
    %dma_wait3A_18 = arith.constant 0 : i32
    %dma_wait3A_19 = tpu.memref_slice %arg2[%dma_wait3A_17, %dma_wait3A_18] : memref<10000x128xf32, #tpu.memory_space<hbm>> -> memref<10000x128xf32, #tpu.memory_space<hbm>>
    tpu.wait_indirect_dma semaphore(%arg11 : memref<!tpu.dma_semaphore, #tpu.memory_space<semaphore_mem>>) src(%dma_wait3A_19 : memref<10000x128xf32, #tpu.memory_space<hbm>>) dst(%arg9 : memref<128x128xf32, #tpu.memory_space<vmem>>)
    %mul3A_20 = arith.constant 640 : i32
    %mul3A_21 = arith.muli %add3A, %mul3A_20 : i32
    %add3A_22 = arith.constant 0 : i32
    %add3A_23 = arith.addi %mul3A_21, %add3A_22 : i32
    "tpu.region"() ({
      %run_scoped3A = tpu.sem_alloc : memref<!tpu.dma_semaphore, #tpu.memory_space<semaphore_mem>>
      %dma_start3A_179 = arith.constant 0 : i32
      %dma_start3A_180 = tpu.memref_slice %arg5[%add3A_23, %dma_start3A_179] : memref<20480x128xf32, #tpu.memory_space<hbm>> -> memref<128x128xf32, #tpu.memory_space<hbm>>
      %dma_start3A_181 = arith.constant 0 : i32
      %dma_start3A_182 = tpu.memref_slice %arg5[%add3A_23, %dma_start3A_181] : memref<20480x128xf32, #tpu.memory_space<hbm>> -> memref<128x128xf32, #tpu.memory_space<hbm>>
      tpu.enqueue_dma source(%arg9 : memref<128x128xf32, #tpu.memory_space<vmem>>) target(%dma_start3A_182 : memref<128x128xf32, #tpu.memory_space<hbm>>) target_semaphore(%run_scoped3A : memref<!tpu.dma_semaphore, #tpu.memory_space<semaphore_mem>>)
      %dma_wait3A_183 = arith.constant 0 : i32
      %dma_wait3A_184 = tpu.memref_slice %arg5[%add3A_23, %dma_wait3A_183] : memref<20480x128xf32, #tpu.memory_space<hbm>> -> memref<128x128xf32, #tpu.memory_space<hbm>>
      %dma_wait3A_185 = arith.constant 0 : i32
      %dma_wait3A_186 = tpu.memref_slice %arg5[%add3A_23, %dma_wait3A_185] : memref<20480x128xf32, #tpu.memory_space<hbm>> -> memref<128x128xf32, #tpu.memory_space<hbm>>
      tpu.wait_dma2 semaphore(%run_scoped3A : memref<!tpu.dma_semaphore, #tpu.memory_space<semaphore_mem>>) src(%arg9 : memref<128x128xf32, #tpu.memory_space<vmem>>) dst(%dma_wait3A_186 : memref<128x128xf32, #tpu.memory_space<hbm>>)
      tpu.yield
    }) : () -> ()
    %dma_start3A_24 = arith.constant 1 : i32
    %dma_start3A_25 = arith.constant 0 : i32
    %dma_start3A_26 = tpu.memref_slice %arg7[%dma_start3A_24, %dma_start3A_25] : memref<5x128xi32, #tpu.memory_space<vmem>> -> memref<1x128xi32, #tpu.memory_space<vmem>>
    %dma_start3A_27 = tpu.memref_squeeze %dma_start3A_26 : memref<1x128xi32, #tpu.memory_space<vmem>> -> memref<128xi32, #tpu.memory_space<vmem>>
    %dma_start3A_28 = arith.constant 0 : i32
    %dma_start3A_29 = arith.constant 0 : i32
    %dma_start3A_30 = tpu.memref_slice %arg2[%dma_start3A_28, %dma_start3A_29] : memref<10000x128xf32, #tpu.memory_space<hbm>> -> memref<10000x128xf32, #tpu.memory_space<hbm>>
    tpu.enqueue_indirect_dma source(%dma_start3A_30 : memref<10000x128xf32, #tpu.memory_space<hbm>>) target(%arg9 : memref<128x128xf32, #tpu.memory_space<vmem>>) offsets(%dma_start3A_27 : memref<128xi32, #tpu.memory_space<vmem>>) semaphore(%arg11 : memref<!tpu.dma_semaphore, #tpu.memory_space<semaphore_mem>>)
    %dma_wait3A_31 = arith.constant 0 : i32
    %dma_wait3A_32 = arith.constant 0 : i32
    %dma_wait3A_33 = tpu.memref_slice %arg8[%dma_wait3A_31, %dma_wait3A_32] : memref<5x128xi32, #tpu.memory_space<vmem>> -> memref<1x128xi32, #tpu.memory_space<vmem>>
    %dma_wait3A_34 = tpu.memref_squeeze %dma_wait3A_33 : memref<1x128xi32, #tpu.memory_space<vmem>> -> memref<128xi32, #tpu.memory_space<vmem>>
    %dma_wait3A_35 = arith.constant 0 : i32
    %dma_wait3A_36 = arith.constant 0 : i32
    %dma_wait3A_37 = tpu.memref_slice %arg2[%dma_wait3A_35, %dma_wait3A_36] : memref<10000x128xf32, #tpu.memory_space<hbm>> -> memref<10000x128xf32, #tpu.memory_space<hbm>>
    tpu.wait_indirect_dma semaphore(%arg12 : memref<!tpu.dma_semaphore, #tpu.memory_space<semaphore_mem>>) src(%dma_wait3A_37 : memref<10000x128xf32, #tpu.memory_space<hbm>>) dst(%arg10 : memref<128x128xf32, #tpu.memory_space<vmem>>)
    %mul3A_38 = arith.constant 640 : i32
    %mul3A_39 = arith.muli %add3A, %mul3A_38 : i32
    %add3A_40 = arith.constant 0 : i32
    %add3A_41 = arith.addi %mul3A_39, %add3A_40 : i32
    "tpu.region"() ({
      %run_scoped3A = tpu.sem_alloc : memref<!tpu.dma_semaphore, #tpu.memory_space<semaphore_mem>>
      %dma_start3A_179 = arith.constant 0 : i32
      %dma_start3A_180 = tpu.memref_slice %arg6[%add3A_41, %dma_start3A_179] : memref<20480x128xf32, #tpu.memory_space<hbm>> -> memref<128x128xf32, #tpu.memory_space<hbm>>
      %dma_start3A_181 = arith.constant 0 : i32
      %dma_start3A_182 = tpu.memref_slice %arg6[%add3A_41, %dma_start3A_181] : memref<20480x128xf32, #tpu.memory_space<hbm>> -> memref<128x128xf32, #tpu.memory_space<hbm>>
      tpu.enqueue_dma source(%arg10 : memref<128x128xf32, #tpu.memory_space<vmem>>) target(%dma_start3A_182 : memref<128x128xf32, #tpu.memory_space<hbm>>) target_semaphore(%run_scoped3A : memref<!tpu.dma_semaphore, #tpu.memory_space<semaphore_mem>>)
      %dma_wait3A_183 = arith.constant 0 : i32
      %dma_wait3A_184 = tpu.memref_slice %arg6[%add3A_41, %dma_wait3A_183] : memref<20480x128xf32, #tpu.memory_space<hbm>> -> memref<128x128xf32, #tpu.memory_space<hbm>>
      %dma_wait3A_185 = arith.constant 0 : i32
      %dma_wait3A_186 = tpu.memref_slice %arg6[%add3A_41, %dma_wait3A_185] : memref<20480x128xf32, #tpu.memory_space<hbm>> -> memref<128x128xf32, #tpu.memory_space<hbm>>
      tpu.wait_dma2 semaphore(%run_scoped3A : memref<!tpu.dma_semaphore, #tpu.memory_space<semaphore_mem>>) src(%arg10 : memref<128x128xf32, #tpu.memory_space<vmem>>) dst(%dma_wait3A_186 : memref<128x128xf32, #tpu.memory_space<hbm>>)
      tpu.yield
    }) : () -> ()
    %dma_start3A_42 = arith.constant 1 : i32
    %dma_start3A_43 = arith.constant 0 : i32
    %dma_start3A_44 = tpu.memref_slice %arg8[%dma_start3A_42, %dma_start3A_43] : memref<5x128xi32, #tpu.memory_space<vmem>> -> memref<1x128xi32, #tpu.memory_space<vmem>>
    %dma_start3A_45 = tpu.memref_squeeze %dma_start3A_44 : memref<1x128xi32, #tpu.memory_space<vmem>> -> memref<128xi32, #tpu.memory_space<vmem>>
    %dma_start3A_46 = arith.constant 0 : i32
    %dma_start3A_47 = arith.constant 0 : i32
    %dma_start3A_48 = tpu.memref_slice %arg2[%dma_start3A_46, %dma_start3A_47] : memref<10000x128xf32, #tpu.memory_space<hbm>> -> memref<10000x128xf32, #tpu.memory_space<hbm>>
    tpu.enqueue_indirect_dma source(%dma_start3A_48 : memref<10000x128xf32, #tpu.memory_space<hbm>>) target(%arg10 : memref<128x128xf32, #tpu.memory_space<vmem>>) offsets(%dma_start3A_45 : memref<128xi32, #tpu.memory_space<vmem>>) semaphore(%arg12 : memref<!tpu.dma_semaphore, #tpu.memory_space<semaphore_mem>>)
    %dma_wait3A_49 = arith.constant 1 : i32
    %dma_wait3A_50 = arith.constant 0 : i32
    %dma_wait3A_51 = tpu.memref_slice %arg7[%dma_wait3A_49, %dma_wait3A_50] : memref<5x128xi32, #tpu.memory_space<vmem>> -> memref<1x128xi32, #tpu.memory_space<vmem>>
    %dma_wait3A_52 = tpu.memref_squeeze %dma_wait3A_51 : memref<1x128xi32, #tpu.memory_space<vmem>> -> memref<128xi32, #tpu.memory_space<vmem>>
    %dma_wait3A_53 = arith.constant 0 : i32
    %dma_wait3A_54 = arith.constant 0 : i32
    %dma_wait3A_55 = tpu.memref_slice %arg2[%dma_wait3A_53, %dma_wait3A_54] : memref<10000x128xf32, #tpu.memory_space<hbm>> -> memref<10000x128xf32, #tpu.memory_space<hbm>>
    tpu.wait_indirect_dma semaphore(%arg11 : memref<!tpu.dma_semaphore, #tpu.memory_space<semaphore_mem>>) src(%dma_wait3A_55 : memref<10000x128xf32, #tpu.memory_space<hbm>>) dst(%arg9 : memref<128x128xf32, #tpu.memory_space<vmem>>)
    %mul3A_56 = arith.constant 640 : i32
    %mul3A_57 = arith.muli %add3A, %mul3A_56 : i32
    %add3A_58 = arith.constant 128 : i32
    %add3A_59 = arith.addi %mul3A_57, %add3A_58 : i32
    "tpu.region"() ({
      %run_scoped3A = tpu.sem_alloc : memref<!tpu.dma_semaphore, #tpu.memory_space<semaphore_mem>>
      %dma_start3A_179 = arith.constant 0 : i32
      %dma_start3A_180 = tpu.memref_slice %arg5[%add3A_59, %dma_start3A_179] : memref<20480x128xf32, #tpu.memory_space<hbm>> -> memref<128x128xf32, #tpu.memory_space<hbm>>
      %dma_start3A_181 = arith.constant 0 : i32
      %dma_start3A_182 = tpu.memref_slice %arg5[%add3A_59, %dma_start3A_181] : memref<20480x128xf32, #tpu.memory_space<hbm>> -> memref<128x128xf32, #tpu.memory_space<hbm>>
      tpu.enqueue_dma source(%arg9 : memref<128x128xf32, #tpu.memory_space<vmem>>) target(%dma_start3A_182 : memref<128x128xf32, #tpu.memory_space<hbm>>) target_semaphore(%run_scoped3A : memref<!tpu.dma_semaphore, #tpu.memory_space<semaphore_mem>>)
      %dma_wait3A_183 = arith.constant 0 : i32
      %dma_wait3A_184 = tpu.memref_slice %arg5[%add3A_59, %dma_wait3A_183] : memref<20480x128xf32, #tpu.memory_space<hbm>> -> memref<128x128xf32, #tpu.memory_space<hbm>>
      %dma_wait3A_185 = arith.constant 0 : i32
      %dma_wait3A_186 = tpu.memref_slice %arg5[%add3A_59, %dma_wait3A_185] : memref<20480x128xf32, #tpu.memory_space<hbm>> -> memref<128x128xf32, #tpu.memory_space<hbm>>
      tpu.wait_dma2 semaphore(%run_scoped3A : memref<!tpu.dma_semaphore, #tpu.memory_space<semaphore_mem>>) src(%arg9 : memref<128x128xf32, #tpu.memory_space<vmem>>) dst(%dma_wait3A_186 : memref<128x128xf32, #tpu.memory_space<hbm>>)
      tpu.yield
    }) : () -> ()
    %dma_start3A_60 = arith.constant 2 : i32
    %dma_start3A_61 = arith.constant 0 : i32
    %dma_start3A_62 = tpu.memref_slice %arg7[%dma_start3A_60, %dma_start3A_61] : memref<5x128xi32, #tpu.memory_space<vmem>> -> memref<1x128xi32, #tpu.memory_space<vmem>>
    %dma_start3A_63 = tpu.memref_squeeze %dma_start3A_62 : memref<1x128xi32, #tpu.memory_space<vmem>> -> memref<128xi32, #tpu.memory_space<vmem>>
    %dma_start3A_64 = arith.constant 0 : i32
    %dma_start3A_65 = arith.constant 0 : i32
    %dma_start3A_66 = tpu.memref_slice %arg2[%dma_start3A_64, %dma_start3A_65] : memref<10000x128xf32, #tpu.memory_space<hbm>> -> memref<10000x128xf32, #tpu.memory_space<hbm>>
    tpu.enqueue_indirect_dma source(%dma_start3A_66 : memref<10000x128xf32, #tpu.memory_space<hbm>>) target(%arg9 : memref<128x128xf32, #tpu.memory_space<vmem>>) offsets(%dma_start3A_63 : memref<128xi32, #tpu.memory_space<vmem>>) semaphore(%arg11 : memref<!tpu.dma_semaphore, #tpu.memory_space<semaphore_mem>>)
    %dma_wait3A_67 = arith.constant 1 : i32
    %dma_wait3A_68 = arith.constant 0 : i32
    %dma_wait3A_69 = tpu.memref_slice %arg8[%dma_wait3A_67, %dma_wait3A_68] : memref<5x128xi32, #tpu.memory_space<vmem>> -> memref<1x128xi32, #tpu.memory_space<vmem>>
    %dma_wait3A_70 = tpu.memref_squeeze %dma_wait3A_69 : memref<1x128xi32, #tpu.memory_space<vmem>> -> memref<128xi32, #tpu.memory_space<vmem>>
    %dma_wait3A_71 = arith.constant 0 : i32
    %dma_wait3A_72 = arith.constant 0 : i32
    %dma_wait3A_73 = tpu.memref_slice %arg2[%dma_wait3A_71, %dma_wait3A_72] : memref<10000x128xf32, #tpu.memory_space<hbm>> -> memref<10000x128xf32, #tpu.memory_space<hbm>>
    tpu.wait_indirect_dma semaphore(%arg12 : memref<!tpu.dma_semaphore, #tpu.memory_space<semaphore_mem>>) src(%dma_wait3A_73 : memref<10000x128xf32, #tpu.memory_space<hbm>>) dst(%arg10 : memref<128x128xf32, #tpu.memory_space<vmem>>)
    %mul3A_74 = arith.constant 640 : i32
    %mul3A_75 = arith.muli %add3A, %mul3A_74 : i32
    %add3A_76 = arith.constant 128 : i32
    %add3A_77 = arith.addi %mul3A_75, %add3A_76 : i32
    "tpu.region"() ({
      %run_scoped3A = tpu.sem_alloc : memref<!tpu.dma_semaphore, #tpu.memory_space<semaphore_mem>>
      %dma_start3A_179 = arith.constant 0 : i32
      %dma_start3A_180 = tpu.memref_slice %arg6[%add3A_77, %dma_start3A_179] : memref<20480x128xf32, #tpu.memory_space<hbm>> -> memref<128x128xf32, #tpu.memory_space<hbm>>
      %dma_start3A_181 = arith.constant 0 : i32
      %dma_start3A_182 = tpu.memref_slice %arg6[%add3A_77, %dma_start3A_181] : memref<20480x128xf32, #tpu.memory_space<hbm>> -> memref<128x128xf32, #tpu.memory_space<hbm>>
      tpu.enqueue_dma source(%arg10 : memref<128x128xf32, #tpu.memory_space<vmem>>) target(%dma_start3A_182 : memref<128x128xf32, #tpu.memory_space<hbm>>) target_semaphore(%run_scoped3A : memref<!tpu.dma_semaphore, #tpu.memory_space<semaphore_mem>>)
      %dma_wait3A_183 = arith.constant 0 : i32
      %dma_wait3A_184 = tpu.memref_slice %arg6[%add3A_77, %dma_wait3A_183] : memref<20480x128xf32, #tpu.memory_space<hbm>> -> memref<128x128xf32, #tpu.memory_space<hbm>>
      %dma_wait3A_185 = arith.constant 0 : i32
      %dma_wait3A_186 = tpu.memref_slice %arg6[%add3A_77, %dma_wait3A_185] : memref<20480x128xf32, #tpu.memory_space<hbm>> -> memref<128x128xf32, #tpu.memory_space<hbm>>
      tpu.wait_dma2 semaphore(%run_scoped3A : memref<!tpu.dma_semaphore, #tpu.memory_space<semaphore_mem>>) src(%arg10 : memref<128x128xf32, #tpu.memory_space<vmem>>) dst(%dma_wait3A_186 : memref<128x128xf32, #tpu.memory_space<hbm>>)
      tpu.yield
    }) : () -> ()
    %dma_start3A_78 = arith.constant 2 : i32
    %dma_start3A_79 = arith.constant 0 : i32
    %dma_start3A_80 = tpu.memref_slice %arg8[%dma_start3A_78, %dma_start3A_79] : memref<5x128xi32, #tpu.memory_space<vmem>> -> memref<1x128xi32, #tpu.memory_space<vmem>>
    %dma_start3A_81 = tpu.memref_squeeze %dma_start3A_80 : memref<1x128xi32, #tpu.memory_space<vmem>> -> memref<128xi32, #tpu.memory_space<vmem>>
    %dma_start3A_82 = arith.constant 0 : i32
    %dma_start3A_83 = arith.constant 0 : i32
    %dma_start3A_84 = tpu.memref_slice %arg2[%dma_start3A_82, %dma_start3A_83] : memref<10000x128xf32, #tpu.memory_space<hbm>> -> memref<10000x128xf32, #tpu.memory_space<hbm>>
    tpu.enqueue_indirect_dma source(%dma_start3A_84 : memref<10000x128xf32, #tpu.memory_space<hbm>>) target(%arg10 : memref<128x128xf32, #tpu.memory_space<vmem>>) offsets(%dma_start3A_81 : memref<128xi32, #tpu.memory_space<vmem>>) semaphore(%arg12 : memref<!tpu.dma_semaphore, #tpu.memory_space<semaphore_mem>>)
    %dma_wait3A_85 = arith.constant 2 : i32
    %dma_wait3A_86 = arith.constant 0 : i32
    %dma_wait3A_87 = tpu.memref_slice %arg7[%dma_wait3A_85, %dma_wait3A_86] : memref<5x128xi32, #tpu.memory_space<vmem>> -> memref<1x128xi32, #tpu.memory_space<vmem>>
    %dma_wait3A_88 = tpu.memref_squeeze %dma_wait3A_87 : memref<1x128xi32, #tpu.memory_space<vmem>> -> memref<128xi32, #tpu.memory_space<vmem>>
    %dma_wait3A_89 = arith.constant 0 : i32
    %dma_wait3A_90 = arith.constant 0 : i32
    %dma_wait3A_91 = tpu.memref_slice %arg2[%dma_wait3A_89, %dma_wait3A_90] : memref<10000x128xf32, #tpu.memory_space<hbm>> -> memref<10000x128xf32, #tpu.memory_space<hbm>>
    tpu.wait_indirect_dma semaphore(%arg11 : memref<!tpu.dma_semaphore, #tpu.memory_space<semaphore_mem>>) src(%dma_wait3A_91 : memref<10000x128xf32, #tpu.memory_space<hbm>>) dst(%arg9 : memref<128x128xf32, #tpu.memory_space<vmem>>)
    %mul3A_92 = arith.constant 640 : i32
    %mul3A_93 = arith.muli %add3A, %mul3A_92 : i32
    %add3A_94 = arith.constant 256 : i32
    %add3A_95 = arith.addi %mul3A_93, %add3A_94 : i32
    "tpu.region"() ({
      %run_scoped3A = tpu.sem_alloc : memref<!tpu.dma_semaphore, #tpu.memory_space<semaphore_mem>>
      %dma_start3A_179 = arith.constant 0 : i32
      %dma_start3A_180 = tpu.memref_slice %arg5[%add3A_95, %dma_start3A_179] : memref<20480x128xf32, #tpu.memory_space<hbm>> -> memref<128x128xf32, #tpu.memory_space<hbm>>
      %dma_start3A_181 = arith.constant 0 : i32
      %dma_start3A_182 = tpu.memref_slice %arg5[%add3A_95, %dma_start3A_181] : memref<20480x128xf32, #tpu.memory_space<hbm>> -> memref<128x128xf32, #tpu.memory_space<hbm>>
      tpu.enqueue_dma source(%arg9 : memref<128x128xf32, #tpu.memory_space<vmem>>) target(%dma_start3A_182 : memref<128x128xf32, #tpu.memory_space<hbm>>) target_semaphore(%run_scoped3A : memref<!tpu.dma_semaphore, #tpu.memory_space<semaphore_mem>>)
      %dma_wait3A_183 = arith.constant 0 : i32
      %dma_wait3A_184 = tpu.memref_slice %arg5[%add3A_95, %dma_wait3A_183] : memref<20480x128xf32, #tpu.memory_space<hbm>> -> memref<128x128xf32, #tpu.memory_space<hbm>>
      %dma_wait3A_185 = arith.constant 0 : i32
      %dma_wait3A_186 = tpu.memref_slice %arg5[%add3A_95, %dma_wait3A_185] : memref<20480x128xf32, #tpu.memory_space<hbm>> -> memref<128x128xf32, #tpu.memory_space<hbm>>
      tpu.wait_dma2 semaphore(%run_scoped3A : memref<!tpu.dma_semaphore, #tpu.memory_space<semaphore_mem>>) src(%arg9 : memref<128x128xf32, #tpu.memory_space<vmem>>) dst(%dma_wait3A_186 : memref<128x128xf32, #tpu.memory_space<hbm>>)
      tpu.yield
    }) : () -> ()
    %dma_start3A_96 = arith.constant 3 : i32
    %dma_start3A_97 = arith.constant 0 : i32
    %dma_start3A_98 = tpu.memref_slice %arg7[%dma_start3A_96, %dma_start3A_97] : memref<5x128xi32, #tpu.memory_space<vmem>> -> memref<1x128xi32, #tpu.memory_space<vmem>>
    %dma_start3A_99 = tpu.memref_squeeze %dma_start3A_98 : memref<1x128xi32, #tpu.memory_space<vmem>> -> memref<128xi32, #tpu.memory_space<vmem>>
    %dma_start3A_100 = arith.constant 0 : i32
    %dma_start3A_101 = arith.constant 0 : i32
    %dma_start3A_102 = tpu.memref_slice %arg2[%dma_start3A_100, %dma_start3A_101] : memref<10000x128xf32, #tpu.memory_space<hbm>> -> memref<10000x128xf32, #tpu.memory_space<hbm>>
    tpu.enqueue_indirect_dma source(%dma_start3A_102 : memref<10000x128xf32, #tpu.memory_space<hbm>>) target(%arg9 : memref<128x128xf32, #tpu.memory_space<vmem>>) offsets(%dma_start3A_99 : memref<128xi32, #tpu.memory_space<vmem>>) semaphore(%arg11 : memref<!tpu.dma_semaphore, #tpu.memory_space<semaphore_mem>>)
    %dma_wait3A_103 = arith.constant 2 : i32
    %dma_wait3A_104 = arith.constant 0 : i32
    %dma_wait3A_105 = tpu.memref_slice %arg8[%dma_wait3A_103, %dma_wait3A_104] : memref<5x128xi32, #tpu.memory_space<vmem>> -> memref<1x128xi32, #tpu.memory_space<vmem>>
    %dma_wait3A_106 = tpu.memref_squeeze %dma_wait3A_105 : memref<1x128xi32, #tpu.memory_space<vmem>> -> memref<128xi32, #tpu.memory_space<vmem>>
    %dma_wait3A_107 = arith.constant 0 : i32
    %dma_wait3A_108 = arith.constant 0 : i32
    %dma_wait3A_109 = tpu.memref_slice %arg2[%dma_wait3A_107, %dma_wait3A_108] : memref<10000x128xf32, #tpu.memory_space<hbm>> -> memref<10000x128xf32, #tpu.memory_space<hbm>>
    tpu.wait_indirect_dma semaphore(%arg12 : memref<!tpu.dma_semaphore, #tpu.memory_space<semaphore_mem>>) src(%dma_wait3A_109 : memref<10000x128xf32, #tpu.memory_space<hbm>>) dst(%arg10 : memref<128x128xf32, #tpu.memory_space<vmem>>)
    %mul3A_110 = arith.constant 640 : i32
    %mul3A_111 = arith.muli %add3A, %mul3A_110 : i32
    %add3A_112 = arith.constant 256 : i32
    %add3A_113 = arith.addi %mul3A_111, %add3A_112 : i32
    "tpu.region"() ({
      %run_scoped3A = tpu.sem_alloc : memref<!tpu.dma_semaphore, #tpu.memory_space<semaphore_mem>>
      %dma_start3A_179 = arith.constant 0 : i32
      %dma_start3A_180 = tpu.memref_slice %arg6[%add3A_113, %dma_start3A_179] : memref<20480x128xf32, #tpu.memory_space<hbm>> -> memref<128x128xf32, #tpu.memory_space<hbm>>
      %dma_start3A_181 = arith.constant 0 : i32
      %dma_start3A_182 = tpu.memref_slice %arg6[%add3A_113, %dma_start3A_181] : memref<20480x128xf32, #tpu.memory_space<hbm>> -> memref<128x128xf32, #tpu.memory_space<hbm>>
      tpu.enqueue_dma source(%arg10 : memref<128x128xf32, #tpu.memory_space<vmem>>) target(%dma_start3A_182 : memref<128x128xf32, #tpu.memory_space<hbm>>) target_semaphore(%run_scoped3A : memref<!tpu.dma_semaphore, #tpu.memory_space<semaphore_mem>>)
      %dma_wait3A_183 = arith.constant 0 : i32
      %dma_wait3A_184 = tpu.memref_slice %arg6[%add3A_113, %dma_wait3A_183] : memref<20480x128xf32, #tpu.memory_space<hbm>> -> memref<128x128xf32, #tpu.memory_space<hbm>>
      %dma_wait3A_185 = arith.constant 0 : i32
      %dma_wait3A_186 = tpu.memref_slice %arg6[%add3A_113, %dma_wait3A_185] : memref<20480x128xf32, #tpu.memory_space<hbm>> -> memref<128x128xf32, #tpu.memory_space<hbm>>
      tpu.wait_dma2 semaphore(%run_scoped3A : memref<!tpu.dma_semaphore, #tpu.memory_space<semaphore_mem>>) src(%arg10 : memref<128x128xf32, #tpu.memory_space<vmem>>) dst(%dma_wait3A_186 : memref<128x128xf32, #tpu.memory_space<hbm>>)
      tpu.yield
    }) : () -> ()
    %dma_start3A_114 = arith.constant 3 : i32
    %dma_start3A_115 = arith.constant 0 : i32
    %dma_start3A_116 = tpu.memref_slice %arg8[%dma_start3A_114, %dma_start3A_115] : memref<5x128xi32, #tpu.memory_space<vmem>> -> memref<1x128xi32, #tpu.memory_space<vmem>>
    %dma_start3A_117 = tpu.memref_squeeze %dma_start3A_116 : memref<1x128xi32, #tpu.memory_space<vmem>> -> memref<128xi32, #tpu.memory_space<vmem>>
    %dma_start3A_118 = arith.constant 0 : i32
    %dma_start3A_119 = arith.constant 0 : i32
    %dma_start3A_120 = tpu.memref_slice %arg2[%dma_start3A_118, %dma_start3A_119] : memref<10000x128xf32, #tpu.memory_space<hbm>> -> memref<10000x128xf32, #tpu.memory_space<hbm>>
    tpu.enqueue_indirect_dma source(%dma_start3A_120 : memref<10000x128xf32, #tpu.memory_space<hbm>>) target(%arg10 : memref<128x128xf32, #tpu.memory_space<vmem>>) offsets(%dma_start3A_117 : memref<128xi32, #tpu.memory_space<vmem>>) semaphore(%arg12 : memref<!tpu.dma_semaphore, #tpu.memory_space<semaphore_mem>>)
    %dma_wait3A_121 = arith.constant 3 : i32
    %dma_wait3A_122 = arith.constant 0 : i32
    %dma_wait3A_123 = tpu.memref_slice %arg7[%dma_wait3A_121, %dma_wait3A_122] : memref<5x128xi32, #tpu.memory_space<vmem>> -> memref<1x128xi32, #tpu.memory_space<vmem>>
    %dma_wait3A_124 = tpu.memref_squeeze %dma_wait3A_123 : memref<1x128xi32, #tpu.memory_space<vmem>> -> memref<128xi32, #tpu.memory_space<vmem>>
    %dma_wait3A_125 = arith.constant 0 : i32
    %dma_wait3A_126 = arith.constant 0 : i32
    %dma_wait3A_127 = tpu.memref_slice %arg2[%dma_wait3A_125, %dma_wait3A_126] : memref<10000x128xf32, #tpu.memory_space<hbm>> -> memref<10000x128xf32, #tpu.memory_space<hbm>>
    tpu.wait_indirect_dma semaphore(%arg11 : memref<!tpu.dma_semaphore, #tpu.memory_space<semaphore_mem>>) src(%dma_wait3A_127 : memref<10000x128xf32, #tpu.memory_space<hbm>>) dst(%arg9 : memref<128x128xf32, #tpu.memory_space<vmem>>)
    %mul3A_128 = arith.constant 640 : i32
    %mul3A_129 = arith.muli %add3A, %mul3A_128 : i32
    %add3A_130 = arith.constant 384 : i32
    %add3A_131 = arith.addi %mul3A_129, %add3A_130 : i32
    "tpu.region"() ({
      %run_scoped3A = tpu.sem_alloc : memref<!tpu.dma_semaphore, #tpu.memory_space<semaphore_mem>>
      %dma_start3A_179 = arith.constant 0 : i32
      %dma_start3A_180 = tpu.memref_slice %arg5[%add3A_131, %dma_start3A_179] : memref<20480x128xf32, #tpu.memory_space<hbm>> -> memref<128x128xf32, #tpu.memory_space<hbm>>
      %dma_start3A_181 = arith.constant 0 : i32
      %dma_start3A_182 = tpu.memref_slice %arg5[%add3A_131, %dma_start3A_181] : memref<20480x128xf32, #tpu.memory_space<hbm>> -> memref<128x128xf32, #tpu.memory_space<hbm>>
      tpu.enqueue_dma source(%arg9 : memref<128x128xf32, #tpu.memory_space<vmem>>) target(%dma_start3A_182 : memref<128x128xf32, #tpu.memory_space<hbm>>) target_semaphore(%run_scoped3A : memref<!tpu.dma_semaphore, #tpu.memory_space<semaphore_mem>>)
      %dma_wait3A_183 = arith.constant 0 : i32
      %dma_wait3A_184 = tpu.memref_slice %arg5[%add3A_131, %dma_wait3A_183] : memref<20480x128xf32, #tpu.memory_space<hbm>> -> memref<128x128xf32, #tpu.memory_space<hbm>>
      %dma_wait3A_185 = arith.constant 0 : i32
      %dma_wait3A_186 = tpu.memref_slice %arg5[%add3A_131, %dma_wait3A_185] : memref<20480x128xf32, #tpu.memory_space<hbm>> -> memref<128x128xf32, #tpu.memory_space<hbm>>
      tpu.wait_dma2 semaphore(%run_scoped3A : memref<!tpu.dma_semaphore, #tpu.memory_space<semaphore_mem>>) src(%arg9 : memref<128x128xf32, #tpu.memory_space<vmem>>) dst(%dma_wait3A_186 : memref<128x128xf32, #tpu.memory_space<hbm>>)
      tpu.yield
    }) : () -> ()
    %dma_start3A_132 = arith.constant 4 : i32
    %dma_start3A_133 = arith.constant 0 : i32
    %dma_start3A_134 = tpu.memref_slice %arg7[%dma_start3A_132, %dma_start3A_133] : memref<5x128xi32, #tpu.memory_space<vmem>> -> memref<1x128xi32, #tpu.memory_space<vmem>>
    %dma_start3A_135 = tpu.memref_squeeze %dma_start3A_134 : memref<1x128xi32, #tpu.memory_space<vmem>> -> memref<128xi32, #tpu.memory_space<vmem>>
    %dma_start3A_136 = arith.constant 0 : i32
    %dma_start3A_137 = arith.constant 0 : i32
    %dma_start3A_138 = tpu.memref_slice %arg2[%dma_start3A_136, %dma_start3A_137] : memref<10000x128xf32, #tpu.memory_space<hbm>> -> memref<10000x128xf32, #tpu.memory_space<hbm>>
    tpu.enqueue_indirect_dma source(%dma_start3A_138 : memref<10000x128xf32, #tpu.memory_space<hbm>>) target(%arg9 : memref<128x128xf32, #tpu.memory_space<vmem>>) offsets(%dma_start3A_135 : memref<128xi32, #tpu.memory_space<vmem>>) semaphore(%arg11 : memref<!tpu.dma_semaphore, #tpu.memory_space<semaphore_mem>>)
    %dma_wait3A_139 = arith.constant 3 : i32
    %dma_wait3A_140 = arith.constant 0 : i32
    %dma_wait3A_141 = tpu.memref_slice %arg8[%dma_wait3A_139, %dma_wait3A_140] : memref<5x128xi32, #tpu.memory_space<vmem>> -> memref<1x128xi32, #tpu.memory_space<vmem>>
    %dma_wait3A_142 = tpu.memref_squeeze %dma_wait3A_141 : memref<1x128xi32, #tpu.memory_space<vmem>> -> memref<128xi32, #tpu.memory_space<vmem>>
    %dma_wait3A_143 = arith.constant 0 : i32
    %dma_wait3A_144 = arith.constant 0 : i32
    %dma_wait3A_145 = tpu.memref_slice %arg2[%dma_wait3A_143, %dma_wait3A_144] : memref<10000x128xf32, #tpu.memory_space<hbm>> -> memref<10000x128xf32, #tpu.memory_space<hbm>>
    tpu.wait_indirect_dma semaphore(%arg12 : memref<!tpu.dma_semaphore, #tpu.memory_space<semaphore_mem>>) src(%dma_wait3A_145 : memref<10000x128xf32, #tpu.memory_space<hbm>>) dst(%arg10 : memref<128x128xf32, #tpu.memory_space<vmem>>)
    %mul3A_146 = arith.constant 640 : i32
    %mul3A_147 = arith.muli %add3A, %mul3A_146 : i32
    %add3A_148 = arith.constant 384 : i32
    %add3A_149 = arith.addi %mul3A_147, %add3A_148 : i32
    "tpu.region"() ({
      %run_scoped3A = tpu.sem_alloc : memref<!tpu.dma_semaphore, #tpu.memory_space<semaphore_mem>>
      %dma_start3A_179 = arith.constant 0 : i32
      %dma_start3A_180 = tpu.memref_slice %arg6[%add3A_149, %dma_start3A_179] : memref<20480x128xf32, #tpu.memory_space<hbm>> -> memref<128x128xf32, #tpu.memory_space<hbm>>
      %dma_start3A_181 = arith.constant 0 : i32
      %dma_start3A_182 = tpu.memref_slice %arg6[%add3A_149, %dma_start3A_181] : memref<20480x128xf32, #tpu.memory_space<hbm>> -> memref<128x128xf32, #tpu.memory_space<hbm>>
      tpu.enqueue_dma source(%arg10 : memref<128x128xf32, #tpu.memory_space<vmem>>) target(%dma_start3A_182 : memref<128x128xf32, #tpu.memory_space<hbm>>) target_semaphore(%run_scoped3A : memref<!tpu.dma_semaphore, #tpu.memory_space<semaphore_mem>>)
      %dma_wait3A_183 = arith.constant 0 : i32
      %dma_wait3A_184 = tpu.memref_slice %arg6[%add3A_149, %dma_wait3A_183] : memref<20480x128xf32, #tpu.memory_space<hbm>> -> memref<128x128xf32, #tpu.memory_space<hbm>>
      %dma_wait3A_185 = arith.constant 0 : i32
      %dma_wait3A_186 = tpu.memref_slice %arg6[%add3A_149, %dma_wait3A_185] : memref<20480x128xf32, #tpu.memory_space<hbm>> -> memref<128x128xf32, #tpu.memory_space<hbm>>
      tpu.wait_dma2 semaphore(%run_scoped3A : memref<!tpu.dma_semaphore, #tpu.memory_space<semaphore_mem>>) src(%arg10 : memref<128x128xf32, #tpu.memory_space<vmem>>) dst(%dma_wait3A_186 : memref<128x128xf32, #tpu.memory_space<hbm>>)
      tpu.yield
    }) : () -> ()
    %dma_start3A_150 = arith.constant 4 : i32
    %dma_start3A_151 = arith.constant 0 : i32
    %dma_start3A_152 = tpu.memref_slice %arg8[%dma_start3A_150, %dma_start3A_151] : memref<5x128xi32, #tpu.memory_space<vmem>> -> memref<1x128xi32, #tpu.memory_space<vmem>>
    %dma_start3A_153 = tpu.memref_squeeze %dma_start3A_152 : memref<1x128xi32, #tpu.memory_space<vmem>> -> memref<128xi32, #tpu.memory_space<vmem>>
    %dma_start3A_154 = arith.constant 0 : i32
    %dma_start3A_155 = arith.constant 0 : i32
    %dma_start3A_156 = tpu.memref_slice %arg2[%dma_start3A_154, %dma_start3A_155] : memref<10000x128xf32, #tpu.memory_space<hbm>> -> memref<10000x128xf32, #tpu.memory_space<hbm>>
    tpu.enqueue_indirect_dma source(%dma_start3A_156 : memref<10000x128xf32, #tpu.memory_space<hbm>>) target(%arg10 : memref<128x128xf32, #tpu.memory_space<vmem>>) offsets(%dma_start3A_153 : memref<128xi32, #tpu.memory_space<vmem>>) semaphore(%arg12 : memref<!tpu.dma_semaphore, #tpu.memory_space<semaphore_mem>>)
    %dma_wait3A_157 = arith.constant 4 : i32
    %dma_wait3A_158 = arith.constant 0 : i32
    %dma_wait3A_159 = tpu.memref_slice %arg7[%dma_wait3A_157, %dma_wait3A_158] : memref<5x128xi32, #tpu.memory_space<vmem>> -> memref<1x128xi32, #tpu.memory_space<vmem>>
    %dma_wait3A_160 = tpu.memref_squeeze %dma_wait3A_159 : memref<1x128xi32, #tpu.memory_space<vmem>> -> memref<128xi32, #tpu.memory_space<vmem>>
    %dma_wait3A_161 = arith.constant 0 : i32
    %dma_wait3A_162 = arith.constant 0 : i32
    %dma_wait3A_163 = tpu.memref_slice %arg2[%dma_wait3A_161, %dma_wait3A_162] : memref<10000x128xf32, #tpu.memory_space<hbm>> -> memref<10000x128xf32, #tpu.memory_space<hbm>>
    tpu.wait_indirect_dma semaphore(%arg11 : memref<!tpu.dma_semaphore, #tpu.memory_space<semaphore_mem>>) src(%dma_wait3A_163 : memref<10000x128xf32, #tpu.memory_space<hbm>>) dst(%arg9 : memref<128x128xf32, #tpu.memory_space<vmem>>)
    %mul3A_164 = arith.constant 640 : i32
    %mul3A_165 = arith.muli %add3A, %mul3A_164 : i32
    %add3A_166 = arith.constant 512 : i32
    %add3A_167 = arith.addi %mul3A_165, %add3A_166 : i32
    "tpu.region"() ({
      %run_scoped3A = tpu.sem_alloc : memref<!tpu.dma_semaphore, #tpu.memory_space<semaphore_mem>>
      %dma_start3A_179 = arith.constant 0 : i32
      %dma_start3A_180 = tpu.memref_slice %arg5[%add3A_167, %dma_start3A_179] : memref<20480x128xf32, #tpu.memory_space<hbm>> -> memref<128x128xf32, #tpu.memory_space<hbm>>
      %dma_start3A_181 = arith.constant 0 : i32
      %dma_start3A_182 = tpu.memref_slice %arg5[%add3A_167, %dma_start3A_181] : memref<20480x128xf32, #tpu.memory_space<hbm>> -> memref<128x128xf32, #tpu.memory_space<hbm>>
      tpu.enqueue_dma source(%arg9 : memref<128x128xf32, #tpu.memory_space<vmem>>) target(%dma_start3A_182 : memref<128x128xf32, #tpu.memory_space<hbm>>) target_semaphore(%run_scoped3A : memref<!tpu.dma_semaphore, #tpu.memory_space<semaphore_mem>>)
      %dma_wait3A_183 = arith.constant 0 : i32
      %dma_wait3A_184 = tpu.memref_slice %arg5[%add3A_167, %dma_wait3A_183] : memref<20480x128xf32, #tpu.memory_space<hbm>> -> memref<128x128xf32, #tpu.memory_space<hbm>>
      %dma_wait3A_185 = arith.constant 0 : i32
      %dma_wait3A_186 = tpu.memref_slice %arg5[%add3A_167, %dma_wait3A_185] : memref<20480x128xf32, #tpu.memory_space<hbm>> -> memref<128x128xf32, #tpu.memory_space<hbm>>
      tpu.wait_dma2 semaphore(%run_scoped3A : memref<!tpu.dma_semaphore, #tpu.memory_space<semaphore_mem>>) src(%arg9 : memref<128x128xf32, #tpu.memory_space<vmem>>) dst(%dma_wait3A_186 : memref<128x128xf32, #tpu.memory_space<hbm>>)
      tpu.yield
    }) : () -> ()
    %dma_wait3A_168 = arith.constant 4 : i32
    %dma_wait3A_169 = arith.constant 0 : i32
    %dma_wait3A_170 = tpu.memref_slice %arg8[%dma_wait3A_168, %dma_wait3A_169] : memref<5x128xi32, #tpu.memory_space<vmem>> -> memref<1x128xi32, #tpu.memory_space<vmem>>
    %dma_wait3A_171 = tpu.memref_squeeze %dma_wait3A_170 : memref<1x128xi32, #tpu.memory_space<vmem>> -> memref<128xi32, #tpu.memory_space<vmem>>
    %dma_wait3A_172 = arith.constant 0 : i32
    %dma_wait3A_173 = arith.constant 0 : i32
    %dma_wait3A_174 = tpu.memref_slice %arg2[%dma_wait3A_172, %dma_wait3A_173] : memref<10000x128xf32, #tpu.memory_space<hbm>> -> memref<10000x128xf32, #tpu.memory_space<hbm>>
    tpu.wait_indirect_dma semaphore(%arg12 : memref<!tpu.dma_semaphore, #tpu.memory_space<semaphore_mem>>) src(%dma_wait3A_174 : memref<10000x128xf32, #tpu.memory_space<hbm>>) dst(%arg10 : memref<128x128xf32, #tpu.memory_space<vmem>>)
    %mul3A_175 = arith.constant 640 : i32
    %mul3A_176 = arith.muli %add3A, %mul3A_175 : i32
    %add3A_177 = arith.constant 512 : i32
    %add3A_178 = arith.addi %mul3A_176, %add3A_177 : i32
    "tpu.region"() ({
      %run_scoped3A = tpu.sem_alloc : memref<!tpu.dma_semaphore, #tpu.memory_space<semaphore_mem>>
      %dma_start3A_179 = arith.constant 0 : i32
      %dma_start3A_180 = tpu.memref_slice %arg6[%add3A_178, %dma_start3A_179] : memref<20480x128xf32, #tpu.memory_space<hbm>> -> memref<128x128xf32, #tpu.memory_space<hbm>>
      %dma_start3A_181 = arith.constant 0 : i32
      %dma_start3A_182 = tpu.memref_slice %arg6[%add3A_178, %dma_start3A_181] : memref<20480x128xf32, #tpu.memory_space<hbm>> -> memref<128x128xf32, #tpu.memory_space<hbm>>
      tpu.enqueue_dma source(%arg10 : memref<128x128xf32, #tpu.memory_space<vmem>>) target(%dma_start3A_182 : memref<128x128xf32, #tpu.memory_space<hbm>>) target_semaphore(%run_scoped3A : memref<!tpu.dma_semaphore, #tpu.memory_space<semaphore_mem>>)
      %dma_wait3A_183 = arith.constant 0 : i32
      %dma_wait3A_184 = tpu.memref_slice %arg6[%add3A_178, %dma_wait3A_183] : memref<20480x128xf32, #tpu.memory_space<hbm>> -> memref<128x128xf32, #tpu.memory_space<hbm>>
      %dma_wait3A_185 = arith.constant 0 : i32
      %dma_wait3A_186 = tpu.memref_slice %arg6[%add3A_178, %dma_wait3A_185] : memref<20480x128xf32, #tpu.memory_space<hbm>> -> memref<128x128xf32, #tpu.memory_space<hbm>>
      tpu.wait_dma2 semaphore(%run_scoped3A : memref<!tpu.dma_semaphore, #tpu.memory_space<semaphore_mem>>) src(%arg10 : memref<128x128xf32, #tpu.memory_space<vmem>>) dst(%dma_wait3A_186 : memref<128x128xf32, #tpu.memory_space<hbm>>)
      tpu.yield
    }) : () -> ()
    return
  }
}

#map = affine_map<(d0, d1) -> (0, 0)>
#map1 = affine_map<(d0, d1) -> (0, 0, 0, 0)>
#map2 = affine_map<(d0, d1) -> (0, 0, 0)>
module attributes {stable_mosaic.version = 14 : i64} {
  func.func @_edge_body(%arg0: i32, %arg1: i32, %arg2: memref<20224x128xf32, #tpu.memory_space<hbm>>, %arg3: memref<2x16x80x128xi32, #tpu.memory_space<hbm>>, %arg4: memref<16x80x128xi32, #tpu.memory_space<hbm>>, %arg5: memref<2x10112x128xf32, #tpu.memory_space<hbm>>, %arg6: memref<8x128xi32, #tpu.memory_space<vmem>>, %arg7: memref<8x128xi32, #tpu.memory_space<vmem>>, %arg8: memref<128x128xf32, #tpu.memory_space<vmem>>, %arg9: memref<128x128xf32, #tpu.memory_space<vmem>>, %arg10: memref<10112x128xf32, #tpu.memory_space<vmem_shared>>, %arg11: memref<!tpu.dma_semaphore, #tpu.memory_space<semaphore_mem>>, %arg12: memref<!tpu.dma_semaphore, #tpu.memory_space<semaphore_mem>>) attributes {dimension_semantics = [#tpu.dimension_semantics<core_parallel>, #tpu.dimension_semantics<subcore_parallel>], iteration_bounds = array<i64: 2, 16>, scalar_prefetch = 0 : i64, scratch_operands = 7 : i64, tpu.core_type = #tpu.core_type<sc_vector_subcore>, window_params = [{transform_indices = #map}, {transform_indices = #map1}, {transform_indices = #map2}, {transform_indices = #map2}]} {
    %mul3A = arith.constant 10112 : i32
    %mul3A_0 = arith.muli %arg0, %mul3A : i32
    %mul3A_1 = arith.constant 632 : i32
    %mul3A_2 = arith.muli %arg1, %mul3A_1 : i32
    %add3A = arith.addi %mul3A_0, %mul3A_2 : i32
    %mul3A_3 = arith.constant 632 : i32
    %mul3A_4 = arith.muli %arg1, %mul3A_3 : i32
    "tpu.region"() ({
      %run_scoped3A = tpu.sem_alloc : memref<!tpu.dma_semaphore, #tpu.memory_space<semaphore_mem>>
      %dma_start3A = arith.constant 0 : i32
      %dma_start3A_15 = tpu.memref_slice %arg10[%mul3A_4, %dma_start3A] : memref<10112x128xf32, #tpu.memory_space<vmem_shared>> -> memref<632x128xf32, #tpu.memory_space<vmem_shared>>
      %dma_start3A_16 = arith.constant 0 : i32
      %dma_start3A_17 = tpu.memref_slice %arg2[%add3A, %dma_start3A_16] : memref<20224x128xf32, #tpu.memory_space<hbm>> -> memref<632x128xf32, #tpu.memory_space<hbm>>
      tpu.enqueue_dma source(%dma_start3A_17 : memref<632x128xf32, #tpu.memory_space<hbm>>) target(%dma_start3A_15 : memref<632x128xf32, #tpu.memory_space<vmem_shared>>) target_semaphore(%run_scoped3A : memref<!tpu.dma_semaphore, #tpu.memory_space<semaphore_mem>>)
      %dma_wait3A = arith.constant 0 : i32
      %dma_wait3A_18 = tpu.memref_slice %arg10[%mul3A_4, %dma_wait3A] : memref<10112x128xf32, #tpu.memory_space<vmem_shared>> -> memref<632x128xf32, #tpu.memory_space<vmem_shared>>
      %dma_wait3A_19 = arith.constant 0 : i32
      %dma_wait3A_20 = tpu.memref_slice %arg2[%add3A, %dma_wait3A_19] : memref<20224x128xf32, #tpu.memory_space<hbm>> -> memref<632x128xf32, #tpu.memory_space<hbm>>
      tpu.wait_dma2 semaphore(%run_scoped3A : memref<!tpu.dma_semaphore, #tpu.memory_space<semaphore_mem>>) src(%dma_wait3A_20 : memref<632x128xf32, #tpu.memory_space<hbm>>) dst(%dma_wait3A_18 : memref<632x128xf32, #tpu.memory_space<vmem_shared>>)
      tpu.yield
    }) : () -> ()
    %barrier3A = arith.constant 0 : index
    tpu.barrier barrier_id(%barrier3A)
    %scan3A = arith.constant 0 : i32
    %scan3A_5 = arith.constant 0 : i32
    %scan3A_6 = arith.constant 10 : i32
    %scan3A_7 = arith.addi %scan3A_5, %scan3A_6 : i32
    %scan3A_8 = arith.constant 1 : i32
    scf.for %scan3A_15 = %scan3A_5 to %scan3A_7 step %scan3A_8  : i32 {
      %mul3A_16 = arith.constant 8 : i32
      %mul3A_17 = arith.muli %scan3A_15, %mul3A_16 : i32
      "tpu.region"() ({
        %run_scoped3A_137 = tpu.sem_alloc : memref<!tpu.dma_semaphore, #tpu.memory_space<semaphore_mem>>
        %dma_start3A_138 = arith.constant 0 : i32
        %dma_start3A_139 = tpu.memref_slice %arg3[%arg0, %arg1, %mul3A_17, %dma_start3A_138] : memref<2x16x80x128xi32, #tpu.memory_space<hbm>> -> memref<1x1x8x128xi32, #tpu.memory_space<hbm>>
        %dma_start3A_140 = tpu.memref_squeeze %dma_start3A_139 : memref<1x1x8x128xi32, #tpu.memory_space<hbm>> -> memref<8x128xi32, #tpu.memory_space<hbm>>
        %dma_start3A_141 = arith.constant 0 : i32
        %dma_start3A_142 = tpu.memref_slice %arg3[%arg0, %arg1, %mul3A_17, %dma_start3A_141] : memref<2x16x80x128xi32, #tpu.memory_space<hbm>> -> memref<1x1x8x128xi32, #tpu.memory_space<hbm>>
        %dma_start3A_143 = tpu.memref_squeeze %dma_start3A_142 : memref<1x1x8x128xi32, #tpu.memory_space<hbm>> -> memref<8x128xi32, #tpu.memory_space<hbm>>
        tpu.enqueue_dma source(%dma_start3A_143 : memref<8x128xi32, #tpu.memory_space<hbm>>) target(%arg6 : memref<8x128xi32, #tpu.memory_space<vmem>>) target_semaphore(%run_scoped3A_137 : memref<!tpu.dma_semaphore, #tpu.memory_space<semaphore_mem>>)
        %dma_wait3A_144 = arith.constant 0 : i32
        %dma_wait3A_145 = tpu.memref_slice %arg3[%arg0, %arg1, %mul3A_17, %dma_wait3A_144] : memref<2x16x80x128xi32, #tpu.memory_space<hbm>> -> memref<1x1x8x128xi32, #tpu.memory_space<hbm>>
        %dma_wait3A_146 = tpu.memref_squeeze %dma_wait3A_145 : memref<1x1x8x128xi32, #tpu.memory_space<hbm>> -> memref<8x128xi32, #tpu.memory_space<hbm>>
        %dma_wait3A_147 = arith.constant 0 : i32
        %dma_wait3A_148 = tpu.memref_slice %arg3[%arg0, %arg1, %mul3A_17, %dma_wait3A_147] : memref<2x16x80x128xi32, #tpu.memory_space<hbm>> -> memref<1x1x8x128xi32, #tpu.memory_space<hbm>>
        %dma_wait3A_149 = tpu.memref_squeeze %dma_wait3A_148 : memref<1x1x8x128xi32, #tpu.memory_space<hbm>> -> memref<8x128xi32, #tpu.memory_space<hbm>>
        tpu.wait_dma2 semaphore(%run_scoped3A_137 : memref<!tpu.dma_semaphore, #tpu.memory_space<semaphore_mem>>) src(%dma_wait3A_149 : memref<8x128xi32, #tpu.memory_space<hbm>>) dst(%arg6 : memref<8x128xi32, #tpu.memory_space<vmem>>)
        tpu.yield
      }) : () -> ()
      %mul3A_18 = arith.constant 8 : i32
      %mul3A_19 = arith.muli %scan3A_15, %mul3A_18 : i32
      "tpu.region"() ({
        %run_scoped3A_137 = tpu.sem_alloc : memref<!tpu.dma_semaphore, #tpu.memory_space<semaphore_mem>>
        %dma_start3A_138 = arith.constant 0 : i32
        %dma_start3A_139 = tpu.memref_slice %arg4[%arg1, %mul3A_19, %dma_start3A_138] : memref<16x80x128xi32, #tpu.memory_space<hbm>> -> memref<1x8x128xi32, #tpu.memory_space<hbm>>
        %dma_start3A_140 = tpu.memref_squeeze %dma_start3A_139 : memref<1x8x128xi32, #tpu.memory_space<hbm>> -> memref<8x128xi32, #tpu.memory_space<hbm>>
        %dma_start3A_141 = arith.constant 0 : i32
        %dma_start3A_142 = tpu.memref_slice %arg4[%arg1, %mul3A_19, %dma_start3A_141] : memref<16x80x128xi32, #tpu.memory_space<hbm>> -> memref<1x8x128xi32, #tpu.memory_space<hbm>>
        %dma_start3A_143 = tpu.memref_squeeze %dma_start3A_142 : memref<1x8x128xi32, #tpu.memory_space<hbm>> -> memref<8x128xi32, #tpu.memory_space<hbm>>
        tpu.enqueue_dma source(%dma_start3A_143 : memref<8x128xi32, #tpu.memory_space<hbm>>) target(%arg7 : memref<8x128xi32, #tpu.memory_space<vmem>>) target_semaphore(%run_scoped3A_137 : memref<!tpu.dma_semaphore, #tpu.memory_space<semaphore_mem>>)
        %dma_wait3A_144 = arith.constant 0 : i32
        %dma_wait3A_145 = tpu.memref_slice %arg4[%arg1, %mul3A_19, %dma_wait3A_144] : memref<16x80x128xi32, #tpu.memory_space<hbm>> -> memref<1x8x128xi32, #tpu.memory_space<hbm>>
        %dma_wait3A_146 = tpu.memref_squeeze %dma_wait3A_145 : memref<1x8x128xi32, #tpu.memory_space<hbm>> -> memref<8x128xi32, #tpu.memory_space<hbm>>
        %dma_wait3A_147 = arith.constant 0 : i32
        %dma_wait3A_148 = tpu.memref_slice %arg4[%arg1, %mul3A_19, %dma_wait3A_147] : memref<16x80x128xi32, #tpu.memory_space<hbm>> -> memref<1x8x128xi32, #tpu.memory_space<hbm>>
        %dma_wait3A_149 = tpu.memref_squeeze %dma_wait3A_148 : memref<1x8x128xi32, #tpu.memory_space<hbm>> -> memref<8x128xi32, #tpu.memory_space<hbm>>
        tpu.wait_dma2 semaphore(%run_scoped3A_137 : memref<!tpu.dma_semaphore, #tpu.memory_space<semaphore_mem>>) src(%dma_wait3A_149 : memref<8x128xi32, #tpu.memory_space<hbm>>) dst(%arg7 : memref<8x128xi32, #tpu.memory_space<vmem>>)
        tpu.yield
      }) : () -> ()
      %dma_start3A = arith.constant 0 : i32
      %dma_start3A_20 = arith.constant 0 : i32
      %dma_start3A_21 = tpu.memref_slice %arg6[%dma_start3A, %dma_start3A_20] : memref<8x128xi32, #tpu.memory_space<vmem>> -> memref<1x128xi32, #tpu.memory_space<vmem>>
      %dma_start3A_22 = tpu.memref_squeeze %dma_start3A_21 : memref<1x128xi32, #tpu.memory_space<vmem>> -> memref<128xi32, #tpu.memory_space<vmem>>
      %dma_start3A_23 = arith.constant 0 : i32
      %dma_start3A_24 = arith.constant 0 : i32
      %dma_start3A_25 = tpu.memref_slice %arg2[%dma_start3A_23, %dma_start3A_24] : memref<20224x128xf32, #tpu.memory_space<hbm>> -> memref<20224x128xf32, #tpu.memory_space<hbm>>
      tpu.enqueue_indirect_dma source(%dma_start3A_25 : memref<20224x128xf32, #tpu.memory_space<hbm>>) target(%arg8 : memref<128x128xf32, #tpu.memory_space<vmem>>) offsets(%dma_start3A_22 : memref<128xi32, #tpu.memory_space<vmem>>) semaphore(%arg11 : memref<!tpu.dma_semaphore, #tpu.memory_space<semaphore_mem>>)
      %dma_start3A_26 = arith.constant 1 : i32
      %dma_start3A_27 = arith.constant 0 : i32
      %dma_start3A_28 = tpu.memref_slice %arg6[%dma_start3A_26, %dma_start3A_27] : memref<8x128xi32, #tpu.memory_space<vmem>> -> memref<1x128xi32, #tpu.memory_space<vmem>>
      %dma_start3A_29 = tpu.memref_squeeze %dma_start3A_28 : memref<1x128xi32, #tpu.memory_space<vmem>> -> memref<128xi32, #tpu.memory_space<vmem>>
      %dma_start3A_30 = arith.constant 0 : i32
      %dma_start3A_31 = arith.constant 0 : i32
      %dma_start3A_32 = tpu.memref_slice %arg2[%dma_start3A_30, %dma_start3A_31] : memref<20224x128xf32, #tpu.memory_space<hbm>> -> memref<20224x128xf32, #tpu.memory_space<hbm>>
      tpu.enqueue_indirect_dma source(%dma_start3A_32 : memref<20224x128xf32, #tpu.memory_space<hbm>>) target(%arg9 : memref<128x128xf32, #tpu.memory_space<vmem>>) offsets(%dma_start3A_29 : memref<128xi32, #tpu.memory_space<vmem>>) semaphore(%arg12 : memref<!tpu.dma_semaphore, #tpu.memory_space<semaphore_mem>>)
      %dma_wait3A = arith.constant 0 : i32
      %dma_wait3A_33 = arith.constant 0 : i32
      %dma_wait3A_34 = tpu.memref_slice %arg6[%dma_wait3A, %dma_wait3A_33] : memref<8x128xi32, #tpu.memory_space<vmem>> -> memref<1x128xi32, #tpu.memory_space<vmem>>
      %dma_wait3A_35 = tpu.memref_squeeze %dma_wait3A_34 : memref<1x128xi32, #tpu.memory_space<vmem>> -> memref<128xi32, #tpu.memory_space<vmem>>
      %dma_wait3A_36 = arith.constant 0 : i32
      %dma_wait3A_37 = arith.constant 0 : i32
      %dma_wait3A_38 = tpu.memref_slice %arg2[%dma_wait3A_36, %dma_wait3A_37] : memref<20224x128xf32, #tpu.memory_space<hbm>> -> memref<20224x128xf32, #tpu.memory_space<hbm>>
      tpu.wait_indirect_dma semaphore(%arg11 : memref<!tpu.dma_semaphore, #tpu.memory_space<semaphore_mem>>) src(%dma_wait3A_38 : memref<20224x128xf32, #tpu.memory_space<hbm>>) dst(%arg8 : memref<128x128xf32, #tpu.memory_space<vmem>>)
      %run_scoped3A = arith.constant 0 : i32
      "tpu.region"() ({
        %run_scoped3A_137 = tpu.sem_alloc : memref<!tpu.dma_semaphore, #tpu.memory_space<semaphore_mem>>
        %dma_start3A_138 = arith.constant 0 : i32
        %dma_start3A_139 = tpu.memref_slice %arg7[%run_scoped3A, %dma_start3A_138] : memref<8x128xi32, #tpu.memory_space<vmem>> -> memref<1x128xi32, #tpu.memory_space<vmem>>
        %dma_start3A_140 = tpu.memref_squeeze %dma_start3A_139 : memref<1x128xi32, #tpu.memory_space<vmem>> -> memref<128xi32, #tpu.memory_space<vmem>>
        %dma_start3A_141 = arith.constant 0 : i32
        %dma_start3A_142 = arith.constant 0 : i32
        %dma_start3A_143 = tpu.memref_slice %arg10[%dma_start3A_141, %dma_start3A_142] : memref<10112x128xf32, #tpu.memory_space<vmem_shared>> -> memref<10112x128xf32, #tpu.memory_space<vmem_shared>>
        tpu.enqueue_indirect_dma source(%arg8 : memref<128x128xf32, #tpu.memory_space<vmem>>) target(%dma_start3A_143 : memref<10112x128xf32, #tpu.memory_space<vmem_shared>>) offsets(%dma_start3A_140 : memref<128xi32, #tpu.memory_space<vmem>>) semaphore(%run_scoped3A_137 : memref<!tpu.dma_semaphore, #tpu.memory_space<semaphore_mem>>) {add = true}
        %dma_wait3A_144 = arith.constant 0 : i32
        %dma_wait3A_145 = tpu.memref_slice %arg7[%run_scoped3A, %dma_wait3A_144] : memref<8x128xi32, #tpu.memory_space<vmem>> -> memref<1x128xi32, #tpu.memory_space<vmem>>
        %dma_wait3A_146 = tpu.memref_squeeze %dma_wait3A_145 : memref<1x128xi32, #tpu.memory_space<vmem>> -> memref<128xi32, #tpu.memory_space<vmem>>
        %dma_wait3A_147 = arith.constant 0 : i32
        %dma_wait3A_148 = arith.constant 0 : i32
        %dma_wait3A_149 = tpu.memref_slice %arg10[%dma_wait3A_147, %dma_wait3A_148] : memref<10112x128xf32, #tpu.memory_space<vmem_shared>> -> memref<10112x128xf32, #tpu.memory_space<vmem_shared>>
        tpu.wait_indirect_dma semaphore(%run_scoped3A_137 : memref<!tpu.dma_semaphore, #tpu.memory_space<semaphore_mem>>) src(%arg8 : memref<128x128xf32, #tpu.memory_space<vmem>>) dst(%dma_wait3A_149 : memref<10112x128xf32, #tpu.memory_space<vmem_shared>>)
        tpu.yield
      }) : () -> ()
      %dma_start3A_39 = arith.constant 2 : i32
      %dma_start3A_40 = arith.constant 0 : i32
      %dma_start3A_41 = tpu.memref_slice %arg6[%dma_start3A_39, %dma_start3A_40] : memref<8x128xi32, #tpu.memory_space<vmem>> -> memref<1x128xi32, #tpu.memory_space<vmem>>
      %dma_start3A_42 = tpu.memref_squeeze %dma_start3A_41 : memref<1x128xi32, #tpu.memory_space<vmem>> -> memref<128xi32, #tpu.memory_space<vmem>>
      %dma_start3A_43 = arith.constant 0 : i32
      %dma_start3A_44 = arith.constant 0 : i32
      %dma_start3A_45 = tpu.memref_slice %arg2[%dma_start3A_43, %dma_start3A_44] : memref<20224x128xf32, #tpu.memory_space<hbm>> -> memref<20224x128xf32, #tpu.memory_space<hbm>>
      tpu.enqueue_indirect_dma source(%dma_start3A_45 : memref<20224x128xf32, #tpu.memory_space<hbm>>) target(%arg8 : memref<128x128xf32, #tpu.memory_space<vmem>>) offsets(%dma_start3A_42 : memref<128xi32, #tpu.memory_space<vmem>>) semaphore(%arg11 : memref<!tpu.dma_semaphore, #tpu.memory_space<semaphore_mem>>)
      %dma_wait3A_46 = arith.constant 1 : i32
      %dma_wait3A_47 = arith.constant 0 : i32
      %dma_wait3A_48 = tpu.memref_slice %arg6[%dma_wait3A_46, %dma_wait3A_47] : memref<8x128xi32, #tpu.memory_space<vmem>> -> memref<1x128xi32, #tpu.memory_space<vmem>>
      %dma_wait3A_49 = tpu.memref_squeeze %dma_wait3A_48 : memref<1x128xi32, #tpu.memory_space<vmem>> -> memref<128xi32, #tpu.memory_space<vmem>>
      %dma_wait3A_50 = arith.constant 0 : i32
      %dma_wait3A_51 = arith.constant 0 : i32
      %dma_wait3A_52 = tpu.memref_slice %arg2[%dma_wait3A_50, %dma_wait3A_51] : memref<20224x128xf32, #tpu.memory_space<hbm>> -> memref<20224x128xf32, #tpu.memory_space<hbm>>
      tpu.wait_indirect_dma semaphore(%arg12 : memref<!tpu.dma_semaphore, #tpu.memory_space<semaphore_mem>>) src(%dma_wait3A_52 : memref<20224x128xf32, #tpu.memory_space<hbm>>) dst(%arg9 : memref<128x128xf32, #tpu.memory_space<vmem>>)
      %run_scoped3A_53 = arith.constant 1 : i32
      "tpu.region"() ({
        %run_scoped3A_137 = tpu.sem_alloc : memref<!tpu.dma_semaphore, #tpu.memory_space<semaphore_mem>>
        %dma_start3A_138 = arith.constant 0 : i32
        %dma_start3A_139 = tpu.memref_slice %arg7[%run_scoped3A_53, %dma_start3A_138] : memref<8x128xi32, #tpu.memory_space<vmem>> -> memref<1x128xi32, #tpu.memory_space<vmem>>
        %dma_start3A_140 = tpu.memref_squeeze %dma_start3A_139 : memref<1x128xi32, #tpu.memory_space<vmem>> -> memref<128xi32, #tpu.memory_space<vmem>>
        %dma_start3A_141 = arith.constant 0 : i32
        %dma_start3A_142 = arith.constant 0 : i32
        %dma_start3A_143 = tpu.memref_slice %arg10[%dma_start3A_141, %dma_start3A_142] : memref<10112x128xf32, #tpu.memory_space<vmem_shared>> -> memref<10112x128xf32, #tpu.memory_space<vmem_shared>>
        tpu.enqueue_indirect_dma source(%arg9 : memref<128x128xf32, #tpu.memory_space<vmem>>) target(%dma_start3A_143 : memref<10112x128xf32, #tpu.memory_space<vmem_shared>>) offsets(%dma_start3A_140 : memref<128xi32, #tpu.memory_space<vmem>>) semaphore(%run_scoped3A_137 : memref<!tpu.dma_semaphore, #tpu.memory_space<semaphore_mem>>) {add = true}
        %dma_wait3A_144 = arith.constant 0 : i32
        %dma_wait3A_145 = tpu.memref_slice %arg7[%run_scoped3A_53, %dma_wait3A_144] : memref<8x128xi32, #tpu.memory_space<vmem>> -> memref<1x128xi32, #tpu.memory_space<vmem>>
        %dma_wait3A_146 = tpu.memref_squeeze %dma_wait3A_145 : memref<1x128xi32, #tpu.memory_space<vmem>> -> memref<128xi32, #tpu.memory_space<vmem>>
        %dma_wait3A_147 = arith.constant 0 : i32
        %dma_wait3A_148 = arith.constant 0 : i32
        %dma_wait3A_149 = tpu.memref_slice %arg10[%dma_wait3A_147, %dma_wait3A_148] : memref<10112x128xf32, #tpu.memory_space<vmem_shared>> -> memref<10112x128xf32, #tpu.memory_space<vmem_shared>>
        tpu.wait_indirect_dma semaphore(%run_scoped3A_137 : memref<!tpu.dma_semaphore, #tpu.memory_space<semaphore_mem>>) src(%arg9 : memref<128x128xf32, #tpu.memory_space<vmem>>) dst(%dma_wait3A_149 : memref<10112x128xf32, #tpu.memory_space<vmem_shared>>)
        tpu.yield
      }) : () -> ()
      %dma_start3A_54 = arith.constant 3 : i32
      %dma_start3A_55 = arith.constant 0 : i32
      %dma_start3A_56 = tpu.memref_slice %arg6[%dma_start3A_54, %dma_start3A_55] : memref<8x128xi32, #tpu.memory_space<vmem>> -> memref<1x128xi32, #tpu.memory_space<vmem>>
      %dma_start3A_57 = tpu.memref_squeeze %dma_start3A_56 : memref<1x128xi32, #tpu.memory_space<vmem>> -> memref<128xi32, #tpu.memory_space<vmem>>
      %dma_start3A_58 = arith.constant 0 : i32
      %dma_start3A_59 = arith.constant 0 : i32
      %dma_start3A_60 = tpu.memref_slice %arg2[%dma_start3A_58, %dma_start3A_59] : memref<20224x128xf32, #tpu.memory_space<hbm>> -> memref<20224x128xf32, #tpu.memory_space<hbm>>
      tpu.enqueue_indirect_dma source(%dma_start3A_60 : memref<20224x128xf32, #tpu.memory_space<hbm>>) target(%arg9 : memref<128x128xf32, #tpu.memory_space<vmem>>) offsets(%dma_start3A_57 : memref<128xi32, #tpu.memory_space<vmem>>) semaphore(%arg12 : memref<!tpu.dma_semaphore, #tpu.memory_space<semaphore_mem>>)
      %dma_wait3A_61 = arith.constant 2 : i32
      %dma_wait3A_62 = arith.constant 0 : i32
      %dma_wait3A_63 = tpu.memref_slice %arg6[%dma_wait3A_61, %dma_wait3A_62] : memref<8x128xi32, #tpu.memory_space<vmem>> -> memref<1x128xi32, #tpu.memory_space<vmem>>
      %dma_wait3A_64 = tpu.memref_squeeze %dma_wait3A_63 : memref<1x128xi32, #tpu.memory_space<vmem>> -> memref<128xi32, #tpu.memory_space<vmem>>
      %dma_wait3A_65 = arith.constant 0 : i32
      %dma_wait3A_66 = arith.constant 0 : i32
      %dma_wait3A_67 = tpu.memref_slice %arg2[%dma_wait3A_65, %dma_wait3A_66] : memref<20224x128xf32, #tpu.memory_space<hbm>> -> memref<20224x128xf32, #tpu.memory_space<hbm>>
      tpu.wait_indirect_dma semaphore(%arg11 : memref<!tpu.dma_semaphore, #tpu.memory_space<semaphore_mem>>) src(%dma_wait3A_67 : memref<20224x128xf32, #tpu.memory_space<hbm>>) dst(%arg8 : memref<128x128xf32, #tpu.memory_space<vmem>>)
      %run_scoped3A_68 = arith.constant 2 : i32
      "tpu.region"() ({
        %run_scoped3A_137 = tpu.sem_alloc : memref<!tpu.dma_semaphore, #tpu.memory_space<semaphore_mem>>
        %dma_start3A_138 = arith.constant 0 : i32
        %dma_start3A_139 = tpu.memref_slice %arg7[%run_scoped3A_68, %dma_start3A_138] : memref<8x128xi32, #tpu.memory_space<vmem>> -> memref<1x128xi32, #tpu.memory_space<vmem>>
        %dma_start3A_140 = tpu.memref_squeeze %dma_start3A_139 : memref<1x128xi32, #tpu.memory_space<vmem>> -> memref<128xi32, #tpu.memory_space<vmem>>
        %dma_start3A_141 = arith.constant 0 : i32
        %dma_start3A_142 = arith.constant 0 : i32
        %dma_start3A_143 = tpu.memref_slice %arg10[%dma_start3A_141, %dma_start3A_142] : memref<10112x128xf32, #tpu.memory_space<vmem_shared>> -> memref<10112x128xf32, #tpu.memory_space<vmem_shared>>
        tpu.enqueue_indirect_dma source(%arg8 : memref<128x128xf32, #tpu.memory_space<vmem>>) target(%dma_start3A_143 : memref<10112x128xf32, #tpu.memory_space<vmem_shared>>) offsets(%dma_start3A_140 : memref<128xi32, #tpu.memory_space<vmem>>) semaphore(%run_scoped3A_137 : memref<!tpu.dma_semaphore, #tpu.memory_space<semaphore_mem>>) {add = true}
        %dma_wait3A_144 = arith.constant 0 : i32
        %dma_wait3A_145 = tpu.memref_slice %arg7[%run_scoped3A_68, %dma_wait3A_144] : memref<8x128xi32, #tpu.memory_space<vmem>> -> memref<1x128xi32, #tpu.memory_space<vmem>>
        %dma_wait3A_146 = tpu.memref_squeeze %dma_wait3A_145 : memref<1x128xi32, #tpu.memory_space<vmem>> -> memref<128xi32, #tpu.memory_space<vmem>>
        %dma_wait3A_147 = arith.constant 0 : i32
        %dma_wait3A_148 = arith.constant 0 : i32
        %dma_wait3A_149 = tpu.memref_slice %arg10[%dma_wait3A_147, %dma_wait3A_148] : memref<10112x128xf32, #tpu.memory_space<vmem_shared>> -> memref<10112x128xf32, #tpu.memory_space<vmem_shared>>
        tpu.wait_indirect_dma semaphore(%run_scoped3A_137 : memref<!tpu.dma_semaphore, #tpu.memory_space<semaphore_mem>>) src(%arg8 : memref<128x128xf32, #tpu.memory_space<vmem>>) dst(%dma_wait3A_149 : memref<10112x128xf32, #tpu.memory_space<vmem_shared>>)
        tpu.yield
      }) : () -> ()
      %dma_start3A_69 = arith.constant 4 : i32
      %dma_start3A_70 = arith.constant 0 : i32
      %dma_start3A_71 = tpu.memref_slice %arg6[%dma_start3A_69, %dma_start3A_70] : memref<8x128xi32, #tpu.memory_space<vmem>> -> memref<1x128xi32, #tpu.memory_space<vmem>>
      %dma_start3A_72 = tpu.memref_squeeze %dma_start3A_71 : memref<1x128xi32, #tpu.memory_space<vmem>> -> memref<128xi32, #tpu.memory_space<vmem>>
      %dma_start3A_73 = arith.constant 0 : i32
      %dma_start3A_74 = arith.constant 0 : i32
      %dma_start3A_75 = tpu.memref_slice %arg2[%dma_start3A_73, %dma_start3A_74] : memref<20224x128xf32, #tpu.memory_space<hbm>> -> memref<20224x128xf32, #tpu.memory_space<hbm>>
      tpu.enqueue_indirect_dma source(%dma_start3A_75 : memref<20224x128xf32, #tpu.memory_space<hbm>>) target(%arg8 : memref<128x128xf32, #tpu.memory_space<vmem>>) offsets(%dma_start3A_72 : memref<128xi32, #tpu.memory_space<vmem>>) semaphore(%arg11 : memref<!tpu.dma_semaphore, #tpu.memory_space<semaphore_mem>>)
      %dma_wait3A_76 = arith.constant 3 : i32
      %dma_wait3A_77 = arith.constant 0 : i32
      %dma_wait3A_78 = tpu.memref_slice %arg6[%dma_wait3A_76, %dma_wait3A_77] : memref<8x128xi32, #tpu.memory_space<vmem>> -> memref<1x128xi32, #tpu.memory_space<vmem>>
      %dma_wait3A_79 = tpu.memref_squeeze %dma_wait3A_78 : memref<1x128xi32, #tpu.memory_space<vmem>> -> memref<128xi32, #tpu.memory_space<vmem>>
      %dma_wait3A_80 = arith.constant 0 : i32
      %dma_wait3A_81 = arith.constant 0 : i32
      %dma_wait3A_82 = tpu.memref_slice %arg2[%dma_wait3A_80, %dma_wait3A_81] : memref<20224x128xf32, #tpu.memory_space<hbm>> -> memref<20224x128xf32, #tpu.memory_space<hbm>>
      tpu.wait_indirect_dma semaphore(%arg12 : memref<!tpu.dma_semaphore, #tpu.memory_space<semaphore_mem>>) src(%dma_wait3A_82 : memref<20224x128xf32, #tpu.memory_space<hbm>>) dst(%arg9 : memref<128x128xf32, #tpu.memory_space<vmem>>)
      %run_scoped3A_83 = arith.constant 3 : i32
      "tpu.region"() ({
        %run_scoped3A_137 = tpu.sem_alloc : memref<!tpu.dma_semaphore, #tpu.memory_space<semaphore_mem>>
        %dma_start3A_138 = arith.constant 0 : i32
        %dma_start3A_139 = tpu.memref_slice %arg7[%run_scoped3A_83, %dma_start3A_138] : memref<8x128xi32, #tpu.memory_space<vmem>> -> memref<1x128xi32, #tpu.memory_space<vmem>>
        %dma_start3A_140 = tpu.memref_squeeze %dma_start3A_139 : memref<1x128xi32, #tpu.memory_space<vmem>> -> memref<128xi32, #tpu.memory_space<vmem>>
        %dma_start3A_141 = arith.constant 0 : i32
        %dma_start3A_142 = arith.constant 0 : i32
        %dma_start3A_143 = tpu.memref_slice %arg10[%dma_start3A_141, %dma_start3A_142] : memref<10112x128xf32, #tpu.memory_space<vmem_shared>> -> memref<10112x128xf32, #tpu.memory_space<vmem_shared>>
        tpu.enqueue_indirect_dma source(%arg9 : memref<128x128xf32, #tpu.memory_space<vmem>>) target(%dma_start3A_143 : memref<10112x128xf32, #tpu.memory_space<vmem_shared>>) offsets(%dma_start3A_140 : memref<128xi32, #tpu.memory_space<vmem>>) semaphore(%run_scoped3A_137 : memref<!tpu.dma_semaphore, #tpu.memory_space<semaphore_mem>>) {add = true}
        %dma_wait3A_144 = arith.constant 0 : i32
        %dma_wait3A_145 = tpu.memref_slice %arg7[%run_scoped3A_83, %dma_wait3A_144] : memref<8x128xi32, #tpu.memory_space<vmem>> -> memref<1x128xi32, #tpu.memory_space<vmem>>
        %dma_wait3A_146 = tpu.memref_squeeze %dma_wait3A_145 : memref<1x128xi32, #tpu.memory_space<vmem>> -> memref<128xi32, #tpu.memory_space<vmem>>
        %dma_wait3A_147 = arith.constant 0 : i32
        %dma_wait3A_148 = arith.constant 0 : i32
        %dma_wait3A_149 = tpu.memref_slice %arg10[%dma_wait3A_147, %dma_wait3A_148] : memref<10112x128xf32, #tpu.memory_space<vmem_shared>> -> memref<10112x128xf32, #tpu.memory_space<vmem_shared>>
        tpu.wait_indirect_dma semaphore(%run_scoped3A_137 : memref<!tpu.dma_semaphore, #tpu.memory_space<semaphore_mem>>) src(%arg9 : memref<128x128xf32, #tpu.memory_space<vmem>>) dst(%dma_wait3A_149 : memref<10112x128xf32, #tpu.memory_space<vmem_shared>>)
        tpu.yield
      }) : () -> ()
      %dma_start3A_84 = arith.constant 5 : i32
      %dma_start3A_85 = arith.constant 0 : i32
      %dma_start3A_86 = tpu.memref_slice %arg6[%dma_start3A_84, %dma_start3A_85] : memref<8x128xi32, #tpu.memory_space<vmem>> -> memref<1x128xi32, #tpu.memory_space<vmem>>
      %dma_start3A_87 = tpu.memref_squeeze %dma_start3A_86 : memref<1x128xi32, #tpu.memory_space<vmem>> -> memref<128xi32, #tpu.memory_space<vmem>>
      %dma_start3A_88 = arith.constant 0 : i32
      %dma_start3A_89 = arith.constant 0 : i32
      %dma_start3A_90 = tpu.memref_slice %arg2[%dma_start3A_88, %dma_start3A_89] : memref<20224x128xf32, #tpu.memory_space<hbm>> -> memref<20224x128xf32, #tpu.memory_space<hbm>>
      tpu.enqueue_indirect_dma source(%dma_start3A_90 : memref<20224x128xf32, #tpu.memory_space<hbm>>) target(%arg9 : memref<128x128xf32, #tpu.memory_space<vmem>>) offsets(%dma_start3A_87 : memref<128xi32, #tpu.memory_space<vmem>>) semaphore(%arg12 : memref<!tpu.dma_semaphore, #tpu.memory_space<semaphore_mem>>)
      %dma_wait3A_91 = arith.constant 4 : i32
      %dma_wait3A_92 = arith.constant 0 : i32
      %dma_wait3A_93 = tpu.memref_slice %arg6[%dma_wait3A_91, %dma_wait3A_92] : memref<8x128xi32, #tpu.memory_space<vmem>> -> memref<1x128xi32, #tpu.memory_space<vmem>>
      %dma_wait3A_94 = tpu.memref_squeeze %dma_wait3A_93 : memref<1x128xi32, #tpu.memory_space<vmem>> -> memref<128xi32, #tpu.memory_space<vmem>>
      %dma_wait3A_95 = arith.constant 0 : i32
      %dma_wait3A_96 = arith.constant 0 : i32
      %dma_wait3A_97 = tpu.memref_slice %arg2[%dma_wait3A_95, %dma_wait3A_96] : memref<20224x128xf32, #tpu.memory_space<hbm>> -> memref<20224x128xf32, #tpu.memory_space<hbm>>
      tpu.wait_indirect_dma semaphore(%arg11 : memref<!tpu.dma_semaphore, #tpu.memory_space<semaphore_mem>>) src(%dma_wait3A_97 : memref<20224x128xf32, #tpu.memory_space<hbm>>) dst(%arg8 : memref<128x128xf32, #tpu.memory_space<vmem>>)
      %run_scoped3A_98 = arith.constant 4 : i32
      "tpu.region"() ({
        %run_scoped3A_137 = tpu.sem_alloc : memref<!tpu.dma_semaphore, #tpu.memory_space<semaphore_mem>>
        %dma_start3A_138 = arith.constant 0 : i32
        %dma_start3A_139 = tpu.memref_slice %arg7[%run_scoped3A_98, %dma_start3A_138] : memref<8x128xi32, #tpu.memory_space<vmem>> -> memref<1x128xi32, #tpu.memory_space<vmem>>
        %dma_start3A_140 = tpu.memref_squeeze %dma_start3A_139 : memref<1x128xi32, #tpu.memory_space<vmem>> -> memref<128xi32, #tpu.memory_space<vmem>>
        %dma_start3A_141 = arith.constant 0 : i32
        %dma_start3A_142 = arith.constant 0 : i32
        %dma_start3A_143 = tpu.memref_slice %arg10[%dma_start3A_141, %dma_start3A_142] : memref<10112x128xf32, #tpu.memory_space<vmem_shared>> -> memref<10112x128xf32, #tpu.memory_space<vmem_shared>>
        tpu.enqueue_indirect_dma source(%arg8 : memref<128x128xf32, #tpu.memory_space<vmem>>) target(%dma_start3A_143 : memref<10112x128xf32, #tpu.memory_space<vmem_shared>>) offsets(%dma_start3A_140 : memref<128xi32, #tpu.memory_space<vmem>>) semaphore(%run_scoped3A_137 : memref<!tpu.dma_semaphore, #tpu.memory_space<semaphore_mem>>) {add = true}
        %dma_wait3A_144 = arith.constant 0 : i32
        %dma_wait3A_145 = tpu.memref_slice %arg7[%run_scoped3A_98, %dma_wait3A_144] : memref<8x128xi32, #tpu.memory_space<vmem>> -> memref<1x128xi32, #tpu.memory_space<vmem>>
        %dma_wait3A_146 = tpu.memref_squeeze %dma_wait3A_145 : memref<1x128xi32, #tpu.memory_space<vmem>> -> memref<128xi32, #tpu.memory_space<vmem>>
        %dma_wait3A_147 = arith.constant 0 : i32
        %dma_wait3A_148 = arith.constant 0 : i32
        %dma_wait3A_149 = tpu.memref_slice %arg10[%dma_wait3A_147, %dma_wait3A_148] : memref<10112x128xf32, #tpu.memory_space<vmem_shared>> -> memref<10112x128xf32, #tpu.memory_space<vmem_shared>>
        tpu.wait_indirect_dma semaphore(%run_scoped3A_137 : memref<!tpu.dma_semaphore, #tpu.memory_space<semaphore_mem>>) src(%arg8 : memref<128x128xf32, #tpu.memory_space<vmem>>) dst(%dma_wait3A_149 : memref<10112x128xf32, #tpu.memory_space<vmem_shared>>)
        tpu.yield
      }) : () -> ()
      %dma_start3A_99 = arith.constant 6 : i32
      %dma_start3A_100 = arith.constant 0 : i32
      %dma_start3A_101 = tpu.memref_slice %arg6[%dma_start3A_99, %dma_start3A_100] : memref<8x128xi32, #tpu.memory_space<vmem>> -> memref<1x128xi32, #tpu.memory_space<vmem>>
      %dma_start3A_102 = tpu.memref_squeeze %dma_start3A_101 : memref<1x128xi32, #tpu.memory_space<vmem>> -> memref<128xi32, #tpu.memory_space<vmem>>
      %dma_start3A_103 = arith.constant 0 : i32
      %dma_start3A_104 = arith.constant 0 : i32
      %dma_start3A_105 = tpu.memref_slice %arg2[%dma_start3A_103, %dma_start3A_104] : memref<20224x128xf32, #tpu.memory_space<hbm>> -> memref<20224x128xf32, #tpu.memory_space<hbm>>
      tpu.enqueue_indirect_dma source(%dma_start3A_105 : memref<20224x128xf32, #tpu.memory_space<hbm>>) target(%arg8 : memref<128x128xf32, #tpu.memory_space<vmem>>) offsets(%dma_start3A_102 : memref<128xi32, #tpu.memory_space<vmem>>) semaphore(%arg11 : memref<!tpu.dma_semaphore, #tpu.memory_space<semaphore_mem>>)
      %dma_wait3A_106 = arith.constant 5 : i32
      %dma_wait3A_107 = arith.constant 0 : i32
      %dma_wait3A_108 = tpu.memref_slice %arg6[%dma_wait3A_106, %dma_wait3A_107] : memref<8x128xi32, #tpu.memory_space<vmem>> -> memref<1x128xi32, #tpu.memory_space<vmem>>
      %dma_wait3A_109 = tpu.memref_squeeze %dma_wait3A_108 : memref<1x128xi32, #tpu.memory_space<vmem>> -> memref<128xi32, #tpu.memory_space<vmem>>
      %dma_wait3A_110 = arith.constant 0 : i32
      %dma_wait3A_111 = arith.constant 0 : i32
      %dma_wait3A_112 = tpu.memref_slice %arg2[%dma_wait3A_110, %dma_wait3A_111] : memref<20224x128xf32, #tpu.memory_space<hbm>> -> memref<20224x128xf32, #tpu.memory_space<hbm>>
      tpu.wait_indirect_dma semaphore(%arg12 : memref<!tpu.dma_semaphore, #tpu.memory_space<semaphore_mem>>) src(%dma_wait3A_112 : memref<20224x128xf32, #tpu.memory_space<hbm>>) dst(%arg9 : memref<128x128xf32, #tpu.memory_space<vmem>>)
      %run_scoped3A_113 = arith.constant 5 : i32
      "tpu.region"() ({
        %run_scoped3A_137 = tpu.sem_alloc : memref<!tpu.dma_semaphore, #tpu.memory_space<semaphore_mem>>
        %dma_start3A_138 = arith.constant 0 : i32
        %dma_start3A_139 = tpu.memref_slice %arg7[%run_scoped3A_113, %dma_start3A_138] : memref<8x128xi32, #tpu.memory_space<vmem>> -> memref<1x128xi32, #tpu.memory_space<vmem>>
        %dma_start3A_140 = tpu.memref_squeeze %dma_start3A_139 : memref<1x128xi32, #tpu.memory_space<vmem>> -> memref<128xi32, #tpu.memory_space<vmem>>
        %dma_start3A_141 = arith.constant 0 : i32
        %dma_start3A_142 = arith.constant 0 : i32
        %dma_start3A_143 = tpu.memref_slice %arg10[%dma_start3A_141, %dma_start3A_142] : memref<10112x128xf32, #tpu.memory_space<vmem_shared>> -> memref<10112x128xf32, #tpu.memory_space<vmem_shared>>
        tpu.enqueue_indirect_dma source(%arg9 : memref<128x128xf32, #tpu.memory_space<vmem>>) target(%dma_start3A_143 : memref<10112x128xf32, #tpu.memory_space<vmem_shared>>) offsets(%dma_start3A_140 : memref<128xi32, #tpu.memory_space<vmem>>) semaphore(%run_scoped3A_137 : memref<!tpu.dma_semaphore, #tpu.memory_space<semaphore_mem>>) {add = true}
        %dma_wait3A_144 = arith.constant 0 : i32
        %dma_wait3A_145 = tpu.memref_slice %arg7[%run_scoped3A_113, %dma_wait3A_144] : memref<8x128xi32, #tpu.memory_space<vmem>> -> memref<1x128xi32, #tpu.memory_space<vmem>>
        %dma_wait3A_146 = tpu.memref_squeeze %dma_wait3A_145 : memref<1x128xi32, #tpu.memory_space<vmem>> -> memref<128xi32, #tpu.memory_space<vmem>>
        %dma_wait3A_147 = arith.constant 0 : i32
        %dma_wait3A_148 = arith.constant 0 : i32
        %dma_wait3A_149 = tpu.memref_slice %arg10[%dma_wait3A_147, %dma_wait3A_148] : memref<10112x128xf32, #tpu.memory_space<vmem_shared>> -> memref<10112x128xf32, #tpu.memory_space<vmem_shared>>
        tpu.wait_indirect_dma semaphore(%run_scoped3A_137 : memref<!tpu.dma_semaphore, #tpu.memory_space<semaphore_mem>>) src(%arg9 : memref<128x128xf32, #tpu.memory_space<vmem>>) dst(%dma_wait3A_149 : memref<10112x128xf32, #tpu.memory_space<vmem_shared>>)
        tpu.yield
      }) : () -> ()
      %dma_start3A_114 = arith.constant 7 : i32
      %dma_start3A_115 = arith.constant 0 : i32
      %dma_start3A_116 = tpu.memref_slice %arg6[%dma_start3A_114, %dma_start3A_115] : memref<8x128xi32, #tpu.memory_space<vmem>> -> memref<1x128xi32, #tpu.memory_space<vmem>>
      %dma_start3A_117 = tpu.memref_squeeze %dma_start3A_116 : memref<1x128xi32, #tpu.memory_space<vmem>> -> memref<128xi32, #tpu.memory_space<vmem>>
      %dma_start3A_118 = arith.constant 0 : i32
      %dma_start3A_119 = arith.constant 0 : i32
      %dma_start3A_120 = tpu.memref_slice %arg2[%dma_start3A_118, %dma_start3A_119] : memref<20224x128xf32, #tpu.memory_space<hbm>> -> memref<20224x128xf32, #tpu.memory_space<hbm>>
      tpu.enqueue_indirect_dma source(%dma_start3A_120 : memref<20224x128xf32, #tpu.memory_space<hbm>>) target(%arg9 : memref<128x128xf32, #tpu.memory_space<vmem>>) offsets(%dma_start3A_117 : memref<128xi32, #tpu.memory_space<vmem>>) semaphore(%arg12 : memref<!tpu.dma_semaphore, #tpu.memory_space<semaphore_mem>>)
      %dma_wait3A_121 = arith.constant 6 : i32
      %dma_wait3A_122 = arith.constant 0 : i32
      %dma_wait3A_123 = tpu.memref_slice %arg6[%dma_wait3A_121, %dma_wait3A_122] : memref<8x128xi32, #tpu.memory_space<vmem>> -> memref<1x128xi32, #tpu.memory_space<vmem>>
      %dma_wait3A_124 = tpu.memref_squeeze %dma_wait3A_123 : memref<1x128xi32, #tpu.memory_space<vmem>> -> memref<128xi32, #tpu.memory_space<vmem>>
      %dma_wait3A_125 = arith.constant 0 : i32
      %dma_wait3A_126 = arith.constant 0 : i32
      %dma_wait3A_127 = tpu.memref_slice %arg2[%dma_wait3A_125, %dma_wait3A_126] : memref<20224x128xf32, #tpu.memory_space<hbm>> -> memref<20224x128xf32, #tpu.memory_space<hbm>>
      tpu.wait_indirect_dma semaphore(%arg11 : memref<!tpu.dma_semaphore, #tpu.memory_space<semaphore_mem>>) src(%dma_wait3A_127 : memref<20224x128xf32, #tpu.memory_space<hbm>>) dst(%arg8 : memref<128x128xf32, #tpu.memory_space<vmem>>)
      %run_scoped3A_128 = arith.constant 6 : i32
      "tpu.region"() ({
        %run_scoped3A_137 = tpu.sem_alloc : memref<!tpu.dma_semaphore, #tpu.memory_space<semaphore_mem>>
        %dma_start3A_138 = arith.constant 0 : i32
        %dma_start3A_139 = tpu.memref_slice %arg7[%run_scoped3A_128, %dma_start3A_138] : memref<8x128xi32, #tpu.memory_space<vmem>> -> memref<1x128xi32, #tpu.memory_space<vmem>>
        %dma_start3A_140 = tpu.memref_squeeze %dma_start3A_139 : memref<1x128xi32, #tpu.memory_space<vmem>> -> memref<128xi32, #tpu.memory_space<vmem>>
        %dma_start3A_141 = arith.constant 0 : i32
        %dma_start3A_142 = arith.constant 0 : i32
        %dma_start3A_143 = tpu.memref_slice %arg10[%dma_start3A_141, %dma_start3A_142] : memref<10112x128xf32, #tpu.memory_space<vmem_shared>> -> memref<10112x128xf32, #tpu.memory_space<vmem_shared>>
        tpu.enqueue_indirect_dma source(%arg8 : memref<128x128xf32, #tpu.memory_space<vmem>>) target(%dma_start3A_143 : memref<10112x128xf32, #tpu.memory_space<vmem_shared>>) offsets(%dma_start3A_140 : memref<128xi32, #tpu.memory_space<vmem>>) semaphore(%run_scoped3A_137 : memref<!tpu.dma_semaphore, #tpu.memory_space<semaphore_mem>>) {add = true}
        %dma_wait3A_144 = arith.constant 0 : i32
        %dma_wait3A_145 = tpu.memref_slice %arg7[%run_scoped3A_128, %dma_wait3A_144] : memref<8x128xi32, #tpu.memory_space<vmem>> -> memref<1x128xi32, #tpu.memory_space<vmem>>
        %dma_wait3A_146 = tpu.memref_squeeze %dma_wait3A_145 : memref<1x128xi32, #tpu.memory_space<vmem>> -> memref<128xi32, #tpu.memory_space<vmem>>
        %dma_wait3A_147 = arith.constant 0 : i32
        %dma_wait3A_148 = arith.constant 0 : i32
        %dma_wait3A_149 = tpu.memref_slice %arg10[%dma_wait3A_147, %dma_wait3A_148] : memref<10112x128xf32, #tpu.memory_space<vmem_shared>> -> memref<10112x128xf32, #tpu.memory_space<vmem_shared>>
        tpu.wait_indirect_dma semaphore(%run_scoped3A_137 : memref<!tpu.dma_semaphore, #tpu.memory_space<semaphore_mem>>) src(%arg8 : memref<128x128xf32, #tpu.memory_space<vmem>>) dst(%dma_wait3A_149 : memref<10112x128xf32, #tpu.memory_space<vmem_shared>>)
        tpu.yield
      }) : () -> ()
      %dma_wait3A_129 = arith.constant 7 : i32
      %dma_wait3A_130 = arith.constant 0 : i32
      %dma_wait3A_131 = tpu.memref_slice %arg6[%dma_wait3A_129, %dma_wait3A_130] : memref<8x128xi32, #tpu.memory_space<vmem>> -> memref<1x128xi32, #tpu.memory_space<vmem>>
      %dma_wait3A_132 = tpu.memref_squeeze %dma_wait3A_131 : memref<1x128xi32, #tpu.memory_space<vmem>> -> memref<128xi32, #tpu.memory_space<vmem>>
      %dma_wait3A_133 = arith.constant 0 : i32
      %dma_wait3A_134 = arith.constant 0 : i32
      %dma_wait3A_135 = tpu.memref_slice %arg2[%dma_wait3A_133, %dma_wait3A_134] : memref<20224x128xf32, #tpu.memory_space<hbm>> -> memref<20224x128xf32, #tpu.memory_space<hbm>>
      tpu.wait_indirect_dma semaphore(%arg12 : memref<!tpu.dma_semaphore, #tpu.memory_space<semaphore_mem>>) src(%dma_wait3A_135 : memref<20224x128xf32, #tpu.memory_space<hbm>>) dst(%arg9 : memref<128x128xf32, #tpu.memory_space<vmem>>)
      %run_scoped3A_136 = arith.constant 7 : i32
      "tpu.region"() ({
        %run_scoped3A_137 = tpu.sem_alloc : memref<!tpu.dma_semaphore, #tpu.memory_space<semaphore_mem>>
        %dma_start3A_138 = arith.constant 0 : i32
        %dma_start3A_139 = tpu.memref_slice %arg7[%run_scoped3A_136, %dma_start3A_138] : memref<8x128xi32, #tpu.memory_space<vmem>> -> memref<1x128xi32, #tpu.memory_space<vmem>>
        %dma_start3A_140 = tpu.memref_squeeze %dma_start3A_139 : memref<1x128xi32, #tpu.memory_space<vmem>> -> memref<128xi32, #tpu.memory_space<vmem>>
        %dma_start3A_141 = arith.constant 0 : i32
        %dma_start3A_142 = arith.constant 0 : i32
        %dma_start3A_143 = tpu.memref_slice %arg10[%dma_start3A_141, %dma_start3A_142] : memref<10112x128xf32, #tpu.memory_space<vmem_shared>> -> memref<10112x128xf32, #tpu.memory_space<vmem_shared>>
        tpu.enqueue_indirect_dma source(%arg9 : memref<128x128xf32, #tpu.memory_space<vmem>>) target(%dma_start3A_143 : memref<10112x128xf32, #tpu.memory_space<vmem_shared>>) offsets(%dma_start3A_140 : memref<128xi32, #tpu.memory_space<vmem>>) semaphore(%run_scoped3A_137 : memref<!tpu.dma_semaphore, #tpu.memory_space<semaphore_mem>>) {add = true}
        %dma_wait3A_144 = arith.constant 0 : i32
        %dma_wait3A_145 = tpu.memref_slice %arg7[%run_scoped3A_136, %dma_wait3A_144] : memref<8x128xi32, #tpu.memory_space<vmem>> -> memref<1x128xi32, #tpu.memory_space<vmem>>
        %dma_wait3A_146 = tpu.memref_squeeze %dma_wait3A_145 : memref<1x128xi32, #tpu.memory_space<vmem>> -> memref<128xi32, #tpu.memory_space<vmem>>
        %dma_wait3A_147 = arith.constant 0 : i32
        %dma_wait3A_148 = arith.constant 0 : i32
        %dma_wait3A_149 = tpu.memref_slice %arg10[%dma_wait3A_147, %dma_wait3A_148] : memref<10112x128xf32, #tpu.memory_space<vmem_shared>> -> memref<10112x128xf32, #tpu.memory_space<vmem_shared>>
        tpu.wait_indirect_dma semaphore(%run_scoped3A_137 : memref<!tpu.dma_semaphore, #tpu.memory_space<semaphore_mem>>) src(%arg9 : memref<128x128xf32, #tpu.memory_space<vmem>>) dst(%dma_wait3A_149 : memref<10112x128xf32, #tpu.memory_space<vmem_shared>>)
        tpu.yield
      }) : () -> ()
    }
    %scan3A_9 = arith.constant 10 : i32
    %barrier3A_10 = arith.constant 0 : index
    tpu.barrier barrier_id(%barrier3A_10)
    %mul3A_11 = arith.constant 632 : i32
    %mul3A_12 = arith.muli %arg1, %mul3A_11 : i32
    %mul3A_13 = arith.constant 632 : i32
    %mul3A_14 = arith.muli %arg1, %mul3A_13 : i32
    "tpu.region"() ({
      %run_scoped3A = tpu.sem_alloc : memref<!tpu.dma_semaphore, #tpu.memory_space<semaphore_mem>>
      %dma_start3A = arith.constant 0 : i32
      %dma_start3A_15 = tpu.memref_slice %arg5[%arg0, %mul3A_14, %dma_start3A] : memref<2x10112x128xf32, #tpu.memory_space<hbm>> -> memref<1x632x128xf32, #tpu.memory_space<hbm>>
      %dma_start3A_16 = tpu.memref_squeeze %dma_start3A_15 : memref<1x632x128xf32, #tpu.memory_space<hbm>> -> memref<632x128xf32, #tpu.memory_space<hbm>>
      %dma_start3A_17 = arith.constant 0 : i32
      %dma_start3A_18 = tpu.memref_slice %arg10[%mul3A_12, %dma_start3A_17] : memref<10112x128xf32, #tpu.memory_space<vmem_shared>> -> memref<632x128xf32, #tpu.memory_space<vmem_shared>>
      tpu.enqueue_dma source(%dma_start3A_18 : memref<632x128xf32, #tpu.memory_space<vmem_shared>>) target(%dma_start3A_16 : memref<632x128xf32, #tpu.memory_space<hbm>>) target_semaphore(%run_scoped3A : memref<!tpu.dma_semaphore, #tpu.memory_space<semaphore_mem>>)
      %dma_wait3A = arith.constant 0 : i32
      %dma_wait3A_19 = tpu.memref_slice %arg5[%arg0, %mul3A_14, %dma_wait3A] : memref<2x10112x128xf32, #tpu.memory_space<hbm>> -> memref<1x632x128xf32, #tpu.memory_space<hbm>>
      %dma_wait3A_20 = tpu.memref_squeeze %dma_wait3A_19 : memref<1x632x128xf32, #tpu.memory_space<hbm>> -> memref<632x128xf32, #tpu.memory_space<hbm>>
      %dma_wait3A_21 = arith.constant 0 : i32
      %dma_wait3A_22 = tpu.memref_slice %arg10[%mul3A_12, %dma_wait3A_21] : memref<10112x128xf32, #tpu.memory_space<vmem_shared>> -> memref<632x128xf32, #tpu.memory_space<vmem_shared>>
      tpu.wait_dma2 semaphore(%run_scoped3A : memref<!tpu.dma_semaphore, #tpu.memory_space<semaphore_mem>>) src(%dma_wait3A_22 : memref<632x128xf32, #tpu.memory_space<vmem_shared>>) dst(%dma_wait3A_20 : memref<632x128xf32, #tpu.memory_space<hbm>>)
      tpu.yield
    }) : () -> ()
    return
  }
}

#map = affine_map<(d0, d1) -> (0, 0)>
#map1 = affine_map<(d0, d1) -> (0, 0, 0, 0)>
#map2 = affine_map<(d0, d1) -> (0, 0, 0)>
module attributes {stable_mosaic.version = 14 : i64} {
  func.func @_edge_body(%arg0: i32, %arg1: i32, %arg2: memref<20224x128xf32, #tpu.memory_space<hbm>>, %arg3: memref<2x16x80x128xi32, #tpu.memory_space<hbm>>, %arg4: memref<16x80x128xi32, #tpu.memory_space<hbm>>, %arg5: memref<2x10112x128xf32, #tpu.memory_space<hbm>>, %arg6: memref<8x128xi32, #tpu.memory_space<vmem>>, %arg7: memref<8x128xi32, #tpu.memory_space<vmem>>, %arg8: memref<128x128xf32, #tpu.memory_space<vmem>>, %arg9: memref<128x128xf32, #tpu.memory_space<vmem>>, %arg10: memref<10112x128xf32, #tpu.memory_space<vmem_shared>>, %arg11: memref<!tpu.dma_semaphore, #tpu.memory_space<semaphore_mem>>, %arg12: memref<!tpu.dma_semaphore, #tpu.memory_space<semaphore_mem>>) attributes {dimension_semantics = [#tpu.dimension_semantics<core_parallel>, #tpu.dimension_semantics<subcore_parallel>], iteration_bounds = array<i64: 2, 16>, scalar_prefetch = 0 : i64, scratch_operands = 7 : i64, tpu.core_type = #tpu.core_type<sc_vector_subcore>, window_params = [{transform_indices = #map}, {transform_indices = #map1}, {transform_indices = #map2}, {transform_indices = #map2}]} {
    %mul3A = arith.constant 10112 : i32
    %mul3A_0 = arith.muli %arg0, %mul3A : i32
    %mul3A_1 = arith.constant 632 : i32
    %mul3A_2 = arith.muli %arg1, %mul3A_1 : i32
    %add3A = arith.addi %mul3A_0, %mul3A_2 : i32
    %mul3A_3 = arith.constant 632 : i32
    %mul3A_4 = arith.muli %arg1, %mul3A_3 : i32
    "tpu.region"() ({
      %run_scoped3A = tpu.sem_alloc : memref<!tpu.dma_semaphore, #tpu.memory_space<semaphore_mem>>
      %dma_start3A = arith.constant 0 : i32
      %dma_start3A_15 = tpu.memref_slice %arg10[%mul3A_4, %dma_start3A] : memref<10112x128xf32, #tpu.memory_space<vmem_shared>> -> memref<632x128xf32, #tpu.memory_space<vmem_shared>>
      %dma_start3A_16 = arith.constant 0 : i32
      %dma_start3A_17 = tpu.memref_slice %arg2[%add3A, %dma_start3A_16] : memref<20224x128xf32, #tpu.memory_space<hbm>> -> memref<632x128xf32, #tpu.memory_space<hbm>>
      tpu.enqueue_dma source(%dma_start3A_17 : memref<632x128xf32, #tpu.memory_space<hbm>>) target(%dma_start3A_15 : memref<632x128xf32, #tpu.memory_space<vmem_shared>>) target_semaphore(%run_scoped3A : memref<!tpu.dma_semaphore, #tpu.memory_space<semaphore_mem>>)
      %dma_wait3A = arith.constant 0 : i32
      %dma_wait3A_18 = tpu.memref_slice %arg10[%mul3A_4, %dma_wait3A] : memref<10112x128xf32, #tpu.memory_space<vmem_shared>> -> memref<632x128xf32, #tpu.memory_space<vmem_shared>>
      %dma_wait3A_19 = arith.constant 0 : i32
      %dma_wait3A_20 = tpu.memref_slice %arg2[%add3A, %dma_wait3A_19] : memref<20224x128xf32, #tpu.memory_space<hbm>> -> memref<632x128xf32, #tpu.memory_space<hbm>>
      tpu.wait_dma2 semaphore(%run_scoped3A : memref<!tpu.dma_semaphore, #tpu.memory_space<semaphore_mem>>) src(%dma_wait3A_20 : memref<632x128xf32, #tpu.memory_space<hbm>>) dst(%dma_wait3A_18 : memref<632x128xf32, #tpu.memory_space<vmem_shared>>)
      tpu.yield
    }) : () -> ()
    %barrier3A = arith.constant 0 : index
    tpu.barrier barrier_id(%barrier3A)
    %scan3A = arith.constant 0 : i32
    %scan3A_5 = arith.constant 0 : i32
    %scan3A_6 = arith.constant 10 : i32
    %scan3A_7 = arith.addi %scan3A_5, %scan3A_6 : i32
    %scan3A_8 = arith.constant 1 : i32
    scf.for %scan3A_15 = %scan3A_5 to %scan3A_7 step %scan3A_8  : i32 {
      %mul3A_16 = arith.constant 8 : i32
      %mul3A_17 = arith.muli %scan3A_15, %mul3A_16 : i32
      "tpu.region"() ({
        %run_scoped3A_137 = tpu.sem_alloc : memref<!tpu.dma_semaphore, #tpu.memory_space<semaphore_mem>>
        %dma_start3A_138 = arith.constant 0 : i32
        %dma_start3A_139 = tpu.memref_slice %arg3[%arg0, %arg1, %mul3A_17, %dma_start3A_138] : memref<2x16x80x128xi32, #tpu.memory_space<hbm>> -> memref<1x1x8x128xi32, #tpu.memory_space<hbm>>
        %dma_start3A_140 = tpu.memref_squeeze %dma_start3A_139 : memref<1x1x8x128xi32, #tpu.memory_space<hbm>> -> memref<8x128xi32, #tpu.memory_space<hbm>>
        %dma_start3A_141 = arith.constant 0 : i32
        %dma_start3A_142 = tpu.memref_slice %arg3[%arg0, %arg1, %mul3A_17, %dma_start3A_141] : memref<2x16x80x128xi32, #tpu.memory_space<hbm>> -> memref<1x1x8x128xi32, #tpu.memory_space<hbm>>
        %dma_start3A_143 = tpu.memref_squeeze %dma_start3A_142 : memref<1x1x8x128xi32, #tpu.memory_space<hbm>> -> memref<8x128xi32, #tpu.memory_space<hbm>>
        tpu.enqueue_dma source(%dma_start3A_143 : memref<8x128xi32, #tpu.memory_space<hbm>>) target(%arg6 : memref<8x128xi32, #tpu.memory_space<vmem>>) target_semaphore(%run_scoped3A_137 : memref<!tpu.dma_semaphore, #tpu.memory_space<semaphore_mem>>)
        %dma_wait3A_144 = arith.constant 0 : i32
        %dma_wait3A_145 = tpu.memref_slice %arg3[%arg0, %arg1, %mul3A_17, %dma_wait3A_144] : memref<2x16x80x128xi32, #tpu.memory_space<hbm>> -> memref<1x1x8x128xi32, #tpu.memory_space<hbm>>
        %dma_wait3A_146 = tpu.memref_squeeze %dma_wait3A_145 : memref<1x1x8x128xi32, #tpu.memory_space<hbm>> -> memref<8x128xi32, #tpu.memory_space<hbm>>
        %dma_wait3A_147 = arith.constant 0 : i32
        %dma_wait3A_148 = tpu.memref_slice %arg3[%arg0, %arg1, %mul3A_17, %dma_wait3A_147] : memref<2x16x80x128xi32, #tpu.memory_space<hbm>> -> memref<1x1x8x128xi32, #tpu.memory_space<hbm>>
        %dma_wait3A_149 = tpu.memref_squeeze %dma_wait3A_148 : memref<1x1x8x128xi32, #tpu.memory_space<hbm>> -> memref<8x128xi32, #tpu.memory_space<hbm>>
        tpu.wait_dma2 semaphore(%run_scoped3A_137 : memref<!tpu.dma_semaphore, #tpu.memory_space<semaphore_mem>>) src(%dma_wait3A_149 : memref<8x128xi32, #tpu.memory_space<hbm>>) dst(%arg6 : memref<8x128xi32, #tpu.memory_space<vmem>>)
        tpu.yield
      }) : () -> ()
      %mul3A_18 = arith.constant 8 : i32
      %mul3A_19 = arith.muli %scan3A_15, %mul3A_18 : i32
      "tpu.region"() ({
        %run_scoped3A_137 = tpu.sem_alloc : memref<!tpu.dma_semaphore, #tpu.memory_space<semaphore_mem>>
        %dma_start3A_138 = arith.constant 0 : i32
        %dma_start3A_139 = tpu.memref_slice %arg4[%arg1, %mul3A_19, %dma_start3A_138] : memref<16x80x128xi32, #tpu.memory_space<hbm>> -> memref<1x8x128xi32, #tpu.memory_space<hbm>>
        %dma_start3A_140 = tpu.memref_squeeze %dma_start3A_139 : memref<1x8x128xi32, #tpu.memory_space<hbm>> -> memref<8x128xi32, #tpu.memory_space<hbm>>
        %dma_start3A_141 = arith.constant 0 : i32
        %dma_start3A_142 = tpu.memref_slice %arg4[%arg1, %mul3A_19, %dma_start3A_141] : memref<16x80x128xi32, #tpu.memory_space<hbm>> -> memref<1x8x128xi32, #tpu.memory_space<hbm>>
        %dma_start3A_143 = tpu.memref_squeeze %dma_start3A_142 : memref<1x8x128xi32, #tpu.memory_space<hbm>> -> memref<8x128xi32, #tpu.memory_space<hbm>>
        tpu.enqueue_dma source(%dma_start3A_143 : memref<8x128xi32, #tpu.memory_space<hbm>>) target(%arg7 : memref<8x128xi32, #tpu.memory_space<vmem>>) target_semaphore(%run_scoped3A_137 : memref<!tpu.dma_semaphore, #tpu.memory_space<semaphore_mem>>)
        %dma_wait3A_144 = arith.constant 0 : i32
        %dma_wait3A_145 = tpu.memref_slice %arg4[%arg1, %mul3A_19, %dma_wait3A_144] : memref<16x80x128xi32, #tpu.memory_space<hbm>> -> memref<1x8x128xi32, #tpu.memory_space<hbm>>
        %dma_wait3A_146 = tpu.memref_squeeze %dma_wait3A_145 : memref<1x8x128xi32, #tpu.memory_space<hbm>> -> memref<8x128xi32, #tpu.memory_space<hbm>>
        %dma_wait3A_147 = arith.constant 0 : i32
        %dma_wait3A_148 = tpu.memref_slice %arg4[%arg1, %mul3A_19, %dma_wait3A_147] : memref<16x80x128xi32, #tpu.memory_space<hbm>> -> memref<1x8x128xi32, #tpu.memory_space<hbm>>
        %dma_wait3A_149 = tpu.memref_squeeze %dma_wait3A_148 : memref<1x8x128xi32, #tpu.memory_space<hbm>> -> memref<8x128xi32, #tpu.memory_space<hbm>>
        tpu.wait_dma2 semaphore(%run_scoped3A_137 : memref<!tpu.dma_semaphore, #tpu.memory_space<semaphore_mem>>) src(%dma_wait3A_149 : memref<8x128xi32, #tpu.memory_space<hbm>>) dst(%arg7 : memref<8x128xi32, #tpu.memory_space<vmem>>)
        tpu.yield
      }) : () -> ()
      %dma_start3A = arith.constant 0 : i32
      %dma_start3A_20 = arith.constant 0 : i32
      %dma_start3A_21 = tpu.memref_slice %arg6[%dma_start3A, %dma_start3A_20] : memref<8x128xi32, #tpu.memory_space<vmem>> -> memref<1x128xi32, #tpu.memory_space<vmem>>
      %dma_start3A_22 = tpu.memref_squeeze %dma_start3A_21 : memref<1x128xi32, #tpu.memory_space<vmem>> -> memref<128xi32, #tpu.memory_space<vmem>>
      %dma_start3A_23 = arith.constant 0 : i32
      %dma_start3A_24 = arith.constant 0 : i32
      %dma_start3A_25 = tpu.memref_slice %arg2[%dma_start3A_23, %dma_start3A_24] : memref<20224x128xf32, #tpu.memory_space<hbm>> -> memref<20224x128xf32, #tpu.memory_space<hbm>>
      tpu.enqueue_indirect_dma source(%dma_start3A_25 : memref<20224x128xf32, #tpu.memory_space<hbm>>) target(%arg8 : memref<128x128xf32, #tpu.memory_space<vmem>>) offsets(%dma_start3A_22 : memref<128xi32, #tpu.memory_space<vmem>>) semaphore(%arg11 : memref<!tpu.dma_semaphore, #tpu.memory_space<semaphore_mem>>)
      %dma_start3A_26 = arith.constant 1 : i32
      %dma_start3A_27 = arith.constant 0 : i32
      %dma_start3A_28 = tpu.memref_slice %arg6[%dma_start3A_26, %dma_start3A_27] : memref<8x128xi32, #tpu.memory_space<vmem>> -> memref<1x128xi32, #tpu.memory_space<vmem>>
      %dma_start3A_29 = tpu.memref_squeeze %dma_start3A_28 : memref<1x128xi32, #tpu.memory_space<vmem>> -> memref<128xi32, #tpu.memory_space<vmem>>
      %dma_start3A_30 = arith.constant 0 : i32
      %dma_start3A_31 = arith.constant 0 : i32
      %dma_start3A_32 = tpu.memref_slice %arg2[%dma_start3A_30, %dma_start3A_31] : memref<20224x128xf32, #tpu.memory_space<hbm>> -> memref<20224x128xf32, #tpu.memory_space<hbm>>
      tpu.enqueue_indirect_dma source(%dma_start3A_32 : memref<20224x128xf32, #tpu.memory_space<hbm>>) target(%arg9 : memref<128x128xf32, #tpu.memory_space<vmem>>) offsets(%dma_start3A_29 : memref<128xi32, #tpu.memory_space<vmem>>) semaphore(%arg12 : memref<!tpu.dma_semaphore, #tpu.memory_space<semaphore_mem>>)
      %dma_wait3A = arith.constant 0 : i32
      %dma_wait3A_33 = arith.constant 0 : i32
      %dma_wait3A_34 = tpu.memref_slice %arg6[%dma_wait3A, %dma_wait3A_33] : memref<8x128xi32, #tpu.memory_space<vmem>> -> memref<1x128xi32, #tpu.memory_space<vmem>>
      %dma_wait3A_35 = tpu.memref_squeeze %dma_wait3A_34 : memref<1x128xi32, #tpu.memory_space<vmem>> -> memref<128xi32, #tpu.memory_space<vmem>>
      %dma_wait3A_36 = arith.constant 0 : i32
      %dma_wait3A_37 = arith.constant 0 : i32
      %dma_wait3A_38 = tpu.memref_slice %arg2[%dma_wait3A_36, %dma_wait3A_37] : memref<20224x128xf32, #tpu.memory_space<hbm>> -> memref<20224x128xf32, #tpu.memory_space<hbm>>
      tpu.wait_indirect_dma semaphore(%arg11 : memref<!tpu.dma_semaphore, #tpu.memory_space<semaphore_mem>>) src(%dma_wait3A_38 : memref<20224x128xf32, #tpu.memory_space<hbm>>) dst(%arg8 : memref<128x128xf32, #tpu.memory_space<vmem>>)
      %run_scoped3A = arith.constant 0 : i32
      "tpu.region"() ({
        %run_scoped3A_137 = tpu.sem_alloc : memref<!tpu.dma_semaphore, #tpu.memory_space<semaphore_mem>>
        %dma_start3A_138 = arith.constant 0 : i32
        %dma_start3A_139 = tpu.memref_slice %arg7[%run_scoped3A, %dma_start3A_138] : memref<8x128xi32, #tpu.memory_space<vmem>> -> memref<1x128xi32, #tpu.memory_space<vmem>>
        %dma_start3A_140 = tpu.memref_squeeze %dma_start3A_139 : memref<1x128xi32, #tpu.memory_space<vmem>> -> memref<128xi32, #tpu.memory_space<vmem>>
        %dma_start3A_141 = arith.constant 0 : i32
        %dma_start3A_142 = arith.constant 0 : i32
        %dma_start3A_143 = tpu.memref_slice %arg10[%dma_start3A_141, %dma_start3A_142] : memref<10112x128xf32, #tpu.memory_space<vmem_shared>> -> memref<10112x128xf32, #tpu.memory_space<vmem_shared>>
        tpu.enqueue_indirect_dma source(%arg8 : memref<128x128xf32, #tpu.memory_space<vmem>>) target(%dma_start3A_143 : memref<10112x128xf32, #tpu.memory_space<vmem_shared>>) offsets(%dma_start3A_140 : memref<128xi32, #tpu.memory_space<vmem>>) semaphore(%run_scoped3A_137 : memref<!tpu.dma_semaphore, #tpu.memory_space<semaphore_mem>>) {add = true}
        %dma_wait3A_144 = arith.constant 0 : i32
        %dma_wait3A_145 = tpu.memref_slice %arg7[%run_scoped3A, %dma_wait3A_144] : memref<8x128xi32, #tpu.memory_space<vmem>> -> memref<1x128xi32, #tpu.memory_space<vmem>>
        %dma_wait3A_146 = tpu.memref_squeeze %dma_wait3A_145 : memref<1x128xi32, #tpu.memory_space<vmem>> -> memref<128xi32, #tpu.memory_space<vmem>>
        %dma_wait3A_147 = arith.constant 0 : i32
        %dma_wait3A_148 = arith.constant 0 : i32
        %dma_wait3A_149 = tpu.memref_slice %arg10[%dma_wait3A_147, %dma_wait3A_148] : memref<10112x128xf32, #tpu.memory_space<vmem_shared>> -> memref<10112x128xf32, #tpu.memory_space<vmem_shared>>
        tpu.wait_indirect_dma semaphore(%run_scoped3A_137 : memref<!tpu.dma_semaphore, #tpu.memory_space<semaphore_mem>>) src(%arg8 : memref<128x128xf32, #tpu.memory_space<vmem>>) dst(%dma_wait3A_149 : memref<10112x128xf32, #tpu.memory_space<vmem_shared>>)
        tpu.yield
      }) : () -> ()
      %dma_start3A_39 = arith.constant 2 : i32
      %dma_start3A_40 = arith.constant 0 : i32
      %dma_start3A_41 = tpu.memref_slice %arg6[%dma_start3A_39, %dma_start3A_40] : memref<8x128xi32, #tpu.memory_space<vmem>> -> memref<1x128xi32, #tpu.memory_space<vmem>>
      %dma_start3A_42 = tpu.memref_squeeze %dma_start3A_41 : memref<1x128xi32, #tpu.memory_space<vmem>> -> memref<128xi32, #tpu.memory_space<vmem>>
      %dma_start3A_43 = arith.constant 0 : i32
      %dma_start3A_44 = arith.constant 0 : i32
      %dma_start3A_45 = tpu.memref_slice %arg2[%dma_start3A_43, %dma_start3A_44] : memref<20224x128xf32, #tpu.memory_space<hbm>> -> memref<20224x128xf32, #tpu.memory_space<hbm>>
      tpu.enqueue_indirect_dma source(%dma_start3A_45 : memref<20224x128xf32, #tpu.memory_space<hbm>>) target(%arg8 : memref<128x128xf32, #tpu.memory_space<vmem>>) offsets(%dma_start3A_42 : memref<128xi32, #tpu.memory_space<vmem>>) semaphore(%arg11 : memref<!tpu.dma_semaphore, #tpu.memory_space<semaphore_mem>>)
      %dma_wait3A_46 = arith.constant 1 : i32
      %dma_wait3A_47 = arith.constant 0 : i32
      %dma_wait3A_48 = tpu.memref_slice %arg6[%dma_wait3A_46, %dma_wait3A_47] : memref<8x128xi32, #tpu.memory_space<vmem>> -> memref<1x128xi32, #tpu.memory_space<vmem>>
      %dma_wait3A_49 = tpu.memref_squeeze %dma_wait3A_48 : memref<1x128xi32, #tpu.memory_space<vmem>> -> memref<128xi32, #tpu.memory_space<vmem>>
      %dma_wait3A_50 = arith.constant 0 : i32
      %dma_wait3A_51 = arith.constant 0 : i32
      %dma_wait3A_52 = tpu.memref_slice %arg2[%dma_wait3A_50, %dma_wait3A_51] : memref<20224x128xf32, #tpu.memory_space<hbm>> -> memref<20224x128xf32, #tpu.memory_space<hbm>>
      tpu.wait_indirect_dma semaphore(%arg12 : memref<!tpu.dma_semaphore, #tpu.memory_space<semaphore_mem>>) src(%dma_wait3A_52 : memref<20224x128xf32, #tpu.memory_space<hbm>>) dst(%arg9 : memref<128x128xf32, #tpu.memory_space<vmem>>)
      %run_scoped3A_53 = arith.constant 1 : i32
      "tpu.region"() ({
        %run_scoped3A_137 = tpu.sem_alloc : memref<!tpu.dma_semaphore, #tpu.memory_space<semaphore_mem>>
        %dma_start3A_138 = arith.constant 0 : i32
        %dma_start3A_139 = tpu.memref_slice %arg7[%run_scoped3A_53, %dma_start3A_138] : memref<8x128xi32, #tpu.memory_space<vmem>> -> memref<1x128xi32, #tpu.memory_space<vmem>>
        %dma_start3A_140 = tpu.memref_squeeze %dma_start3A_139 : memref<1x128xi32, #tpu.memory_space<vmem>> -> memref<128xi32, #tpu.memory_space<vmem>>
        %dma_start3A_141 = arith.constant 0 : i32
        %dma_start3A_142 = arith.constant 0 : i32
        %dma_start3A_143 = tpu.memref_slice %arg10[%dma_start3A_141, %dma_start3A_142] : memref<10112x128xf32, #tpu.memory_space<vmem_shared>> -> memref<10112x128xf32, #tpu.memory_space<vmem_shared>>
        tpu.enqueue_indirect_dma source(%arg9 : memref<128x128xf32, #tpu.memory_space<vmem>>) target(%dma_start3A_143 : memref<10112x128xf32, #tpu.memory_space<vmem_shared>>) offsets(%dma_start3A_140 : memref<128xi32, #tpu.memory_space<vmem>>) semaphore(%run_scoped3A_137 : memref<!tpu.dma_semaphore, #tpu.memory_space<semaphore_mem>>) {add = true}
        %dma_wait3A_144 = arith.constant 0 : i32
        %dma_wait3A_145 = tpu.memref_slice %arg7[%run_scoped3A_53, %dma_wait3A_144] : memref<8x128xi32, #tpu.memory_space<vmem>> -> memref<1x128xi32, #tpu.memory_space<vmem>>
        %dma_wait3A_146 = tpu.memref_squeeze %dma_wait3A_145 : memref<1x128xi32, #tpu.memory_space<vmem>> -> memref<128xi32, #tpu.memory_space<vmem>>
        %dma_wait3A_147 = arith.constant 0 : i32
        %dma_wait3A_148 = arith.constant 0 : i32
        %dma_wait3A_149 = tpu.memref_slice %arg10[%dma_wait3A_147, %dma_wait3A_148] : memref<10112x128xf32, #tpu.memory_space<vmem_shared>> -> memref<10112x128xf32, #tpu.memory_space<vmem_shared>>
        tpu.wait_indirect_dma semaphore(%run_scoped3A_137 : memref<!tpu.dma_semaphore, #tpu.memory_space<semaphore_mem>>) src(%arg9 : memref<128x128xf32, #tpu.memory_space<vmem>>) dst(%dma_wait3A_149 : memref<10112x128xf32, #tpu.memory_space<vmem_shared>>)
        tpu.yield
      }) : () -> ()
      %dma_start3A_54 = arith.constant 3 : i32
      %dma_start3A_55 = arith.constant 0 : i32
      %dma_start3A_56 = tpu.memref_slice %arg6[%dma_start3A_54, %dma_start3A_55] : memref<8x128xi32, #tpu.memory_space<vmem>> -> memref<1x128xi32, #tpu.memory_space<vmem>>
      %dma_start3A_57 = tpu.memref_squeeze %dma_start3A_56 : memref<1x128xi32, #tpu.memory_space<vmem>> -> memref<128xi32, #tpu.memory_space<vmem>>
      %dma_start3A_58 = arith.constant 0 : i32
      %dma_start3A_59 = arith.constant 0 : i32
      %dma_start3A_60 = tpu.memref_slice %arg2[%dma_start3A_58, %dma_start3A_59] : memref<20224x128xf32, #tpu.memory_space<hbm>> -> memref<20224x128xf32, #tpu.memory_space<hbm>>
      tpu.enqueue_indirect_dma source(%dma_start3A_60 : memref<20224x128xf32, #tpu.memory_space<hbm>>) target(%arg9 : memref<128x128xf32, #tpu.memory_space<vmem>>) offsets(%dma_start3A_57 : memref<128xi32, #tpu.memory_space<vmem>>) semaphore(%arg12 : memref<!tpu.dma_semaphore, #tpu.memory_space<semaphore_mem>>)
      %dma_wait3A_61 = arith.constant 2 : i32
      %dma_wait3A_62 = arith.constant 0 : i32
      %dma_wait3A_63 = tpu.memref_slice %arg6[%dma_wait3A_61, %dma_wait3A_62] : memref<8x128xi32, #tpu.memory_space<vmem>> -> memref<1x128xi32, #tpu.memory_space<vmem>>
      %dma_wait3A_64 = tpu.memref_squeeze %dma_wait3A_63 : memref<1x128xi32, #tpu.memory_space<vmem>> -> memref<128xi32, #tpu.memory_space<vmem>>
      %dma_wait3A_65 = arith.constant 0 : i32
      %dma_wait3A_66 = arith.constant 0 : i32
      %dma_wait3A_67 = tpu.memref_slice %arg2[%dma_wait3A_65, %dma_wait3A_66] : memref<20224x128xf32, #tpu.memory_space<hbm>> -> memref<20224x128xf32, #tpu.memory_space<hbm>>
      tpu.wait_indirect_dma semaphore(%arg11 : memref<!tpu.dma_semaphore, #tpu.memory_space<semaphore_mem>>) src(%dma_wait3A_67 : memref<20224x128xf32, #tpu.memory_space<hbm>>) dst(%arg8 : memref<128x128xf32, #tpu.memory_space<vmem>>)
      %run_scoped3A_68 = arith.constant 2 : i32
      "tpu.region"() ({
        %run_scoped3A_137 = tpu.sem_alloc : memref<!tpu.dma_semaphore, #tpu.memory_space<semaphore_mem>>
        %dma_start3A_138 = arith.constant 0 : i32
        %dma_start3A_139 = tpu.memref_slice %arg7[%run_scoped3A_68, %dma_start3A_138] : memref<8x128xi32, #tpu.memory_space<vmem>> -> memref<1x128xi32, #tpu.memory_space<vmem>>
        %dma_start3A_140 = tpu.memref_squeeze %dma_start3A_139 : memref<1x128xi32, #tpu.memory_space<vmem>> -> memref<128xi32, #tpu.memory_space<vmem>>
        %dma_start3A_141 = arith.constant 0 : i32
        %dma_start3A_142 = arith.constant 0 : i32
        %dma_start3A_143 = tpu.memref_slice %arg10[%dma_start3A_141, %dma_start3A_142] : memref<10112x128xf32, #tpu.memory_space<vmem_shared>> -> memref<10112x128xf32, #tpu.memory_space<vmem_shared>>
        tpu.enqueue_indirect_dma source(%arg8 : memref<128x128xf32, #tpu.memory_space<vmem>>) target(%dma_start3A_143 : memref<10112x128xf32, #tpu.memory_space<vmem_shared>>) offsets(%dma_start3A_140 : memref<128xi32, #tpu.memory_space<vmem>>) semaphore(%run_scoped3A_137 : memref<!tpu.dma_semaphore, #tpu.memory_space<semaphore_mem>>) {add = true}
        %dma_wait3A_144 = arith.constant 0 : i32
        %dma_wait3A_145 = tpu.memref_slice %arg7[%run_scoped3A_68, %dma_wait3A_144] : memref<8x128xi32, #tpu.memory_space<vmem>> -> memref<1x128xi32, #tpu.memory_space<vmem>>
        %dma_wait3A_146 = tpu.memref_squeeze %dma_wait3A_145 : memref<1x128xi32, #tpu.memory_space<vmem>> -> memref<128xi32, #tpu.memory_space<vmem>>
        %dma_wait3A_147 = arith.constant 0 : i32
        %dma_wait3A_148 = arith.constant 0 : i32
        %dma_wait3A_149 = tpu.memref_slice %arg10[%dma_wait3A_147, %dma_wait3A_148] : memref<10112x128xf32, #tpu.memory_space<vmem_shared>> -> memref<10112x128xf32, #tpu.memory_space<vmem_shared>>
        tpu.wait_indirect_dma semaphore(%run_scoped3A_137 : memref<!tpu.dma_semaphore, #tpu.memory_space<semaphore_mem>>) src(%arg8 : memref<128x128xf32, #tpu.memory_space<vmem>>) dst(%dma_wait3A_149 : memref<10112x128xf32, #tpu.memory_space<vmem_shared>>)
        tpu.yield
      }) : () -> ()
      %dma_start3A_69 = arith.constant 4 : i32
      %dma_start3A_70 = arith.constant 0 : i32
      %dma_start3A_71 = tpu.memref_slice %arg6[%dma_start3A_69, %dma_start3A_70] : memref<8x128xi32, #tpu.memory_space<vmem>> -> memref<1x128xi32, #tpu.memory_space<vmem>>
      %dma_start3A_72 = tpu.memref_squeeze %dma_start3A_71 : memref<1x128xi32, #tpu.memory_space<vmem>> -> memref<128xi32, #tpu.memory_space<vmem>>
      %dma_start3A_73 = arith.constant 0 : i32
      %dma_start3A_74 = arith.constant 0 : i32
      %dma_start3A_75 = tpu.memref_slice %arg2[%dma_start3A_73, %dma_start3A_74] : memref<20224x128xf32, #tpu.memory_space<hbm>> -> memref<20224x128xf32, #tpu.memory_space<hbm>>
      tpu.enqueue_indirect_dma source(%dma_start3A_75 : memref<20224x128xf32, #tpu.memory_space<hbm>>) target(%arg8 : memref<128x128xf32, #tpu.memory_space<vmem>>) offsets(%dma_start3A_72 : memref<128xi32, #tpu.memory_space<vmem>>) semaphore(%arg11 : memref<!tpu.dma_semaphore, #tpu.memory_space<semaphore_mem>>)
      %dma_wait3A_76 = arith.constant 3 : i32
      %dma_wait3A_77 = arith.constant 0 : i32
      %dma_wait3A_78 = tpu.memref_slice %arg6[%dma_wait3A_76, %dma_wait3A_77] : memref<8x128xi32, #tpu.memory_space<vmem>> -> memref<1x128xi32, #tpu.memory_space<vmem>>
      %dma_wait3A_79 = tpu.memref_squeeze %dma_wait3A_78 : memref<1x128xi32, #tpu.memory_space<vmem>> -> memref<128xi32, #tpu.memory_space<vmem>>
      %dma_wait3A_80 = arith.constant 0 : i32
      %dma_wait3A_81 = arith.constant 0 : i32
      %dma_wait3A_82 = tpu.memref_slice %arg2[%dma_wait3A_80, %dma_wait3A_81] : memref<20224x128xf32, #tpu.memory_space<hbm>> -> memref<20224x128xf32, #tpu.memory_space<hbm>>
      tpu.wait_indirect_dma semaphore(%arg12 : memref<!tpu.dma_semaphore, #tpu.memory_space<semaphore_mem>>) src(%dma_wait3A_82 : memref<20224x128xf32, #tpu.memory_space<hbm>>) dst(%arg9 : memref<128x128xf32, #tpu.memory_space<vmem>>)
      %run_scoped3A_83 = arith.constant 3 : i32
      "tpu.region"() ({
        %run_scoped3A_137 = tpu.sem_alloc : memref<!tpu.dma_semaphore, #tpu.memory_space<semaphore_mem>>
        %dma_start3A_138 = arith.constant 0 : i32
        %dma_start3A_139 = tpu.memref_slice %arg7[%run_scoped3A_83, %dma_start3A_138] : memref<8x128xi32, #tpu.memory_space<vmem>> -> memref<1x128xi32, #tpu.memory_space<vmem>>
        %dma_start3A_140 = tpu.memref_squeeze %dma_start3A_139 : memref<1x128xi32, #tpu.memory_space<vmem>> -> memref<128xi32, #tpu.memory_space<vmem>>
        %dma_start3A_141 = arith.constant 0 : i32
        %dma_start3A_142 = arith.constant 0 : i32
        %dma_start3A_143 = tpu.memref_slice %arg10[%dma_start3A_141, %dma_start3A_142] : memref<10112x128xf32, #tpu.memory_space<vmem_shared>> -> memref<10112x128xf32, #tpu.memory_space<vmem_shared>>
        tpu.enqueue_indirect_dma source(%arg9 : memref<128x128xf32, #tpu.memory_space<vmem>>) target(%dma_start3A_143 : memref<10112x128xf32, #tpu.memory_space<vmem_shared>>) offsets(%dma_start3A_140 : memref<128xi32, #tpu.memory_space<vmem>>) semaphore(%run_scoped3A_137 : memref<!tpu.dma_semaphore, #tpu.memory_space<semaphore_mem>>) {add = true}
        %dma_wait3A_144 = arith.constant 0 : i32
        %dma_wait3A_145 = tpu.memref_slice %arg7[%run_scoped3A_83, %dma_wait3A_144] : memref<8x128xi32, #tpu.memory_space<vmem>> -> memref<1x128xi32, #tpu.memory_space<vmem>>
        %dma_wait3A_146 = tpu.memref_squeeze %dma_wait3A_145 : memref<1x128xi32, #tpu.memory_space<vmem>> -> memref<128xi32, #tpu.memory_space<vmem>>
        %dma_wait3A_147 = arith.constant 0 : i32
        %dma_wait3A_148 = arith.constant 0 : i32
        %dma_wait3A_149 = tpu.memref_slice %arg10[%dma_wait3A_147, %dma_wait3A_148] : memref<10112x128xf32, #tpu.memory_space<vmem_shared>> -> memref<10112x128xf32, #tpu.memory_space<vmem_shared>>
        tpu.wait_indirect_dma semaphore(%run_scoped3A_137 : memref<!tpu.dma_semaphore, #tpu.memory_space<semaphore_mem>>) src(%arg9 : memref<128x128xf32, #tpu.memory_space<vmem>>) dst(%dma_wait3A_149 : memref<10112x128xf32, #tpu.memory_space<vmem_shared>>)
        tpu.yield
      }) : () -> ()
      %dma_start3A_84 = arith.constant 5 : i32
      %dma_start3A_85 = arith.constant 0 : i32
      %dma_start3A_86 = tpu.memref_slice %arg6[%dma_start3A_84, %dma_start3A_85] : memref<8x128xi32, #tpu.memory_space<vmem>> -> memref<1x128xi32, #tpu.memory_space<vmem>>
      %dma_start3A_87 = tpu.memref_squeeze %dma_start3A_86 : memref<1x128xi32, #tpu.memory_space<vmem>> -> memref<128xi32, #tpu.memory_space<vmem>>
      %dma_start3A_88 = arith.constant 0 : i32
      %dma_start3A_89 = arith.constant 0 : i32
      %dma_start3A_90 = tpu.memref_slice %arg2[%dma_start3A_88, %dma_start3A_89] : memref<20224x128xf32, #tpu.memory_space<hbm>> -> memref<20224x128xf32, #tpu.memory_space<hbm>>
      tpu.enqueue_indirect_dma source(%dma_start3A_90 : memref<20224x128xf32, #tpu.memory_space<hbm>>) target(%arg9 : memref<128x128xf32, #tpu.memory_space<vmem>>) offsets(%dma_start3A_87 : memref<128xi32, #tpu.memory_space<vmem>>) semaphore(%arg12 : memref<!tpu.dma_semaphore, #tpu.memory_space<semaphore_mem>>)
      %dma_wait3A_91 = arith.constant 4 : i32
      %dma_wait3A_92 = arith.constant 0 : i32
      %dma_wait3A_93 = tpu.memref_slice %arg6[%dma_wait3A_91, %dma_wait3A_92] : memref<8x128xi32, #tpu.memory_space<vmem>> -> memref<1x128xi32, #tpu.memory_space<vmem>>
      %dma_wait3A_94 = tpu.memref_squeeze %dma_wait3A_93 : memref<1x128xi32, #tpu.memory_space<vmem>> -> memref<128xi32, #tpu.memory_space<vmem>>
      %dma_wait3A_95 = arith.constant 0 : i32
      %dma_wait3A_96 = arith.constant 0 : i32
      %dma_wait3A_97 = tpu.memref_slice %arg2[%dma_wait3A_95, %dma_wait3A_96] : memref<20224x128xf32, #tpu.memory_space<hbm>> -> memref<20224x128xf32, #tpu.memory_space<hbm>>
      tpu.wait_indirect_dma semaphore(%arg11 : memref<!tpu.dma_semaphore, #tpu.memory_space<semaphore_mem>>) src(%dma_wait3A_97 : memref<20224x128xf32, #tpu.memory_space<hbm>>) dst(%arg8 : memref<128x128xf32, #tpu.memory_space<vmem>>)
      %run_scoped3A_98 = arith.constant 4 : i32
      "tpu.region"() ({
        %run_scoped3A_137 = tpu.sem_alloc : memref<!tpu.dma_semaphore, #tpu.memory_space<semaphore_mem>>
        %dma_start3A_138 = arith.constant 0 : i32
        %dma_start3A_139 = tpu.memref_slice %arg7[%run_scoped3A_98, %dma_start3A_138] : memref<8x128xi32, #tpu.memory_space<vmem>> -> memref<1x128xi32, #tpu.memory_space<vmem>>
        %dma_start3A_140 = tpu.memref_squeeze %dma_start3A_139 : memref<1x128xi32, #tpu.memory_space<vmem>> -> memref<128xi32, #tpu.memory_space<vmem>>
        %dma_start3A_141 = arith.constant 0 : i32
        %dma_start3A_142 = arith.constant 0 : i32
        %dma_start3A_143 = tpu.memref_slice %arg10[%dma_start3A_141, %dma_start3A_142] : memref<10112x128xf32, #tpu.memory_space<vmem_shared>> -> memref<10112x128xf32, #tpu.memory_space<vmem_shared>>
        tpu.enqueue_indirect_dma source(%arg8 : memref<128x128xf32, #tpu.memory_space<vmem>>) target(%dma_start3A_143 : memref<10112x128xf32, #tpu.memory_space<vmem_shared>>) offsets(%dma_start3A_140 : memref<128xi32, #tpu.memory_space<vmem>>) semaphore(%run_scoped3A_137 : memref<!tpu.dma_semaphore, #tpu.memory_space<semaphore_mem>>) {add = true}
        %dma_wait3A_144 = arith.constant 0 : i32
        %dma_wait3A_145 = tpu.memref_slice %arg7[%run_scoped3A_98, %dma_wait3A_144] : memref<8x128xi32, #tpu.memory_space<vmem>> -> memref<1x128xi32, #tpu.memory_space<vmem>>
        %dma_wait3A_146 = tpu.memref_squeeze %dma_wait3A_145 : memref<1x128xi32, #tpu.memory_space<vmem>> -> memref<128xi32, #tpu.memory_space<vmem>>
        %dma_wait3A_147 = arith.constant 0 : i32
        %dma_wait3A_148 = arith.constant 0 : i32
        %dma_wait3A_149 = tpu.memref_slice %arg10[%dma_wait3A_147, %dma_wait3A_148] : memref<10112x128xf32, #tpu.memory_space<vmem_shared>> -> memref<10112x128xf32, #tpu.memory_space<vmem_shared>>
        tpu.wait_indirect_dma semaphore(%run_scoped3A_137 : memref<!tpu.dma_semaphore, #tpu.memory_space<semaphore_mem>>) src(%arg8 : memref<128x128xf32, #tpu.memory_space<vmem>>) dst(%dma_wait3A_149 : memref<10112x128xf32, #tpu.memory_space<vmem_shared>>)
        tpu.yield
      }) : () -> ()
      %dma_start3A_99 = arith.constant 6 : i32
      %dma_start3A_100 = arith.constant 0 : i32
      %dma_start3A_101 = tpu.memref_slice %arg6[%dma_start3A_99, %dma_start3A_100] : memref<8x128xi32, #tpu.memory_space<vmem>> -> memref<1x128xi32, #tpu.memory_space<vmem>>
      %dma_start3A_102 = tpu.memref_squeeze %dma_start3A_101 : memref<1x128xi32, #tpu.memory_space<vmem>> -> memref<128xi32, #tpu.memory_space<vmem>>
      %dma_start3A_103 = arith.constant 0 : i32
      %dma_start3A_104 = arith.constant 0 : i32
      %dma_start3A_105 = tpu.memref_slice %arg2[%dma_start3A_103, %dma_start3A_104] : memref<20224x128xf32, #tpu.memory_space<hbm>> -> memref<20224x128xf32, #tpu.memory_space<hbm>>
      tpu.enqueue_indirect_dma source(%dma_start3A_105 : memref<20224x128xf32, #tpu.memory_space<hbm>>) target(%arg8 : memref<128x128xf32, #tpu.memory_space<vmem>>) offsets(%dma_start3A_102 : memref<128xi32, #tpu.memory_space<vmem>>) semaphore(%arg11 : memref<!tpu.dma_semaphore, #tpu.memory_space<semaphore_mem>>)
      %dma_wait3A_106 = arith.constant 5 : i32
      %dma_wait3A_107 = arith.constant 0 : i32
      %dma_wait3A_108 = tpu.memref_slice %arg6[%dma_wait3A_106, %dma_wait3A_107] : memref<8x128xi32, #tpu.memory_space<vmem>> -> memref<1x128xi32, #tpu.memory_space<vmem>>
      %dma_wait3A_109 = tpu.memref_squeeze %dma_wait3A_108 : memref<1x128xi32, #tpu.memory_space<vmem>> -> memref<128xi32, #tpu.memory_space<vmem>>
      %dma_wait3A_110 = arith.constant 0 : i32
      %dma_wait3A_111 = arith.constant 0 : i32
      %dma_wait3A_112 = tpu.memref_slice %arg2[%dma_wait3A_110, %dma_wait3A_111] : memref<20224x128xf32, #tpu.memory_space<hbm>> -> memref<20224x128xf32, #tpu.memory_space<hbm>>
      tpu.wait_indirect_dma semaphore(%arg12 : memref<!tpu.dma_semaphore, #tpu.memory_space<semaphore_mem>>) src(%dma_wait3A_112 : memref<20224x128xf32, #tpu.memory_space<hbm>>) dst(%arg9 : memref<128x128xf32, #tpu.memory_space<vmem>>)
      %run_scoped3A_113 = arith.constant 5 : i32
      "tpu.region"() ({
        %run_scoped3A_137 = tpu.sem_alloc : memref<!tpu.dma_semaphore, #tpu.memory_space<semaphore_mem>>
        %dma_start3A_138 = arith.constant 0 : i32
        %dma_start3A_139 = tpu.memref_slice %arg7[%run_scoped3A_113, %dma_start3A_138] : memref<8x128xi32, #tpu.memory_space<vmem>> -> memref<1x128xi32, #tpu.memory_space<vmem>>
        %dma_start3A_140 = tpu.memref_squeeze %dma_start3A_139 : memref<1x128xi32, #tpu.memory_space<vmem>> -> memref<128xi32, #tpu.memory_space<vmem>>
        %dma_start3A_141 = arith.constant 0 : i32
        %dma_start3A_142 = arith.constant 0 : i32
        %dma_start3A_143 = tpu.memref_slice %arg10[%dma_start3A_141, %dma_start3A_142] : memref<10112x128xf32, #tpu.memory_space<vmem_shared>> -> memref<10112x128xf32, #tpu.memory_space<vmem_shared>>
        tpu.enqueue_indirect_dma source(%arg9 : memref<128x128xf32, #tpu.memory_space<vmem>>) target(%dma_start3A_143 : memref<10112x128xf32, #tpu.memory_space<vmem_shared>>) offsets(%dma_start3A_140 : memref<128xi32, #tpu.memory_space<vmem>>) semaphore(%run_scoped3A_137 : memref<!tpu.dma_semaphore, #tpu.memory_space<semaphore_mem>>) {add = true}
        %dma_wait3A_144 = arith.constant 0 : i32
        %dma_wait3A_145 = tpu.memref_slice %arg7[%run_scoped3A_113, %dma_wait3A_144] : memref<8x128xi32, #tpu.memory_space<vmem>> -> memref<1x128xi32, #tpu.memory_space<vmem>>
        %dma_wait3A_146 = tpu.memref_squeeze %dma_wait3A_145 : memref<1x128xi32, #tpu.memory_space<vmem>> -> memref<128xi32, #tpu.memory_space<vmem>>
        %dma_wait3A_147 = arith.constant 0 : i32
        %dma_wait3A_148 = arith.constant 0 : i32
        %dma_wait3A_149 = tpu.memref_slice %arg10[%dma_wait3A_147, %dma_wait3A_148] : memref<10112x128xf32, #tpu.memory_space<vmem_shared>> -> memref<10112x128xf32, #tpu.memory_space<vmem_shared>>
        tpu.wait_indirect_dma semaphore(%run_scoped3A_137 : memref<!tpu.dma_semaphore, #tpu.memory_space<semaphore_mem>>) src(%arg9 : memref<128x128xf32, #tpu.memory_space<vmem>>) dst(%dma_wait3A_149 : memref<10112x128xf32, #tpu.memory_space<vmem_shared>>)
        tpu.yield
      }) : () -> ()
      %dma_start3A_114 = arith.constant 7 : i32
      %dma_start3A_115 = arith.constant 0 : i32
      %dma_start3A_116 = tpu.memref_slice %arg6[%dma_start3A_114, %dma_start3A_115] : memref<8x128xi32, #tpu.memory_space<vmem>> -> memref<1x128xi32, #tpu.memory_space<vmem>>
      %dma_start3A_117 = tpu.memref_squeeze %dma_start3A_116 : memref<1x128xi32, #tpu.memory_space<vmem>> -> memref<128xi32, #tpu.memory_space<vmem>>
      %dma_start3A_118 = arith.constant 0 : i32
      %dma_start3A_119 = arith.constant 0 : i32
      %dma_start3A_120 = tpu.memref_slice %arg2[%dma_start3A_118, %dma_start3A_119] : memref<20224x128xf32, #tpu.memory_space<hbm>> -> memref<20224x128xf32, #tpu.memory_space<hbm>>
      tpu.enqueue_indirect_dma source(%dma_start3A_120 : memref<20224x128xf32, #tpu.memory_space<hbm>>) target(%arg9 : memref<128x128xf32, #tpu.memory_space<vmem>>) offsets(%dma_start3A_117 : memref<128xi32, #tpu.memory_space<vmem>>) semaphore(%arg12 : memref<!tpu.dma_semaphore, #tpu.memory_space<semaphore_mem>>)
      %dma_wait3A_121 = arith.constant 6 : i32
      %dma_wait3A_122 = arith.constant 0 : i32
      %dma_wait3A_123 = tpu.memref_slice %arg6[%dma_wait3A_121, %dma_wait3A_122] : memref<8x128xi32, #tpu.memory_space<vmem>> -> memref<1x128xi32, #tpu.memory_space<vmem>>
      %dma_wait3A_124 = tpu.memref_squeeze %dma_wait3A_123 : memref<1x128xi32, #tpu.memory_space<vmem>> -> memref<128xi32, #tpu.memory_space<vmem>>
      %dma_wait3A_125 = arith.constant 0 : i32
      %dma_wait3A_126 = arith.constant 0 : i32
      %dma_wait3A_127 = tpu.memref_slice %arg2[%dma_wait3A_125, %dma_wait3A_126] : memref<20224x128xf32, #tpu.memory_space<hbm>> -> memref<20224x128xf32, #tpu.memory_space<hbm>>
      tpu.wait_indirect_dma semaphore(%arg11 : memref<!tpu.dma_semaphore, #tpu.memory_space<semaphore_mem>>) src(%dma_wait3A_127 : memref<20224x128xf32, #tpu.memory_space<hbm>>) dst(%arg8 : memref<128x128xf32, #tpu.memory_space<vmem>>)
      %run_scoped3A_128 = arith.constant 6 : i32
      "tpu.region"() ({
        %run_scoped3A_137 = tpu.sem_alloc : memref<!tpu.dma_semaphore, #tpu.memory_space<semaphore_mem>>
        %dma_start3A_138 = arith.constant 0 : i32
        %dma_start3A_139 = tpu.memref_slice %arg7[%run_scoped3A_128, %dma_start3A_138] : memref<8x128xi32, #tpu.memory_space<vmem>> -> memref<1x128xi32, #tpu.memory_space<vmem>>
        %dma_start3A_140 = tpu.memref_squeeze %dma_start3A_139 : memref<1x128xi32, #tpu.memory_space<vmem>> -> memref<128xi32, #tpu.memory_space<vmem>>
        %dma_start3A_141 = arith.constant 0 : i32
        %dma_start3A_142 = arith.constant 0 : i32
        %dma_start3A_143 = tpu.memref_slice %arg10[%dma_start3A_141, %dma_start3A_142] : memref<10112x128xf32, #tpu.memory_space<vmem_shared>> -> memref<10112x128xf32, #tpu.memory_space<vmem_shared>>
        tpu.enqueue_indirect_dma source(%arg8 : memref<128x128xf32, #tpu.memory_space<vmem>>) target(%dma_start3A_143 : memref<10112x128xf32, #tpu.memory_space<vmem_shared>>) offsets(%dma_start3A_140 : memref<128xi32, #tpu.memory_space<vmem>>) semaphore(%run_scoped3A_137 : memref<!tpu.dma_semaphore, #tpu.memory_space<semaphore_mem>>) {add = true}
        %dma_wait3A_144 = arith.constant 0 : i32
        %dma_wait3A_145 = tpu.memref_slice %arg7[%run_scoped3A_128, %dma_wait3A_144] : memref<8x128xi32, #tpu.memory_space<vmem>> -> memref<1x128xi32, #tpu.memory_space<vmem>>
        %dma_wait3A_146 = tpu.memref_squeeze %dma_wait3A_145 : memref<1x128xi32, #tpu.memory_space<vmem>> -> memref<128xi32, #tpu.memory_space<vmem>>
        %dma_wait3A_147 = arith.constant 0 : i32
        %dma_wait3A_148 = arith.constant 0 : i32
        %dma_wait3A_149 = tpu.memref_slice %arg10[%dma_wait3A_147, %dma_wait3A_148] : memref<10112x128xf32, #tpu.memory_space<vmem_shared>> -> memref<10112x128xf32, #tpu.memory_space<vmem_shared>>
        tpu.wait_indirect_dma semaphore(%run_scoped3A_137 : memref<!tpu.dma_semaphore, #tpu.memory_space<semaphore_mem>>) src(%arg8 : memref<128x128xf32, #tpu.memory_space<vmem>>) dst(%dma_wait3A_149 : memref<10112x128xf32, #tpu.memory_space<vmem_shared>>)
        tpu.yield
      }) : () -> ()
      %dma_wait3A_129 = arith.constant 7 : i32
      %dma_wait3A_130 = arith.constant 0 : i32
      %dma_wait3A_131 = tpu.memref_slice %arg6[%dma_wait3A_129, %dma_wait3A_130] : memref<8x128xi32, #tpu.memory_space<vmem>> -> memref<1x128xi32, #tpu.memory_space<vmem>>
      %dma_wait3A_132 = tpu.memref_squeeze %dma_wait3A_131 : memref<1x128xi32, #tpu.memory_space<vmem>> -> memref<128xi32, #tpu.memory_space<vmem>>
      %dma_wait3A_133 = arith.constant 0 : i32
      %dma_wait3A_134 = arith.constant 0 : i32
      %dma_wait3A_135 = tpu.memref_slice %arg2[%dma_wait3A_133, %dma_wait3A_134] : memref<20224x128xf32, #tpu.memory_space<hbm>> -> memref<20224x128xf32, #tpu.memory_space<hbm>>
      tpu.wait_indirect_dma semaphore(%arg12 : memref<!tpu.dma_semaphore, #tpu.memory_space<semaphore_mem>>) src(%dma_wait3A_135 : memref<20224x128xf32, #tpu.memory_space<hbm>>) dst(%arg9 : memref<128x128xf32, #tpu.memory_space<vmem>>)
      %run_scoped3A_136 = arith.constant 7 : i32
      "tpu.region"() ({
        %run_scoped3A_137 = tpu.sem_alloc : memref<!tpu.dma_semaphore, #tpu.memory_space<semaphore_mem>>
        %dma_start3A_138 = arith.constant 0 : i32
        %dma_start3A_139 = tpu.memref_slice %arg7[%run_scoped3A_136, %dma_start3A_138] : memref<8x128xi32, #tpu.memory_space<vmem>> -> memref<1x128xi32, #tpu.memory_space<vmem>>
        %dma_start3A_140 = tpu.memref_squeeze %dma_start3A_139 : memref<1x128xi32, #tpu.memory_space<vmem>> -> memref<128xi32, #tpu.memory_space<vmem>>
        %dma_start3A_141 = arith.constant 0 : i32
        %dma_start3A_142 = arith.constant 0 : i32
        %dma_start3A_143 = tpu.memref_slice %arg10[%dma_start3A_141, %dma_start3A_142] : memref<10112x128xf32, #tpu.memory_space<vmem_shared>> -> memref<10112x128xf32, #tpu.memory_space<vmem_shared>>
        tpu.enqueue_indirect_dma source(%arg9 : memref<128x128xf32, #tpu.memory_space<vmem>>) target(%dma_start3A_143 : memref<10112x128xf32, #tpu.memory_space<vmem_shared>>) offsets(%dma_start3A_140 : memref<128xi32, #tpu.memory_space<vmem>>) semaphore(%run_scoped3A_137 : memref<!tpu.dma_semaphore, #tpu.memory_space<semaphore_mem>>) {add = true}
        %dma_wait3A_144 = arith.constant 0 : i32
        %dma_wait3A_145 = tpu.memref_slice %arg7[%run_scoped3A_136, %dma_wait3A_144] : memref<8x128xi32, #tpu.memory_space<vmem>> -> memref<1x128xi32, #tpu.memory_space<vmem>>
        %dma_wait3A_146 = tpu.memref_squeeze %dma_wait3A_145 : memref<1x128xi32, #tpu.memory_space<vmem>> -> memref<128xi32, #tpu.memory_space<vmem>>
        %dma_wait3A_147 = arith.constant 0 : i32
        %dma_wait3A_148 = arith.constant 0 : i32
        %dma_wait3A_149 = tpu.memref_slice %arg10[%dma_wait3A_147, %dma_wait3A_148] : memref<10112x128xf32, #tpu.memory_space<vmem_shared>> -> memref<10112x128xf32, #tpu.memory_space<vmem_shared>>
        tpu.wait_indirect_dma semaphore(%run_scoped3A_137 : memref<!tpu.dma_semaphore, #tpu.memory_space<semaphore_mem>>) src(%arg9 : memref<128x128xf32, #tpu.memory_space<vmem>>) dst(%dma_wait3A_149 : memref<10112x128xf32, #tpu.memory_space<vmem_shared>>)
        tpu.yield
      }) : () -> ()
    }
    %scan3A_9 = arith.constant 10 : i32
    %barrier3A_10 = arith.constant 0 : index
    tpu.barrier barrier_id(%barrier3A_10)
    %mul3A_11 = arith.constant 632 : i32
    %mul3A_12 = arith.muli %arg1, %mul3A_11 : i32
    %mul3A_13 = arith.constant 632 : i32
    %mul3A_14 = arith.muli %arg1, %mul3A_13 : i32
    "tpu.region"() ({
      %run_scoped3A = tpu.sem_alloc : memref<!tpu.dma_semaphore, #tpu.memory_space<semaphore_mem>>
      %dma_start3A = arith.constant 0 : i32
      %dma_start3A_15 = tpu.memref_slice %arg5[%arg0, %mul3A_14, %dma_start3A] : memref<2x10112x128xf32, #tpu.memory_space<hbm>> -> memref<1x632x128xf32, #tpu.memory_space<hbm>>
      %dma_start3A_16 = tpu.memref_squeeze %dma_start3A_15 : memref<1x632x128xf32, #tpu.memory_space<hbm>> -> memref<632x128xf32, #tpu.memory_space<hbm>>
      %dma_start3A_17 = arith.constant 0 : i32
      %dma_start3A_18 = tpu.memref_slice %arg10[%mul3A_12, %dma_start3A_17] : memref<10112x128xf32, #tpu.memory_space<vmem_shared>> -> memref<632x128xf32, #tpu.memory_space<vmem_shared>>
      tpu.enqueue_dma source(%dma_start3A_18 : memref<632x128xf32, #tpu.memory_space<vmem_shared>>) target(%dma_start3A_16 : memref<632x128xf32, #tpu.memory_space<hbm>>) target_semaphore(%run_scoped3A : memref<!tpu.dma_semaphore, #tpu.memory_space<semaphore_mem>>)
      %dma_wait3A = arith.constant 0 : i32
      %dma_wait3A_19 = tpu.memref_slice %arg5[%arg0, %mul3A_14, %dma_wait3A] : memref<2x10112x128xf32, #tpu.memory_space<hbm>> -> memref<1x632x128xf32, #tpu.memory_space<hbm>>
      %dma_wait3A_20 = tpu.memref_squeeze %dma_wait3A_19 : memref<1x632x128xf32, #tpu.memory_space<hbm>> -> memref<632x128xf32, #tpu.memory_space<hbm>>
      %dma_wait3A_21 = arith.constant 0 : i32
      %dma_wait3A_22 = tpu.memref_slice %arg10[%mul3A_12, %dma_wait3A_21] : memref<10112x128xf32, #tpu.memory_space<vmem_shared>> -> memref<632x128xf32, #tpu.memory_space<vmem_shared>>
      tpu.wait_dma2 semaphore(%run_scoped3A : memref<!tpu.dma_semaphore, #tpu.memory_space<semaphore_mem>>) src(%dma_wait3A_22 : memref<632x128xf32, #tpu.memory_space<vmem_shared>>) dst(%dma_wait3A_20 : memref<632x128xf32, #tpu.memory_space<hbm>>)
      tpu.yield
    }) : () -> ()
    return
  }
}

module attributes {stable_mosaic.version = 14 : i64} {
  func.func @_mm0_body(%arg0: i32, %arg1: memref<400x256xf32, #tpu.memory_space<vmem>>, %arg2: memref<256x256xf32, #tpu.memory_space<vmem>>, %arg3: memref<400x256xf32, #tpu.memory_space<vmem>>) attributes {dimension_semantics = [#tpu.dimension_semantics<arbitrary>], iteration_bounds = array<i64: 25>, scalar_prefetch = 0 : i64, scratch_operands = 0 : i64, tpu.core_type = #tpu.core_type<tc>, window_params = [{transform_indices = @transform_0, window_bounds = array<i64: 400, 256>}, {pipeline_mode = #tpu.pipeline_mode<synchronous>, transform_indices = @transform_1, window_bounds = array<i64: 256, 256>}, {transform_indices = @transform_2, window_bounds = array<i64: 400, 256>}]} {
    %get3A = arith.constant 0 : index
    %get3A_0 = arith.constant 0 : index
    %get3A_1 = vector.load %arg1[%get3A, %get3A_0] : memref<400x256xf32, #tpu.memory_space<vmem>>, vector<400x256xf32>
    %get3A_2 = arith.constant 0 : index
    %get3A_3 = arith.constant 0 : index
    %get3A_4 = vector.load %arg2[%get3A_2, %get3A_3] : memref<256x256xf32, #tpu.memory_space<vmem>>, vector<256x256xf32>
    %dot_general3A = arith.constant dense<0.000000e+00> : vector<400x256xf32>
    %dot_general3A_5 = tpu.matmul %get3A_1, %get3A_4, %dot_general3A {dimension_numbers = #tpu.dot_dimension_numbers<[1], [0], [0], [1], [0, 0, 1, 1], [], []>, transpose_lhs_hint = false} : vector<400x256xf32>, vector<256x256xf32>, vector<400x256xf32> -> vector<400x256xf32>
    %swap3A = arith.constant 0 : index
    %swap3A_6 = arith.constant 0 : index
    %swap3A_7 = vector.load %arg3[%swap3A, %swap3A_6] : memref<400x256xf32, #tpu.memory_space<vmem>>, vector<400x256xf32>
    tpu.vector_store %arg3[%swap3A, %swap3A_6], %dot_general3A_5 {strides = array<i32>} : memref<400x256xf32, #tpu.memory_space<vmem>>, vector<400x256xf32>,
    return
  }
  func.func @transform_0(%arg0: i32) -> (i32, i32) {
    %c0_i32 = arith.constant 0 : i32
    %c0_i32_0 = arith.constant 0 : i32
    return %arg0, %c0_i32 : i32, i32
  }
  func.func @transform_1(%arg0: i32) -> (i32, i32) {
    %c0_i32 = arith.constant 0 : i32
    %c0_i32_0 = arith.constant 0 : i32
    %c0_i32_1 = arith.constant 0 : i32
    return %c0_i32, %c0_i32_0 : i32, i32
  }
  func.func @transform_2(%arg0: i32) -> (i32, i32) {
    %c0_i32 = arith.constant 0 : i32
    %c0_i32_0 = arith.constant 0 : i32
    return %arg0, %c0_i32 : i32, i32
  }
}

module attributes {stable_mosaic.version = 14 : i64} {
  func.func @_mm1_body(%arg0: i32, %arg1: memref<400x256xf32, #tpu.memory_space<vmem>>, %arg2: memref<2x400x128xf32, #tpu.memory_space<vmem>>, %arg3: memref<2x400x128xf32, #tpu.memory_space<vmem>>, %arg4: memref<400x1xf32, #tpu.memory_space<vmem>>) attributes {dimension_semantics = [#tpu.dimension_semantics<arbitrary>], iteration_bounds = array<i64: 25>, scalar_prefetch = 0 : i64, scratch_operands = 0 : i64, tpu.core_type = #tpu.core_type<tc>, window_params = [{transform_indices = @transform_0, window_bounds = array<i64: 400, 256>}, {transform_indices = @transform_1, window_bounds = array<i64: 2, 400, 128>}, {transform_indices = @transform_2, window_bounds = array<i64: 2, 400, 128>}, {transform_indices = @transform_3, window_bounds = array<i64: 400, 1>}]} {
    %get3A = arith.constant 0 : index
    %get3A_0 = arith.constant 0 : index
    %get3A_1 = arith.constant 0 : index
    %get3A_2 = vector.load %arg2[%get3A, %get3A_0, %get3A_1] : memref<2x400x128xf32, #tpu.memory_space<vmem>>, vector<1x400x1xf32>
    %get3A_3 = vector.shape_cast %get3A_2 : vector<1x400x1xf32> to vector<400x1xf32>
    %get3A_4 = arith.constant 1 : index
    %get3A_5 = arith.constant 0 : index
    %get3A_6 = arith.constant 0 : index
    %get3A_7 = vector.load %arg2[%get3A_4, %get3A_5, %get3A_6] : memref<2x400x128xf32, #tpu.memory_space<vmem>>, vector<1x400x1xf32>
    %get3A_8 = vector.shape_cast %get3A_7 : vector<1x400x1xf32> to vector<400x1xf32>
    %add3A = arith.addf %get3A_3, %get3A_8 : vector<400x1xf32>
    %sub3A = arith.constant 1.000000e+00 : f32
    %sub3A_9 = vector.broadcast %sub3A : f32 to vector<400x1xf32>
    %sub3A_10 = arith.subf %add3A, %sub3A_9 : vector<400x1xf32>
    %rsqrt3A = math.rsqrt %sub3A_10 : vector<400x1xf32>
    %swap3A = arith.constant 0 : index
    %swap3A_11 = arith.constant 0 : index
    %swap3A_12 = vector.load %arg4[%swap3A, %swap3A_11] : memref<400x1xf32, #tpu.memory_space<vmem>>, vector<400x1xf32>
    tpu.vector_store %arg4[%swap3A, %swap3A_11], %rsqrt3A {strides = array<i32>} : memref<400x1xf32, #tpu.memory_space<vmem>>, vector<400x1xf32>,
    %get3A_13 = arith.constant 0 : index
    %get3A_14 = arith.constant 0 : index
    %get3A_15 = vector.load %arg1[%get3A_13, %get3A_14] : memref<400x256xf32, #tpu.memory_space<vmem>>, vector<400x256xf32>
    %mul3A = vector.broadcast %rsqrt3A : vector<400x1xf32> to vector<400x256xf32>
    %mul3A_16 = arith.mulf %get3A_15, %mul3A : vector<400x256xf32>
    %slice3A = vector.extract_strided_slice %mul3A_16 {offsets = [0, 0], sizes = [400, 128], strides = [1, 1]} : vector<400x256xf32> to vector<400x128xf32>
    %swap3A_17 = arith.constant 0 : index
    %swap3A_18 = arith.constant 0 : index
    %swap3A_19 = arith.constant 0 : index
    %swap3A_20 = vector.load %arg3[%swap3A_17, %swap3A_18, %swap3A_19] : memref<2x400x128xf32, #tpu.memory_space<vmem>>, vector<1x400x128xf32>
    %swap3A_21 = vector.shape_cast %swap3A_20 : vector<1x400x128xf32> to vector<400x128xf32>
    %swap3A_22 = vector.shape_cast %slice3A : vector<400x128xf32> to vector<1x400x128xf32>
    tpu.vector_store %arg3[%swap3A_17, %swap3A_18, %swap3A_19], %swap3A_22 {strides = array<i32>} : memref<2x400x128xf32, #tpu.memory_space<vmem>>, vector<1x400x128xf32>,
    %slice3A_23 = vector.extract_strided_slice %mul3A_16 {offsets = [0, 128], sizes = [400, 128], strides = [1, 1]} : vector<400x256xf32> to vector<400x128xf32>
    %swap3A_24 = arith.constant 1 : index
    %swap3A_25 = arith.constant 0 : index
    %swap3A_26 = arith.constant 0 : index
    %swap3A_27 = vector.load %arg3[%swap3A_24, %swap3A_25, %swap3A_26] : memref<2x400x128xf32, #tpu.memory_space<vmem>>, vector<1x400x128xf32>
    %swap3A_28 = vector.shape_cast %swap3A_27 : vector<1x400x128xf32> to vector<400x128xf32>
    %swap3A_29 = vector.shape_cast %slice3A_23 : vector<400x128xf32> to vector<1x400x128xf32>
    tpu.vector_store %arg3[%swap3A_24, %swap3A_25, %swap3A_26], %swap3A_29 {strides = array<i32>} : memref<2x400x128xf32, #tpu.memory_space<vmem>>, vector<1x400x128xf32>,
    return
  }
  func.func @transform_0(%arg0: i32) -> (i32, i32) {
    %c0_i32 = arith.constant 0 : i32
    %c0_i32_0 = arith.constant 0 : i32
    return %arg0, %c0_i32 : i32, i32
  }
  func.func @transform_1(%arg0: i32) -> (i32, i32, i32) {
    %c0_i32 = arith.constant 0 : i32
    %c0_i32_0 = arith.constant 0 : i32
    %c0_i32_1 = arith.constant 0 : i32
    return %c0_i32, %arg0, %c0_i32_0 : i32, i32, i32
  }
  func.func @transform_2(%arg0: i32) -> (i32, i32, i32) {
    %c0_i32 = arith.constant 0 : i32
    %c0_i32_0 = arith.constant 0 : i32
    %c0_i32_1 = arith.constant 0 : i32
    return %c0_i32, %arg0, %c0_i32_0 : i32, i32, i32
  }
  func.func @transform_3(%arg0: i32) -> (i32, i32) {
    %c0_i32 = arith.constant 0 : i32
    %c0_i32_0 = arith.constant 0 : i32
    return %arg0, %c0_i32 : i32, i32
  }
}

module attributes {stable_mosaic.version = 14 : i64} {
  func.func @_mm2_body(%arg0: i32, %arg1: memref<2x400x128xf32, #tpu.memory_space<vmem>>, %arg2: memref<256x256xf32, #tpu.memory_space<vmem>>, %arg3: memref<1x256xf32, #tpu.memory_space<vmem>>, %arg4: memref<400x1xf32, #tpu.memory_space<vmem>>, %arg5: memref<2x400x128xf32, #tpu.memory_space<vmem>>) attributes {dimension_semantics = [#tpu.dimension_semantics<arbitrary>], iteration_bounds = array<i64: 25>, scalar_prefetch = 0 : i64, scratch_operands = 0 : i64, tpu.core_type = #tpu.core_type<tc>, window_params = [{transform_indices = @transform_0, window_bounds = array<i64: 2, 400, 128>}, {pipeline_mode = #tpu.pipeline_mode<synchronous>, transform_indices = @transform_1, window_bounds = array<i64: 256, 256>}, {pipeline_mode = #tpu.pipeline_mode<synchronous>, transform_indices = @transform_2, window_bounds = array<i64: 1, 256>}, {transform_indices = @transform_3, window_bounds = array<i64: 400, 1>}, {transform_indices = @transform_4, window_bounds = array<i64: 2, 400, 128>}]} {
    %get3A = arith.constant 0 : index
    %get3A_0 = arith.constant 0 : index
    %get3A_1 = vector.load %arg4[%get3A, %get3A_0] : memref<400x1xf32, #tpu.memory_space<vmem>>, vector<400x1xf32>
    %get3A_2 = arith.constant 0 : index
    %get3A_3 = arith.constant 0 : index
    %get3A_4 = arith.constant 0 : index
    %get3A_5 = vector.load %arg1[%get3A_2, %get3A_3, %get3A_4] : memref<2x400x128xf32, #tpu.memory_space<vmem>>, vector<1x400x128xf32>
    %get3A_6 = vector.shape_cast %get3A_5 : vector<1x400x128xf32> to vector<400x128xf32>
    %get3A_7 = arith.constant 1 : index
    %get3A_8 = arith.constant 0 : index
    %get3A_9 = arith.constant 0 : index
    %get3A_10 = vector.load %arg1[%get3A_7, %get3A_8, %get3A_9] : memref<2x400x128xf32, #tpu.memory_space<vmem>>, vector<1x400x128xf32>
    %get3A_11 = vector.shape_cast %get3A_10 : vector<1x400x128xf32> to vector<400x128xf32>
    %concatenate3A = tpu.concatenate %get3A_6, %get3A_11 in 1 : vector<400x128xf32>, vector<400x128xf32> -> vector<400x256xf32>
    %mul3A = vector.broadcast %get3A_1 : vector<400x1xf32> to vector<400x256xf32>
    %mul3A_12 = arith.mulf %concatenate3A, %mul3A : vector<400x256xf32>
    %get3A_13 = arith.constant 0 : index
    %get3A_14 = arith.constant 0 : index
    %get3A_15 = vector.load %arg3[%get3A_13, %get3A_14] : memref<1x256xf32, #tpu.memory_space<vmem>>, vector<1x256xf32>
    %add3A = vector.broadcast %get3A_15 : vector<1x256xf32> to vector<400x256xf32>
    %add3A_16 = arith.addf %mul3A_12, %add3A : vector<400x256xf32>
    %max3A = arith.constant 0.000000e+00 : f32
    %max3A_17 = vector.broadcast %max3A : f32 to vector<400x256xf32>
    %max3A_18 = arith.maximumf %add3A_16, %max3A_17 : vector<400x256xf32>
    %get3A_19 = arith.constant 0 : index
    %get3A_20 = arith.constant 0 : index
    %get3A_21 = vector.load %arg2[%get3A_19, %get3A_20] : memref<256x256xf32, #tpu.memory_space<vmem>>, vector<256x256xf32>
    %dot_general3A = arith.constant dense<0.000000e+00> : vector<400x256xf32>
    %dot_general3A_22 = tpu.matmul %max3A_18, %get3A_21, %dot_general3A {dimension_numbers = #tpu.dot_dimension_numbers<[1], [0], [0], [1], [0, 0, 1, 1], [], []>, transpose_lhs_hint = false} : vector<400x256xf32>, vector<256x256xf32>, vector<400x256xf32> -> vector<400x256xf32>
    %mul3A_23 = vector.broadcast %get3A_1 : vector<400x1xf32> to vector<400x256xf32>
    %mul3A_24 = arith.mulf %dot_general3A_22, %mul3A_23 : vector<400x256xf32>
    %slice3A = vector.extract_strided_slice %mul3A_24 {offsets = [0, 0], sizes = [400, 128], strides = [1, 1]} : vector<400x256xf32> to vector<400x128xf32>
    %swap3A = arith.constant 0 : index
    %swap3A_25 = arith.constant 0 : index
    %swap3A_26 = arith.constant 0 : index
    %swap3A_27 = vector.load %arg5[%swap3A, %swap3A_25, %swap3A_26] : memref<2x400x128xf32, #tpu.memory_space<vmem>>, vector<1x400x128xf32>
    %swap3A_28 = vector.shape_cast %swap3A_27 : vector<1x400x128xf32> to vector<400x128xf32>
    %swap3A_29 = vector.shape_cast %slice3A : vector<400x128xf32> to vector<1x400x128xf32>
    tpu.vector_store %arg5[%swap3A, %swap3A_25, %swap3A_26], %swap3A_29 {strides = array<i32>} : memref<2x400x128xf32, #tpu.memory_space<vmem>>, vector<1x400x128xf32>,
    %slice3A_30 = vector.extract_strided_slice %mul3A_24 {offsets = [0, 128], sizes = [400, 128], strides = [1, 1]} : vector<400x256xf32> to vector<400x128xf32>
    %swap3A_31 = arith.constant 1 : index
    %swap3A_32 = arith.constant 0 : index
    %swap3A_33 = arith.constant 0 : index
    %swap3A_34 = vector.load %arg5[%swap3A_31, %swap3A_32, %swap3A_33] : memref<2x400x128xf32, #tpu.memory_space<vmem>>, vector<1x400x128xf32>
    %swap3A_35 = vector.shape_cast %swap3A_34 : vector<1x400x128xf32> to vector<400x128xf32>
    %swap3A_36 = vector.shape_cast %slice3A_30 : vector<400x128xf32> to vector<1x400x128xf32>
    tpu.vector_store %arg5[%swap3A_31, %swap3A_32, %swap3A_33], %swap3A_36 {strides = array<i32>} : memref<2x400x128xf32, #tpu.memory_space<vmem>>, vector<1x400x128xf32>,
    return
  }
  func.func @transform_0(%arg0: i32) -> (i32, i32, i32) {
    %c0_i32 = arith.constant 0 : i32
    %c0_i32_0 = arith.constant 0 : i32
    %c0_i32_1 = arith.constant 0 : i32
    return %c0_i32, %arg0, %c0_i32_0 : i32, i32, i32
  }
  func.func @transform_1(%arg0: i32) -> (i32, i32) {
    %c0_i32 = arith.constant 0 : i32
    %c0_i32_0 = arith.constant 0 : i32
    %c0_i32_1 = arith.constant 0 : i32
    return %c0_i32, %c0_i32_0 : i32, i32
  }
  func.func @transform_2(%arg0: i32) -> (i32, i32) {
    %c0_i32 = arith.constant 0 : i32
    %c0_i32_0 = arith.constant 0 : i32
    %c0_i32_1 = arith.constant 0 : i32
    return %c0_i32, %c0_i32_0 : i32, i32
  }
  func.func @transform_3(%arg0: i32) -> (i32, i32) {
    %c0_i32 = arith.constant 0 : i32
    %c0_i32_0 = arith.constant 0 : i32
    return %arg0, %c0_i32 : i32, i32
  }
  func.func @transform_4(%arg0: i32) -> (i32, i32, i32) {
    %c0_i32 = arith.constant 0 : i32
    %c0_i32_0 = arith.constant 0 : i32
    %c0_i32_1 = arith.constant 0 : i32
    return %c0_i32, %arg0, %c0_i32_0 : i32, i32, i32
  }
}

module attributes {stable_mosaic.version = 14 : i64} {
  func.func @_mlp_body(%arg0: i32, %arg1: memref<2x400x128xf32, #tpu.memory_space<vmem>>, %arg2: memref<400x1xf32, #tpu.memory_space<vmem>>, %arg3: memref<1x256xf32, #tpu.memory_space<vmem>>, %arg4: memref<400x512xf32, #tpu.memory_space<vmem>>, %arg5: memref<512x256xf32, #tpu.memory_space<vmem>>, %arg6: memref<256x256xf32, #tpu.memory_space<vmem>>, %arg7: memref<1x256xf32, #tpu.memory_space<vmem>>, %arg8: memref<256x128xf32, #tpu.memory_space<vmem>>, %arg9: memref<1x128xf32, #tpu.memory_space<vmem>>, %arg10: memref<400x128xf32, #tpu.memory_space<vmem>>) attributes {dimension_semantics = [#tpu.dimension_semantics<arbitrary>], iteration_bounds = array<i64: 25>, scalar_prefetch = 0 : i64, scratch_operands = 0 : i64, tpu.core_type = #tpu.core_type<tc>, window_params = [{transform_indices = @transform_0, window_bounds = array<i64: 2, 400, 128>}, {transform_indices = @transform_1, window_bounds = array<i64: 400, 1>}, {pipeline_mode = #tpu.pipeline_mode<synchronous>, transform_indices = @transform_2, window_bounds = array<i64: 1, 256>}, {transform_indices = @transform_3, window_bounds = array<i64: 400, 512>}, {pipeline_mode = #tpu.pipeline_mode<synchronous>, transform_indices = @transform_4, window_bounds = array<i64: 512, 256>}, {pipeline_mode = #tpu.pipeline_mode<synchronous>, transform_indices = @transform_5, window_bounds = array<i64: 256, 256>}, {pipeline_mode = #tpu.pipeline_mode<synchronous>, transform_indices = @transform_6, window_bounds = array<i64: 1, 256>}, {pipeline_mode = #tpu.pipeline_mode<synchronous>, transform_indices = @transform_7, window_bounds = array<i64: 256, 128>}, {pipeline_mode = #tpu.pipeline_mode<synchronous>, transform_indices = @transform_8, window_bounds = array<i64: 1, 128>}, {transform_indices = @transform_9, window_bounds = array<i64: 400, 128>}]} {
    %get3A = arith.constant 0 : index
    %get3A_0 = arith.constant 0 : index
    %get3A_1 = vector.load %arg2[%get3A, %get3A_0] : memref<400x1xf32, #tpu.memory_space<vmem>>, vector<400x1xf32>
    %get3A_2 = arith.constant 0 : index
    %get3A_3 = arith.constant 0 : index
    %get3A_4 = arith.constant 0 : index
    %get3A_5 = vector.load %arg1[%get3A_2, %get3A_3, %get3A_4] : memref<2x400x128xf32, #tpu.memory_space<vmem>>, vector<1x400x128xf32>
    %get3A_6 = vector.shape_cast %get3A_5 : vector<1x400x128xf32> to vector<400x128xf32>
    %get3A_7 = arith.constant 1 : index
    %get3A_8 = arith.constant 0 : index
    %get3A_9 = arith.constant 0 : index
    %get3A_10 = vector.load %arg1[%get3A_7, %get3A_8, %get3A_9] : memref<2x400x128xf32, #tpu.memory_space<vmem>>, vector<1x400x128xf32>
    %get3A_11 = vector.shape_cast %get3A_10 : vector<1x400x128xf32> to vector<400x128xf32>
    %concatenate3A = tpu.concatenate %get3A_6, %get3A_11 in 1 : vector<400x128xf32>, vector<400x128xf32> -> vector<400x256xf32>
    %mul3A = vector.broadcast %get3A_1 : vector<400x1xf32> to vector<400x256xf32>
    %mul3A_12 = arith.mulf %concatenate3A, %mul3A : vector<400x256xf32>
    %get3A_13 = arith.constant 0 : index
    %get3A_14 = arith.constant 0 : index
    %get3A_15 = vector.load %arg3[%get3A_13, %get3A_14] : memref<1x256xf32, #tpu.memory_space<vmem>>, vector<1x256xf32>
    %add3A = vector.broadcast %get3A_15 : vector<1x256xf32> to vector<400x256xf32>
    %add3A_16 = arith.addf %mul3A_12, %add3A : vector<400x256xf32>
    %get3A_17 = arith.constant 0 : index
    %get3A_18 = arith.constant 0 : index
    %get3A_19 = vector.load %arg4[%get3A_17, %get3A_18] : memref<400x512xf32, #tpu.memory_space<vmem>>, vector<400x512xf32>
    %get3A_20 = arith.constant 0 : index
    %get3A_21 = arith.constant 0 : index
    %get3A_22 = vector.load %arg5[%get3A_20, %get3A_21] : memref<512x256xf32, #tpu.memory_space<vmem>>, vector<512x256xf32>
    %dot_general3A = arith.constant dense<0.000000e+00> : vector<400x256xf32>
    %dot_general3A_23 = tpu.matmul %get3A_19, %get3A_22, %dot_general3A {dimension_numbers = #tpu.dot_dimension_numbers<[1], [0], [0], [1], [0, 0, 1, 1], [], []>, transpose_lhs_hint = false} : vector<400x512xf32>, vector<512x256xf32>, vector<400x256xf32> -> vector<400x256xf32>
    %get3A_24 = arith.constant 0 : index
    %get3A_25 = arith.constant 0 : index
    %get3A_26 = vector.load %arg6[%get3A_24, %get3A_25] : memref<256x256xf32, #tpu.memory_space<vmem>>, vector<256x256xf32>
    %dot_general3A_27 = arith.constant dense<0.000000e+00> : vector<400x256xf32>
    %dot_general3A_28 = tpu.matmul %add3A_16, %get3A_26, %dot_general3A_27 {dimension_numbers = #tpu.dot_dimension_numbers<[1], [0], [0], [1], [0, 0, 1, 1], [], []>, transpose_lhs_hint = false} : vector<400x256xf32>, vector<256x256xf32>, vector<400x256xf32> -> vector<400x256xf32>
    %add3A_29 = arith.addf %dot_general3A_23, %dot_general3A_28 : vector<400x256xf32>
    %get3A_30 = arith.constant 0 : index
    %get3A_31 = arith.constant 0 : index
    %get3A_32 = vector.load %arg7[%get3A_30, %get3A_31] : memref<1x256xf32, #tpu.memory_space<vmem>>, vector<1x256xf32>
    %add3A_33 = vector.broadcast %get3A_32 : vector<1x256xf32> to vector<400x256xf32>
    %add3A_34 = arith.addf %add3A_29, %add3A_33 : vector<400x256xf32>
    %gt3A = arith.constant 0.000000e+00 : f32
    %gt3A_35 = vector.broadcast %gt3A : f32 to vector<400x256xf32>
    %gt3A_36 = arith.cmpf ogt, %add3A_34, %gt3A_35 : vector<400x256xf32>
    %mul3A_37 = arith.constant 0.00999999977 : f32
    %mul3A_38 = vector.broadcast %mul3A_37 : f32 to vector<400x256xf32>
    %mul3A_39 = arith.mulf %mul3A_38, %add3A_34 : vector<400x256xf32>
    %select_n3A = arith.select %gt3A_36, %add3A_34, %mul3A_39 : vector<400x256xi1>, vector<400x256xf32>
    %get3A_40 = arith.constant 0 : index
    %get3A_41 = arith.constant 0 : index
    %get3A_42 = vector.load %arg8[%get3A_40, %get3A_41] : memref<256x128xf32, #tpu.memory_space<vmem>>, vector<256x128xf32>
    %dot_general3A_43 = arith.constant dense<0.000000e+00> : vector<400x128xf32>
    %dot_general3A_44 = tpu.matmul %select_n3A, %get3A_42, %dot_general3A_43 {dimension_numbers = #tpu.dot_dimension_numbers<[1], [0], [0], [1], [0, 0, 1, 1], [], []>, transpose_lhs_hint = false} : vector<400x256xf32>, vector<256x128xf32>, vector<400x128xf32> -> vector<400x128xf32>
    %get3A_45 = arith.constant 0 : index
    %get3A_46 = arith.constant 0 : index
    %get3A_47 = vector.load %arg9[%get3A_45, %get3A_46] : memref<1x128xf32, #tpu.memory_space<vmem>>, vector<1x128xf32>
    %add3A_48 = vector.broadcast %get3A_47 : vector<1x128xf32> to vector<400x128xf32>
    %add3A_49 = arith.addf %dot_general3A_44, %add3A_48 : vector<400x128xf32>
    %gt3A_50 = arith.constant 0.000000e+00 : f32
    %gt3A_51 = vector.broadcast %gt3A_50 : f32 to vector<400x128xf32>
    %gt3A_52 = arith.cmpf ogt, %add3A_49, %gt3A_51 : vector<400x128xf32>
    %mul3A_53 = arith.constant 0.00999999977 : f32
    %mul3A_54 = vector.broadcast %mul3A_53 : f32 to vector<400x128xf32>
    %mul3A_55 = arith.mulf %mul3A_54, %add3A_49 : vector<400x128xf32>
    %select_n3A_56 = arith.select %gt3A_52, %add3A_49, %mul3A_55 : vector<400x128xi1>, vector<400x128xf32>
    %swap3A = arith.constant 0 : index
    %swap3A_57 = arith.constant 0 : index
    %swap3A_58 = vector.load %arg10[%swap3A, %swap3A_57] : memref<400x128xf32, #tpu.memory_space<vmem>>, vector<400x128xf32>
    tpu.vector_store %arg10[%swap3A, %swap3A_57], %select_n3A_56 {strides = array<i32>} : memref<400x128xf32, #tpu.memory_space<vmem>>, vector<400x128xf32>,
    return
  }
  func.func @transform_0(%arg0: i32) -> (i32, i32, i32) {
    %c0_i32 = arith.constant 0 : i32
    %c0_i32_0 = arith.constant 0 : i32
    %c0_i32_1 = arith.constant 0 : i32
    return %c0_i32, %arg0, %c0_i32_0 : i32, i32, i32
  }
  func.func @transform_1(%arg0: i32) -> (i32, i32) {
    %c0_i32 = arith.constant 0 : i32
    %c0_i32_0 = arith.constant 0 : i32
    return %arg0, %c0_i32 : i32, i32
  }
  func.func @transform_2(%arg0: i32) -> (i32, i32) {
    %c0_i32 = arith.constant 0 : i32
    %c0_i32_0 = arith.constant 0 : i32
    %c0_i32_1 = arith.constant 0 : i32
    return %c0_i32, %c0_i32_0 : i32, i32
  }
  func.func @transform_3(%arg0: i32) -> (i32, i32) {
    %c0_i32 = arith.constant 0 : i32
    %c0_i32_0 = arith.constant 0 : i32
    return %arg0, %c0_i32 : i32, i32
  }
  func.func @transform_4(%arg0: i32) -> (i32, i32) {
    %c0_i32 = arith.constant 0 : i32
    %c0_i32_0 = arith.constant 0 : i32
    %c0_i32_1 = arith.constant 0 : i32
    return %c0_i32, %c0_i32_0 : i32, i32
  }
  func.func @transform_5(%arg0: i32) -> (i32, i32) {
    %c0_i32 = arith.constant 0 : i32
    %c0_i32_0 = arith.constant 0 : i32
    %c0_i32_1 = arith.constant 0 : i32
    return %c0_i32, %c0_i32_0 : i32, i32
  }
  func.func @transform_6(%arg0: i32) -> (i32, i32) {
    %c0_i32 = arith.constant 0 : i32
    %c0_i32_0 = arith.constant 0 : i32
    %c0_i32_1 = arith.constant 0 : i32
    return %c0_i32, %c0_i32_0 : i32, i32
  }
  func.func @transform_7(%arg0: i32) -> (i32, i32) {
    %c0_i32 = arith.constant 0 : i32
    %c0_i32_0 = arith.constant 0 : i32
    %c0_i32_1 = arith.constant 0 : i32
    return %c0_i32, %c0_i32_0 : i32, i32
  }
  func.func @transform_8(%arg0: i32) -> (i32, i32) {
    %c0_i32 = arith.constant 0 : i32
    %c0_i32_0 = arith.constant 0 : i32
    %c0_i32_1 = arith.constant 0 : i32
    return %c0_i32, %c0_i32_0 : i32, i32
  }
  func.func @transform_9(%arg0: i32) -> (i32, i32) {
    %c0_i32 = arith.constant 0 : i32
    %c0_i32_0 = arith.constant 0 : i32
    return %arg0, %c0_i32 : i32, i32
  }
}

module attributes {stable_mosaic.version = 14 : i64} {
  func.func @_dot_body(%arg0: i32, %arg1: memref<512x128xf32, #tpu.memory_space<vmem>>, %arg2: memref<512x128xf32, #tpu.memory_space<vmem>>, %arg3: memref<512x1xf32, #tpu.memory_space<vmem>>) attributes {dimension_semantics = [#tpu.dimension_semantics<arbitrary>], iteration_bounds = array<i64: 40>, scalar_prefetch = 0 : i64, scratch_operands = 0 : i64, tpu.core_type = #tpu.core_type<tc>, window_params = [{transform_indices = @transform_0, window_bounds = array<i64: 512, 128>}, {transform_indices = @transform_1, window_bounds = array<i64: 512, 128>}, {transform_indices = @transform_2, window_bounds = array<i64: 512, 1>}]} {
    %get3A = arith.constant 0 : index
    %get3A_0 = arith.constant 0 : index
    %get3A_1 = vector.load %arg1[%get3A, %get3A_0] : memref<512x128xf32, #tpu.memory_space<vmem>>, vector<512x128xf32>
    %get3A_2 = arith.constant 0 : index
    %get3A_3 = arith.constant 0 : index
    %get3A_4 = vector.load %arg2[%get3A_2, %get3A_3] : memref<512x128xf32, #tpu.memory_space<vmem>>, vector<512x128xf32>
    %mul3A = arith.mulf %get3A_1, %get3A_4 : vector<512x128xf32>
    %reduce_sum3A = arith.constant dense<0.000000e+00> : vector<512xf32>
    %reduce_sum3A_5 = vector.multi_reduction <add>, %mul3A, %reduce_sum3A [1] : vector<512x128xf32> to vector<512xf32>
    %broadcast_in_dim3A = vector.shape_cast %reduce_sum3A_5 : vector<512xf32> to vector<512x1xf32>
    %swap3A = arith.constant 0 : index
    %swap3A_6 = arith.constant 0 : index
    %swap3A_7 = vector.load %arg3[%swap3A, %swap3A_6] : memref<512x1xf32, #tpu.memory_space<vmem>>, vector<512x1xf32>
    tpu.vector_store %arg3[%swap3A, %swap3A_6], %broadcast_in_dim3A {strides = array<i32>} : memref<512x1xf32, #tpu.memory_space<vmem>>, vector<512x1xf32>,
    return
  }
  func.func @transform_0(%arg0: i32) -> (i32, i32) {
    %c0_i32 = arith.constant 0 : i32
    %c0_i32_0 = arith.constant 0 : i32
    return %arg0, %c0_i32 : i32, i32
  }
  func.func @transform_1(%arg0: i32) -> (i32, i32) {
    %c0_i32 = arith.constant 0 : i32
    %c0_i32_0 = arith.constant 0 : i32
    return %arg0, %c0_i32 : i32, i32
  }
  func.func @transform_2(%arg0: i32) -> (i32, i32) {
    %c0_i32 = arith.constant 0 : i32
    %c0_i32_0 = arith.constant 0 : i32
    return %arg0, %c0_i32 : i32, i32
  }
}

</mosaic_0001>

<sc_bundles>
// kernel: kernel.11.cloned.1.call-start
scs
__scs_entry_jumppad:
0x0: {  	(pc) =	sbr.rel $0x88, $3  }
0x1: {  	(tag) =	ssettag $0x0;
	lr =	simm.s32 $0x1  }
0x2: {  	[smem:$0x3F95] =	sst lr;
	_ =	strace $0xD0000000  }
0x3: {  	_ = 	snop  }
0x4: {  	_ = 	snop  }
0x5: {  	_ = 	snop  }
0x6: {  	_ = 	snop  }
0x7: {  	_ = 	snop  }
__scs_overlays_trampoline_lowered:
0x8: {  	[smem:$0x3FA4] =	sst s0  }
0x9: {  	[smem:$0x3FA5] =	sst s1  }
0xa: {  	[smem:$0x3FA6] =	sst s2  }
0xb: {  	[smem:$0x3FA7] =	sst s3  }
0xc: {  	[smem:$0x3FA8] =	sst s4  }
0xd: {  	[smem:$0x3FA9] =	sst s5  }
0xe: {  	[smem:$0x3FAA] =	sst s6  }
0xf: {  	[smem:$0x3FAB] =	sst s7  }
0x10: {  	[smem:$0x3FAC] =	sst s8  }
0x11: {  	[smem:$0x3FAD] =	sst s9;
	s0 =	simm.s32 @!p0 $0x0  }
0x12: {  	s1 =	sld [smem:$0x3F93];
	s0 =	simm.s32 @p0 $0x1  }
0x13: {  	[smem:$0x3FAE] =	sst s0;
	s0 =	simm.s32 @!p1 $0x0  }
0x14: {  	s2 =	sld [smem:$0x3F92];
	s0 =	simm.s32 @p1 $0x1  }
0x15: {  	[smem:$0x3FAF] =	sst s0;
	s0 =	simm.s32 @!p2 $0x0  }
0x16: {  	s3 =	sld [smem:$0x3FDB];
	s0 =	simm.s32 @p2 $0x1  }
0x17: {  	s4 =	simm.s32 $0x1BF5;
	[smem:$0x3FB1] =	sst s0  }
0x18: {  	s0 =	sld [smem:$0x3F94];
	_ =	swait.ge [sflag:s4], $0x0  }
0x19: {  	s7 =	sld [smem:$0x3F95]  }
0x1a: {  	s8 =	sadd.s32 $0xFFFFE003, lr  }
0x1b: {  	s9 =	sadd.s32 $0xFFFFFEF7, lr;
	s5 =	simm.s32 $0xFFFFFFFF;
	p2 =	slt.u32 s8, $0xFFFFF086  }
0x1c: {  	p1 =	slt.u32 s9, $0xF7A;
	s5 =	simm.s32 @!p2 $0x0  }
0x1d: {  	s5 =	simm.s32 @p1 $0x1;
	p0 =	seq.s32 s7, s2  }
0x1e: {  	s7 =	smul.u32 @!p0 $0xF7A, s2;
	p2 =	seq.s32 @!p0 s5, $0x0  }
0x1f: {  	s9 =	smul.u32 $0xF7A, s1;
	s8 =	simm.s32 @!p0 $0x1BF5;
	p2 =	por !p2, p0  }
0x20: {  	[sflag:s8] =	ssyncset.s32 @!p0 $0xFFFFF086;
	s6 =	sadd.s32 @!p0 s3, s7;
	s7 =	simm.s32 @!p0 $0x108  }
0x21: {  	s3 =	sadd.s32 s3, s9;
	s6 =	sadd.s32 @!p0 $0x88, s6;
	s7 =	simm.s32 @p2 $0x1082  }
0x22: {  	[simem:s7], [sflag:s8] =	dma.local @!p0 [hbm:s6], $0xF7A  }
0x23: {  	s9 =	sor.u32 $0xD0000000, s2;
	s6 =	simm.s32 $0x108;
	_ =	swait.ge @!p0 [sflag:s8], $0x0  }
0x24: {  	s3 =	sadd.s32 $0x88, s3;
	s6 =	simm.s32 @!p1 $0x1082;
	[sflag:s4] =	ssyncset.s32 $0xFFFFF086  }
0x25: {  	[simem:s6], [sflag:s4] =	dma.local [hbm:s3], $0xF7A  }
0x26: {  	[smem:$0x3F95] =	sst s1;
	(tag) =	ssettag s2;
	_ =	strace s9  }
0x27: {  	s1 =	sld [smem:$0x3FA5]  }
0x28: {  	s2 =	sld [smem:$0x3FA6]  }
0x29: {  	s4 =	sld [smem:$0x3FA8]  }
0x2a: {  	p0 =	seq.s32 s5, $0x0;
	s5 =	sld [smem:$0x3FA9]  }
0x2b: {  	s6 =	sld [smem:$0x3FAA]  }
0x2c: {  	s7 =	sld [smem:$0x3FAB]  }
0x2d: {  	s3 =	simm.s32 $0x108;
	s8 =	sld [smem:$0x3FAC]  }
0x2e: {  	s3 =	simm.s32 @!p0 $0x1082;
	s9 =	sld [smem:$0x3FAD]  }
0x2f: {  	lr =	sadd.s32 s0, s3;
	s0 =	sld [smem:$0x3FA4]  }
0x30: {  	s3 =	sld [smem:$0x3FA7]  }
0x31: {  	[smem:$0x3FB0] =	sst s10  }
0x32: {  	s10 =	sld [smem:$0x3FAE];
	_ =	sdelay $0x3  }
0x33: {  	p0 =	seq.s32 s10, $0x1;
	s10 =	sld [smem:$0x3FB0];
	_ =	sdelay $0x3  }
0x34: {  	[smem:$0x3FB0] =	sst s10  }
0x35: {  	s10 =	sld [smem:$0x3FAF];
	_ =	sdelay $0x3  }
0x36: {  	p1 =	seq.s32 s10, $0x1;
	s10 =	sld [smem:$0x3FB0];
	_ =	sdelay $0x3  }
0x37: {  	[smem:$0x3FB0] =	sst s10  }
0x38: {  	s10 =	sld [smem:$0x3FB1]  }
0x39: {  	_ = 	snop;
	(pc) =	sbr.ind lr, $3  }
0x3a: {  	_ = 	snop  }
0x3b: {  	_ = 	snop  }
0x3c: {  	p2 =	seq.s32 s10, $0x1;
	s10 =	sld [smem:$0x3FB0]  }
0x3d: {  	_ =	shalt  }
0x3e: {  	_ =	shalt  }
0x3f: {  	_ =	shalt  }
0x40: {  	_ =	shalt  }
0x41: {  	_ =	shalt  }
0x42: {  	_ =	shalt  }
0x43: {  	_ =	shalt  }
0x44: {  	_ =	shalt  }
0x45: {  	_ =	shalt  }
0x46: {  	_ =	shalt  }
0x47: {  	_ =	shalt  }
0x48: {  	_ =	shalt  }
0x49: {  	_ =	shalt  }
0x4a: {  	_ =	shalt  }
0x4b: {  	_ =	shalt  }
0x4c: {  	_ =	shalt  }
0x4d: {  	_ =	shalt  }
0x4e: {  	_ =	shalt  }
0x4f: {  	_ =	shalt  }
0x50: {  	_ =	shalt  }
0x51: {  	_ =	shalt  }
0x52: {  	_ =	shalt  }
0x53: {  	_ =	shalt  }
0x54: {  	_ =	shalt  }
0x55: {  	_ =	shalt  }
0x56: {  	_ =	shalt  }
0x57: {  	_ =	shalt  }
0x58: {  	_ =	shalt  }
0x59: {  	_ =	shalt  }
0x5a: {  	_ =	shalt  }
0x5b: {  	_ =	shalt  }
0x5c: {  	_ =	shalt  }
0x5d: {  	_ =	shalt  }
0x5e: {  	_ =	shalt  }
0x5f: {  	_ =	shalt  }
0x60: {  	_ =	shalt  }
0x61: {  	_ =	shalt  }
0x62: {  	_ =	shalt  }
0x63: {  	_ =	shalt  }
0x64: {  	_ =	shalt  }
0x65: {  	_ =	shalt  }
0x66: {  	_ =	shalt  }
0x67: {  	_ =	shalt  }
0x68: {  	_ =	shalt  }
0x69: {  	_ =	shalt  }
0x6a: {  	_ =	shalt  }
0x6b: {  	_ =	shalt  }
0x6c: {  	_ =	shalt  }
0x6d: {  	_ =	shalt  }
0x6e: {  	_ =	shalt  }
0x6f: {  	_ =	shalt  }
0x70: {  	_ =	shalt  }
0x71: {  	_ =	shalt  }
0x72: {  	_ =	shalt  }
0x73: {  	_ =	shalt  }
0x74: {  	_ =	shalt  }
0x75: {  	_ =	shalt  }
0x76: {  	_ =	shalt  }
0x77: {  	_ =	shalt  }
0x78: {  	_ =	shalt  }
0x79: {  	_ =	shalt  }
0x7a: {  	_ =	shalt  }
0x7b: {  	_ =	shalt  }
0x7c: {  	_ =	shalt  }
0x7d: {  	_ =	shalt  }
0x7e: {  	_ =	shalt  }
0x7f: {  	_ =	shalt  }
0x80: {  	_ =	shalt  }
0x81: {  	_ =	shalt  }
0x82: {  	_ =	shalt  }
0x83: {  	_ =	shalt  }
0x84: {  	_ =	shalt  }
0x85: {  	_ =	shalt  }
0x86: {  	_ =	shalt  }
0x87: {  	_ =	shalt  }
.Lfunc_end0:
.L_simem_size_0:
called_computation_lowered:
.L_overlay_start_0:
0x88: {  	s2 =	sld [smem:$0x3FD9]  }
0x89: {  	s3 =	sld [smem:$0x3FFE];
	_ =	sdelay $0x1  }
0x8a: {  	s1 =	srdreg.scid  }
0x8b: {  	s0 =	sand.u32 $0x1, s1  }
0x8c: {  	s16 =	sshll.u32 s0, $0xA;
	s2 =	sadd.s32 s3, s2  }
0x8d: {  	s2 =	sadd.s32 s2, s16  }
0x8e: {  	[smem:$0x3FBC] =	sst s2  }
0x8f: {  	_ = 	snop  }
0x90: {  	(tm) =	ssettm $0x1  }
0x91: {  	s17 =	sld [smem:$0x3FFB];
	_ =	sdelay $0x3  }
0x92: {  	_ =	strace s17  }
0x93: {  	s2 =	sld [smem:$0x3FFC];
	_ =	sdelay $0x3  }
0x94: {  	_ =	strace s2  }
0x95: {  	s2 =	sld [smem:$0x3FFD];
	_ =	sdelay $0x3  }
0x96: {  	_ =	strace s2  }
0x97: {  	_ =	strace $0x8FFFFFFF  }
0x98: {  	s18 =	sld [smem:$0x3FDB];
	_ =	sdelay $0x1  }
0x99: {  	s19 =	simm.s32 $_scs_section_size  }
0x9a: {  	s4 =	simm.s32 $_size__tile_overlayer_lowered;
	s5 =	simm.s32 $_tile_overlayer_lowered  }
0x9b: {  	s22 =	simm.s32 $0x1BFF;
	s21 =	sshll.u32 s5, $0x1;
	s2 =	sadd.s32 s19, s18  }
0x9c: {  	s6 =	simm.s32 $0x0;
	s20 =	sshll.u32 s4, $0x1;
	s4 =	sadd.s32 s21, s2  }
0x9d: {  	[timem:s6], [sflag:s22] =	dma.local [hbm:s4], s20  }
0x9e: {  	_ =	swait.ge [sflag:s22], s20  }
0x9f: {  	s3 =	ssub.s32 $0x0, s20;
	[sflag:s22] =	ssyncset.done $0x0  }
0xa0: {  	[sflag:s22] =	ssyncadd.s32 s3;
	_ =	sdelay $0x1  }
0xa1: {  	s23 =	simm.s32 $0x1B8B  }
0xa2: {  	_ =	swait.ge [sflag:s23], $0x1  }
0xa3: {  	[sflag:s23] =	ssyncset.done $0x0  }
0xa4: {  	s25 =	simm.s32 $0x1B8E;
	s24 =	sld [smem:$0x3FFE];
	[sflag:s23] =	ssyncadd.s32 $0xFFFFFFFF  }
0xa5: {  	s26 =	simm.s32 $execute0_lowered;
	[smem:$0x3FD2] =	sst s25  }
0xa6: {  	s4 =	sshll.u32 s26, $0x1;
	_ =	strace $0x80000046;
	[dreg:$0x1] =	wrdreg $0xFFFFFFFF  }
0xa7: {  	s28 =	simm.s32 $_size_execute0_lowered;
	s2 =	sadd.s32 s2, s4;
	[dreg:$0x0] =	wrdreg $0x0  }
0xa8: {  	s4 =	sshll.u32 s28, $0x1;
	[dreg:$0x2] =	wrdreg s2  }
0xa9: {  	[dreg:$0x3] =	wrdreg s4  }
0xaa: {  	[dreg:$0x4] =	wrdreg $0xC0  }
0xab: {  	_ =	task [dreg:s6], $0x5FFFF  }
0xac: {  	[dreg:$0x1] =	wrdreg $0xFFFFFFFF  }
0xad: {  	[dreg:$0x0] =	wrdreg $0x60  }
0xae: {  	[dreg:$0x2] =	wrdreg s24  }
0xaf: {  	[dreg:$0x3] =	wrdreg $0x54000  }
0xb0: {  	[dreg:$0x4] =	wrdreg $0x9  }
0xb1: {  	_ =	task.clear_ibuf [dreg:s6], $0x5FFFF;
	_ =	strace $0x90000046  }
0xb2: {  	s29 =	simm.s32 $0x9;
	_ =	strace $0x80000048  }
0xb3: {  	_ =	swait.ge [sflag:s29], $0x1  }
0xb4: {  	[sflag:s29] =	ssyncadd.s32 $0xFFFFFFFF  }
0xb5: {  	_ =	strace $0x90000048  }
0xb6: {  	_ =	sfence  }
0xb7: {  	s30 =	sld [smem:$0x0];
	_ =	sdelay $0x2  }
0xb8: {  	s31 =	sshll.u32 s1, $0xD;
	s1 =	sshrl.u32 s1, $0x2  }
0xb9: {  	s3 =	sand.u32 $0x4000, s31;
	s1 =	sadd.s32 s1, s30  }
0xba: {  	s0 =	sor.u32 s3, s0;
	s1 =	sshll.u32 s1, $0x11  }
0xbb: {  	s0 =	sor.u32 s1, s0  }
0xbc: {  	s0 =	sadd.s32 $0x8F2B, s0  }
0xbd: {  	[sflag:s0] =	ssyncadd.remote.s32 $0x1  }
0xbe: {  	_ =	sfence.sel $0xFFFF  }
0xbf: {  	[dreg:$0x0] =	wrdreg $0xFFFFFFFF;
	(pc) =	sbr.abs _section_cstart, $3  }
0xc0: {  	[dreg:$0x1] =	wrdreg $0xFFFFFFFF  }
0xc1: {  	_ =	task.clear_ibuf [dreg:s6], $0x2FFFF;
	_ =	strace $0x9FFFFFFF  }
0xc2: {  	(tm) =	ssettm $0x7FFFFFFF  }
0xc3: {  	_ =	shalt  }
tec
execute0_lowered:
.L_overlay_start_1:
0x0: {  	(tag) =	ssettag $0x1  }
0x1: {  	s0 =	srdreg.scid;
	s4 =	rddreg [dreg:$0x0]  }
0x2: {  	s9 =	stileid.u32;
	s2 =	rddreg [dreg:$0x1]  }
0x3: {  	s30 =	simm.s32 $0x0;
	s26 =	simm.s32 $0x100;
	s7 =	simm.s32 $0x300  }
0x4: {  	s8 =	simm.s32 $0x380;
	s10 =	simm.s32 $0x400;
	[smem:$0x7FF] =	sst s30  }
0x5: {  	s12 =	simm.s32 $0x480;
	_ =	strace $0x80000047;
	[dreg:$0x5] =	wrdreg s26  }
0x6: {  	s14 =	simm.s32 $0x500;
	s15 =	simm.s32 $0x580;
	[dreg:$0x9] =	wrdreg s7  }
0x7: {  	s17 =	simm.s32 $0x600;
	s19 =	simm.s32 $0x680;
	[dreg:$0xa] =	wrdreg s8  }
0x8: {  	s20 =	simm.s32 $0x700;
	s21 =	simm.s32 $0x780;
	[dreg:$0xb] =	wrdreg s10  }
0x9: {  	s22 =	simm.s32 $0x800;
	s28 =	simm.s32 $0xA80;
	[dreg:$0xc] =	wrdreg s12  }
0xa: {  	s29 =	simm.s32 $0xB00;
	s3 =	smul.u32 $0x1400, s9;
	[dreg:$0xd] =	wrdreg s14  }
0xb: {  	p0 =	por $0x0, $0x0;
	s6 =	smul.u32 $0x13C00, s9;
	[dreg:$0xe] =	wrdreg s15  }
0xc: {  	s0 =	sand.u32 $0x1, s0;
	s13 =	smul.u32 $0x4F000, s9;
	[dreg:$0xf] =	wrdreg s17  }
0xd: {  	s31 =	sadd.s32 $0x8000, s4;
	s1 =	smul.u32 $0x14000, s0;
	[dreg:$0x10] =	wrdreg s19  }
0xe: {  	s23 =	sshll.u32 s9, $0x6;
	s5 =	smul.u32 $0x13C000, s0;
	[dreg:$0x11] =	wrdreg s20  }
0xf: {  	s0 =	ssub.s32 $0x2, s0;
	s7 =	simm.s32 $0x1400;
	[dreg:$0x12] =	wrdreg s21  }
0x10: {  	[dreg:$0x13] =	wrdreg s22;
	s26 =	simm.s32 $0x980;
	s8 =	simm.s32 $0x80  }
0x11: {  	s19 =	simm.s32 $0xC80;
	s20 =	simm.s32 $0xD00;
	s21 =	simm.s32 $0xD80  }
0x12: {  	s22 =	simm.s32 $0xE00;
	s10 =	simm.s32 $0x1000;
	s12 =	simm.s32 $0x1100  }
0x13: {  	s14 =	simm.s32 $0x1200;
	s15 =	simm.s32 $0x1280;
	s17 =	simm.s32 $0x1380  }
0x14: {  	s11 =	sshrl.u32 s0, $0x1;
	s16 =	sshrl.u32 s13, $0x2;
	[dreg:$0x16] =	wrdreg s26  }
0x15: {  	s26 =	simm.s32 $0xA00;
	s13 =	simm.s32 $0x1180;
	s1 =	sadd.s32 s3, s1  }
0x16: {  	s24 =	sadd.s32 s6, s5;
	s5 =	simm.s32 $0x200;
	s6 =	simm.s32 $0x280  }
0x17: {  	s0 =	ssub.s32 s0, s11;
	s18 =	sadd.s32 s16, s2;
	s11 =	simm.s32 $0x1080  }
0x18: {  	s16 =	simm.s32 $0x1300;
	s1 =	sshrl.u32 s1, $0x3;
	[dreg:$0x7] =	wrdreg s5  }
0x19: {  	s3 =	sshrl.u32 s24, $0x3;
	[dreg:$0x8] =	wrdreg s6;
	s0 =	smax.u32 s0, $0x1  }
0x1a: {  	s24 =	simm.s32 $0x880;
	s5 =	sshrl.u32 s18, $0x3;
	s6 =	simm.s32 $0x1  }
0x1b: {  	s18 =	simm.s32 $0xB80;
	s1 =	sadd.s32 s1, s4;
	s3 =	sadd.s32 s3, s4  }
0x1c: {  	[dreg:$0x14] =	wrdreg s24;
	p1 =	sne.s32 s0, $0x1;
	s1 =	sadd.s32 $0x3000, s1  }
.Ltmp0:
0x1d: {  	s25 =	sadd.s32 $0xA800, s3;
	[dreg:$0x3] =	wrdreg s1;
	(pc) =	sbr.rel @!p1 .LBB2_1-.Ltmp0, $4  }
0x1e: {  	s4 =	sor.u32 $0x1C02, s23;
	s3 =	simm.s32 $0x180;
	[dreg:$0x4] =	wrdreg s25  }
0x1f: {  	s23 =	simm.s32 $0xE80;
	[dreg:$0x6] =	wrdreg s3;
	s25 =	simm.s32 $0x900  }
0x20: {  	s24 =	simm.s32 $0xF00;
	s3 =	simm.s32 $0x2;
	[dreg:$0x15] =	wrdreg s25  }
0x21: {  	s1 =	sadd.s32 $0xFFFFFFFF, s0;
	s25 =	simm.s32 $0xF80;
	s0 =	rddreg [dreg:$0x3]  }
0x22: {  	[tilespmem:s30], [sflag:$0x2] =	stream.linear.gather [hbm4b:s0+s30], $0x1400, $0x38;
	[tilespmem:$0x19000] =	vst v63  }
0x23: {  	_ =	swait.ge [sflag:s3], $0x1400  }
0x24: {  	[sflag:s3] =	ssyncset.done $0x0  }
0x25: {  	[sflag:s3] =	ssyncadd.s32 $0xFFFFEC00  }
0x26: {  	[tilespmem:s7], [sflag:$0x2] =	stream.linear.gather [hbm4b:s31+s30], $0x4000, $0x38;
	[tilespmem:$0x19000] =	vst v63  }
0x27: {  	_ =	swait.ge [sflag:s3], $0x4000  }
0x28: {  	[sflag:s3] =	ssyncset.done $0x0  }
0x29: {  	[sflag:s3] =	ssyncadd.s32 $0xFFFFC000  }
0x2a: {  	[spmem:s5], [sflag:s4] =	dma.local [hbm:s31], $0x2780  }
0x2b: {  	_ =	swait.ge [sflag:s3], $0x2780  }
0x2c: {  	[sflag:s3] =	ssyncset.done $0x0  }
0x2d: {  	[sflag:s3] =	ssyncadd.s32 $0xFFFFD880  }
0x2e: {  	[bflag:$0x0] =	sbarrier.arrive $0xFFFF  }
0x2f: {  	[spmem:s2] =	stream.indirect.scatter.add.f32 [tilespmem:s7], [sflag:$0x1], $0x80, s30, s8, $0xb8;
	[tilespmem:$0x19000] =	vst v63  }
0x30: {  	_ = 	snop  }
0x31: {  	[spmem:s2] =	stream.indirect.scatter.add.f32 [tilespmem:s7], [sflag:$0x1], $0x80, s8, s8, $0xb8;
	[tilespmem:$0x19000] =	vst v63  }
0x32: {  	s0 =	rddreg [dreg:$0x5]  }
0x33: {  	[spmem:s2] =	stream.indirect.scatter.add.f32 [tilespmem:s7], [sflag:$0x1], $0x80, s0, s8, $0xb8;
	[tilespmem:$0x19000] =	vst v63  }
0x34: {  	s9 =	smov.u32 s1;
	s1 =	rddreg [dreg:$0x6]  }
0x35: {  	[spmem:s2] =	stream.indirect.scatter.add.f32 [tilespmem:s7], [sflag:$0x1], $0x80, s1, s8, $0xb8;
	[tilespmem:$0x19000] =	vst v63  }
0x36: {  	s0 =	rddreg [dreg:$0x7]  }
0x37: {  	[spmem:s2] =	stream.indirect.scatter.add.f32 [tilespmem:s7], [sflag:$0x1], $0x80, s0, s8, $0xb8;
	[tilespmem:$0x19000] =	vst v63  }
0x38: {  	s1 =	rddreg [dreg:$0x8]  }
0x39: {  	[spmem:s2] =	stream.indirect.scatter.add.f32 [tilespmem:s7], [sflag:$0x1], $0x80, s1, s8, $0xb8;
	[tilespmem:$0x19000] =	vst v63  }
0x3a: {  	s0 =	rddreg [dreg:$0x9]  }
0x3b: {  	[spmem:s2] =	stream.indirect.scatter.add.f32 [tilespmem:s7], [sflag:$0x1], $0x80, s0, s8, $0xb8;
	[tilespmem:$0x19000] =	vst v63  }
0x3c: {  	s1 =	rddreg [dreg:$0xa]  }
0x3d: {  	[spmem:s2] =	stream.indirect.scatter.add.f32 [tilespmem:s7], [sflag:$0x1], $0x80, s1, s8, $0xb8;
	[tilespmem:$0x19000] =	vst v63  }
0x3e: {  	_ =	swait.ge [sflag:s6], $0x4000  }
0x3f: {  	[sflag:s6] =	ssyncset.done $0x0  }
0x40: {  	[sflag:s6] =	ssyncadd.s32 $0xFFFFC000  }
0x41: {  	_ =	swait.ge [sflag:s6], $0x4000  }
0x42: {  	[sflag:s6] =	ssyncset.done $0x0  }
0x43: {  	[sflag:s6] =	ssyncadd.s32 $0xFFFFC000  }
0x44: {  	_ =	swait.ge [sflag:s6], $0x4000  }
0x45: {  	[sflag:s6] =	ssyncset.done $0x0  }
0x46: {  	[sflag:s6] =	ssyncadd.s32 $0xFFFFC000  }
0x47: {  	_ =	swait.ge [sflag:s6], $0x4000  }
0x48: {  	[sflag:s6] =	ssyncset.done $0x0  }
0x49: {  	[sflag:s6] =	ssyncadd.s32 $0xFFFFC000  }
0x4a: {  	_ =	swait.ge [sflag:s6], $0x4000  }
0x4b: {  	[sflag:s6] =	ssyncset.done $0x0  }
0x4c: {  	[sflag:s6] =	ssyncadd.s32 $0xFFFFC000  }
0x4d: {  	_ =	swait.ge [sflag:s6], $0x4000  }
0x4e: {  	[sflag:s6] =	ssyncset.done $0x0  }
0x4f: {  	[sflag:s6] =	ssyncadd.s32 $0xFFFFC000  }
0x50: {  	_ =	swait.ge [sflag:s6], $0x4000  }
0x51: {  	[sflag:s6] =	ssyncset.done $0x0  }
0x52: {  	[sflag:s6] =	ssyncadd.s32 $0xFFFFC000  }
0x53: {  	_ =	swait.ge [sflag:s6], $0x4000  }
0x54: {  	[sflag:s6] =	ssyncset.done $0x0  }
0x55: {  	s0 =	rddreg [dreg:$0xb];
	[sflag:s6] =	ssyncadd.s32 $0xFFFFC000  }
0x56: {  	[spmem:s2] =	stream.indirect.scatter.add.f32 [tilespmem:s7], [sflag:$0x1], $0x80, s0, s8, $0xb8;
	[tilespmem:$0x19000] =	vst v63  }
0x57: {  	s1 =	rddreg [dreg:$0xc]  }
0x58: {  	[spmem:s2] =	stream.indirect.scatter.add.f32 [tilespmem:s7], [sflag:$0x1], $0x80, s1, s8, $0xb8;
	[tilespmem:$0x19000] =	vst v63  }
0x59: {  	s0 =	rddreg [dreg:$0xd]  }
0x5a: {  	[spmem:s2] =	stream.indirect.scatter.add.f32 [tilespmem:s7], [sflag:$0x1], $0x80, s0, s8, $0xb8;
	[tilespmem:$0x19000] =	vst v63  }
0x5b: {  	s1 =	rddreg [dreg:$0xe]  }
0x5c: {  	[spmem:s2] =	stream.indirect.scatter.add.f32 [tilespmem:s7], [sflag:$0x1], $0x80, s1, s8, $0xb8;
	[tilespmem:$0x19000] =	vst v63  }
0x5d: {  	s0 =	rddreg [dreg:$0xf]  }
0x5e: {  	[spmem:s2] =	stream.indirect.scatter.add.f32 [tilespmem:s7], [sflag:$0x1], $0x80, s0, s8, $0xb8;
	[tilespmem:$0x19000] =	vst v63  }
0x5f: {  	s1 =	rddreg [dreg:$0x10]  }
0x60: {  	[spmem:s2] =	stream.indirect.scatter.add.f32 [tilespmem:s7], [sflag:$0x1], $0x80, s1, s8, $0xb8;
	[tilespmem:$0x19000] =	vst v63  }
0x61: {  	s0 =	rddreg [dreg:$0x11]  }
0x62: {  	[spmem:s2] =	stream.indirect.scatter.add.f32 [tilespmem:s7], [sflag:$0x1], $0x80, s0, s8, $0xb8;
	[tilespmem:$0x19000] =	vst v63  }
0x63: {  	s1 =	rddreg [dreg:$0x12]  }
0x64: {  	[spmem:s2] =	stream.indirect.scatter.add.f32 [tilespmem:s7], [sflag:$0x1], $0x80, s1, s8, $0xb8;
	[tilespmem:$0x19000] =	vst v63  }
0x65: {  	_ =	swait.ge [sflag:s6], $0x4000  }
0x66: {  	[sflag:s6] =	ssyncset.done $0x0  }
0x67: {  	[sflag:s6] =	ssyncadd.s32 $0xFFFFC000  }
0x68: {  	_ =	swait.ge [sflag:s6], $0x4000  }
0x69: {  	[sflag:s6] =	ssyncset.done $0x0  }
0x6a: {  	[sflag:s6] =	ssyncadd.s32 $0xFFFFC000  }
0x6b: {  	_ =	swait.ge [sflag:s6], $0x4000  }
0x6c: {  	[sflag:s6] =	ssyncset.done $0x0  }
0x6d: {  	[sflag:s6] =	ssyncadd.s32 $0xFFFFC000  }
0x6e: {  	_ =	swait.ge [sflag:s6], $0x4000  }
0x6f: {  	[sflag:s6] =	ssyncset.done $0x0  }
0x70: {  	[sflag:s6] =	ssyncadd.s32 $0xFFFFC000  }
0x71: {  	_ =	swait.ge [sflag:s6], $0x4000  }
0x72: {  	[sflag:s6] =	ssyncset.done $0x0  }
0x73: {  	[sflag:s6] =	ssyncadd.s32 $0xFFFFC000  }
0x74: {  	_ =	swait.ge [sflag:s6], $0x4000  }
0x75: {  	[sflag:s6] =	ssyncset.done $0x0  }
0x76: {  	[sflag:s6] =	ssyncadd.s32 $0xFFFFC000  }
0x77: {  	_ =	swait.ge [sflag:s6], $0x4000  }
0x78: {  	[sflag:s6] =	ssyncset.done $0x0  }
0x79: {  	[sflag:s6] =	ssyncadd.s32 $0xFFFFC000  }
0x7a: {  	_ =	swait.ge [sflag:s6], $0x4000  }
0x7b: {  	[sflag:s6] =	ssyncset.done $0x0  }
0x7c: {  	s0 =	rddreg [dreg:$0x13];
	[sflag:s6] =	ssyncadd.s32 $0xFFFFC000  }
0x7d: {  	[spmem:s2] =	stream.indirect.scatter.add.f32 [tilespmem:s7], [sflag:$0x1], $0x80, s0, s8, $0xb8;
	[tilespmem:$0x19000] =	vst v63  }
0x7e: {  	s1 =	rddreg [dreg:$0x14]  }
0x7f: {  	[spmem:s2] =	stream.indirect.scatter.add.f32 [tilespmem:s7], [sflag:$0x1], $0x80, s1, s8, $0xb8;
	[tilespmem:$0x19000] =	vst v63  }
0x80: {  	s0 =	rddreg [dreg:$0x15]  }
0x81: {  	[spmem:s2] =	stream.indirect.scatter.add.f32 [tilespmem:s7], [sflag:$0x1], $0x80, s0, s8, $0xb8;
	[tilespmem:$0x19000] =	vst v63  }
0x82: {  	s1 =	rddreg [dreg:$0x16]  }
0x83: {  	[spmem:s2] =	stream.indirect.scatter.add.f32 [tilespmem:s7], [sflag:$0x1], $0x80, s1, s8, $0xb8;
	[tilespmem:$0x19000] =	vst v63  }
0x84: {  	_ = 	snop  }
0x85: {  	[spmem:s2] =	stream.indirect.scatter.add.f32 [tilespmem:s7], [sflag:$0x1], $0x80, s26, s8, $0xb8;
	[tilespmem:$0x19000] =	vst v63  }
0x86: {  	_ = 	snop  }
0x87: {  	[spmem:s2] =	stream.indirect.scatter.add.f32 [tilespmem:s7], [sflag:$0x1], $0x80, s28, s8, $0xb8;
	[tilespmem:$0x19000] =	vst v63  }
0x88: {  	_ = 	snop  }
0x89: {  	[spmem:s2] =	stream.indirect.scatter.add.f32 [tilespmem:s7], [sflag:$0x1], $0x80, s29, s8, $0xb8;
	[tilespmem:$0x19000] =	vst v63  }
0x8a: {  	_ = 	snop  }
0x8b: {  	[spmem:s2] =	stream.indirect.scatter.add.f32 [tilespmem:s7], [sflag:$0x1], $0x80, s18, s8, $0xb8;
	[tilespmem:$0x19000] =	vst v63  }
0x8c: {  	_ =	swait.ge [sflag:s6], $0x4000  }
0x8d: {  	[sflag:s6] =	ssyncset.done $0x0  }
0x8e: {  	[sflag:s6] =	ssyncadd.s32 $0xFFFFC000  }
0x8f: {  	_ =	swait.ge [sflag:s6], $0x4000  }
0x90: {  	[sflag:s6] =	ssyncset.done $0x0  }
0x91: {  	[sflag:s6] =	ssyncadd.s32 $0xFFFFC000  }
0x92: {  	_ =	swait.ge [sflag:s6], $0x4000  }
0x93: {  	[sflag:s6] =	ssyncset.done $0x0  }
0x94: {  	[sflag:s6] =	ssyncadd.s32 $0xFFFFC000  }
0x95: {  	_ =	swait.ge [sflag:s6], $0x4000  }
0x96: {  	[sflag:s6] =	ssyncset.done $0x0  }
0x97: {  	[sflag:s6] =	ssyncadd.s32 $0xFFFFC000  }
0x98: {  	_ =	swait.ge [sflag:s6], $0x4000  }
0x99: {  	[sflag:s6] =	ssyncset.done $0x0  }
0x9a: {  	[sflag:s6] =	ssyncadd.s32 $0xFFFFC000  }
0x9b: {  	_ =	swait.ge [sflag:s6], $0x4000  }
0x9c: {  	[sflag:s6] =	ssyncset.done $0x0  }
0x9d: {  	[sflag:s6] =	ssyncadd.s32 $0xFFFFC000  }
0x9e: {  	_ =	swait.ge [sflag:s6], $0x4000  }
0x9f: {  	[sflag:s6] =	ssyncset.done $0x0  }
0xa0: {  	[sflag:s6] =	ssyncadd.s32 $0xFFFFC000  }
0xa1: {  	_ =	swait.ge [sflag:s6], $0x4000  }
0xa2: {  	[sflag:s6] =	ssyncset.done $0x0  }
0xa3: {  	s1 =	simm.s32 $0xC00;
	[sflag:s6] =	ssyncadd.s32 $0xFFFFC000  }
0xa4: {  	[spmem:s2] =	stream.indirect.scatter.add.f32 [tilespmem:s7], [sflag:$0x1], $0x80, s1, s8, $0xb8;
	[tilespmem:$0x19000] =	vst v63  }
0xa5: {  	_ = 	snop  }
0xa6: {  	[spmem:s2] =	stream.indirect.scatter.add.f32 [tilespmem:s7], [sflag:$0x1], $0x80, s19, s8, $0xb8;
	[tilespmem:$0x19000] =	vst v63  }
0xa7: {  	_ = 	snop  }
0xa8: {  	[spmem:s2] =	stream.indirect.scatter.add.f32 [tilespmem:s7], [sflag:$0x1], $0x80, s20, s8, $0xb8;
	[tilespmem:$0x19000] =	vst v63  }
0xa9: {  	_ = 	snop  }
0xaa: {  	[spmem:s2] =	stream.indirect.scatter.add.f32 [tilespmem:s7], [sflag:$0x1], $0x80, s21, s8, $0xb8;
	[tilespmem:$0x19000] =	vst v63  }
0xab: {  	_ = 	snop  }
0xac: {  	[spmem:s2] =	stream.indirect.scatter.add.f32 [tilespmem:s7], [sflag:$0x1], $0x80, s22, s8, $0xb8;
	[tilespmem:$0x19000] =	vst v63  }
0xad: {  	_ = 	snop  }
0xae: {  	[spmem:s2] =	stream.indirect.scatter.add.f32 [tilespmem:s7], [sflag:$0x1], $0x80, s23, s8, $0xb8;
	[tilespmem:$0x19000] =	vst v63  }
0xaf: {  	_ = 	snop  }
0xb0: {  	[spmem:s2] =	stream.indirect.scatter.add.f32 [tilespmem:s7], [sflag:$0x1], $0x80, s24, s8, $0xb8;
	[tilespmem:$0x19000] =	vst v63  }
0xb1: {  	_ = 	snop  }
0xb2: {  	[spmem:s2] =	stream.indirect.scatter.add.f32 [tilespmem:s7], [sflag:$0x1], $0x80, s25, s8, $0xb8;
	[tilespmem:$0x19000] =	vst v63  }
0xb3: {  	_ =	swait.ge [sflag:s6], $0x4000  }
0xb4: {  	[sflag:s6] =	ssyncset.done $0x0  }
0xb5: {  	[sflag:s6] =	ssyncadd.s32 $0xFFFFC000  }
0xb6: {  	_ =	swait.ge [sflag:s6], $0x4000  }
0xb7: {  	[sflag:s6] =	ssyncset.done $0x0  }
0xb8: {  	[sflag:s6] =	ssyncadd.s32 $0xFFFFC000  }
0xb9: {  	_ =	swait.ge [sflag:s6], $0x4000  }
0xba: {  	[sflag:s6] =	ssyncset.done $0x0  }
0xbb: {  	[sflag:s6] =	ssyncadd.s32 $0xFFFFC000  }
0xbc: {  	_ =	swait.ge [sflag:s6], $0x4000  }
0xbd: {  	[sflag:s6] =	ssyncset.done $0x0  }
0xbe: {  	[sflag:s6] =	ssyncadd.s32 $0xFFFFC000  }
0xbf: {  	_ =	swait.ge [sflag:s6], $0x4000  }
0xc0: {  	[sflag:s6] =	ssyncset.done $0x0  }
0xc1: {  	[sflag:s6] =	ssyncadd.s32 $0xFFFFC000  }
0xc2: {  	_ =	swait.ge [sflag:s6], $0x4000  }
0xc3: {  	[sflag:s6] =	ssyncset.done $0x0  }
0xc4: {  	[sflag:s6] =	ssyncadd.s32 $0xFFFFC000  }
0xc5: {  	_ =	swait.ge [sflag:s6], $0x4000  }
0xc6: {  	[sflag:s6] =	ssyncset.done $0x0  }
0xc7: {  	[sflag:s6] =	ssyncadd.s32 $0xFFFFC000  }
0xc8: {  	_ =	swait.ge [sflag:s6], $0x4000  }
0xc9: {  	[sflag:s6] =	ssyncset.done $0x0  }
0xca: {  	[sflag:s6] =	ssyncadd.s32 $0xFFFFC000  }
0xcb: {  	[spmem:s2] =	stream.indirect.scatter.add.f32 [tilespmem:s7], [sflag:$0x1], $0x80, s10, s8, $0xb8;
	[tilespmem:$0x19000] =	vst v63  }
0xcc: {  	_ = 	snop  }
0xcd: {  	[spmem:s2] =	stream.indirect.scatter.add.f32 [tilespmem:s7], [sflag:$0x1], $0x80, s11, s8, $0xb8;
	[tilespmem:$0x19000] =	vst v63  }
0xce: {  	_ = 	snop  }
0xcf: {  	[spmem:s2] =	stream.indirect.scatter.add.f32 [tilespmem:s7], [sflag:$0x1], $0x80, s12, s8, $0xb8;
	[tilespmem:$0x19000] =	vst v63  }
0xd0: {  	_ = 	snop  }
0xd1: {  	[spmem:s2] =	stream.indirect.scatter.add.f32 [tilespmem:s7], [sflag:$0x1], $0x80, s13, s8, $0xb8;
	[tilespmem:$0x19000] =	vst v63  }
0xd2: {  	_ = 	snop  }
0xd3: {  	[spmem:s2] =	stream.indirect.scatter.add.f32 [tilespmem:s7], [sflag:$0x1], $0x80, s14, s8, $0xb8;
	[tilespmem:$0x19000] =	vst v63  }
0xd4: {  	_ = 	snop  }
0xd5: {  	[spmem:s2] =	stream.indirect.scatter.add.f32 [tilespmem:s7], [sflag:$0x1], $0x80, s15, s8, $0xb8;
	[tilespmem:$0x19000] =	vst v63  }
0xd6: {  	_ = 	snop  }
0xd7: {  	[spmem:s2] =	stream.indirect.scatter.add.f32 [tilespmem:s7], [sflag:$0x1], $0x80, s16, s8, $0xb8;
	[tilespmem:$0x19000] =	vst v63  }
0xd8: {  	_ = 	snop  }
0xd9: {  	[spmem:s2] =	stream.indirect.scatter.add.f32 [tilespmem:s7], [sflag:$0x1], $0x80, s17, s8, $0xb8;
	[tilespmem:$0x19000] =	vst v63  }
0xda: {  	_ =	swait.ge [sflag:s6], $0x4000  }
0xdb: {  	[sflag:s6] =	ssyncset.done $0x0  }
0xdc: {  	[sflag:s6] =	ssyncadd.s32 $0xFFFFC000  }
0xdd: {  	_ =	swait.ge [sflag:s6], $0x4000  }
0xde: {  	[sflag:s6] =	ssyncset.done $0x0  }
0xdf: {  	[sflag:s6] =	ssyncadd.s32 $0xFFFFC000  }
0xe0: {  	_ =	swait.ge [sflag:s6], $0x4000  }
0xe1: {  	[sflag:s6] =	ssyncset.done $0x0  }
0xe2: {  	[sflag:s6] =	ssyncadd.s32 $0xFFFFC000  }
0xe3: {  	_ =	swait.ge [sflag:s6], $0x4000  }
0xe4: {  	[sflag:s6] =	ssyncset.done $0x0  }
0xe5: {  	[sflag:s6] =	ssyncadd.s32 $0xFFFFC000  }
0xe6: {  	_ =	swait.ge [sflag:s6], $0x4000  }
0xe7: {  	[sflag:s6] =	ssyncset.done $0x0  }
0xe8: {  	[sflag:s6] =	ssyncadd.s32 $0xFFFFC000  }
0xe9: {  	_ =	swait.ge [sflag:s6], $0x4000  }
0xea: {  	[sflag:s6] =	ssyncset.done $0x0  }
0xeb: {  	[sflag:s6] =	ssyncadd.s32 $0xFFFFC000  }
0xec: {  	_ =	swait.ge [sflag:s6], $0x4000  }
0xed: {  	[sflag:s6] =	ssyncset.done $0x0  }
0xee: {  	[sflag:s6] =	ssyncadd.s32 $0xFFFFC000  }
0xef: {  	_ =	swait.ge [sflag:s6], $0x4000  }
0xf0: {  	[sflag:s6] =	ssyncset.done $0x0  }
0xf1: {  	p1 =	sne.s32 s9, $0x1;
	[sflag:s6] =	ssyncadd.s32 $0xFFFFC000  }
.Ltmp1:
0xf2: {  	[bflag:$0x0] =	sbarrier.arrive $0xFFFF;
	(pc) =	sbr.rel @!p1 .LBB2_3-.Ltmp1, $4  }
0xf3: {  	s1 =	rddreg [dreg:$0x4]  }
0xf4: {  	[hbm:s1], [sflag:s4] =	dma.local [spmem:s5], $0x2780  }
0xf5: {  	p0 =	por $0x1, $0x1;
	_ =	swait.ge [sflag:s3], $0x2780  }
0xf6: {  	s1 =	sadd.s32 $0xFFFFFFFF, s9;
	s0 =	rddreg [dreg:$0x3];
	[sflag:s3] =	ssyncset.done $0x0  }
.LBB2_4:
0xf7: {  	[sflag:s3] =	ssyncadd.s32 $0xFFFFD880  }
0xf8: {  	[tilespmem:s30], [sflag:$0x2] =	stream.linear.gather [hbm4b:s0+s30], $0x1400, $0x38;
	[tilespmem:$0x19000] =	vst v63  }
0xf9: {  	_ =	swait.ge [sflag:s3], $0x1400  }
0xfa: {  	[sflag:s3] =	ssyncset.done $0x0  }
0xfb: {  	[sflag:s3] =	ssyncadd.s32 $0xFFFFEC00  }
0xfc: {  	[tilespmem:s7], [sflag:$0x2] =	stream.linear.gather [hbm4b:s31+s30], $0x4000, $0x38;
	[tilespmem:$0x19000] =	vst v63  }
0xfd: {  	_ =	swait.ge [sflag:s3], $0x4000  }
0xfe: {  	[sflag:s3] =	ssyncset.done $0x0  }
0xff: {  	[sflag:s3] =	ssyncadd.s32 $0xFFFFC000  }
0x100: {  	[spmem:s5], [sflag:s4] =	dma.local [hbm:s31], $0x2780  }
0x101: {  	_ =	swait.ge [sflag:s3], $0x2780  }
0x102: {  	[sflag:s3] =	ssyncset.done $0x0  }
0x103: {  	[sflag:s3] =	ssyncadd.s32 $0xFFFFD880  }
0x104: {  	[bflag:$0x0] =	sbarrier.arrive $0xFFFF  }
0x105: {  	[spmem:s2] =	stream.indirect.scatter.add.f32 [tilespmem:s7], [sflag:$0x1], $0x80, s30, s8, $0xb8;
	[tilespmem:$0x19000] =	vst v63  }
0x106: {  	_ = 	snop  }
0x107: {  	[spmem:s2] =	stream.indirect.scatter.add.f32 [tilespmem:s7], [sflag:$0x1], $0x80, s8, s8, $0xb8;
	[tilespmem:$0x19000] =	vst v63  }
0x108: {  	s0 =	rddreg [dreg:$0x5]  }
0x109: {  	[spmem:s2] =	stream.indirect.scatter.add.f32 [tilespmem:s7], [sflag:$0x1], $0x80, s0, s8, $0xb8;
	[tilespmem:$0x19000] =	vst v63  }
0x10a: {  	s9 =	rddreg [dreg:$0x6]  }
0x10b: {  	[spmem:s2] =	stream.indirect.scatter.add.f32 [tilespmem:s7], [sflag:$0x1], $0x80, s9, s8, $0xb8;
	[tilespmem:$0x19000] =	vst v63  }
0x10c: {  	s0 =	rddreg [dreg:$0x7]  }
0x10d: {  	[spmem:s2] =	stream.indirect.scatter.add.f32 [tilespmem:s7], [sflag:$0x1], $0x80, s0, s8, $0xb8;
	[tilespmem:$0x19000] =	vst v63  }
0x10e: {  	s9 =	rddreg [dreg:$0x8]  }
0x10f: {  	[spmem:s2] =	stream.indirect.scatter.add.f32 [tilespmem:s7], [sflag:$0x1], $0x80, s9, s8, $0xb8;
	[tilespmem:$0x19000] =	vst v63  }
0x110: {  	s0 =	rddreg [dreg:$0x9]  }
0x111: {  	[spmem:s2] =	stream.indirect.scatter.add.f32 [tilespmem:s7], [sflag:$0x1], $0x80, s0, s8, $0xb8;
	[tilespmem:$0x19000] =	vst v63  }
0x112: {  	s9 =	rddreg [dreg:$0xa]  }
0x113: {  	[spmem:s2] =	stream.indirect.scatter.add.f32 [tilespmem:s7], [sflag:$0x1], $0x80, s9, s8, $0xb8;
	[tilespmem:$0x19000] =	vst v63  }
0x114: {  	_ =	swait.ge [sflag:s6], $0x4000  }
0x115: {  	[sflag:s6] =	ssyncset.done $0x0  }
0x116: {  	[sflag:s6] =	ssyncadd.s32 $0xFFFFC000  }
0x117: {  	_ =	swait.ge [sflag:s6], $0x4000  }
0x118: {  	[sflag:s6] =	ssyncset.done $0x0  }
0x119: {  	[sflag:s6] =	ssyncadd.s32 $0xFFFFC000  }
0x11a: {  	_ =	swait.ge [sflag:s6], $0x4000  }
0x11b: {  	[sflag:s6] =	ssyncset.done $0x0  }
0x11c: {  	[sflag:s6] =	ssyncadd.s32 $0xFFFFC000  }
0x11d: {  	_ =	swait.ge [sflag:s6], $0x4000  }
0x11e: {  	[sflag:s6] =	ssyncset.done $0x0  }
0x11f: {  	[sflag:s6] =	ssyncadd.s32 $0xFFFFC000  }
0x120: {  	_ =	swait.ge [sflag:s6], $0x4000  }
0x121: {  	[sflag:s6] =	ssyncset.done $0x0  }
0x122: {  	[sflag:s6] =	ssyncadd.s32 $0xFFFFC000  }
0x123: {  	_ =	swait.ge [sflag:s6], $0x4000  }
0x124: {  	[sflag:s6] =	ssyncset.done $0x0  }
0x125: {  	[sflag:s6] =	ssyncadd.s32 $0xFFFFC000  }
0x126: {  	_ =	swait.ge [sflag:s6], $0x4000  }
0x127: {  	[sflag:s6] =	ssyncset.done $0x0  }
0x128: {  	[sflag:s6] =	ssyncadd.s32 $0xFFFFC000  }
0x129: {  	_ =	swait.ge [sflag:s6], $0x4000  }
0x12a: {  	[sflag:s6] =	ssyncset.done $0x0  }
0x12b: {  	s0 =	rddreg [dreg:$0xb];
	[sflag:s6] =	ssyncadd.s32 $0xFFFFC000  }
0x12c: {  	[spmem:s2] =	stream.indirect.scatter.add.f32 [tilespmem:s7], [sflag:$0x1], $0x80, s0, s8, $0xb8;
	[tilespmem:$0x19000] =	vst v63  }
0x12d: {  	s9 =	rddreg [dreg:$0xc]  }
0x12e: {  	[spmem:s2] =	stream.indirect.scatter.add.f32 [tilespmem:s7], [sflag:$0x1], $0x80, s9, s8, $0xb8;
	[tilespmem:$0x19000] =	vst v63  }
0x12f: {  	s0 =	rddreg [dreg:$0xd]  }
0x130: {  	[spmem:s2] =	stream.indirect.scatter.add.f32 [tilespmem:s7], [sflag:$0x1], $0x80, s0, s8, $0xb8;
	[tilespmem:$0x19000] =	vst v63  }
0x131: {  	s9 =	rddreg [dreg:$0xe]  }
0x132: {  	[spmem:s2] =	stream.indirect.scatter.add.f32 [tilespmem:s7], [sflag:$0x1], $0x80, s9, s8, $0xb8;
	[tilespmem:$0x19000] =	vst v63  }
0x133: {  	s0 =	rddreg [dreg:$0xf]  }
0x134: {  	[spmem:s2] =	stream.indirect.scatter.add.f32 [tilespmem:s7], [sflag:$0x1], $0x80, s0, s8, $0xb8;
	[tilespmem:$0x19000] =	vst v63  }
0x135: {  	s9 =	rddreg [dreg:$0x10]  }
0x136: {  	[spmem:s2] =	stream.indirect.scatter.add.f32 [tilespmem:s7], [sflag:$0x1], $0x80, s9, s8, $0xb8;
	[tilespmem:$0x19000] =	vst v63  }
0x137: {  	s0 =	rddreg [dreg:$0x11]  }
0x138: {  	[spmem:s2] =	stream.indirect.scatter.add.f32 [tilespmem:s7], [sflag:$0x1], $0x80, s0, s8, $0xb8;
	[tilespmem:$0x19000] =	vst v63  }
0x139: {  	s9 =	rddreg [dreg:$0x12]  }
0x13a: {  	[spmem:s2] =	stream.indirect.scatter.add.f32 [tilespmem:s7], [sflag:$0x1], $0x80, s9, s8, $0xb8;
	[tilespmem:$0x19000] =	vst v63  }
0x13b: {  	_ =	swait.ge [sflag:s6], $0x4000  }
0x13c: {  	[sflag:s6] =	ssyncset.done $0x0  }
0x13d: {  	[sflag:s6] =	ssyncadd.s32 $0xFFFFC000  }
0x13e: {  	_ =	swait.ge [sflag:s6], $0x4000  }
0x13f: {  	[sflag:s6] =	ssyncset.done $0x0  }
0x140: {  	[sflag:s6] =	ssyncadd.s32 $0xFFFFC000  }
0x141: {  	_ =	swait.ge [sflag:s6], $0x4000  }
0x142: {  	[sflag:s6] =	ssyncset.done $0x0  }
0x143: {  	[sflag:s6] =	ssyncadd.s32 $0xFFFFC000  }
0x144: {  	_ =	swait.ge [sflag:s6], $0x4000  }
0x145: {  	[sflag:s6] =	ssyncset.done $0x0  }
0x146: {  	[sflag:s6] =	ssyncadd.s32 $0xFFFFC000  }
0x147: {  	_ =	swait.ge [sflag:s6], $0x4000  }
0x148: {  	[sflag:s6] =	ssyncset.done $0x0  }
0x149: {  	[sflag:s6] =	ssyncadd.s32 $0xFFFFC000  }
0x14a: {  	_ =	swait.ge [sflag:s6], $0x4000  }
0x14b: {  	[sflag:s6] =	ssyncset.done $0x0  }
0x14c: {  	[sflag:s6] =	ssyncadd.s32 $0xFFFFC000  }
0x14d: {  	_ =	swait.ge [sflag:s6], $0x4000  }
0x14e: {  	[sflag:s6] =	ssyncset.done $0x0  }
0x14f: {  	[sflag:s6] =	ssyncadd.s32 $0xFFFFC000  }
0x150: {  	_ =	swait.ge [sflag:s6], $0x4000  }
0x151: {  	[sflag:s6] =	ssyncset.done $0x0  }
0x152: {  	s0 =	rddreg [dreg:$0x13];
	[sflag:s6] =	ssyncadd.s32 $0xFFFFC000  }
0x153: {  	[spmem:s2] =	stream.indirect.scatter.add.f32 [tilespmem:s7], [sflag:$0x1], $0x80, s0, s8, $0xb8;
	[tilespmem:$0x19000] =	vst v63  }
0x154: {  	s9 =	rddreg [dreg:$0x14]  }
0x155: {  	[spmem:s2] =	stream.indirect.scatter.add.f32 [tilespmem:s7], [sflag:$0x1], $0x80, s9, s8, $0xb8;
	[tilespmem:$0x19000] =	vst v63  }
0x156: {  	s0 =	rddreg [dreg:$0x15]  }
0x157: {  	[spmem:s2] =	stream.indirect.scatter.add.f32 [tilespmem:s7], [sflag:$0x1], $0x80, s0, s8, $0xb8;
	[tilespmem:$0x19000] =	vst v63  }
0x158: {  	s9 =	rddreg [dreg:$0x16]  }
0x159: {  	[spmem:s2] =	stream.indirect.scatter.add.f32 [tilespmem:s7], [sflag:$0x1], $0x80, s9, s8, $0xb8;
	[tilespmem:$0x19000] =	vst v63  }
0x15a: {  	_ = 	snop  }
0x15b: {  	[spmem:s2] =	stream.indirect.scatter.add.f32 [tilespmem:s7], [sflag:$0x1], $0x80, s26, s8, $0xb8;
	[tilespmem:$0x19000] =	vst v63  }
0x15c: {  	_ = 	snop  }
0x15d: {  	[spmem:s2] =	stream.indirect.scatter.add.f32 [tilespmem:s7], [sflag:$0x1], $0x80, s28, s8, $0xb8;
	[tilespmem:$0x19000] =	vst v63  }
0x15e: {  	_ = 	snop  }
0x15f: {  	[spmem:s2] =	stream.indirect.scatter.add.f32 [tilespmem:s7], [sflag:$0x1], $0x80, s29, s8, $0xb8;
	[tilespmem:$0x19000] =	vst v63  }
0x160: {  	_ = 	snop  }
0x161: {  	[spmem:s2] =	stream.indirect.scatter.add.f32 [tilespmem:s7], [sflag:$0x1], $0x80, s18, s8, $0xb8;
	[tilespmem:$0x19000] =	vst v63  }
0x162: {  	_ =	swait.ge [sflag:s6], $0x4000  }
0x163: {  	[sflag:s6] =	ssyncset.done $0x0  }
0x164: {  	[sflag:s6] =	ssyncadd.s32 $0xFFFFC000  }
0x165: {  	_ =	swait.ge [sflag:s6], $0x4000  }
0x166: {  	[sflag:s6] =	ssyncset.done $0x0  }
0x167: {  	[sflag:s6] =	ssyncadd.s32 $0xFFFFC000  }
0x168: {  	_ =	swait.ge [sflag:s6], $0x4000  }
0x169: {  	[sflag:s6] =	ssyncset.done $0x0  }
0x16a: {  	[sflag:s6] =	ssyncadd.s32 $0xFFFFC000  }
0x16b: {  	_ =	swait.ge [sflag:s6], $0x4000  }
0x16c: {  	[sflag:s6] =	ssyncset.done $0x0  }
0x16d: {  	[sflag:s6] =	ssyncadd.s32 $0xFFFFC000  }
0x16e: {  	_ =	swait.ge [sflag:s6], $0x4000  }
0x16f: {  	[sflag:s6] =	ssyncset.done $0x0  }
0x170: {  	[sflag:s6] =	ssyncadd.s32 $0xFFFFC000  }
0x171: {  	_ =	swait.ge [sflag:s6], $0x4000  }
0x172: {  	[sflag:s6] =	ssyncset.done $0x0  }
0x173: {  	[sflag:s6] =	ssyncadd.s32 $0xFFFFC000  }
0x174: {  	_ =	swait.ge [sflag:s6], $0x4000  }
0x175: {  	[sflag:s6] =	ssyncset.done $0x0  }
0x176: {  	[sflag:s6] =	ssyncadd.s32 $0xFFFFC000  }
0x177: {  	_ =	swait.ge [sflag:s6], $0x4000  }
0x178: {  	[sflag:s6] =	ssyncset.done $0x0  }
0x179: {  	s9 =	simm.s32 $0xC00;
	[sflag:s6] =	ssyncadd.s32 $0xFFFFC000  }
0x17a: {  	[spmem:s2] =	stream.indirect.scatter.add.f32 [tilespmem:s7], [sflag:$0x1], $0x80, s9, s8, $0xb8;
	[tilespmem:$0x19000] =	vst v63  }
0x17b: {  	_ = 	snop  }
0x17c: {  	[spmem:s2] =	stream.indirect.scatter.add.f32 [tilespmem:s7], [sflag:$0x1], $0x80, s19, s8, $0xb8;
	[tilespmem:$0x19000] =	vst v63  }
0x17d: {  	_ = 	snop  }
0x17e: {  	[spmem:s2] =	stream.indirect.scatter.add.f32 [tilespmem:s7], [sflag:$0x1], $0x80, s20, s8, $0xb8;
	[tilespmem:$0x19000] =	vst v63  }
0x17f: {  	_ = 	snop  }
0x180: {  	[spmem:s2] =	stream.indirect.scatter.add.f32 [tilespmem:s7], [sflag:$0x1], $0x80, s21, s8, $0xb8;
	[tilespmem:$0x19000] =	vst v63  }
0x181: {  	_ = 	snop  }
0x182: {  	[spmem:s2] =	stream.indirect.scatter.add.f32 [tilespmem:s7], [sflag:$0x1], $0x80, s22, s8, $0xb8;
	[tilespmem:$0x19000] =	vst v63  }
0x183: {  	_ = 	snop  }
0x184: {  	[spmem:s2] =	stream.indirect.scatter.add.f32 [tilespmem:s7], [sflag:$0x1], $0x80, s23, s8, $0xb8;
	[tilespmem:$0x19000] =	vst v63  }
0x185: {  	_ = 	snop  }
0x186: {  	[spmem:s2] =	stream.indirect.scatter.add.f32 [tilespmem:s7], [sflag:$0x1], $0x80, s24, s8, $0xb8;
	[tilespmem:$0x19000] =	vst v63  }
0x187: {  	_ = 	snop  }
0x188: {  	[spmem:s2] =	stream.indirect.scatter.add.f32 [tilespmem:s7], [sflag:$0x1], $0x80, s25, s8, $0xb8;
	[tilespmem:$0x19000] =	vst v63  }
0x189: {  	_ =	swait.ge [sflag:s6], $0x4000  }
0x18a: {  	[sflag:s6] =	ssyncset.done $0x0  }
0x18b: {  	[sflag:s6] =	ssyncadd.s32 $0xFFFFC000  }
0x18c: {  	_ =	swait.ge [sflag:s6], $0x4000  }
0x18d: {  	[sflag:s6] =	ssyncset.done $0x0  }
0x18e: {  	[sflag:s6] =	ssyncadd.s32 $0xFFFFC000  }
0x18f: {  	_ =	swait.ge [sflag:s6], $0x4000  }
0x190: {  	[sflag:s6] =	ssyncset.done $0x0  }
0x191: {  	[sflag:s6] =	ssyncadd.s32 $0xFFFFC000  }
0x192: {  	_ =	swait.ge [sflag:s6], $0x4000  }
0x193: {  	[sflag:s6] =	ssyncset.done $0x0  }
0x194: {  	[sflag:s6] =	ssyncadd.s32 $0xFFFFC000  }
0x195: {  	_ =	swait.ge [sflag:s6], $0x4000  }
0x196: {  	[sflag:s6] =	ssyncset.done $0x0  }
0x197: {  	[sflag:s6] =	ssyncadd.s32 $0xFFFFC000  }
0x198: {  	_ =	swait.ge [sflag:s6], $0x4000  }
0x199: {  	[sflag:s6] =	ssyncset.done $0x0  }
0x19a: {  	[sflag:s6] =	ssyncadd.s32 $0xFFFFC000  }
0x19b: {  	_ =	swait.ge [sflag:s6], $0x4000  }
0x19c: {  	[sflag:s6] =	ssyncset.done $0x0  }
0x19d: {  	[sflag:s6] =	ssyncadd.s32 $0xFFFFC000  }
0x19e: {  	_ =	swait.ge [sflag:s6], $0x4000  }
0x19f: {  	[sflag:s6] =	ssyncset.done $0x0  }
0x1a0: {  	[sflag:s6] =	ssyncadd.s32 $0xFFFFC000  }
0x1a1: {  	[spmem:s2] =	stream.indirect.scatter.add.f32 [tilespmem:s7], [sflag:$0x1], $0x80, s10, s8, $0xb8;
	[tilespmem:$0x19000] =	vst v63  }
0x1a2: {  	_ = 	snop  }
0x1a3: {  	[spmem:s2] =	stream.indirect.scatter.add.f32 [tilespmem:s7], [sflag:$0x1], $0x80, s11, s8, $0xb8;
	[tilespmem:$0x19000] =	vst v63  }
0x1a4: {  	_ = 	snop  }
0x1a5: {  	[spmem:s2] =	stream.indirect.scatter.add.f32 [tilespmem:s7], [sflag:$0x1], $0x80, s12, s8, $0xb8;
	[tilespmem:$0x19000] =	vst v63  }
0x1a6: {  	_ = 	snop  }
0x1a7: {  	[spmem:s2] =	stream.indirect.scatter.add.f32 [tilespmem:s7], [sflag:$0x1], $0x80, s13, s8, $0xb8;
	[tilespmem:$0x19000] =	vst v63  }
0x1a8: {  	_ = 	snop  }
0x1a9: {  	[spmem:s2] =	stream.indirect.scatter.add.f32 [tilespmem:s7], [sflag:$0x1], $0x80, s14, s8, $0xb8;
	[tilespmem:$0x19000] =	vst v63  }
0x1aa: {  	_ = 	snop  }
0x1ab: {  	[spmem:s2] =	stream.indirect.scatter.add.f32 [tilespmem:s7], [sflag:$0x1], $0x80, s15, s8, $0xb8;
	[tilespmem:$0x19000] =	vst v63  }
0x1ac: {  	_ = 	snop  }
0x1ad: {  	[spmem:s2] =	stream.indirect.scatter.add.f32 [tilespmem:s7], [sflag:$0x1], $0x80, s16, s8, $0xb8;
	[tilespmem:$0x19000] =	vst v63  }
0x1ae: {  	_ = 	snop  }
0x1af: {  	[spmem:s2] =	stream.indirect.scatter.add.f32 [tilespmem:s7], [sflag:$0x1], $0x80, s17, s8, $0xb8;
	[tilespmem:$0x19000] =	vst v63  }
0x1b0: {  	_ =	swait.ge [sflag:s6], $0x4000  }
0x1b1: {  	[sflag:s6] =	ssyncset.done $0x0  }
0x1b2: {  	[sflag:s6] =	ssyncadd.s32 $0xFFFFC000  }
0x1b3: {  	_ =	swait.ge [sflag:s6], $0x4000  }
0x1b4: {  	[sflag:s6] =	ssyncset.done $0x0  }
0x1b5: {  	[sflag:s6] =	ssyncadd.s32 $0xFFFFC000  }
0x1b6: {  	_ =	swait.ge [sflag:s6], $0x4000  }
0x1b7: {  	[sflag:s6] =	ssyncset.done $0x0  }
0x1b8: {  	[sflag:s6] =	ssyncadd.s32 $0xFFFFC000  }
0x1b9: {  	_ =	swait.ge [sflag:s6], $0x4000  }
0x1ba: {  	[sflag:s6] =	ssyncset.done $0x0  }
0x1bb: {  	[sflag:s6] =	ssyncadd.s32 $0xFFFFC000  }
0x1bc: {  	_ =	swait.ge [sflag:s6], $0x4000  }
0x1bd: {  	[sflag:s6] =	ssyncset.done $0x0  }
0x1be: {  	[sflag:s6] =	ssyncadd.s32 $0xFFFFC000  }
0x1bf: {  	_ =	swait.ge [sflag:s6], $0x4000  }
0x1c0: {  	[sflag:s6] =	ssyncset.done $0x0  }
0x1c1: {  	[sflag:s6] =	ssyncadd.s32 $0xFFFFC000  }
0x1c2: {  	_ =	swait.ge [sflag:s6], $0x4000  }
0x1c3: {  	[sflag:s6] =	ssyncset.done $0x0  }
0x1c4: {  	[sflag:s6] =	ssyncadd.s32 $0xFFFFC000  }
0x1c5: {  	_ =	swait.ge [sflag:s6], $0x4000  }
0x1c6: {  	[sflag:s6] =	ssyncset.done $0x0  }
0x1c7: {  	p1 =	sne.s32 s1, $0x1;
	[sflag:s6] =	ssyncadd.s32 $0xFFFFC000  }
.Ltmp2:
0x1c8: {  	[bflag:$0x0] =	sbarrier.arrive $0xFFFF;
	(pc) =	sbr.rel @p1 .LBB2_4-.Ltmp2, $4  }
0x1c9: {  	s9 =	rddreg [dreg:$0x4]  }
0x1ca: {  	[hbm:s9], [sflag:s4] =	dma.local [spmem:s5], $0x2780  }
0x1cb: {  	_ =	swait.ge [sflag:s3], $0x2780  }
0x1cc: {  	s1 =	sadd.s32 $0xFFFFFFFF, s1;
	s0 =	rddreg [dreg:$0x3];
	[sflag:s3] =	ssyncset.done $0x0  }
0x1cd: {  	s17 =	simm.s32 $0xB80;
	s29 =	simm.s32 $0xB00  }
0x1ce: {  	s28 =	simm.s32 $0xA80;
	s26 =	simm.s32 $0xA00;
	s25 =	simm.s32 $0xF80  }
0x1cf: {  	s24 =	simm.s32 $0xF00;
	s23 =	simm.s32 $0xE80;
	s22 =	simm.s32 $0xE00  }
0x1d0: {  	s21 =	simm.s32 $0xD80;
	s20 =	simm.s32 $0xD00;
	s19 =	simm.s32 $0xC80  }
0x1d1: {  	s18 =	simm.s32 $0xC00;
	s16 =	simm.s32 $0x1300;
	s15 =	simm.s32 $0x1280  }
0x1d2: {  	s14 =	simm.s32 $0x1200;
	s13 =	simm.s32 $0x1180;
	s12 =	simm.s32 $0x1100  }
0x1d3: {  	s11 =	simm.s32 $0x1080;
	s10 =	simm.s32 $0x1000;
	s9 =	stileid.u32  }
.LBB2_6:
0x1d4: {  	[sflag:s3] =	ssyncadd.s32 @p0 $0xFFFFD880  }
0x1d5: {  	[tilespmem:s30], [sflag:$0x2] =	stream.linear.gather [hbm4b:s0+s30], $0x1400, $0x38;
	[tilespmem:$0x19000] =	vst v63  }
0x1d6: {  	_ =	swait.ge [sflag:s3], $0x1400  }
0x1d7: {  	[sflag:s3] =	ssyncset.done $0x0  }
0x1d8: {  	[sflag:s3] =	ssyncadd.s32 $0xFFFFEC00  }
0x1d9: {  	[tilespmem:s7], [sflag:$0x2] =	stream.linear.gather [hbm4b:s31+s30], $0x4000, $0x38;
	[tilespmem:$0x19000] =	vst v63  }
0x1da: {  	_ =	swait.ge [sflag:s3], $0x4000  }
0x1db: {  	[sflag:s3] =	ssyncset.done $0x0  }
0x1dc: {  	[sflag:s3] =	ssyncadd.s32 $0xFFFFC000  }
0x1dd: {  	[spmem:s5], [sflag:s4] =	dma.local [hbm:s31], $0x2780  }
0x1de: {  	_ =	swait.ge [sflag:s3], $0x2780  }
0x1df: {  	[sflag:s3] =	ssyncset.done $0x0  }
0x1e0: {  	[sflag:s3] =	ssyncadd.s32 $0xFFFFD880  }
0x1e1: {  	[bflag:$0x0] =	sbarrier.arrive $0xFFFF  }
0x1e2: {  	[spmem:s2] =	stream.indirect.scatter.add.f32 [tilespmem:s7], [sflag:$0x1], $0x80, s30, s8, $0xb8;
	[tilespmem:$0x19000] =	vst v63  }
0x1e3: {  	_ = 	snop  }
0x1e4: {  	[spmem:s2] =	stream.indirect.scatter.add.f32 [tilespmem:s7], [sflag:$0x1], $0x80, s8, s8, $0xb8;
	[tilespmem:$0x19000] =	vst v63  }
0x1e5: {  	s31 =	rddreg [dreg:$0x5]  }
0x1e6: {  	[spmem:s2] =	stream.indirect.scatter.add.f32 [tilespmem:s7], [sflag:$0x1], $0x80, s31, s8, $0xb8;
	[tilespmem:$0x19000] =	vst v63  }
0x1e7: {  	s1 =	rddreg [dreg:$0x6]  }
0x1e8: {  	[spmem:s2] =	stream.indirect.scatter.add.f32 [tilespmem:s7], [sflag:$0x1], $0x80, s1, s8, $0xb8;
	[tilespmem:$0x19000] =	vst v63  }
0x1e9: {  	s30 =	rddreg [dreg:$0x7]  }
0x1ea: {  	[spmem:s2] =	stream.indirect.scatter.add.f32 [tilespmem:s7], [sflag:$0x1], $0x80, s30, s8, $0xb8;
	[tilespmem:$0x19000] =	vst v63  }
0x1eb: {  	s31 =	rddreg [dreg:$0x8]  }
0x1ec: {  	[spmem:s2] =	stream.indirect.scatter.add.f32 [tilespmem:s7], [sflag:$0x1], $0x80, s31, s8, $0xb8;
	[tilespmem:$0x19000] =	vst v63  }
0x1ed: {  	s30 =	rddreg [dreg:$0x9]  }
0x1ee: {  	[spmem:s2] =	stream.indirect.scatter.add.f32 [tilespmem:s7], [sflag:$0x1], $0x80, s30, s8, $0xb8;
	[tilespmem:$0x19000] =	vst v63  }
0x1ef: {  	s31 =	rddreg [dreg:$0xa]  }
0x1f0: {  	[spmem:s2] =	stream.indirect.scatter.add.f32 [tilespmem:s7], [sflag:$0x1], $0x80, s31, s8, $0xb8;
	[tilespmem:$0x19000] =	vst v63  }
0x1f1: {  	_ =	swait.ge [sflag:s6], $0x4000  }
0x1f2: {  	[sflag:s6] =	ssyncset.done $0x0  }
0x1f3: {  	[sflag:s6] =	ssyncadd.s32 $0xFFFFC000  }
0x1f4: {  	_ =	swait.ge [sflag:s6], $0x4000  }
0x1f5: {  	[sflag:s6] =	ssyncset.done $0x0  }
0x1f6: {  	[sflag:s6] =	ssyncadd.s32 $0xFFFFC000  }
0x1f7: {  	_ =	swait.ge [sflag:s6], $0x4000  }
0x1f8: {  	[sflag:s6] =	ssyncset.done $0x0  }
0x1f9: {  	[sflag:s6] =	ssyncadd.s32 $0xFFFFC000  }
0x1fa: {  	_ =	swait.ge [sflag:s6], $0x4000  }
0x1fb: {  	[sflag:s6] =	ssyncset.done $0x0  }
0x1fc: {  	[sflag:s6] =	ssyncadd.s32 $0xFFFFC000  }
0x1fd: {  	_ =	swait.ge [sflag:s6], $0x4000  }
0x1fe: {  	[sflag:s6] =	ssyncset.done $0x0  }
0x1ff: {  	[sflag:s6] =	ssyncadd.s32 $0xFFFFC000  }
0x200: {  	_ =	swait.ge [sflag:s6], $0x4000  }
0x201: {  	[sflag:s6] =	ssyncset.done $0x0  }
0x202: {  	[sflag:s6] =	ssyncadd.s32 $0xFFFFC000  }
0x203: {  	_ =	swait.ge [sflag:s6], $0x4000  }
0x204: {  	[sflag:s6] =	ssyncset.done $0x0  }
0x205: {  	[sflag:s6] =	ssyncadd.s32 $0xFFFFC000  }
0x206: {  	_ =	swait.ge [sflag:s6], $0x4000  }
0x207: {  	[sflag:s6] =	ssyncset.done $0x0  }
0x208: {  	s30 =	rddreg [dreg:$0xb];
	[sflag:s6] =	ssyncadd.s32 $0xFFFFC000  }
0x209: {  	[spmem:s2] =	stream.indirect.scatter.add.f32 [tilespmem:s7], [sflag:$0x1], $0x80, s30, s8, $0xb8;
	[tilespmem:$0x19000] =	vst v63  }
0x20a: {  	s31 =	rddreg [dreg:$0xc]  }
0x20b: {  	[spmem:s2] =	stream.indirect.scatter.add.f32 [tilespmem:s7], [sflag:$0x1], $0x80, s31, s8, $0xb8;
	[tilespmem:$0x19000] =	vst v63  }
0x20c: {  	s30 =	rddreg [dreg:$0xd]  }
0x20d: {  	[spmem:s2] =	stream.indirect.scatter.add.f32 [tilespmem:s7], [sflag:$0x1], $0x80, s30, s8, $0xb8;
	[tilespmem:$0x19000] =	vst v63  }
0x20e: {  	s31 =	rddreg [dreg:$0xe]  }
0x20f: {  	[spmem:s2] =	stream.indirect.scatter.add.f32 [tilespmem:s7], [sflag:$0x1], $0x80, s31, s8, $0xb8;
	[tilespmem:$0x19000] =	vst v63  }
0x210: {  	s30 =	rddreg [dreg:$0xf]  }
0x211: {  	[spmem:s2] =	stream.indirect.scatter.add.f32 [tilespmem:s7], [sflag:$0x1], $0x80, s30, s8, $0xb8;
	[tilespmem:$0x19000] =	vst v63  }
0x212: {  	s31 =	rddreg [dreg:$0x10]  }
0x213: {  	[spmem:s2] =	stream.indirect.scatter.add.f32 [tilespmem:s7], [sflag:$0x1], $0x80, s31, s8, $0xb8;
	[tilespmem:$0x19000] =	vst v63  }
0x214: {  	s30 =	rddreg [dreg:$0x11]  }
0x215: {  	[spmem:s2] =	stream.indirect.scatter.add.f32 [tilespmem:s7], [sflag:$0x1], $0x80, s30, s8, $0xb8;
	[tilespmem:$0x19000] =	vst v63  }
0x216: {  	s31 =	rddreg [dreg:$0x12]  }
0x217: {  	[spmem:s2] =	stream.indirect.scatter.add.f32 [tilespmem:s7], [sflag:$0x1], $0x80, s31, s8, $0xb8;
	[tilespmem:$0x19000] =	vst v63  }
0x218: {  	_ =	swait.ge [sflag:s6], $0x4000  }
0x219: {  	[sflag:s6] =	ssyncset.done $0x0  }
0x21a: {  	[sflag:s6] =	ssyncadd.s32 $0xFFFFC000  }
0x21b: {  	_ =	swait.ge [sflag:s6], $0x4000  }
0x21c: {  	[sflag:s6] =	ssyncset.done $0x0  }
0x21d: {  	[sflag:s6] =	ssyncadd.s32 $0xFFFFC000  }
0x21e: {  	_ =	swait.ge [sflag:s6], $0x4000  }
0x21f: {  	[sflag:s6] =	ssyncset.done $0x0  }
0x220: {  	[sflag:s6] =	ssyncadd.s32 $0xFFFFC000  }
0x221: {  	_ =	swait.ge [sflag:s6], $0x4000  }
0x222: {  	[sflag:s6] =	ssyncset.done $0x0  }
0x223: {  	[sflag:s6] =	ssyncadd.s32 $0xFFFFC000  }
0x224: {  	_ =	swait.ge [sflag:s6], $0x4000  }
0x225: {  	[sflag:s6] =	ssyncset.done $0x0  }
0x226: {  	[sflag:s6] =	ssyncadd.s32 $0xFFFFC000  }
0x227: {  	_ =	swait.ge [sflag:s6], $0x4000  }
0x228: {  	[sflag:s6] =	ssyncset.done $0x0  }
0x229: {  	[sflag:s6] =	ssyncadd.s32 $0xFFFFC000  }
0x22a: {  	_ =	swait.ge [sflag:s6], $0x4000  }
0x22b: {  	[sflag:s6] =	ssyncset.done $0x0  }
0x22c: {  	[sflag:s6] =	ssyncadd.s32 $0xFFFFC000  }
0x22d: {  	_ =	swait.ge [sflag:s6], $0x4000  }
0x22e: {  	[sflag:s6] =	ssyncset.done $0x0  }
0x22f: {  	s30 =	rddreg [dreg:$0x13];
	[sflag:s6] =	ssyncadd.s32 $0xFFFFC000  }
0x230: {  	[spmem:s2] =	stream.indirect.scatter.add.f32 [tilespmem:s7], [sflag:$0x1], $0x80, s30, s8, $0xb8;
	[tilespmem:$0x19000] =	vst v63  }
0x231: {  	s31 =	rddreg [dreg:$0x14]  }
0x232: {  	[spmem:s2] =	stream.indirect.scatter.add.f32 [tilespmem:s7], [sflag:$0x1], $0x80, s31, s8, $0xb8;
	[tilespmem:$0x19000] =	vst v63  }
0x233: {  	s30 =	rddreg [dreg:$0x15]  }
0x234: {  	[spmem:s2] =	stream.indirect.scatter.add.f32 [tilespmem:s7], [sflag:$0x1], $0x80, s30, s8, $0xb8;
	[tilespmem:$0x19000] =	vst v63  }
0x235: {  	s31 =	rddreg [dreg:$0x16]  }
0x236: {  	[spmem:s2] =	stream.indirect.scatter.add.f32 [tilespmem:s7], [sflag:$0x1], $0x80, s31, s8, $0xb8;
	[tilespmem:$0x19000] =	vst v63  }
0x237: {  	_ = 	snop  }
0x238: {  	[spmem:s2] =	stream.indirect.scatter.add.f32 [tilespmem:s7], [sflag:$0x1], $0x80, s26, s8, $0xb8;
	[tilespmem:$0x19000] =	vst v63  }
0x239: {  	_ = 	snop  }
0x23a: {  	[spmem:s2] =	stream.indirect.scatter.add.f32 [tilespmem:s7], [sflag:$0x1], $0x80, s28, s8, $0xb8;
	[tilespmem:$0x19000] =	vst v63  }
0x23b: {  	_ = 	snop  }
0x23c: {  	[spmem:s2] =	stream.indirect.scatter.add.f32 [tilespmem:s7], [sflag:$0x1], $0x80, s29, s8, $0xb8;
	[tilespmem:$0x19000] =	vst v63  }
0x23d: {  	_ = 	snop  }
0x23e: {  	[spmem:s2] =	stream.indirect.scatter.add.f32 [tilespmem:s7], [sflag:$0x1], $0x80, s17, s8, $0xb8;
	[tilespmem:$0x19000] =	vst v63  }
0x23f: {  	_ =	swait.ge [sflag:s6], $0x4000  }
0x240: {  	[sflag:s6] =	ssyncset.done $0x0  }
0x241: {  	[sflag:s6] =	ssyncadd.s32 $0xFFFFC000  }
0x242: {  	_ =	swait.ge [sflag:s6], $0x4000  }
0x243: {  	[sflag:s6] =	ssyncset.done $0x0  }
0x244: {  	[sflag:s6] =	ssyncadd.s32 $0xFFFFC000  }
0x245: {  	_ =	swait.ge [sflag:s6], $0x4000  }
0x246: {  	[sflag:s6] =	ssyncset.done $0x0  }
0x247: {  	[sflag:s6] =	ssyncadd.s32 $0xFFFFC000  }
0x248: {  	_ =	swait.ge [sflag:s6], $0x4000  }
0x249: {  	[sflag:s6] =	ssyncset.done $0x0  }
0x24a: {  	[sflag:s6] =	ssyncadd.s32 $0xFFFFC000  }
0x24b: {  	_ =	swait.ge [sflag:s6], $0x4000  }
0x24c: {  	[sflag:s6] =	ssyncset.done $0x0  }
0x24d: {  	[sflag:s6] =	ssyncadd.s32 $0xFFFFC000  }
0x24e: {  	_ =	swait.ge [sflag:s6], $0x4000  }
0x24f: {  	[sflag:s6] =	ssyncset.done $0x0  }
0x250: {  	[sflag:s6] =	ssyncadd.s32 $0xFFFFC000  }
0x251: {  	_ =	swait.ge [sflag:s6], $0x4000  }
0x252: {  	[sflag:s6] =	ssyncset.done $0x0  }
0x253: {  	[sflag:s6] =	ssyncadd.s32 $0xFFFFC000  }
0x254: {  	_ =	swait.ge [sflag:s6], $0x4000  }
0x255: {  	[sflag:s6] =	ssyncset.done $0x0  }
0x256: {  	[sflag:s6] =	ssyncadd.s32 $0xFFFFC000  }
0x257: {  	[spmem:s2] =	stream.indirect.scatter.add.f32 [tilespmem:s7], [sflag:$0x1], $0x80, s18, s8, $0xb8;
	[tilespmem:$0x19000] =	vst v63  }
0x258: {  	_ = 	snop  }
0x259: {  	[spmem:s2] =	stream.indirect.scatter.add.f32 [tilespmem:s7], [sflag:$0x1], $0x80, s19, s8, $0xb8;
	[tilespmem:$0x19000] =	vst v63  }
0x25a: {  	_ = 	snop  }
0x25b: {  	[spmem:s2] =	stream.indirect.scatter.add.f32 [tilespmem:s7], [sflag:$0x1], $0x80, s20, s8, $0xb8;
	[tilespmem:$0x19000] =	vst v63  }
0x25c: {  	_ = 	snop  }
0x25d: {  	[spmem:s2] =	stream.indirect.scatter.add.f32 [tilespmem:s7], [sflag:$0x1], $0x80, s21, s8, $0xb8;
	[tilespmem:$0x19000] =	vst v63  }
0x25e: {  	_ = 	snop  }
0x25f: {  	[spmem:s2] =	stream.indirect.scatter.add.f32 [tilespmem:s7], [sflag:$0x1], $0x80, s22, s8, $0xb8;
	[tilespmem:$0x19000] =	vst v63  }
0x260: {  	_ = 	snop  }
0x261: {  	[spmem:s2] =	stream.indirect.scatter.add.f32 [tilespmem:s7], [sflag:$0x1], $0x80, s23, s8, $0xb8;
	[tilespmem:$0x19000] =	vst v63  }
0x262: {  	_ = 	snop  }
0x263: {  	[spmem:s2] =	stream.indirect.scatter.add.f32 [tilespmem:s7], [sflag:$0x1], $0x80, s24, s8, $0xb8;
	[tilespmem:$0x19000] =	vst v63  }
0x264: {  	_ = 	snop  }
0x265: {  	[spmem:s2] =	stream.indirect.scatter.add.f32 [tilespmem:s7], [sflag:$0x1], $0x80, s25, s8, $0xb8;
	[tilespmem:$0x19000] =	vst v63  }
0x266: {  	_ =	swait.ge [sflag:s6], $0x4000  }
0x267: {  	[sflag:s6] =	ssyncset.done $0x0  }
0x268: {  	[sflag:s6] =	ssyncadd.s32 $0xFFFFC000  }
0x269: {  	_ =	swait.ge [sflag:s6], $0x4000  }
0x26a: {  	[sflag:s6] =	ssyncset.done $0x0  }
0x26b: {  	[sflag:s6] =	ssyncadd.s32 $0xFFFFC000  }
0x26c: {  	_ =	swait.ge [sflag:s6], $0x4000  }
0x26d: {  	[sflag:s6] =	ssyncset.done $0x0  }
0x26e: {  	[sflag:s6] =	ssyncadd.s32 $0xFFFFC000  }
0x26f: {  	_ =	swait.ge [sflag:s6], $0x4000  }
0x270: {  	[sflag:s6] =	ssyncset.done $0x0  }
0x271: {  	[sflag:s6] =	ssyncadd.s32 $0xFFFFC000  }
0x272: {  	_ =	swait.ge [sflag:s6], $0x4000  }
0x273: {  	[sflag:s6] =	ssyncset.done $0x0  }
0x274: {  	[sflag:s6] =	ssyncadd.s32 $0xFFFFC000  }
0x275: {  	_ =	swait.ge [sflag:s6], $0x4000  }
0x276: {  	[sflag:s6] =	ssyncset.done $0x0  }
0x277: {  	[sflag:s6] =	ssyncadd.s32 $0xFFFFC000  }
0x278: {  	_ =	swait.ge [sflag:s6], $0x4000  }
0x279: {  	[sflag:s6] =	ssyncset.done $0x0  }
0x27a: {  	[sflag:s6] =	ssyncadd.s32 $0xFFFFC000  }
0x27b: {  	_ =	swait.ge [sflag:s6], $0x4000  }
0x27c: {  	[sflag:s6] =	ssyncset.done $0x0  }
0x27d: {  	[sflag:s6] =	ssyncadd.s32 $0xFFFFC000  }
0x27e: {  	[spmem:s2] =	stream.indirect.scatter.add.f32 [tilespmem:s7], [sflag:$0x1], $0x80, s10, s8, $0xb8;
	[tilespmem:$0x19000] =	vst v63  }
0x27f: {  	_ = 	snop  }
0x280: {  	[spmem:s2] =	stream.indirect.scatter.add.f32 [tilespmem:s7], [sflag:$0x1], $0x80, s11, s8, $0xb8;
	[tilespmem:$0x19000] =	vst v63  }
0x281: {  	_ = 	snop  }
0x282: {  	[spmem:s2] =	stream.indirect.scatter.add.f32 [tilespmem:s7], [sflag:$0x1], $0x80, s12, s8, $0xb8;
	[tilespmem:$0x19000] =	vst v63  }
0x283: {  	_ = 	snop  }
0x284: {  	[spmem:s2] =	stream.indirect.scatter.add.f32 [tilespmem:s7], [sflag:$0x1], $0x80, s13, s8, $0xb8;
	[tilespmem:$0x19000] =	vst v63  }
0x285: {  	_ = 	snop  }
0x286: {  	[spmem:s2] =	stream.indirect.scatter.add.f32 [tilespmem:s7], [sflag:$0x1], $0x80, s14, s8, $0xb8;
	[tilespmem:$0x19000] =	vst v63  }
0x287: {  	_ = 	snop  }
0x288: {  	[spmem:s2] =	stream.indirect.scatter.add.f32 [tilespmem:s7], [sflag:$0x1], $0x80, s15, s8, $0xb8;
	[tilespmem:$0x19000] =	vst v63  }
0x289: {  	_ = 	snop  }
0x28a: {  	[spmem:s2] =	stream.indirect.scatter.add.f32 [tilespmem:s7], [sflag:$0x1], $0x80, s16, s8, $0xb8;
	[tilespmem:$0x19000] =	vst v63  }
0x28b: {  	s30 =	simm.s32 $0x1380  }
0x28c: {  	[spmem:s2] =	stream.indirect.scatter.add.f32 [tilespmem:s7], [sflag:$0x1], $0x80, s30, s8, $0xb8;
	[tilespmem:$0x19000] =	vst v63  }
0x28d: {  	_ =	swait.ge [sflag:s6], $0x4000  }
0x28e: {  	[sflag:s6] =	ssyncset.done $0x0  }
0x28f: {  	[sflag:s6] =	ssyncadd.s32 $0xFFFFC000  }
0x290: {  	_ =	swait.ge [sflag:s6], $0x4000  }
0x291: {  	[sflag:s6] =	ssyncset.done $0x0  }
0x292: {  	[sflag:s6] =	ssyncadd.s32 $0xFFFFC000  }
0x293: {  	_ =	swait.ge [sflag:s6], $0x4000  }
0x294: {  	[sflag:s6] =	ssyncset.done $0x0  }
0x295: {  	[sflag:s6] =	ssyncadd.s32 $0xFFFFC000  }
0x296: {  	_ =	swait.ge [sflag:s6], $0x4000  }
0x297: {  	[sflag:s6] =	ssyncset.done $0x0  }
0x298: {  	[sflag:s6] =	ssyncadd.s32 $0xFFFFC000  }
0x299: {  	_ =	swait.ge [sflag:s6], $0x4000  }
0x29a: {  	[sflag:s6] =	ssyncset.done $0x0  }
0x29b: {  	[sflag:s6] =	ssyncadd.s32 $0xFFFFC000  }
0x29c: {  	_ =	swait.ge [sflag:s6], $0x4000  }
0x29d: {  	[sflag:s6] =	ssyncset.done $0x0  }
0x29e: {  	[sflag:s6] =	ssyncadd.s32 $0xFFFFC000  }
0x29f: {  	_ =	swait.ge [sflag:s6], $0x4000  }
0x2a0: {  	[sflag:s6] =	ssyncset.done $0x0  }
0x2a1: {  	[sflag:s6] =	ssyncadd.s32 $0xFFFFC000  }
0x2a2: {  	_ =	swait.ge [sflag:s6], $0x4000  }
0x2a3: {  	[sflag:s6] =	ssyncset.done $0x0  }
0x2a4: {  	[sflag:s6] =	ssyncadd.s32 $0xFFFFC000  }
0x2a5: {  	[bflag:$0x0] =	sbarrier.arrive $0xFFFF  }
0x2a6: {  	s31 =	rddreg [dreg:$0x4]  }
0x2a7: {  	[hbm:s31], [sflag:s4] =	dma.local [spmem:s5], $0x2780  }
0x2a8: {  	_ =	swait.ge [sflag:s3], $0x2780  }
0x2a9: {  	[sflag:s3] =	ssyncset.done $0x0  }
0x2aa: {  	[sflag:s3] =	ssyncadd.s32 $0xFFFFD880  }
0x2ab: {  	_ =	sfence.sel $0x180000  }
0x2ac: {  	[bflag:$0x0] =	sbarrier.arrive $0xFFFF  }
0x2ad: {  	_ =	strace $0x90000047  }
0x2ae: {  	[bflag:$0x2] =	sbarrier.arrive $0xFFFF  }
0x2af: {  	p0 =	sne.s32 s9, $0x0;
	s0 =	rddreg [dreg:$0x2]  }
0x2b0: {  	s0 =	sadd.s32 @!p0 $0x100000, s0  }
0x2b1: {  	[sflag:s0] =	ssyncadd.tile.s32 @!p0 $0x1;
	_ =	shalt  }
.LBB2_1:
0x2b2: {  	s17 =	simm.s32 $0xB80;
	s29 =	simm.s32 $0xB00  }
0x2b3: {  	s28 =	simm.s32 $0xA80;
	s26 =	simm.s32 $0xA00;
	s25 =	simm.s32 $0xF80  }
.Ltmp3:
0x2b4: {  	s24 =	simm.s32 $0xF00;
	s23 =	simm.s32 $0xE80;
	(pc) =	sbr.rel .LBB2_6-.Ltmp3, $4  }
0x2b5: {  	s22 =	simm.s32 $0xE00;
	s21 =	simm.s32 $0xD80;
	s20 =	simm.s32 $0xD00  }
0x2b6: {  	s19 =	simm.s32 $0xC80;
	s18 =	simm.s32 $0xC00;
	s16 =	simm.s32 $0x1300  }
0x2b7: {  	s15 =	simm.s32 $0x1280;
	s14 =	simm.s32 $0x1200;
	s13 =	simm.s32 $0x1180  }
0x2b8: {  	s12 =	simm.s32 $0x1100;
	s11 =	simm.s32 $0x1080;
	s10 =	simm.s32 $0x1000  }
.LBB2_3:
0x2b9: {  	s17 =	simm.s32 $0xB80;
	s29 =	simm.s32 $0xB00;
	s28 =	simm.s32 $0xA80  }
0x2ba: {  	s26 =	simm.s32 $0xA00;
	s25 =	simm.s32 $0xF80;
	s24 =	simm.s32 $0xF00  }
.Ltmp4:
0x2bb: {  	s23 =	simm.s32 $0xE80;
	s22 =	simm.s32 $0xE00;
	(pc) =	sbr.rel .LBB2_6-.Ltmp4, $4  }
0x2bc: {  	s21 =	simm.s32 $0xD80;
	s20 =	simm.s32 $0xD00;
	s19 =	simm.s32 $0xC80  }
0x2bd: {  	s18 =	simm.s32 $0xC00;
	s16 =	simm.s32 $0x1300;
	s15 =	simm.s32 $0x1280  }
0x2be: {  	s14 =	simm.s32 $0x1200;
	s13 =	simm.s32 $0x1180;
	s12 =	simm.s32 $0x1100  }
0x2bf: {  	s11 =	simm.s32 $0x1080;
	s10 =	simm.s32 $0x1000;
	s9 =	stileid.u32  }
.Lfunc_end2:
_tile_overlayer_lowered:
.L_overlay_start_2:
0x2c0: {  	(tag) =	ssettag $0x2  }
0x2c1: {  	s0 =	rddreg [dreg:$0x0];
	s2 =	stileid.u32  }
0x2c2: {  	s1 =	rddreg [dreg:$0x1];
	p0 =	sne.s32 s2, $0x0  }
0x2c3: {  	s3 =	rddreg [dreg:$0x2];
	[bflag:$0x3] =	sbarrier.arrive $0xFFFF;
	s2 =	simm.s32 @!p0 $0x1C02  }
0x2c4: {  	[timem:s3], [sflag:s2] =	dma.local @!p0 [hbm:s0], s1  }
0x2c5: {  	s0 =	simm.s32 @!p0 $0x2  }
0x2c6: {  	_ =	swait.ge @!p0 [sflag:s0], s1  }
0x2c7: {  	s1 =	ssub.s32 @!p0 $0x0, s1;
	[sflag:s0] =	ssyncset.done @!p0 $0x0  }
0x2c8: {  	[sflag:s0] =	ssyncadd.s32 @!p0 s1  }
0x2c9: {  	[bflag:$0x3] =	sbarrier.arrive $0xFFFF  }
0x2ca: {  	_ =	shalt  }

// kernel: kernel.14.cloned.1.call-start
scs
__scs_entry_jumppad:
0x0: {  	(pc) =	sbr.rel $0x88, $3  }
0x1: {  	(tag) =	ssettag $0x0;
	lr =	simm.s32 $0x1  }
0x2: {  	[smem:$0x3F95] =	sst lr;
	_ =	strace $0xD0000000  }
0x3: {  	_ = 	snop  }
0x4: {  	_ = 	snop  }
0x5: {  	_ = 	snop  }
0x6: {  	_ = 	snop  }
0x7: {  	_ = 	snop  }
__scs_overlays_trampoline_lowered:
0x8: {  	[smem:$0x3FA4] =	sst s0  }
0x9: {  	[smem:$0x3FA5] =	sst s1  }
0xa: {  	[smem:$0x3FA6] =	sst s2  }
0xb: {  	[smem:$0x3FA7] =	sst s3  }
0xc: {  	[smem:$0x3FA8] =	sst s4  }
0xd: {  	[smem:$0x3FA9] =	sst s5  }
0xe: {  	[smem:$0x3FAA] =	sst s6  }
0xf: {  	[smem:$0x3FAB] =	sst s7  }
0x10: {  	[smem:$0x3FAC] =	sst s8  }
0x11: {  	[smem:$0x3FAD] =	sst s9;
	s0 =	simm.s32 @!p0 $0x0  }
0x12: {  	s1 =	sld [smem:$0x3F93];
	s0 =	simm.s32 @p0 $0x1  }
0x13: {  	[smem:$0x3FAE] =	sst s0;
	s0 =	simm.s32 @!p1 $0x0  }
0x14: {  	s2 =	sld [smem:$0x3F92];
	s0 =	simm.s32 @p1 $0x1  }
0x15: {  	[smem:$0x3FAF] =	sst s0;
	s0 =	simm.s32 @!p2 $0x0  }
0x16: {  	s3 =	sld [smem:$0x3FDB];
	s0 =	simm.s32 @p2 $0x1  }
0x17: {  	s4 =	simm.s32 $0x1BF5;
	[smem:$0x3FB1] =	sst s0  }
0x18: {  	s0 =	sld [smem:$0x3F94];
	_ =	swait.ge [sflag:s4], $0x0  }
0x19: {  	s7 =	sld [smem:$0x3F95]  }
0x1a: {  	s8 =	sadd.s32 $0xFFFFE003, lr  }
0x1b: {  	s9 =	sadd.s32 $0xFFFFFEF7, lr;
	s5 =	simm.s32 $0xFFFFFFFF;
	p2 =	slt.u32 s8, $0xFFFFF086  }
0x1c: {  	p1 =	slt.u32 s9, $0xF7A;
	s5 =	simm.s32 @!p2 $0x0  }
0x1d: {  	s5 =	simm.s32 @p1 $0x1;
	p0 =	seq.s32 s7, s2  }
0x1e: {  	s7 =	smul.u32 @!p0 $0xF7A, s2;
	p2 =	seq.s32 @!p0 s5, $0x0  }
0x1f: {  	s9 =	smul.u32 $0xF7A, s1;
	s8 =	simm.s32 @!p0 $0x1BF5;
	p2 =	por !p2, p0  }
0x20: {  	[sflag:s8] =	ssyncset.s32 @!p0 $0xFFFFF086;
	s6 =	sadd.s32 @!p0 s3, s7;
	s7 =	simm.s32 @!p0 $0x108  }
0x21: {  	s3 =	sadd.s32 s3, s9;
	s6 =	sadd.s32 @!p0 $0x88, s6;
	s7 =	simm.s32 @p2 $0x1082  }
0x22: {  	[simem:s7], [sflag:s8] =	dma.local @!p0 [hbm:s6], $0xF7A  }
0x23: {  	s9 =	sor.u32 $0xD0000000, s2;
	s6 =	simm.s32 $0x108;
	_ =	swait.ge @!p0 [sflag:s8], $0x0  }
0x24: {  	s3 =	sadd.s32 $0x88, s3;
	s6 =	simm.s32 @!p1 $0x1082;
	[sflag:s4] =	ssyncset.s32 $0xFFFFF086  }
0x25: {  	[simem:s6], [sflag:s4] =	dma.local [hbm:s3], $0xF7A  }
0x26: {  	[smem:$0x3F95] =	sst s1;
	(tag) =	ssettag s2;
	_ =	strace s9  }
0x27: {  	s1 =	sld [smem:$0x3FA5]  }
0x28: {  	s2 =	sld [smem:$0x3FA6]  }
0x29: {  	s4 =	sld [smem:$0x3FA8]  }
0x2a: {  	p0 =	seq.s32 s5, $0x0;
	s5 =	sld [smem:$0x3FA9]  }
0x2b: {  	s6 =	sld [smem:$0x3FAA]  }
0x2c: {  	s7 =	sld [smem:$0x3FAB]  }
0x2d: {  	s3 =	simm.s32 $0x108;
	s8 =	sld [smem:$0x3FAC]  }
0x2e: {  	s3 =	simm.s32 @!p0 $0x1082;
	s9 =	sld [smem:$0x3FAD]  }
0x2f: {  	lr =	sadd.s32 s0, s3;
	s0 =	sld [smem:$0x3FA4]  }
0x30: {  	s3 =	sld [smem:$0x3FA7]  }
0x31: {  	[smem:$0x3FB0] =	sst s10  }
0x32: {  	s10 =	sld [smem:$0x3FAE];
	_ =	sdelay $0x3  }
0x33: {  	p0 =	seq.s32 s10, $0x1;
	s10 =	sld [smem:$0x3FB0];
	_ =	sdelay $0x3  }
0x34: {  	[smem:$0x3FB0] =	sst s10  }
0x35: {  	s10 =	sld [smem:$0x3FAF];
	_ =	sdelay $0x3  }
0x36: {  	p1 =	seq.s32 s10, $0x1;
	s10 =	sld [smem:$0x3FB0];
	_ =	sdelay $0x3  }
0x37: {  	[smem:$0x3FB0] =	sst s10  }
0x38: {  	s10 =	sld [smem:$0x3FB1]  }
0x39: {  	_ = 	snop;
	(pc) =	sbr.ind lr, $3  }
0x3a: {  	_ = 	snop  }
0x3b: {  	_ = 	snop  }
0x3c: {  	p2 =	seq.s32 s10, $0x1;
	s10 =	sld [smem:$0x3FB0]  }
0x3d: {  	_ =	shalt  }
0x3e: {  	_ =	shalt  }
0x3f: {  	_ =	shalt  }
0x40: {  	_ =	shalt  }
0x41: {  	_ =	shalt  }
0x42: {  	_ =	shalt  }
0x43: {  	_ =	shalt  }
0x44: {  	_ =	shalt  }
0x45: {  	_ =	shalt  }
0x46: {  	_ =	shalt  }
0x47: {  	_ =	shalt  }
0x48: {  	_ =	shalt  }
0x49: {  	_ =	shalt  }
0x4a: {  	_ =	shalt  }
0x4b: {  	_ =	shalt  }
0x4c: {  	_ =	shalt  }
0x4d: {  	_ =	shalt  }
0x4e: {  	_ =	shalt  }
0x4f: {  	_ =	shalt  }
0x50: {  	_ =	shalt  }
0x51: {  	_ =	shalt  }
0x52: {  	_ =	shalt  }
0x53: {  	_ =	shalt  }
0x54: {  	_ =	shalt  }
0x55: {  	_ =	shalt  }
0x56: {  	_ =	shalt  }
0x57: {  	_ =	shalt  }
0x58: {  	_ =	shalt  }
0x59: {  	_ =	shalt  }
0x5a: {  	_ =	shalt  }
0x5b: {  	_ =	shalt  }
0x5c: {  	_ =	shalt  }
0x5d: {  	_ =	shalt  }
0x5e: {  	_ =	shalt  }
0x5f: {  	_ =	shalt  }
0x60: {  	_ =	shalt  }
0x61: {  	_ =	shalt  }
0x62: {  	_ =	shalt  }
0x63: {  	_ =	shalt  }
0x64: {  	_ =	shalt  }
0x65: {  	_ =	shalt  }
0x66: {  	_ =	shalt  }
0x67: {  	_ =	shalt  }
0x68: {  	_ =	shalt  }
0x69: {  	_ =	shalt  }
0x6a: {  	_ =	shalt  }
0x6b: {  	_ =	shalt  }
0x6c: {  	_ =	shalt  }
0x6d: {  	_ =	shalt  }
0x6e: {  	_ =	shalt  }
0x6f: {  	_ =	shalt  }
0x70: {  	_ =	shalt  }
0x71: {  	_ =	shalt  }
0x72: {  	_ =	shalt  }
0x73: {  	_ =	shalt  }
0x74: {  	_ =	shalt  }
0x75: {  	_ =	shalt  }
0x76: {  	_ =	shalt  }
0x77: {  	_ =	shalt  }
0x78: {  	_ =	shalt  }
0x79: {  	_ =	shalt  }
0x7a: {  	_ =	shalt  }
0x7b: {  	_ =	shalt  }
0x7c: {  	_ =	shalt  }
0x7d: {  	_ =	shalt  }
0x7e: {  	_ =	shalt  }
0x7f: {  	_ =	shalt  }
0x80: {  	_ =	shalt  }
0x81: {  	_ =	shalt  }
0x82: {  	_ =	shalt  }
0x83: {  	_ =	shalt  }
0x84: {  	_ =	shalt  }
0x85: {  	_ =	shalt  }
0x86: {  	_ =	shalt  }
0x87: {  	_ =	shalt  }
.Lfunc_end0:
.L_simem_size_0:
called_computation.1_lowered:
.L_overlay_start_0:
0x88: {  	s2 =	sld [smem:$0x3FD9]  }
0x89: {  	s3 =	sld [smem:$0x3FFE];
	_ =	sdelay $0x1  }
0x8a: {  	s1 =	srdreg.scid  }
0x8b: {  	s0 =	sand.u32 $0x1, s1  }
0x8c: {  	s16 =	sshll.u32 s0, $0xA;
	s2 =	sadd.s32 s3, s2  }
0x8d: {  	s2 =	sadd.s32 s2, s16  }
0x8e: {  	[smem:$0x3FBC] =	sst s2  }
0x8f: {  	_ = 	snop  }
0x90: {  	(tm) =	ssettm $0x1  }
0x91: {  	s17 =	sld [smem:$0x3FFB];
	_ =	sdelay $0x3  }
0x92: {  	_ =	strace s17  }
0x93: {  	s2 =	sld [smem:$0x3FFC];
	_ =	sdelay $0x3  }
0x94: {  	_ =	strace s2  }
0x95: {  	s2 =	sld [smem:$0x3FFD];
	_ =	sdelay $0x3  }
0x96: {  	_ =	strace s2  }
0x97: {  	_ =	strace $0x8FFFFFFF  }
0x98: {  	s18 =	sld [smem:$0x3FDB];
	_ =	sdelay $0x1  }
0x99: {  	s19 =	simm.s32 $_scs_section_size  }
0x9a: {  	s4 =	simm.s32 $_size__tile_overlayer_lowered;
	s5 =	simm.s32 $_tile_overlayer_lowered  }
0x9b: {  	s22 =	simm.s32 $0x1BFF;
	s21 =	sshll.u32 s5, $0x1;
	s2 =	sadd.s32 s19, s18  }
0x9c: {  	s6 =	simm.s32 $0x0;
	s20 =	sshll.u32 s4, $0x1;
	s4 =	sadd.s32 s21, s2  }
0x9d: {  	[timem:s6], [sflag:s22] =	dma.local [hbm:s4], s20  }
0x9e: {  	_ =	swait.ge [sflag:s22], s20  }
0x9f: {  	s3 =	ssub.s32 $0x0, s20;
	[sflag:s22] =	ssyncset.done $0x0  }
0xa0: {  	[sflag:s22] =	ssyncadd.s32 s3;
	_ =	sdelay $0x1  }
0xa1: {  	s23 =	simm.s32 $0x1B8B  }
0xa2: {  	_ =	swait.ge [sflag:s23], $0x1  }
0xa3: {  	[sflag:s23] =	ssyncset.done $0x0  }
0xa4: {  	s25 =	simm.s32 $0x1B8E;
	s24 =	sld [smem:$0x3FFE];
	[sflag:s23] =	ssyncadd.s32 $0xFFFFFFFF  }
0xa5: {  	s26 =	simm.s32 $execute0_lowered;
	[smem:$0x3FD2] =	sst s25  }
0xa6: {  	s4 =	sshll.u32 s26, $0x1;
	_ =	strace $0x80000049;
	[dreg:$0x1] =	wrdreg $0xFFFFFFFF  }
0xa7: {  	s28 =	simm.s32 $_size_execute0_lowered;
	s2 =	sadd.s32 s2, s4;
	[dreg:$0x0] =	wrdreg $0x0  }
0xa8: {  	s4 =	sshll.u32 s28, $0x1;
	[dreg:$0x2] =	wrdreg s2  }
0xa9: {  	[dreg:$0x3] =	wrdreg s4  }
0xaa: {  	[dreg:$0x4] =	wrdreg $0xC0  }
0xab: {  	_ =	task [dreg:s6], $0x5FFFF  }
0xac: {  	[dreg:$0x1] =	wrdreg $0xFFFFFFFF  }
0xad: {  	[dreg:$0x0] =	wrdreg $0x60  }
0xae: {  	[dreg:$0x2] =	wrdreg s24  }
0xaf: {  	[dreg:$0x3] =	wrdreg $0x88000  }
0xb0: {  	[dreg:$0x4] =	wrdreg $0x9  }
0xb1: {  	_ =	task.clear_ibuf [dreg:s6], $0x5FFFF;
	_ =	strace $0x90000049  }
0xb2: {  	s29 =	simm.s32 $0x9;
	_ =	strace $0x8000004B  }
0xb3: {  	_ =	swait.ge [sflag:s29], $0x1  }
0xb4: {  	[sflag:s29] =	ssyncadd.s32 $0xFFFFFFFF  }
0xb5: {  	_ =	strace $0x9000004B  }
0xb6: {  	_ =	sfence  }
0xb7: {  	s30 =	sld [smem:$0x0];
	_ =	sdelay $0x2  }
0xb8: {  	s31 =	sshll.u32 s1, $0xD;
	s1 =	sshrl.u32 s1, $0x2  }
0xb9: {  	s3 =	sand.u32 $0x4000, s31;
	s1 =	sadd.s32 s1, s30  }
0xba: {  	s0 =	sor.u32 s3, s0;
	s1 =	sshll.u32 s1, $0x11  }
0xbb: {  	s0 =	sor.u32 s1, s0  }
0xbc: {  	s0 =	sadd.s32 $0x8F2B, s0  }
0xbd: {  	[sflag:s0] =	ssyncadd.remote.s32 $0x1  }
0xbe: {  	_ =	sfence.sel $0xFFFF  }
0xbf: {  	[dreg:$0x0] =	wrdreg $0xFFFFFFFF;
	(pc) =	sbr.abs _section_cstart, $3  }
0xc0: {  	[dreg:$0x1] =	wrdreg $0xFFFFFFFF  }
0xc1: {  	_ =	task.clear_ibuf [dreg:s6], $0x2FFFF;
	_ =	strace $0x9FFFFFFF  }
0xc2: {  	(tm) =	ssettm $0x7FFFFFFF  }
0xc3: {  	_ =	shalt  }
tec
execute0_lowered:
.L_overlay_start_1:
0x0: {  	(tag) =	ssettag $0x1  }
0x1: {  	s0 =	srdreg.scid;
	s1 =	rddreg [dreg:$0x0]  }
0x2: {  	s12 =	stileid.u32;
	s2 =	rddreg [dreg:$0x1]  }
0x3: {  	s3 =	simm.s32 $0x0;
	s13 =	simm.s32 $0x400;
	s14 =	simm.s32 $0x80  }
0x4: {  	s15 =	simm.s32 $0x800;
	s16 =	simm.s32 $0x4800;
	s5 =	smul.u32 $0x2800, s12  }
0x5: {  	s17 =	simm.s32 $0x1;
	s18 =	simm.s32 $0x100;
	s6 =	smul.u32 $0x500, s12  }
0x6: {  	s19 =	simm.s32 $0x2;
	s28 =	simm.s32 $0x300;
	s8 =	smul.u32 $0x13C00, s12  }
0x7: {  	s29 =	simm.s32 $0x680;
	s30 =	simm.s32 $0x380;
	s9 =	smul.u32 $0x4F000, s12  }
0x8: {  	s31 =	simm.s32 $0x700;
	s0 =	sand.u32 $0x1, s0;
	s10 =	smul.u32 $0x2780, s12  }
0x9: {  	[smem:$0x7FF] =	sst s3;
	s26 =	sshll.u32 s12, $0x6;
	s4 =	smul.u32 $0x28000, s0  }
0xa: {  	s12 =	simm.s32 $0x3;
	s7 =	smul.u32 $0x13C000, s0;
	_ =	strace $0x8000004A  }
0xb: {  	s20 =	smul.u32 $0x27800, s0;
	s0 =	ssub.s32 $0x2, s0;
	s11 =	sadd.s32 s6, s1  }
0xc: {  	s21 =	sshrl.u32 s0, $0x1;
	s22 =	sshrl.u32 s9, $0x2;
	s6 =	sor.u32 $0x1C03, s26  }
0xd: {  	s26 =	simm.s32 $0x600;
	s5 =	sadd.s32 s4, s5;
	s4 =	sadd.s32 $0x68800, s1  }
0xe: {  	s7 =	sadd.s32 s8, s7;
	s0 =	ssub.s32 s0, s21;
	s23 =	sadd.s32 s10, s20  }
0xf: {  	s24 =	sadd.s32 s22, s2;
	s10 =	sadd.s32 $0x59800, s11;
	s20 =	simm.s32 $0x480  }
0x10: {  	s21 =	simm.s32 $0x180;
	s22 =	simm.s32 $0x500;
	[dreg:$0x4] =	wrdreg s6  }
0x11: {  	s5 =	sshrl.u32 s5, $0x3;
	s7 =	sshrl.u32 s7, $0x3;
	s25 =	sadd.s32 s4, s23  }
0x12: {  	s0 =	smax.u32 s0, $0x1;
	s23 =	simm.s32 $0x200;
	[dreg:$0x3] =	wrdreg s25  }
0x13: {  	s5 =	sadd.s32 s5, s1;
	s1 =	sadd.s32 s7, s1;
	[dreg:$0x6] =	wrdreg s0  }
0x14: {  	s7 =	sshrl.u32 s24, $0x3;
	s24 =	simm.s32 $0x580;
	s25 =	simm.s32 $0x280  }
0x15: {  	s0 =	simm.s32 $0x0;
	s1 =	sadd.s32 $0x3000, s1;
	[dreg:$0x7] =	wrdreg s7  }
0x16: {  	s9 =	sadd.s32 $0x5E800, s5;
	[dreg:$0x5] =	wrdreg s1;
	s1 =	simm.s32 $0x780  }
.LBB2_1:
0x17: {  	s5 =	rddreg [dreg:$0x3]  }
0x18: {  	[spmem:s7], [sflag:s6] =	dma.local [hbm:s5], $0x2780  }
0x19: {  	_ =	swait.ge [sflag:s12], $0x2780  }
0x1a: {  	[sflag:s12] =	ssyncset.done $0x0  }
0x1b: {  	[sflag:s12] =	ssyncadd.s32 $0xFFFFD880  }
0x1c: {  	s8 =	sadd.s32 $0x0, s9;
	[bflag:$0x0] =	sbarrier.arrive $0xFFFF  }
0x1d: {  	[tilespmem:s3], [sflag:$0x3] =	stream.linear.gather [hbm4b:s8+s3], $0x400, $0x38;
	[tilespmem:$0x1C400] =	vst v63  }
0x1e: {  	_ =	swait.ge [sflag:s12], $0x400  }
0x1f: {  	[sflag:s12] =	ssyncset.done $0x0  }
0x20: {  	s11 =	sadd.s32 $0x0, s10;
	[sflag:s12] =	ssyncadd.s32 $0xFFFFFC00  }
0x21: {  	[tilespmem:s13], [sflag:$0x3] =	stream.linear.gather [hbm4b:s11+s3], $0x400, $0x38;
	[tilespmem:$0x1C400] =	vst v63  }
0x22: {  	_ =	swait.ge [sflag:s12], $0x400  }
0x23: {  	[sflag:s12] =	ssyncset.done $0x0  }
0x24: {  	[sflag:s12] =	ssyncadd.s32 $0xFFFFFC00  }
0x25: {  	[tilespmem:s15], [sflag:$0x1] =	stream.indirect.gather [hbm4b:s4+s14], $0x80, s3, s14, $0xb8;
	[tilespmem:$0x1C400] =	vst v63  }
0x26: {  	_ = 	snop  }
0x27: {  	[tilespmem:s16], [sflag:$0x2] =	stream.indirect.gather [hbm4b:s4+s14], $0x80, s14, s14, $0xb8;
	[tilespmem:$0x1C400] =	vst v63  }
0x28: {  	_ =	swait.ge [sflag:s17], $0x4000  }
0x29: {  	[sflag:s17] =	ssyncset.done $0x0  }
0x2a: {  	[sflag:s17] =	ssyncadd.s32 $0xFFFFC000  }
0x2b: {  	[spmem:s2] =	stream.indirect.scatter.add.f32 [tilespmem:s15], [sflag:$0x3], $0x80, s13, s14, $0xb8;
	[tilespmem:$0x1C400] =	vst v63  }
0x2c: {  	_ =	swait.ge [sflag:s12], $0x4000  }
0x2d: {  	[sflag:s12] =	ssyncset.done $0x0  }
0x2e: {  	[sflag:s12] =	ssyncadd.s32 $0xFFFFC000  }
0x2f: {  	[tilespmem:s15], [sflag:$0x1] =	stream.indirect.gather [hbm4b:s4+s14], $0x80, s18, s14, $0xb8;
	[tilespmem:$0x1C400] =	vst v63  }
0x30: {  	_ =	swait.ge [sflag:s19], $0x4000  }
0x31: {  	[sflag:s19] =	ssyncset.done $0x0  }
0x32: {  	[sflag:s19] =	ssyncadd.s32 $0xFFFFC000  }
0x33: {  	[spmem:s2] =	stream.indirect.scatter.add.f32 [tilespmem:s16], [sflag:$0x3], $0x80, s20, s14, $0xb8;
	[tilespmem:$0x1C400] =	vst v63  }
0x34: {  	_ =	swait.ge [sflag:s12], $0x4000  }
0x35: {  	[sflag:s12] =	ssyncset.done $0x0  }
0x36: {  	[sflag:s12] =	ssyncadd.s32 $0xFFFFC000  }
0x37: {  	[tilespmem:s16], [sflag:$0x2] =	stream.indirect.gather [hbm4b:s4+s14], $0x80, s21, s14, $0xb8;
	[tilespmem:$0x1C400] =	vst v63  }
0x38: {  	_ =	swait.ge [sflag:s17], $0x4000  }
0x39: {  	[sflag:s17] =	ssyncset.done $0x0  }
0x3a: {  	[sflag:s17] =	ssyncadd.s32 $0xFFFFC000  }
0x3b: {  	[spmem:s2] =	stream.indirect.scatter.add.f32 [tilespmem:s15], [sflag:$0x3], $0x80, s22, s14, $0xb8;
	[tilespmem:$0x1C400] =	vst v63  }
0x3c: {  	_ =	swait.ge [sflag:s12], $0x4000  }
0x3d: {  	[sflag:s12] =	ssyncset.done $0x0  }
0x3e: {  	[sflag:s12] =	ssyncadd.s32 $0xFFFFC000  }
0x3f: {  	[tilespmem:s15], [sflag:$0x1] =	stream.indirect.gather [hbm4b:s4+s14], $0x80, s23, s14, $0xb8;
	[tilespmem:$0x1C400] =	vst v63  }
0x40: {  	_ =	swait.ge [sflag:s19], $0x4000  }
0x41: {  	[sflag:s19] =	ssyncset.done $0x0  }
0x42: {  	[sflag:s19] =	ssyncadd.s32 $0xFFFFC000  }
0x43: {  	[spmem:s2] =	stream.indirect.scatter.add.f32 [tilespmem:s16], [sflag:$0x3], $0x80, s24, s14, $0xb8;
	[tilespmem:$0x1C400] =	vst v63  }
0x44: {  	_ =	swait.ge [sflag:s12], $0x4000  }
0x45: {  	[sflag:s12] =	ssyncset.done $0x0  }
0x46: {  	[sflag:s12] =	ssyncadd.s32 $0xFFFFC000  }
0x47: {  	[tilespmem:s16], [sflag:$0x2] =	stream.indirect.gather [hbm4b:s4+s14], $0x80, s25, s14, $0xb8;
	[tilespmem:$0x1C400] =	vst v63  }
0x48: {  	_ =	swait.ge [sflag:s17], $0x4000  }
0x49: {  	[sflag:s17] =	ssyncset.done $0x0  }
0x4a: {  	[sflag:s17] =	ssyncadd.s32 $0xFFFFC000  }
0x4b: {  	[spmem:s2] =	stream.indirect.scatter.add.f32 [tilespmem:s15], [sflag:$0x3], $0x80, s26, s14, $0xb8;
	[tilespmem:$0x1C400] =	vst v63  }
0x4c: {  	_ =	swait.ge [sflag:s12], $0x4000  }
0x4d: {  	[sflag:s12] =	ssyncset.done $0x0  }
0x4e: {  	[sflag:s12] =	ssyncadd.s32 $0xFFFFC000  }
0x4f: {  	[tilespmem:s15], [sflag:$0x1] =	stream.indirect.gather [hbm4b:s4+s14], $0x80, s28, s14, $0xb8;
	[tilespmem:$0x1C400] =	vst v63  }
0x50: {  	_ =	swait.ge [sflag:s19], $0x4000  }
0x51: {  	[sflag:s19] =	ssyncset.done $0x0  }
0x52: {  	[sflag:s19] =	ssyncadd.s32 $0xFFFFC000  }
0x53: {  	[spmem:s2] =	stream.indirect.scatter.add.f32 [tilespmem:s16], [sflag:$0x3], $0x80, s29, s14, $0xb8;
	[tilespmem:$0x1C400] =	vst v63  }
0x54: {  	_ =	swait.ge [sflag:s12], $0x4000  }
0x55: {  	[sflag:s12] =	ssyncset.done $0x0  }
0x56: {  	[sflag:s12] =	ssyncadd.s32 $0xFFFFC000  }
0x57: {  	[tilespmem:s16], [sflag:$0x2] =	stream.indirect.gather [hbm4b:s4+s14], $0x80, s30, s14, $0xb8;
	[tilespmem:$0x1C400] =	vst v63  }
0x58: {  	_ =	swait.ge [sflag:s17], $0x4000  }
0x59: {  	[sflag:s17] =	ssyncset.done $0x0  }
0x5a: {  	[sflag:s17] =	ssyncadd.s32 $0xFFFFC000  }
0x5b: {  	[spmem:s2] =	stream.indirect.scatter.add.f32 [tilespmem:s15], [sflag:$0x3], $0x80, s31, s14, $0xb8;
	[tilespmem:$0x1C400] =	vst v63  }
0x5c: {  	_ =	swait.ge [sflag:s12], $0x4000  }
0x5d: {  	[sflag:s12] =	ssyncset.done $0x0  }
0x5e: {  	[sflag:s12] =	ssyncadd.s32 $0xFFFFC000  }
0x5f: {  	_ =	swait.ge [sflag:s19], $0x4000  }
0x60: {  	[sflag:s19] =	ssyncset.done $0x0  }
0x61: {  	[sflag:s19] =	ssyncadd.s32 $0xFFFFC000  }
0x62: {  	[spmem:s2] =	stream.indirect.scatter.add.f32 [tilespmem:s16], [sflag:$0x3], $0x80, s1, s14, $0xb8;
	[tilespmem:$0x1C400] =	vst v63  }
0x63: {  	_ =	swait.ge [sflag:s12], $0x4000  }
0x64: {  	s5 =	simm.s32 $0x80;
	s7 =	simm.s32 $0x100;
	[sflag:s12] =	ssyncset.done $0x0  }
.LBB2_2:
0x65: {  	s6 =	sadd.s32 s5, s9  }
0x66: {  	[sflag:s12] =	ssyncadd.s32 $0xFFFFC000;
	s11 =	smov.u32 s7;
	s8 =	sadd.s32 $0x80, s7  }
0x67: {  	[tilespmem:s3], [sflag:$0x3] =	stream.linear.gather [hbm4b:s6+s3], $0x400, $0x38;
	[tilespmem:$0x1C400] =	vst v63  }
0x68: {  	p0 =	sne.s32 s7, $0x480;
	_ =	swait.ge [sflag:s12], $0x400  }
0x69: {  	[sflag:s12] =	ssyncset.done $0x0  }
0x6a: {  	s6 =	sadd.s32 s5, s10;
	s5 =	smov.u32 s11;
	[sflag:s12] =	ssyncadd.s32 $0xFFFFFC00  }
0x6b: {  	[tilespmem:s13], [sflag:$0x3] =	stream.linear.gather [hbm4b:s6+s3], $0x400, $0x38;
	[tilespmem:$0x1C400] =	vst v63  }
0x6c: {  	_ =	swait.ge [sflag:s12], $0x400  }
0x6d: {  	[sflag:s12] =	ssyncset.done $0x0  }
0x6e: {  	[sflag:s12] =	ssyncadd.s32 $0xFFFFFC00  }
0x6f: {  	[tilespmem:s15], [sflag:$0x1] =	stream.indirect.gather [hbm4b:s4+s14], $0x80, s3, s14, $0xb8;
	[tilespmem:$0x1C400] =	vst v63  }
0x70: {  	_ = 	snop  }
0x71: {  	[tilespmem:s16], [sflag:$0x2] =	stream.indirect.gather [hbm4b:s4+s14], $0x80, s14, s14, $0xb8;
	[tilespmem:$0x1C400] =	vst v63  }
0x72: {  	_ =	swait.ge [sflag:s17], $0x4000  }
0x73: {  	[sflag:s17] =	ssyncset.done $0x0  }
0x74: {  	[sflag:s17] =	ssyncadd.s32 $0xFFFFC000  }
0x75: {  	[spmem:s2] =	stream.indirect.scatter.add.f32 [tilespmem:s15], [sflag:$0x3], $0x80, s13, s14, $0xb8;
	[tilespmem:$0x1C400] =	vst v63  }
0x76: {  	_ =	swait.ge [sflag:s12], $0x4000  }
0x77: {  	[sflag:s12] =	ssyncset.done $0x0  }
0x78: {  	[sflag:s12] =	ssyncadd.s32 $0xFFFFC000  }
0x79: {  	[tilespmem:s15], [sflag:$0x1] =	stream.indirect.gather [hbm4b:s4+s14], $0x80, s18, s14, $0xb8;
	[tilespmem:$0x1C400] =	vst v63  }
0x7a: {  	_ =	swait.ge [sflag:s19], $0x4000  }
0x7b: {  	[sflag:s19] =	ssyncset.done $0x0  }
0x7c: {  	[sflag:s19] =	ssyncadd.s32 $0xFFFFC000  }
0x7d: {  	[spmem:s2] =	stream.indirect.scatter.add.f32 [tilespmem:s16], [sflag:$0x3], $0x80, s20, s14, $0xb8;
	[tilespmem:$0x1C400] =	vst v63  }
0x7e: {  	_ =	swait.ge [sflag:s12], $0x4000  }
0x7f: {  	[sflag:s12] =	ssyncset.done $0x0  }
0x80: {  	[sflag:s12] =	ssyncadd.s32 $0xFFFFC000  }
0x81: {  	[tilespmem:s16], [sflag:$0x2] =	stream.indirect.gather [hbm4b:s4+s14], $0x80, s21, s14, $0xb8;
	[tilespmem:$0x1C400] =	vst v63  }
0x82: {  	_ =	swait.ge [sflag:s17], $0x4000  }
0x83: {  	[sflag:s17] =	ssyncset.done $0x0  }
0x84: {  	[sflag:s17] =	ssyncadd.s32 $0xFFFFC000  }
0x85: {  	[spmem:s2] =	stream.indirect.scatter.add.f32 [tilespmem:s15], [sflag:$0x3], $0x80, s22, s14, $0xb8;
	[tilespmem:$0x1C400] =	vst v63  }
0x86: {  	_ =	swait.ge [sflag:s12], $0x4000  }
0x87: {  	[sflag:s12] =	ssyncset.done $0x0  }
0x88: {  	[sflag:s12] =	ssyncadd.s32 $0xFFFFC000  }
0x89: {  	[tilespmem:s15], [sflag:$0x1] =	stream.indirect.gather [hbm4b:s4+s14], $0x80, s23, s14, $0xb8;
	[tilespmem:$0x1C400] =	vst v63  }
0x8a: {  	_ =	swait.ge [sflag:s19], $0x4000  }
0x8b: {  	[sflag:s19] =	ssyncset.done $0x0  }
0x8c: {  	[sflag:s19] =	ssyncadd.s32 $0xFFFFC000  }
0x8d: {  	[spmem:s2] =	stream.indirect.scatter.add.f32 [tilespmem:s16], [sflag:$0x3], $0x80, s24, s14, $0xb8;
	[tilespmem:$0x1C400] =	vst v63  }
0x8e: {  	_ =	swait.ge [sflag:s12], $0x4000  }
0x8f: {  	[sflag:s12] =	ssyncset.done $0x0  }
0x90: {  	[sflag:s12] =	ssyncadd.s32 $0xFFFFC000  }
0x91: {  	[tilespmem:s16], [sflag:$0x2] =	stream.indirect.gather [hbm4b:s4+s14], $0x80, s25, s14, $0xb8;
	[tilespmem:$0x1C400] =	vst v63  }
0x92: {  	_ =	swait.ge [sflag:s17], $0x4000  }
0x93: {  	[sflag:s17] =	ssyncset.done $0x0  }
0x94: {  	[sflag:s17] =	ssyncadd.s32 $0xFFFFC000  }
0x95: {  	[spmem:s2] =	stream.indirect.scatter.add.f32 [tilespmem:s15], [sflag:$0x3], $0x80, s26, s14, $0xb8;
	[tilespmem:$0x1C400] =	vst v63  }
0x96: {  	_ =	swait.ge [sflag:s12], $0x4000  }
0x97: {  	[sflag:s12] =	ssyncset.done $0x0  }
0x98: {  	[sflag:s12] =	ssyncadd.s32 $0xFFFFC000  }
0x99: {  	[tilespmem:s15], [sflag:$0x1] =	stream.indirect.gather [hbm4b:s4+s14], $0x80, s28, s14, $0xb8;
	[tilespmem:$0x1C400] =	vst v63  }
0x9a: {  	_ =	swait.ge [sflag:s19], $0x4000  }
0x9b: {  	[sflag:s19] =	ssyncset.done $0x0  }
0x9c: {  	[sflag:s19] =	ssyncadd.s32 $0xFFFFC000  }
0x9d: {  	[spmem:s2] =	stream.indirect.scatter.add.f32 [tilespmem:s16], [sflag:$0x3], $0x80, s29, s14, $0xb8;
	[tilespmem:$0x1C400] =	vst v63  }
0x9e: {  	_ =	swait.ge [sflag:s12], $0x4000  }
0x9f: {  	[sflag:s12] =	ssyncset.done $0x0  }
0xa0: {  	[sflag:s12] =	ssyncadd.s32 $0xFFFFC000  }
0xa1: {  	[tilespmem:s16], [sflag:$0x2] =	stream.indirect.gather [hbm4b:s4+s14], $0x80, s30, s14, $0xb8;
	[tilespmem:$0x1C400] =	vst v63  }
0xa2: {  	_ =	swait.ge [sflag:s17], $0x4000  }
0xa3: {  	[sflag:s17] =	ssyncset.done $0x0  }
0xa4: {  	[sflag:s17] =	ssyncadd.s32 $0xFFFFC000  }
0xa5: {  	[spmem:s2] =	stream.indirect.scatter.add.f32 [tilespmem:s15], [sflag:$0x3], $0x80, s31, s14, $0xb8;
	[tilespmem:$0x1C400] =	vst v63  }
0xa6: {  	_ =	swait.ge [sflag:s12], $0x4000  }
0xa7: {  	[sflag:s12] =	ssyncset.done $0x0  }
0xa8: {  	[sflag:s12] =	ssyncadd.s32 $0xFFFFC000  }
0xa9: {  	_ =	swait.ge [sflag:s19], $0x4000  }
.Ltmp0:
0xaa: {  	[sflag:s19] =	ssyncset.done $0x0;
	(pc) =	sbr.rel @p0 .LBB2_2-.Ltmp0, $4  }
0xab: {  	[sflag:s19] =	ssyncadd.s32 $0xFFFFC000  }
0xac: {  	[spmem:s2] =	stream.indirect.scatter.add.f32 [tilespmem:s16], [sflag:$0x3], $0x80, s1, s14, $0xb8;
	[tilespmem:$0x1C400] =	vst v63  }
0xad: {  	_ =	swait.ge [sflag:s12], $0x4000  }
0xae: {  	s7 =	smov.u32 s8;
	[sflag:s12] =	ssyncset.done $0x0  }
0xaf: {  	s6 =	sadd.s32 s5, s9;
	[sflag:s12] =	ssyncadd.s32 $0xFFFFC000  }
0xb0: {  	[tilespmem:s3], [sflag:$0x3] =	stream.linear.gather [hbm4b:s6+s3], $0x400, $0x38;
	[tilespmem:$0x1C400] =	vst v63  }
0xb1: {  	_ =	swait.ge [sflag:s12], $0x400  }
0xb2: {  	[sflag:s12] =	ssyncset.done $0x0  }
0xb3: {  	s7 =	sadd.s32 s5, s10;
	[sflag:s12] =	ssyncadd.s32 $0xFFFFFC00  }
0xb4: {  	[tilespmem:s13], [sflag:$0x3] =	stream.linear.gather [hbm4b:s7+s3], $0x400, $0x38;
	[tilespmem:$0x1C400] =	vst v63  }
0xb5: {  	_ =	swait.ge [sflag:s12], $0x400  }
0xb6: {  	[sflag:s12] =	ssyncset.done $0x0  }
0xb7: {  	[sflag:s12] =	ssyncadd.s32 $0xFFFFFC00  }
0xb8: {  	[tilespmem:s15], [sflag:$0x1] =	stream.indirect.gather [hbm4b:s4+s14], $0x80, s3, s14, $0xb8;
	[tilespmem:$0x1C400] =	vst v63  }
0xb9: {  	_ = 	snop  }
0xba: {  	[tilespmem:s16], [sflag:$0x2] =	stream.indirect.gather [hbm4b:s4+s14], $0x80, s14, s14, $0xb8;
	[tilespmem:$0x1C400] =	vst v63  }
0xbb: {  	_ =	swait.ge [sflag:s17], $0x4000  }
0xbc: {  	[sflag:s17] =	ssyncset.done $0x0  }
0xbd: {  	[sflag:s17] =	ssyncadd.s32 $0xFFFFC000  }
0xbe: {  	[spmem:s2] =	stream.indirect.scatter.add.f32 [tilespmem:s15], [sflag:$0x3], $0x80, s13, s14, $0xb8;
	[tilespmem:$0x1C400] =	vst v63  }
0xbf: {  	_ =	swait.ge [sflag:s12], $0x4000  }
0xc0: {  	[sflag:s12] =	ssyncset.done $0x0  }
0xc1: {  	[sflag:s12] =	ssyncadd.s32 $0xFFFFC000  }
0xc2: {  	[tilespmem:s15], [sflag:$0x1] =	stream.indirect.gather [hbm4b:s4+s14], $0x80, s18, s14, $0xb8;
	[tilespmem:$0x1C400] =	vst v63  }
0xc3: {  	_ =	swait.ge [sflag:s19], $0x4000  }
0xc4: {  	[sflag:s19] =	ssyncset.done $0x0  }
0xc5: {  	[sflag:s19] =	ssyncadd.s32 $0xFFFFC000  }
0xc6: {  	[spmem:s2] =	stream.indirect.scatter.add.f32 [tilespmem:s16], [sflag:$0x3], $0x80, s20, s14, $0xb8;
	[tilespmem:$0x1C400] =	vst v63  }
0xc7: {  	_ =	swait.ge [sflag:s12], $0x4000  }
0xc8: {  	[sflag:s12] =	ssyncset.done $0x0  }
0xc9: {  	[sflag:s12] =	ssyncadd.s32 $0xFFFFC000  }
0xca: {  	[tilespmem:s16], [sflag:$0x2] =	stream.indirect.gather [hbm4b:s4+s14], $0x80, s21, s14, $0xb8;
	[tilespmem:$0x1C400] =	vst v63  }
0xcb: {  	_ =	swait.ge [sflag:s17], $0x4000  }
0xcc: {  	[sflag:s17] =	ssyncset.done $0x0  }
0xcd: {  	[sflag:s17] =	ssyncadd.s32 $0xFFFFC000  }
0xce: {  	[spmem:s2] =	stream.indirect.scatter.add.f32 [tilespmem:s15], [sflag:$0x3], $0x80, s22, s14, $0xb8;
	[tilespmem:$0x1C400] =	vst v63  }
0xcf: {  	_ =	swait.ge [sflag:s12], $0x4000  }
0xd0: {  	[sflag:s12] =	ssyncset.done $0x0  }
0xd1: {  	[sflag:s12] =	ssyncadd.s32 $0xFFFFC000  }
0xd2: {  	[tilespmem:s15], [sflag:$0x1] =	stream.indirect.gather [hbm4b:s4+s14], $0x80, s23, s14, $0xb8;
	[tilespmem:$0x1C400] =	vst v63  }
0xd3: {  	_ =	swait.ge [sflag:s19], $0x4000  }
0xd4: {  	[sflag:s19] =	ssyncset.done $0x0  }
0xd5: {  	[sflag:s19] =	ssyncadd.s32 $0xFFFFC000  }
0xd6: {  	[spmem:s2] =	stream.indirect.scatter.add.f32 [tilespmem:s16], [sflag:$0x3], $0x80, s24, s14, $0xb8;
	[tilespmem:$0x1C400] =	vst v63  }
0xd7: {  	_ =	swait.ge [sflag:s12], $0x4000  }
0xd8: {  	[sflag:s12] =	ssyncset.done $0x0  }
0xd9: {  	[sflag:s12] =	ssyncadd.s32 $0xFFFFC000  }
0xda: {  	[tilespmem:s16], [sflag:$0x2] =	stream.indirect.gather [hbm4b:s4+s14], $0x80, s25, s14, $0xb8;
	[tilespmem:$0x1C400] =	vst v63  }
0xdb: {  	_ =	swait.ge [sflag:s17], $0x4000  }
0xdc: {  	[sflag:s17] =	ssyncset.done $0x0  }
0xdd: {  	[sflag:s17] =	ssyncadd.s32 $0xFFFFC000  }
0xde: {  	[spmem:s2] =	stream.indirect.scatter.add.f32 [tilespmem:s15], [sflag:$0x3], $0x80, s26, s14, $0xb8;
	[tilespmem:$0x1C400] =	vst v63  }
0xdf: {  	_ =	swait.ge [sflag:s12], $0x4000  }
0xe0: {  	[sflag:s12] =	ssyncset.done $0x0  }
0xe1: {  	[sflag:s12] =	ssyncadd.s32 $0xFFFFC000  }
0xe2: {  	[tilespmem:s15], [sflag:$0x1] =	stream.indirect.gather [hbm4b:s4+s14], $0x80, s28, s14, $0xb8;
	[tilespmem:$0x1C400] =	vst v63  }
0xe3: {  	_ =	swait.ge [sflag:s19], $0x4000  }
0xe4: {  	[sflag:s19] =	ssyncset.done $0x0  }
0xe5: {  	[sflag:s19] =	ssyncadd.s32 $0xFFFFC000  }
0xe6: {  	[spmem:s2] =	stream.indirect.scatter.add.f32 [tilespmem:s16], [sflag:$0x3], $0x80, s29, s14, $0xb8;
	[tilespmem:$0x1C400] =	vst v63  }
0xe7: {  	_ =	swait.ge [sflag:s12], $0x4000  }
0xe8: {  	[sflag:s12] =	ssyncset.done $0x0  }
0xe9: {  	[sflag:s12] =	ssyncadd.s32 $0xFFFFC000  }
0xea: {  	[tilespmem:s16], [sflag:$0x2] =	stream.indirect.gather [hbm4b:s4+s14], $0x80, s30, s14, $0xb8;
	[tilespmem:$0x1C400] =	vst v63  }
0xeb: {  	_ =	swait.ge [sflag:s17], $0x4000  }
0xec: {  	[sflag:s17] =	ssyncset.done $0x0  }
0xed: {  	[sflag:s17] =	ssyncadd.s32 $0xFFFFC000  }
0xee: {  	[spmem:s2] =	stream.indirect.scatter.add.f32 [tilespmem:s15], [sflag:$0x3], $0x80, s31, s14, $0xb8;
	[tilespmem:$0x1C400] =	vst v63  }
0xef: {  	_ =	swait.ge [sflag:s12], $0x4000  }
0xf0: {  	[sflag:s12] =	ssyncset.done $0x0  }
0xf1: {  	[sflag:s12] =	ssyncadd.s32 $0xFFFFC000  }
0xf2: {  	_ =	swait.ge [sflag:s19], $0x4000  }
0xf3: {  	[sflag:s19] =	ssyncset.done $0x0  }
0xf4: {  	[sflag:s19] =	ssyncadd.s32 $0xFFFFC000  }
0xf5: {  	[spmem:s2] =	stream.indirect.scatter.add.f32 [tilespmem:s16], [sflag:$0x3], $0x80, s1, s14, $0xb8;
	[tilespmem:$0x1C400] =	vst v63  }
0xf6: {  	_ =	swait.ge [sflag:s12], $0x4000  }
0xf7: {  	[sflag:s12] =	ssyncset.done $0x0  }
0xf8: {  	[sflag:s12] =	ssyncadd.s32 $0xFFFFC000  }
0xf9: {  	[bflag:$0x0] =	sbarrier.arrive $0xFFFF  }
0xfa: {  	s6 =	rddreg [dreg:$0x4]  }
0xfb: {  	s8 =	rddreg [dreg:$0x5]  }
0xfc: {  	s7 =	rddreg [dreg:$0x7]  }
0xfd: {  	[hbm:s8], [sflag:s6] =	dma.local [spmem:s7], $0x2780  }
0xfe: {  	_ =	swait.ge [sflag:s12], $0x2780  }
0xff: {  	s0 =	sadd.s32 $0x1, s0;
	s11 =	rddreg [dreg:$0x6]  }
0x100: {  	p0 =	sne.s32 s0, s11  }
.Ltmp1:
0x101: {  	_ = 	snop;
	(pc) =	sbr.rel @p0 .LBB2_1-.Ltmp1, $3  }
0x102: {  	_ =	sdelay $0x1  }
0x103: {  	[sflag:s12] =	ssyncset.done $0x0  }
0x104: {  	[sflag:s12] =	ssyncadd.s32 $0xFFFFD880  }
0x105: {  	_ =	sfence.sel $0x180000  }
0x106: {  	[bflag:$0x0] =	sbarrier.arrive $0xFFFF  }
0x107: {  	_ =	strace $0x9000004A  }
0x108: {  	s0 =	stileid.u32;
	[bflag:$0x2] =	sbarrier.arrive $0xFFFF  }
0x109: {  	p0 =	sne.s32 s0, $0x0;
	s0 =	rddreg [dreg:$0x2]  }
0x10a: {  	s0 =	sadd.s32 @!p0 $0x100000, s0  }
0x10b: {  	[sflag:s0] =	ssyncadd.tile.s32 @!p0 $0x1;
	_ =	shalt  }
.Lfunc_end2:
_tile_overlayer_lowered:
.L_overlay_start_2:
0x10c: {  	(tag) =	ssettag $0x2  }
0x10d: {  	s0 =	rddreg [dreg:$0x0];
	s2 =	stileid.u32  }
0x10e: {  	s1 =	rddreg [dreg:$0x1];
	p0 =	sne.s32 s2, $0x0  }
0x10f: {  	s3 =	rddreg [dreg:$0x2];
	[bflag:$0x3] =	sbarrier.arrive $0xFFFF;
	s2 =	simm.s32 @!p0 $0x1C03  }
0x110: {  	[timem:s3], [sflag:s2] =	dma.local @!p0 [hbm:s0], s1  }
0x111: {  	s0 =	simm.s32 @!p0 $0x3  }
0x112: {  	_ =	swait.ge @!p0 [sflag:s0], s1  }
0x113: {  	s1 =	ssub.s32 @!p0 $0x0, s1;
	[sflag:s0] =	ssyncset.done @!p0 $0x0  }
0x114: {  	[sflag:s0] =	ssyncadd.s32 @!p0 s1  }
0x115: {  	[bflag:$0x3] =	sbarrier.arrive $0xFFFF  }
0x116: {  	_ =	shalt  }

// kernel: kernel.17.cloned.1.call-start
scs
__scs_entry_jumppad:
0x0: {  	(pc) =	sbr.rel $0x88, $3  }
0x1: {  	(tag) =	ssettag $0x0;
	lr =	simm.s32 $0x1  }
0x2: {  	[smem:$0x3F95] =	sst lr;
	_ =	strace $0xD0000000  }
0x3: {  	_ = 	snop  }
0x4: {  	_ = 	snop  }
0x5: {  	_ = 	snop  }
0x6: {  	_ = 	snop  }
0x7: {  	_ = 	snop  }
__scs_overlays_trampoline_lowered:
0x8: {  	[smem:$0x3FA4] =	sst s0  }
0x9: {  	[smem:$0x3FA5] =	sst s1  }
0xa: {  	[smem:$0x3FA6] =	sst s2  }
0xb: {  	[smem:$0x3FA7] =	sst s3  }
0xc: {  	[smem:$0x3FA8] =	sst s4  }
0xd: {  	[smem:$0x3FA9] =	sst s5  }
0xe: {  	[smem:$0x3FAA] =	sst s6  }
0xf: {  	[smem:$0x3FAB] =	sst s7  }
0x10: {  	[smem:$0x3FAC] =	sst s8  }
0x11: {  	[smem:$0x3FAD] =	sst s9;
	s0 =	simm.s32 @!p0 $0x0  }
0x12: {  	s1 =	sld [smem:$0x3F93];
	s0 =	simm.s32 @p0 $0x1  }
0x13: {  	[smem:$0x3FAE] =	sst s0;
	s0 =	simm.s32 @!p1 $0x0  }
0x14: {  	s2 =	sld [smem:$0x3F92];
	s0 =	simm.s32 @p1 $0x1  }
0x15: {  	[smem:$0x3FAF] =	sst s0;
	s0 =	simm.s32 @!p2 $0x0  }
0x16: {  	s3 =	sld [smem:$0x3FDB];
	s0 =	simm.s32 @p2 $0x1  }
0x17: {  	s4 =	simm.s32 $0x1BF5;
	[smem:$0x3FB1] =	sst s0  }
0x18: {  	s0 =	sld [smem:$0x3F94];
	_ =	swait.ge [sflag:s4], $0x0  }
0x19: {  	s7 =	sld [smem:$0x3F95]  }
0x1a: {  	s8 =	sadd.s32 $0xFFFFE003, lr  }
0x1b: {  	s9 =	sadd.s32 $0xFFFFFEF7, lr;
	s5 =	simm.s32 $0xFFFFFFFF;
	p2 =	slt.u32 s8, $0xFFFFF086  }
0x1c: {  	p1 =	slt.u32 s9, $0xF7A;
	s5 =	simm.s32 @!p2 $0x0  }
0x1d: {  	s5 =	simm.s32 @p1 $0x1;
	p0 =	seq.s32 s7, s2  }
0x1e: {  	s7 =	smul.u32 @!p0 $0xF7A, s2;
	p2 =	seq.s32 @!p0 s5, $0x0  }
0x1f: {  	s9 =	smul.u32 $0xF7A, s1;
	s8 =	simm.s32 @!p0 $0x1BF5;
	p2 =	por !p2, p0  }
0x20: {  	[sflag:s8] =	ssyncset.s32 @!p0 $0xFFFFF086;
	s6 =	sadd.s32 @!p0 s3, s7;
	s7 =	simm.s32 @!p0 $0x108  }
0x21: {  	s3 =	sadd.s32 s3, s9;
	s6 =	sadd.s32 @!p0 $0x88, s6;
	s7 =	simm.s32 @p2 $0x1082  }
0x22: {  	[simem:s7], [sflag:s8] =	dma.local @!p0 [hbm:s6], $0xF7A  }
0x23: {  	s9 =	sor.u32 $0xD0000000, s2;
	s6 =	simm.s32 $0x108;
	_ =	swait.ge @!p0 [sflag:s8], $0x0  }
0x24: {  	s3 =	sadd.s32 $0x88, s3;
	s6 =	simm.s32 @!p1 $0x1082;
	[sflag:s4] =	ssyncset.s32 $0xFFFFF086  }
0x25: {  	[simem:s6], [sflag:s4] =	dma.local [hbm:s3], $0xF7A  }
0x26: {  	[smem:$0x3F95] =	sst s1;
	(tag) =	ssettag s2;
	_ =	strace s9  }
0x27: {  	s1 =	sld [smem:$0x3FA5]  }
0x28: {  	s2 =	sld [smem:$0x3FA6]  }
0x29: {  	s4 =	sld [smem:$0x3FA8]  }
0x2a: {  	p0 =	seq.s32 s5, $0x0;
	s5 =	sld [smem:$0x3FA9]  }
0x2b: {  	s6 =	sld [smem:$0x3FAA]  }
0x2c: {  	s7 =	sld [smem:$0x3FAB]  }
0x2d: {  	s3 =	simm.s32 $0x108;
	s8 =	sld [smem:$0x3FAC]  }
0x2e: {  	s3 =	simm.s32 @!p0 $0x1082;
	s9 =	sld [smem:$0x3FAD]  }
0x2f: {  	lr =	sadd.s32 s0, s3;
	s0 =	sld [smem:$0x3FA4]  }
0x30: {  	s3 =	sld [smem:$0x3FA7]  }
0x31: {  	[smem:$0x3FB0] =	sst s10  }
0x32: {  	s10 =	sld [smem:$0x3FAE];
	_ =	sdelay $0x3  }
0x33: {  	p0 =	seq.s32 s10, $0x1;
	s10 =	sld [smem:$0x3FB0];
	_ =	sdelay $0x3  }
0x34: {  	[smem:$0x3FB0] =	sst s10  }
0x35: {  	s10 =	sld [smem:$0x3FAF];
	_ =	sdelay $0x3  }
0x36: {  	p1 =	seq.s32 s10, $0x1;
	s10 =	sld [smem:$0x3FB0];
	_ =	sdelay $0x3  }
0x37: {  	[smem:$0x3FB0] =	sst s10  }
0x38: {  	s10 =	sld [smem:$0x3FB1]  }
0x39: {  	_ = 	snop;
	(pc) =	sbr.ind lr, $3  }
0x3a: {  	_ = 	snop  }
0x3b: {  	_ = 	snop  }
0x3c: {  	p2 =	seq.s32 s10, $0x1;
	s10 =	sld [smem:$0x3FB0]  }
0x3d: {  	_ =	shalt  }
0x3e: {  	_ =	shalt  }
0x3f: {  	_ =	shalt  }
0x40: {  	_ =	shalt  }
0x41: {  	_ =	shalt  }
0x42: {  	_ =	shalt  }
0x43: {  	_ =	shalt  }
0x44: {  	_ =	shalt  }
0x45: {  	_ =	shalt  }
0x46: {  	_ =	shalt  }
0x47: {  	_ =	shalt  }
0x48: {  	_ =	shalt  }
0x49: {  	_ =	shalt  }
0x4a: {  	_ =	shalt  }
0x4b: {  	_ =	shalt  }
0x4c: {  	_ =	shalt  }
0x4d: {  	_ =	shalt  }
0x4e: {  	_ =	shalt  }
0x4f: {  	_ =	shalt  }
0x50: {  	_ =	shalt  }
0x51: {  	_ =	shalt  }
0x52: {  	_ =	shalt  }
0x53: {  	_ =	shalt  }
0x54: {  	_ =	shalt  }
0x55: {  	_ =	shalt  }
0x56: {  	_ =	shalt  }
0x57: {  	_ =	shalt  }
0x58: {  	_ =	shalt  }
0x59: {  	_ =	shalt  }
0x5a: {  	_ =	shalt  }
0x5b: {  	_ =	shalt  }
0x5c: {  	_ =	shalt  }
0x5d: {  	_ =	shalt  }
0x5e: {  	_ =	shalt  }
0x5f: {  	_ =	shalt  }
0x60: {  	_ =	shalt  }
0x61: {  	_ =	shalt  }
0x62: {  	_ =	shalt  }
0x63: {  	_ =	shalt  }
0x64: {  	_ =	shalt  }
0x65: {  	_ =	shalt  }
0x66: {  	_ =	shalt  }
0x67: {  	_ =	shalt  }
0x68: {  	_ =	shalt  }
0x69: {  	_ =	shalt  }
0x6a: {  	_ =	shalt  }
0x6b: {  	_ =	shalt  }
0x6c: {  	_ =	shalt  }
0x6d: {  	_ =	shalt  }
0x6e: {  	_ =	shalt  }
0x6f: {  	_ =	shalt  }
0x70: {  	_ =	shalt  }
0x71: {  	_ =	shalt  }
0x72: {  	_ =	shalt  }
0x73: {  	_ =	shalt  }
0x74: {  	_ =	shalt  }
0x75: {  	_ =	shalt  }
0x76: {  	_ =	shalt  }
0x77: {  	_ =	shalt  }
0x78: {  	_ =	shalt  }
0x79: {  	_ =	shalt  }
0x7a: {  	_ =	shalt  }
0x7b: {  	_ =	shalt  }
0x7c: {  	_ =	shalt  }
0x7d: {  	_ =	shalt  }
0x7e: {  	_ =	shalt  }
0x7f: {  	_ =	shalt  }
0x80: {  	_ =	shalt  }
0x81: {  	_ =	shalt  }
0x82: {  	_ =	shalt  }
0x83: {  	_ =	shalt  }
0x84: {  	_ =	shalt  }
0x85: {  	_ =	shalt  }
0x86: {  	_ =	shalt  }
0x87: {  	_ =	shalt  }
.Lfunc_end0:
.L_simem_size_0:
called_computation.2_lowered:
.L_overlay_start_0:
0x88: {  	s2 =	sld [smem:$0x3FD9]  }
0x89: {  	s3 =	sld [smem:$0x3FFE];
	_ =	sdelay $0x1  }
0x8a: {  	s1 =	srdreg.scid  }
0x8b: {  	s0 =	sand.u32 $0x1, s1  }
0x8c: {  	s16 =	sshll.u32 s0, $0xA;
	s2 =	sadd.s32 s3, s2  }
0x8d: {  	s2 =	sadd.s32 s2, s16  }
0x8e: {  	[smem:$0x3FBC] =	sst s2  }
0x8f: {  	_ = 	snop  }
0x90: {  	(tm) =	ssettm $0x1  }
0x91: {  	s17 =	sld [smem:$0x3FFB];
	_ =	sdelay $0x3  }
0x92: {  	_ =	strace s17  }
0x93: {  	s2 =	sld [smem:$0x3FFC];
	_ =	sdelay $0x3  }
0x94: {  	_ =	strace s2  }
0x95: {  	s2 =	sld [smem:$0x3FFD];
	_ =	sdelay $0x3  }
0x96: {  	_ =	strace s2  }
0x97: {  	_ =	strace $0x8FFFFFFF  }
0x98: {  	s18 =	sld [smem:$0x3FDB];
	_ =	sdelay $0x1  }
0x99: {  	s19 =	simm.s32 $_scs_section_size  }
0x9a: {  	s4 =	simm.s32 $_size__tile_overlayer_lowered;
	s5 =	simm.s32 $_tile_overlayer_lowered  }
0x9b: {  	s22 =	simm.s32 $0x1BFF;
	s21 =	sshll.u32 s5, $0x1;
	s2 =	sadd.s32 s19, s18  }
0x9c: {  	s6 =	simm.s32 $0x0;
	s20 =	sshll.u32 s4, $0x1;
	s4 =	sadd.s32 s21, s2  }
0x9d: {  	[timem:s6], [sflag:s22] =	dma.local [hbm:s4], s20  }
0x9e: {  	_ =	swait.ge [sflag:s22], s20  }
0x9f: {  	s3 =	ssub.s32 $0x0, s20;
	[sflag:s22] =	ssyncset.done $0x0  }
0xa0: {  	[sflag:s22] =	ssyncadd.s32 s3;
	_ =	sdelay $0x1  }
0xa1: {  	s23 =	simm.s32 $0x1B8B  }
0xa2: {  	_ =	swait.ge [sflag:s23], $0x1  }
0xa3: {  	[sflag:s23] =	ssyncset.done $0x0  }
0xa4: {  	s25 =	simm.s32 $0x1B8E;
	s24 =	sld [smem:$0x3FFE];
	[sflag:s23] =	ssyncadd.s32 $0xFFFFFFFF  }
0xa5: {  	s26 =	simm.s32 $execute0_lowered;
	[smem:$0x3FD2] =	sst s25  }
0xa6: {  	s4 =	sshll.u32 s26, $0x1;
	_ =	strace $0x8000004C;
	[dreg:$0x1] =	wrdreg $0xFFFFFFFF  }
0xa7: {  	s28 =	simm.s32 $_size_execute0_lowered;
	s2 =	sadd.s32 s2, s4;
	[dreg:$0x0] =	wrdreg $0x0  }
0xa8: {  	s4 =	sshll.u32 s28, $0x1;
	[dreg:$0x2] =	wrdreg s2  }
0xa9: {  	[dreg:$0x3] =	wrdreg s4  }
0xaa: {  	[dreg:$0x4] =	wrdreg $0xC0  }
0xab: {  	_ =	task [dreg:s6], $0x5FFFF  }
0xac: {  	[dreg:$0x1] =	wrdreg $0xFFFFFFFF  }
0xad: {  	[dreg:$0x0] =	wrdreg $0x60  }
0xae: {  	[dreg:$0x2] =	wrdreg s24  }
0xaf: {  	[dreg:$0x3] =	wrdreg $0x88000  }
0xb0: {  	[dreg:$0x4] =	wrdreg $0x9  }
0xb1: {  	_ =	task.clear_ibuf [dreg:s6], $0x5FFFF;
	_ =	strace $0x9000004C  }
0xb2: {  	s29 =	simm.s32 $0x9;
	_ =	strace $0x8000004E  }
0xb3: {  	_ =	swait.ge [sflag:s29], $0x1  }
0xb4: {  	[sflag:s29] =	ssyncadd.s32 $0xFFFFFFFF  }
0xb5: {  	_ =	strace $0x9000004E  }
0xb6: {  	_ =	sfence  }
0xb7: {  	s30 =	sld [smem:$0x0];
	_ =	sdelay $0x2  }
0xb8: {  	s31 =	sshll.u32 s1, $0xD;
	s1 =	sshrl.u32 s1, $0x2  }
0xb9: {  	s3 =	sand.u32 $0x4000, s31;
	s1 =	sadd.s32 s1, s30  }
0xba: {  	s0 =	sor.u32 s3, s0;
	s1 =	sshll.u32 s1, $0x11  }
0xbb: {  	s0 =	sor.u32 s1, s0  }
0xbc: {  	s0 =	sadd.s32 $0x8F2B, s0  }
0xbd: {  	[sflag:s0] =	ssyncadd.remote.s32 $0x1  }
0xbe: {  	_ =	sfence.sel $0xFFFF  }
0xbf: {  	[dreg:$0x0] =	wrdreg $0xFFFFFFFF;
	(pc) =	sbr.abs _section_cstart, $3  }
0xc0: {  	[dreg:$0x1] =	wrdreg $0xFFFFFFFF  }
0xc1: {  	_ =	task.clear_ibuf [dreg:s6], $0x2FFFF;
	_ =	strace $0x9FFFFFFF  }
0xc2: {  	(tm) =	ssettm $0x7FFFFFFF  }
0xc3: {  	_ =	shalt  }
tec
execute0_lowered:
.L_overlay_start_1:
0x0: {  	(tag) =	ssettag $0x1  }
0x1: {  	s0 =	srdreg.scid;
	s1 =	rddreg [dreg:$0x0]  }
0x2: {  	s12 =	stileid.u32;
	s2 =	rddreg [dreg:$0x1]  }
0x3: {  	s3 =	simm.s32 $0x0;
	s13 =	simm.s32 $0x400;
	s14 =	simm.s32 $0x80  }
0x4: {  	s15 =	simm.s32 $0x800;
	s16 =	simm.s32 $0x4800;
	s5 =	smul.u32 $0x2800, s12  }
0x5: {  	s17 =	simm.s32 $0x1;
	s18 =	simm.s32 $0x100;
	s6 =	smul.u32 $0x500, s12  }
0x6: {  	s19 =	simm.s32 $0x2;
	s28 =	simm.s32 $0x300;
	s8 =	smul.u32 $0x13C00, s12  }
0x7: {  	s29 =	simm.s32 $0x680;
	s30 =	simm.s32 $0x380;
	s9 =	smul.u32 $0x4F000, s12  }
0x8: {  	s31 =	simm.s32 $0x700;
	s0 =	sand.u32 $0x1, s0;
	s10 =	smul.u32 $0x2780, s12  }
0x9: {  	[smem:$0x7FF] =	sst s3;
	s26 =	sshll.u32 s12, $0x6;
	s4 =	smul.u32 $0x28000, s0  }
0xa: {  	s12 =	simm.s32 $0x3;
	s7 =	smul.u32 $0x13C000, s0;
	_ =	strace $0x8000004D  }
0xb: {  	s20 =	smul.u32 $0x27800, s0;
	s0 =	ssub.s32 $0x2, s0;
	s11 =	sadd.s32 s6, s1  }
0xc: {  	s21 =	sshrl.u32 s0, $0x1;
	s22 =	sshrl.u32 s9, $0x2;
	s6 =	sor.u32 $0x1C03, s26  }
0xd: {  	s26 =	simm.s32 $0x600;
	s5 =	sadd.s32 s4, s5;
	s4 =	sadd.s32 $0x3000, s1  }
0xe: {  	s7 =	sadd.s32 s8, s7;
	s0 =	ssub.s32 s0, s21;
	s23 =	sadd.s32 s10, s20  }
0xf: {  	s24 =	sadd.s32 s22, s2;
	s10 =	sadd.s32 $0x59800, s11;
	s20 =	simm.s32 $0x480  }
0x10: {  	s21 =	simm.s32 $0x180;
	s22 =	simm.s32 $0x500;
	[dreg:$0x4] =	wrdreg s6  }
0x11: {  	s5 =	sshrl.u32 s5, $0x3;
	s7 =	sshrl.u32 s7, $0x3;
	s25 =	sadd.s32 s4, s23  }
0x12: {  	s0 =	smax.u32 s0, $0x1;
	s23 =	simm.s32 $0x200;
	[dreg:$0x3] =	wrdreg s25  }
0x13: {  	s5 =	sadd.s32 s5, s1;
	s1 =	sadd.s32 s7, s1;
	[dreg:$0x6] =	wrdreg s0  }
0x14: {  	s7 =	sshrl.u32 s24, $0x3;
	s24 =	simm.s32 $0x580;
	s25 =	simm.s32 $0x280  }
0x15: {  	s0 =	simm.s32 $0x0;
	s1 =	sadd.s32 $0x68800, s1;
	[dreg:$0x7] =	wrdreg s7  }
0x16: {  	s9 =	sadd.s32 $0x5E800, s5;
	[dreg:$0x5] =	wrdreg s1;
	s1 =	simm.s32 $0x780  }
.LBB2_1:
0x17: {  	s5 =	rddreg [dreg:$0x3]  }
0x18: {  	[spmem:s7], [sflag:s6] =	dma.local [hbm:s5], $0x2780  }
0x19: {  	_ =	swait.ge [sflag:s12], $0x2780  }
0x1a: {  	[sflag:s12] =	ssyncset.done $0x0  }
0x1b: {  	[sflag:s12] =	ssyncadd.s32 $0xFFFFD880  }
0x1c: {  	s8 =	sadd.s32 $0x0, s9;
	[bflag:$0x0] =	sbarrier.arrive $0xFFFF  }
0x1d: {  	[tilespmem:s3], [sflag:$0x3] =	stream.linear.gather [hbm4b:s8+s3], $0x400, $0x38;
	[tilespmem:$0x1C400] =	vst v63  }
0x1e: {  	_ =	swait.ge [sflag:s12], $0x400  }
0x1f: {  	[sflag:s12] =	ssyncset.done $0x0  }
0x20: {  	s11 =	sadd.s32 $0x0, s10;
	[sflag:s12] =	ssyncadd.s32 $0xFFFFFC00  }
0x21: {  	[tilespmem:s13], [sflag:$0x3] =	stream.linear.gather [hbm4b:s11+s3], $0x400, $0x38;
	[tilespmem:$0x1C400] =	vst v63  }
0x22: {  	_ =	swait.ge [sflag:s12], $0x400  }
0x23: {  	[sflag:s12] =	ssyncset.done $0x0  }
0x24: {  	[sflag:s12] =	ssyncadd.s32 $0xFFFFFC00  }
0x25: {  	[tilespmem:s15], [sflag:$0x1] =	stream.indirect.gather [hbm4b:s4+s14], $0x80, s3, s14, $0xb8;
	[tilespmem:$0x1C400] =	vst v63  }
0x26: {  	_ = 	snop  }
0x27: {  	[tilespmem:s16], [sflag:$0x2] =	stream.indirect.gather [hbm4b:s4+s14], $0x80, s14, s14, $0xb8;
	[tilespmem:$0x1C400] =	vst v63  }
0x28: {  	_ =	swait.ge [sflag:s17], $0x4000  }
0x29: {  	[sflag:s17] =	ssyncset.done $0x0  }
0x2a: {  	[sflag:s17] =	ssyncadd.s32 $0xFFFFC000  }
0x2b: {  	[spmem:s2] =	stream.indirect.scatter.add.f32 [tilespmem:s15], [sflag:$0x3], $0x80, s13, s14, $0xb8;
	[tilespmem:$0x1C400] =	vst v63  }
0x2c: {  	_ =	swait.ge [sflag:s12], $0x4000  }
0x2d: {  	[sflag:s12] =	ssyncset.done $0x0  }
0x2e: {  	[sflag:s12] =	ssyncadd.s32 $0xFFFFC000  }
0x2f: {  	[tilespmem:s15], [sflag:$0x1] =	stream.indirect.gather [hbm4b:s4+s14], $0x80, s18, s14, $0xb8;
	[tilespmem:$0x1C400] =	vst v63  }
0x30: {  	_ =	swait.ge [sflag:s19], $0x4000  }
0x31: {  	[sflag:s19] =	ssyncset.done $0x0  }
0x32: {  	[sflag:s19] =	ssyncadd.s32 $0xFFFFC000  }
0x33: {  	[spmem:s2] =	stream.indirect.scatter.add.f32 [tilespmem:s16], [sflag:$0x3], $0x80, s20, s14, $0xb8;
	[tilespmem:$0x1C400] =	vst v63  }
0x34: {  	_ =	swait.ge [sflag:s12], $0x4000  }
0x35: {  	[sflag:s12] =	ssyncset.done $0x0  }
0x36: {  	[sflag:s12] =	ssyncadd.s32 $0xFFFFC000  }
0x37: {  	[tilespmem:s16], [sflag:$0x2] =	stream.indirect.gather [hbm4b:s4+s14], $0x80, s21, s14, $0xb8;
	[tilespmem:$0x1C400] =	vst v63  }
0x38: {  	_ =	swait.ge [sflag:s17], $0x4000  }
0x39: {  	[sflag:s17] =	ssyncset.done $0x0  }
0x3a: {  	[sflag:s17] =	ssyncadd.s32 $0xFFFFC000  }
0x3b: {  	[spmem:s2] =	stream.indirect.scatter.add.f32 [tilespmem:s15], [sflag:$0x3], $0x80, s22, s14, $0xb8;
	[tilespmem:$0x1C400] =	vst v63  }
0x3c: {  	_ =	swait.ge [sflag:s12], $0x4000  }
0x3d: {  	[sflag:s12] =	ssyncset.done $0x0  }
0x3e: {  	[sflag:s12] =	ssyncadd.s32 $0xFFFFC000  }
0x3f: {  	[tilespmem:s15], [sflag:$0x1] =	stream.indirect.gather [hbm4b:s4+s14], $0x80, s23, s14, $0xb8;
	[tilespmem:$0x1C400] =	vst v63  }
0x40: {  	_ =	swait.ge [sflag:s19], $0x4000  }
0x41: {  	[sflag:s19] =	ssyncset.done $0x0  }
0x42: {  	[sflag:s19] =	ssyncadd.s32 $0xFFFFC000  }
0x43: {  	[spmem:s2] =	stream.indirect.scatter.add.f32 [tilespmem:s16], [sflag:$0x3], $0x80, s24, s14, $0xb8;
	[tilespmem:$0x1C400] =	vst v63  }
0x44: {  	_ =	swait.ge [sflag:s12], $0x4000  }
0x45: {  	[sflag:s12] =	ssyncset.done $0x0  }
0x46: {  	[sflag:s12] =	ssyncadd.s32 $0xFFFFC000  }
0x47: {  	[tilespmem:s16], [sflag:$0x2] =	stream.indirect.gather [hbm4b:s4+s14], $0x80, s25, s14, $0xb8;
	[tilespmem:$0x1C400] =	vst v63  }
0x48: {  	_ =	swait.ge [sflag:s17], $0x4000  }
0x49: {  	[sflag:s17] =	ssyncset.done $0x0  }
0x4a: {  	[sflag:s17] =	ssyncadd.s32 $0xFFFFC000  }
0x4b: {  	[spmem:s2] =	stream.indirect.scatter.add.f32 [tilespmem:s15], [sflag:$0x3], $0x80, s26, s14, $0xb8;
	[tilespmem:$0x1C400] =	vst v63  }
0x4c: {  	_ =	swait.ge [sflag:s12], $0x4000  }
0x4d: {  	[sflag:s12] =	ssyncset.done $0x0  }
0x4e: {  	[sflag:s12] =	ssyncadd.s32 $0xFFFFC000  }
0x4f: {  	[tilespmem:s15], [sflag:$0x1] =	stream.indirect.gather [hbm4b:s4+s14], $0x80, s28, s14, $0xb8;
	[tilespmem:$0x1C400] =	vst v63  }
0x50: {  	_ =	swait.ge [sflag:s19], $0x4000  }
0x51: {  	[sflag:s19] =	ssyncset.done $0x0  }
0x52: {  	[sflag:s19] =	ssyncadd.s32 $0xFFFFC000  }
0x53: {  	[spmem:s2] =	stream.indirect.scatter.add.f32 [tilespmem:s16], [sflag:$0x3], $0x80, s29, s14, $0xb8;
	[tilespmem:$0x1C400] =	vst v63  }
0x54: {  	_ =	swait.ge [sflag:s12], $0x4000  }
0x55: {  	[sflag:s12] =	ssyncset.done $0x0  }
0x56: {  	[sflag:s12] =	ssyncadd.s32 $0xFFFFC000  }
0x57: {  	[tilespmem:s16], [sflag:$0x2] =	stream.indirect.gather [hbm4b:s4+s14], $0x80, s30, s14, $0xb8;
	[tilespmem:$0x1C400] =	vst v63  }
0x58: {  	_ =	swait.ge [sflag:s17], $0x4000  }
0x59: {  	[sflag:s17] =	ssyncset.done $0x0  }
0x5a: {  	[sflag:s17] =	ssyncadd.s32 $0xFFFFC000  }
0x5b: {  	[spmem:s2] =	stream.indirect.scatter.add.f32 [tilespmem:s15], [sflag:$0x3], $0x80, s31, s14, $0xb8;
	[tilespmem:$0x1C400] =	vst v63  }
0x5c: {  	_ =	swait.ge [sflag:s12], $0x4000  }
0x5d: {  	[sflag:s12] =	ssyncset.done $0x0  }
0x5e: {  	[sflag:s12] =	ssyncadd.s32 $0xFFFFC000  }
0x5f: {  	_ =	swait.ge [sflag:s19], $0x4000  }
0x60: {  	[sflag:s19] =	ssyncset.done $0x0  }
0x61: {  	[sflag:s19] =	ssyncadd.s32 $0xFFFFC000  }
0x62: {  	[spmem:s2] =	stream.indirect.scatter.add.f32 [tilespmem:s16], [sflag:$0x3], $0x80, s1, s14, $0xb8;
	[tilespmem:$0x1C400] =	vst v63  }
0x63: {  	_ =	swait.ge [sflag:s12], $0x4000  }
0x64: {  	s5 =	simm.s32 $0x80;
	s7 =	simm.s32 $0x100;
	[sflag:s12] =	ssyncset.done $0x0  }
.LBB2_2:
0x65: {  	s6 =	sadd.s32 s5, s9  }
0x66: {  	[sflag:s12] =	ssyncadd.s32 $0xFFFFC000;
	s11 =	smov.u32 s7;
	s8 =	sadd.s32 $0x80, s7  }
0x67: {  	[tilespmem:s3], [sflag:$0x3] =	stream.linear.gather [hbm4b:s6+s3], $0x400, $0x38;
	[tilespmem:$0x1C400] =	vst v63  }
0x68: {  	p0 =	sne.s32 s7, $0x480;
	_ =	swait.ge [sflag:s12], $0x400  }
0x69: {  	[sflag:s12] =	ssyncset.done $0x0  }
0x6a: {  	s6 =	sadd.s32 s5, s10;
	s5 =	smov.u32 s11;
	[sflag:s12] =	ssyncadd.s32 $0xFFFFFC00  }
0x6b: {  	[tilespmem:s13], [sflag:$0x3] =	stream.linear.gather [hbm4b:s6+s3], $0x400, $0x38;
	[tilespmem:$0x1C400] =	vst v63  }
0x6c: {  	_ =	swait.ge [sflag:s12], $0x400  }
0x6d: {  	[sflag:s12] =	ssyncset.done $0x0  }
0x6e: {  	[sflag:s12] =	ssyncadd.s32 $0xFFFFFC00  }
0x6f: {  	[tilespmem:s15], [sflag:$0x1] =	stream.indirect.gather [hbm4b:s4+s14], $0x80, s3, s14, $0xb8;
	[tilespmem:$0x1C400] =	vst v63  }
0x70: {  	_ = 	snop  }
0x71: {  	[tilespmem:s16], [sflag:$0x2] =	stream.indirect.gather [hbm4b:s4+s14], $0x80, s14, s14, $0xb8;
	[tilespmem:$0x1C400] =	vst v63  }
0x72: {  	_ =	swait.ge [sflag:s17], $0x4000  }
0x73: {  	[sflag:s17] =	ssyncset.done $0x0  }
0x74: {  	[sflag:s17] =	ssyncadd.s32 $0xFFFFC000  }
0x75: {  	[spmem:s2] =	stream.indirect.scatter.add.f32 [tilespmem:s15], [sflag:$0x3], $0x80, s13, s14, $0xb8;
	[tilespmem:$0x1C400] =	vst v63  }
0x76: {  	_ =	swait.ge [sflag:s12], $0x4000  }
0x77: {  	[sflag:s12] =	ssyncset.done $0x0  }
0x78: {  	[sflag:s12] =	ssyncadd.s32 $0xFFFFC000  }
0x79: {  	[tilespmem:s15], [sflag:$0x1] =	stream.indirect.gather [hbm4b:s4+s14], $0x80, s18, s14, $0xb8;
	[tilespmem:$0x1C400] =	vst v63  }
0x7a: {  	_ =	swait.ge [sflag:s19], $0x4000  }
0x7b: {  	[sflag:s19] =	ssyncset.done $0x0  }
0x7c: {  	[sflag:s19] =	ssyncadd.s32 $0xFFFFC000  }
0x7d: {  	[spmem:s2] =	stream.indirect.scatter.add.f32 [tilespmem:s16], [sflag:$0x3], $0x80, s20, s14, $0xb8;
	[tilespmem:$0x1C400] =	vst v63  }
0x7e: {  	_ =	swait.ge [sflag:s12], $0x4000  }
0x7f: {  	[sflag:s12] =	ssyncset.done $0x0  }
0x80: {  	[sflag:s12] =	ssyncadd.s32 $0xFFFFC000  }
0x81: {  	[tilespmem:s16], [sflag:$0x2] =	stream.indirect.gather [hbm4b:s4+s14], $0x80, s21, s14, $0xb8;
	[tilespmem:$0x1C400] =	vst v63  }
0x82: {  	_ =	swait.ge [sflag:s17], $0x4000  }
0x83: {  	[sflag:s17] =	ssyncset.done $0x0  }
0x84: {  	[sflag:s17] =	ssyncadd.s32 $0xFFFFC000  }
0x85: {  	[spmem:s2] =	stream.indirect.scatter.add.f32 [tilespmem:s15], [sflag:$0x3], $0x80, s22, s14, $0xb8;
	[tilespmem:$0x1C400] =	vst v63  }
0x86: {  	_ =	swait.ge [sflag:s12], $0x4000  }
0x87: {  	[sflag:s12] =	ssyncset.done $0x0  }
0x88: {  	[sflag:s12] =	ssyncadd.s32 $0xFFFFC000  }
0x89: {  	[tilespmem:s15], [sflag:$0x1] =	stream.indirect.gather [hbm4b:s4+s14], $0x80, s23, s14, $0xb8;
	[tilespmem:$0x1C400] =	vst v63  }
0x8a: {  	_ =	swait.ge [sflag:s19], $0x4000  }
0x8b: {  	[sflag:s19] =	ssyncset.done $0x0  }
0x8c: {  	[sflag:s19] =	ssyncadd.s32 $0xFFFFC000  }
0x8d: {  	[spmem:s2] =	stream.indirect.scatter.add.f32 [tilespmem:s16], [sflag:$0x3], $0x80, s24, s14, $0xb8;
	[tilespmem:$0x1C400] =	vst v63  }
0x8e: {  	_ =	swait.ge [sflag:s12], $0x4000  }
0x8f: {  	[sflag:s12] =	ssyncset.done $0x0  }
0x90: {  	[sflag:s12] =	ssyncadd.s32 $0xFFFFC000  }
0x91: {  	[tilespmem:s16], [sflag:$0x2] =	stream.indirect.gather [hbm4b:s4+s14], $0x80, s25, s14, $0xb8;
	[tilespmem:$0x1C400] =	vst v63  }
0x92: {  	_ =	swait.ge [sflag:s17], $0x4000  }
0x93: {  	[sflag:s17] =	ssyncset.done $0x0  }
0x94: {  	[sflag:s17] =	ssyncadd.s32 $0xFFFFC000  }
0x95: {  	[spmem:s2] =	stream.indirect.scatter.add.f32 [tilespmem:s15], [sflag:$0x3], $0x80, s26, s14, $0xb8;
	[tilespmem:$0x1C400] =	vst v63  }
0x96: {  	_ =	swait.ge [sflag:s12], $0x4000  }
0x97: {  	[sflag:s12] =	ssyncset.done $0x0  }
0x98: {  	[sflag:s12] =	ssyncadd.s32 $0xFFFFC000  }
0x99: {  	[tilespmem:s15], [sflag:$0x1] =	stream.indirect.gather [hbm4b:s4+s14], $0x80, s28, s14, $0xb8;
	[tilespmem:$0x1C400] =	vst v63  }
0x9a: {  	_ =	swait.ge [sflag:s19], $0x4000  }
0x9b: {  	[sflag:s19] =	ssyncset.done $0x0  }
0x9c: {  	[sflag:s19] =	ssyncadd.s32 $0xFFFFC000  }
0x9d: {  	[spmem:s2] =	stream.indirect.scatter.add.f32 [tilespmem:s16], [sflag:$0x3], $0x80, s29, s14, $0xb8;
	[tilespmem:$0x1C400] =	vst v63  }
0x9e: {  	_ =	swait.ge [sflag:s12], $0x4000  }
0x9f: {  	[sflag:s12] =	ssyncset.done $0x0  }
0xa0: {  	[sflag:s12] =	ssyncadd.s32 $0xFFFFC000  }
0xa1: {  	[tilespmem:s16], [sflag:$0x2] =	stream.indirect.gather [hbm4b:s4+s14], $0x80, s30, s14, $0xb8;
	[tilespmem:$0x1C400] =	vst v63  }
0xa2: {  	_ =	swait.ge [sflag:s17], $0x4000  }
0xa3: {  	[sflag:s17] =	ssyncset.done $0x0  }
0xa4: {  	[sflag:s17] =	ssyncadd.s32 $0xFFFFC000  }
0xa5: {  	[spmem:s2] =	stream.indirect.scatter.add.f32 [tilespmem:s15], [sflag:$0x3], $0x80, s31, s14, $0xb8;
	[tilespmem:$0x1C400] =	vst v63  }
0xa6: {  	_ =	swait.ge [sflag:s12], $0x4000  }
0xa7: {  	[sflag:s12] =	ssyncset.done $0x0  }
0xa8: {  	[sflag:s12] =	ssyncadd.s32 $0xFFFFC000  }
0xa9: {  	_ =	swait.ge [sflag:s19], $0x4000  }
.Ltmp0:
0xaa: {  	[sflag:s19] =	ssyncset.done $0x0;
	(pc) =	sbr.rel @p0 .LBB2_2-.Ltmp0, $4  }
0xab: {  	[sflag:s19] =	ssyncadd.s32 $0xFFFFC000  }
0xac: {  	[spmem:s2] =	stream.indirect.scatter.add.f32 [tilespmem:s16], [sflag:$0x3], $0x80, s1, s14, $0xb8;
	[tilespmem:$0x1C400] =	vst v63  }
0xad: {  	_ =	swait.ge [sflag:s12], $0x4000  }
0xae: {  	s7 =	smov.u32 s8;
	[sflag:s12] =	ssyncset.done $0x0  }
0xaf: {  	s6 =	sadd.s32 s5, s9;
	[sflag:s12] =	ssyncadd.s32 $0xFFFFC000  }
0xb0: {  	[tilespmem:s3], [sflag:$0x3] =	stream.linear.gather [hbm4b:s6+s3], $0x400, $0x38;
	[tilespmem:$0x1C400] =	vst v63  }
0xb1: {  	_ =	swait.ge [sflag:s12], $0x400  }
0xb2: {  	[sflag:s12] =	ssyncset.done $0x0  }
0xb3: {  	s7 =	sadd.s32 s5, s10;
	[sflag:s12] =	ssyncadd.s32 $0xFFFFFC00  }
0xb4: {  	[tilespmem:s13], [sflag:$0x3] =	stream.linear.gather [hbm4b:s7+s3], $0x400, $0x38;
	[tilespmem:$0x1C400] =	vst v63  }
0xb5: {  	_ =	swait.ge [sflag:s12], $0x400  }
0xb6: {  	[sflag:s12] =	ssyncset.done $0x0  }
0xb7: {  	[sflag:s12] =	ssyncadd.s32 $0xFFFFFC00  }
0xb8: {  	[tilespmem:s15], [sflag:$0x1] =	stream.indirect.gather [hbm4b:s4+s14], $0x80, s3, s14, $0xb8;
	[tilespmem:$0x1C400] =	vst v63  }
0xb9: {  	_ = 	snop  }
0xba: {  	[tilespmem:s16], [sflag:$0x2] =	stream.indirect.gather [hbm4b:s4+s14], $0x80, s14, s14, $0xb8;
	[tilespmem:$0x1C400] =	vst v63  }
0xbb: {  	_ =	swait.ge [sflag:s17], $0x4000  }
0xbc: {  	[sflag:s17] =	ssyncset.done $0x0  }
0xbd: {  	[sflag:s17] =	ssyncadd.s32 $0xFFFFC000  }
0xbe: {  	[spmem:s2] =	stream.indirect.scatter.add.f32 [tilespmem:s15], [sflag:$0x3], $0x80, s13, s14, $0xb8;
	[tilespmem:$0x1C400] =	vst v63  }
0xbf: {  	_ =	swait.ge [sflag:s12], $0x4000  }
0xc0: {  	[sflag:s12] =	ssyncset.done $0x0  }
0xc1: {  	[sflag:s12] =	ssyncadd.s32 $0xFFFFC000  }
0xc2: {  	[tilespmem:s15], [sflag:$0x1] =	stream.indirect.gather [hbm4b:s4+s14], $0x80, s18, s14, $0xb8;
	[tilespmem:$0x1C400] =	vst v63  }
0xc3: {  	_ =	swait.ge [sflag:s19], $0x4000  }
0xc4: {  	[sflag:s19] =	ssyncset.done $0x0  }
0xc5: {  	[sflag:s19] =	ssyncadd.s32 $0xFFFFC000  }
0xc6: {  	[spmem:s2] =	stream.indirect.scatter.add.f32 [tilespmem:s16], [sflag:$0x3], $0x80, s20, s14, $0xb8;
	[tilespmem:$0x1C400] =	vst v63  }
0xc7: {  	_ =	swait.ge [sflag:s12], $0x4000  }
0xc8: {  	[sflag:s12] =	ssyncset.done $0x0  }
0xc9: {  	[sflag:s12] =	ssyncadd.s32 $0xFFFFC000  }
0xca: {  	[tilespmem:s16], [sflag:$0x2] =	stream.indirect.gather [hbm4b:s4+s14], $0x80, s21, s14, $0xb8;
	[tilespmem:$0x1C400] =	vst v63  }
0xcb: {  	_ =	swait.ge [sflag:s17], $0x4000  }
0xcc: {  	[sflag:s17] =	ssyncset.done $0x0  }
0xcd: {  	[sflag:s17] =	ssyncadd.s32 $0xFFFFC000  }
0xce: {  	[spmem:s2] =	stream.indirect.scatter.add.f32 [tilespmem:s15], [sflag:$0x3], $0x80, s22, s14, $0xb8;
	[tilespmem:$0x1C400] =	vst v63  }
0xcf: {  	_ =	swait.ge [sflag:s12], $0x4000  }
0xd0: {  	[sflag:s12] =	ssyncset.done $0x0  }
0xd1: {  	[sflag:s12] =	ssyncadd.s32 $0xFFFFC000  }
0xd2: {  	[tilespmem:s15], [sflag:$0x1] =	stream.indirect.gather [hbm4b:s4+s14], $0x80, s23, s14, $0xb8;
	[tilespmem:$0x1C400] =	vst v63  }
0xd3: {  	_ =	swait.ge [sflag:s19], $0x4000  }
0xd4: {  	[sflag:s19] =	ssyncset.done $0x0  }
0xd5: {  	[sflag:s19] =	ssyncadd.s32 $0xFFFFC000  }
0xd6: {  	[spmem:s2] =	stream.indirect.scatter.add.f32 [tilespmem:s16], [sflag:$0x3], $0x80, s24, s14, $0xb8;
	[tilespmem:$0x1C400] =	vst v63  }
0xd7: {  	_ =	swait.ge [sflag:s12], $0x4000  }
0xd8: {  	[sflag:s12] =	ssyncset.done $0x0  }
0xd9: {  	[sflag:s12] =	ssyncadd.s32 $0xFFFFC000  }
0xda: {  	[tilespmem:s16], [sflag:$0x2] =	stream.indirect.gather [hbm4b:s4+s14], $0x80, s25, s14, $0xb8;
	[tilespmem:$0x1C400] =	vst v63  }
0xdb: {  	_ =	swait.ge [sflag:s17], $0x4000  }
0xdc: {  	[sflag:s17] =	ssyncset.done $0x0  }
0xdd: {  	[sflag:s17] =	ssyncadd.s32 $0xFFFFC000  }
0xde: {  	[spmem:s2] =	stream.indirect.scatter.add.f32 [tilespmem:s15], [sflag:$0x3], $0x80, s26, s14, $0xb8;
	[tilespmem:$0x1C400] =	vst v63  }
0xdf: {  	_ =	swait.ge [sflag:s12], $0x4000  }
0xe0: {  	[sflag:s12] =	ssyncset.done $0x0  }
0xe1: {  	[sflag:s12] =	ssyncadd.s32 $0xFFFFC000  }
0xe2: {  	[tilespmem:s15], [sflag:$0x1] =	stream.indirect.gather [hbm4b:s4+s14], $0x80, s28, s14, $0xb8;
	[tilespmem:$0x1C400] =	vst v63  }
0xe3: {  	_ =	swait.ge [sflag:s19], $0x4000  }
0xe4: {  	[sflag:s19] =	ssyncset.done $0x0  }
0xe5: {  	[sflag:s19] =	ssyncadd.s32 $0xFFFFC000  }
0xe6: {  	[spmem:s2] =	stream.indirect.scatter.add.f32 [tilespmem:s16], [sflag:$0x3], $0x80, s29, s14, $0xb8;
	[tilespmem:$0x1C400] =	vst v63  }
0xe7: {  	_ =	swait.ge [sflag:s12], $0x4000  }
0xe8: {  	[sflag:s12] =	ssyncset.done $0x0  }
0xe9: {  	[sflag:s12] =	ssyncadd.s32 $0xFFFFC000  }
0xea: {  	[tilespmem:s16], [sflag:$0x2] =	stream.indirect.gather [hbm4b:s4+s14], $0x80, s30, s14, $0xb8;
	[tilespmem:$0x1C400] =	vst v63  }
0xeb: {  	_ =	swait.ge [sflag:s17], $0x4000  }
0xec: {  	[sflag:s17] =	ssyncset.done $0x0  }
0xed: {  	[sflag:s17] =	ssyncadd.s32 $0xFFFFC000  }
0xee: {  	[spmem:s2] =	stream.indirect.scatter.add.f32 [tilespmem:s15], [sflag:$0x3], $0x80, s31, s14, $0xb8;
	[tilespmem:$0x1C400] =	vst v63  }
0xef: {  	_ =	swait.ge [sflag:s12], $0x4000  }
0xf0: {  	[sflag:s12] =	ssyncset.done $0x0  }
0xf1: {  	[sflag:s12] =	ssyncadd.s32 $0xFFFFC000  }
0xf2: {  	_ =	swait.ge [sflag:s19], $0x4000  }
0xf3: {  	[sflag:s19] =	ssyncset.done $0x0  }
0xf4: {  	[sflag:s19] =	ssyncadd.s32 $0xFFFFC000  }
0xf5: {  	[spmem:s2] =	stream.indirect.scatter.add.f32 [tilespmem:s16], [sflag:$0x3], $0x80, s1, s14, $0xb8;
	[tilespmem:$0x1C400] =	vst v63  }
0xf6: {  	_ =	swait.ge [sflag:s12], $0x4000  }
0xf7: {  	[sflag:s12] =	ssyncset.done $0x0  }
0xf8: {  	[sflag:s12] =	ssyncadd.s32 $0xFFFFC000  }
0xf9: {  	[bflag:$0x0] =	sbarrier.arrive $0xFFFF  }
0xfa: {  	s6 =	rddreg [dreg:$0x4]  }
0xfb: {  	s8 =	rddreg [dreg:$0x5]  }
0xfc: {  	s7 =	rddreg [dreg:$0x7]  }
0xfd: {  	[hbm:s8], [sflag:s6] =	dma.local [spmem:s7], $0x2780  }
0xfe: {  	_ =	swait.ge [sflag:s12], $0x2780  }
0xff: {  	s0 =	sadd.s32 $0x1, s0;
	s11 =	rddreg [dreg:$0x6]  }
0x100: {  	p0 =	sne.s32 s0, s11  }
.Ltmp1:
0x101: {  	_ = 	snop;
	(pc) =	sbr.rel @p0 .LBB2_1-.Ltmp1, $3  }
0x102: {  	_ =	sdelay $0x1  }
0x103: {  	[sflag:s12] =	ssyncset.done $0x0  }
0x104: {  	[sflag:s12] =	ssyncadd.s32 $0xFFFFD880  }
0x105: {  	_ =	sfence.sel $0x180000  }
0x106: {  	[bflag:$0x0] =	sbarrier.arrive $0xFFFF  }
0x107: {  	_ =	strace $0x9000004D  }
0x108: {  	s0 =	stileid.u32;
	[bflag:$0x2] =	sbarrier.arrive $0xFFFF  }
0x109: {  	p0 =	sne.s32 s0, $0x0;
	s0 =	rddreg [dreg:$0x2]  }
0x10a: {  	s0 =	sadd.s32 @!p0 $0x100000, s0  }
0x10b: {  	[sflag:s0] =	ssyncadd.tile.s32 @!p0 $0x1;
	_ =	shalt  }
.Lfunc_end2:
_tile_overlayer_lowered:
.L_overlay_start_2:
0x10c: {  	(tag) =	ssettag $0x2  }
0x10d: {  	s0 =	rddreg [dreg:$0x0];
	s2 =	stileid.u32  }
0x10e: {  	s1 =	rddreg [dreg:$0x1];
	p0 =	sne.s32 s2, $0x0  }
0x10f: {  	s3 =	rddreg [dreg:$0x2];
	[bflag:$0x3] =	sbarrier.arrive $0xFFFF;
	s2 =	simm.s32 @!p0 $0x1C03  }
0x110: {  	[timem:s3], [sflag:s2] =	dma.local @!p0 [hbm:s0], s1  }
0x111: {  	s0 =	simm.s32 @!p0 $0x3  }
0x112: {  	_ =	swait.ge @!p0 [sflag:s0], s1  }
0x113: {  	s1 =	ssub.s32 @!p0 $0x0, s1;
	[sflag:s0] =	ssyncset.done @!p0 $0x0  }
0x114: {  	[sflag:s0] =	ssyncadd.s32 @!p0 s1  }
0x115: {  	[bflag:$0x3] =	sbarrier.arrive $0xFFFF  }
0x116: {  	_ =	shalt  }

// kernel: kernel.20.cloned.1.call-start
scs
__scs_entry_jumppad:
0x0: {  	(pc) =	sbr.rel $0x88, $3  }
0x1: {  	(tag) =	ssettag $0x0;
	lr =	simm.s32 $0x1  }
0x2: {  	[smem:$0x3F95] =	sst lr;
	_ =	strace $0xD0000000  }
0x3: {  	_ = 	snop  }
0x4: {  	_ = 	snop  }
0x5: {  	_ = 	snop  }
0x6: {  	_ = 	snop  }
0x7: {  	_ = 	snop  }
__scs_overlays_trampoline_lowered:
0x8: {  	[smem:$0x3FA4] =	sst s0  }
0x9: {  	[smem:$0x3FA5] =	sst s1  }
0xa: {  	[smem:$0x3FA6] =	sst s2  }
0xb: {  	[smem:$0x3FA7] =	sst s3  }
0xc: {  	[smem:$0x3FA8] =	sst s4  }
0xd: {  	[smem:$0x3FA9] =	sst s5  }
0xe: {  	[smem:$0x3FAA] =	sst s6  }
0xf: {  	[smem:$0x3FAB] =	sst s7  }
0x10: {  	[smem:$0x3FAC] =	sst s8  }
0x11: {  	[smem:$0x3FAD] =	sst s9;
	s0 =	simm.s32 @!p0 $0x0  }
0x12: {  	s1 =	sld [smem:$0x3F93];
	s0 =	simm.s32 @p0 $0x1  }
0x13: {  	[smem:$0x3FAE] =	sst s0;
	s0 =	simm.s32 @!p1 $0x0  }
0x14: {  	s2 =	sld [smem:$0x3F92];
	s0 =	simm.s32 @p1 $0x1  }
0x15: {  	[smem:$0x3FAF] =	sst s0;
	s0 =	simm.s32 @!p2 $0x0  }
0x16: {  	s3 =	sld [smem:$0x3FDB];
	s0 =	simm.s32 @p2 $0x1  }
0x17: {  	s4 =	simm.s32 $0x1BF5;
	[smem:$0x3FB1] =	sst s0  }
0x18: {  	s0 =	sld [smem:$0x3F94];
	_ =	swait.ge [sflag:s4], $0x0  }
0x19: {  	s7 =	sld [smem:$0x3F95]  }
0x1a: {  	s8 =	sadd.s32 $0xFFFFE003, lr  }
0x1b: {  	s9 =	sadd.s32 $0xFFFFFEF7, lr;
	s5 =	simm.s32 $0xFFFFFFFF;
	p2 =	slt.u32 s8, $0xFFFFF086  }
0x1c: {  	p1 =	slt.u32 s9, $0xF7A;
	s5 =	simm.s32 @!p2 $0x0  }
0x1d: {  	s5 =	simm.s32 @p1 $0x1;
	p0 =	seq.s32 s7, s2  }
0x1e: {  	s7 =	smul.u32 @!p0 $0xF7A, s2;
	p2 =	seq.s32 @!p0 s5, $0x0  }
0x1f: {  	s9 =	smul.u32 $0xF7A, s1;
	s8 =	simm.s32 @!p0 $0x1BF5;
	p2 =	por !p2, p0  }
0x20: {  	[sflag:s8] =	ssyncset.s32 @!p0 $0xFFFFF086;
	s6 =	sadd.s32 @!p0 s3, s7;
	s7 =	simm.s32 @!p0 $0x108  }
0x21: {  	s3 =	sadd.s32 s3, s9;
	s6 =	sadd.s32 @!p0 $0x88, s6;
	s7 =	simm.s32 @p2 $0x1082  }
0x22: {  	[simem:s7], [sflag:s8] =	dma.local @!p0 [hbm:s6], $0xF7A  }
0x23: {  	s9 =	sor.u32 $0xD0000000, s2;
	s6 =	simm.s32 $0x108;
	_ =	swait.ge @!p0 [sflag:s8], $0x0  }
0x24: {  	s3 =	sadd.s32 $0x88, s3;
	s6 =	simm.s32 @!p1 $0x1082;
	[sflag:s4] =	ssyncset.s32 $0xFFFFF086  }
0x25: {  	[simem:s6], [sflag:s4] =	dma.local [hbm:s3], $0xF7A  }
0x26: {  	[smem:$0x3F95] =	sst s1;
	(tag) =	ssettag s2;
	_ =	strace s9  }
0x27: {  	s1 =	sld [smem:$0x3FA5]  }
0x28: {  	s2 =	sld [smem:$0x3FA6]  }
0x29: {  	s4 =	sld [smem:$0x3FA8]  }
0x2a: {  	p0 =	seq.s32 s5, $0x0;
	s5 =	sld [smem:$0x3FA9]  }
0x2b: {  	s6 =	sld [smem:$0x3FAA]  }
0x2c: {  	s7 =	sld [smem:$0x3FAB]  }
0x2d: {  	s3 =	simm.s32 $0x108;
	s8 =	sld [smem:$0x3FAC]  }
0x2e: {  	s3 =	simm.s32 @!p0 $0x1082;
	s9 =	sld [smem:$0x3FAD]  }
0x2f: {  	lr =	sadd.s32 s0, s3;
	s0 =	sld [smem:$0x3FA4]  }
0x30: {  	s3 =	sld [smem:$0x3FA7]  }
0x31: {  	[smem:$0x3FB0] =	sst s10  }
0x32: {  	s10 =	sld [smem:$0x3FAE];
	_ =	sdelay $0x3  }
0x33: {  	p0 =	seq.s32 s10, $0x1;
	s10 =	sld [smem:$0x3FB0];
	_ =	sdelay $0x3  }
0x34: {  	[smem:$0x3FB0] =	sst s10  }
0x35: {  	s10 =	sld [smem:$0x3FAF];
	_ =	sdelay $0x3  }
0x36: {  	p1 =	seq.s32 s10, $0x1;
	s10 =	sld [smem:$0x3FB0];
	_ =	sdelay $0x3  }
0x37: {  	[smem:$0x3FB0] =	sst s10  }
0x38: {  	s10 =	sld [smem:$0x3FB1]  }
0x39: {  	_ = 	snop;
	(pc) =	sbr.ind lr, $3  }
0x3a: {  	_ = 	snop  }
0x3b: {  	_ = 	snop  }
0x3c: {  	p2 =	seq.s32 s10, $0x1;
	s10 =	sld [smem:$0x3FB0]  }
0x3d: {  	_ =	shalt  }
0x3e: {  	_ =	shalt  }
0x3f: {  	_ =	shalt  }
0x40: {  	_ =	shalt  }
0x41: {  	_ =	shalt  }
0x42: {  	_ =	shalt  }
0x43: {  	_ =	shalt  }
0x44: {  	_ =	shalt  }
0x45: {  	_ =	shalt  }
0x46: {  	_ =	shalt  }
0x47: {  	_ =	shalt  }
0x48: {  	_ =	shalt  }
0x49: {  	_ =	shalt  }
0x4a: {  	_ =	shalt  }
0x4b: {  	_ =	shalt  }
0x4c: {  	_ =	shalt  }
0x4d: {  	_ =	shalt  }
0x4e: {  	_ =	shalt  }
0x4f: {  	_ =	shalt  }
0x50: {  	_ =	shalt  }
0x51: {  	_ =	shalt  }
0x52: {  	_ =	shalt  }
0x53: {  	_ =	shalt  }
0x54: {  	_ =	shalt  }
0x55: {  	_ =	shalt  }
0x56: {  	_ =	shalt  }
0x57: {  	_ =	shalt  }
0x58: {  	_ =	shalt  }
0x59: {  	_ =	shalt  }
0x5a: {  	_ =	shalt  }
0x5b: {  	_ =	shalt  }
0x5c: {  	_ =	shalt  }
0x5d: {  	_ =	shalt  }
0x5e: {  	_ =	shalt  }
0x5f: {  	_ =	shalt  }
0x60: {  	_ =	shalt  }
0x61: {  	_ =	shalt  }
0x62: {  	_ =	shalt  }
0x63: {  	_ =	shalt  }
0x64: {  	_ =	shalt  }
0x65: {  	_ =	shalt  }
0x66: {  	_ =	shalt  }
0x67: {  	_ =	shalt  }
0x68: {  	_ =	shalt  }
0x69: {  	_ =	shalt  }
0x6a: {  	_ =	shalt  }
0x6b: {  	_ =	shalt  }
0x6c: {  	_ =	shalt  }
0x6d: {  	_ =	shalt  }
0x6e: {  	_ =	shalt  }
0x6f: {  	_ =	shalt  }
0x70: {  	_ =	shalt  }
0x71: {  	_ =	shalt  }
0x72: {  	_ =	shalt  }
0x73: {  	_ =	shalt  }
0x74: {  	_ =	shalt  }
0x75: {  	_ =	shalt  }
0x76: {  	_ =	shalt  }
0x77: {  	_ =	shalt  }
0x78: {  	_ =	shalt  }
0x79: {  	_ =	shalt  }
0x7a: {  	_ =	shalt  }
0x7b: {  	_ =	shalt  }
0x7c: {  	_ =	shalt  }
0x7d: {  	_ =	shalt  }
0x7e: {  	_ =	shalt  }
0x7f: {  	_ =	shalt  }
0x80: {  	_ =	shalt  }
0x81: {  	_ =	shalt  }
0x82: {  	_ =	shalt  }
0x83: {  	_ =	shalt  }
0x84: {  	_ =	shalt  }
0x85: {  	_ =	shalt  }
0x86: {  	_ =	shalt  }
0x87: {  	_ =	shalt  }
.Lfunc_end0:
.L_simem_size_0:
called_computation.3_lowered:
.L_overlay_start_0:
0x88: {  	s2 =	sld [smem:$0x3FD9]  }
0x89: {  	s3 =	sld [smem:$0x3FFE];
	_ =	sdelay $0x1  }
0x8a: {  	s1 =	srdreg.scid  }
0x8b: {  	s0 =	sand.u32 $0x1, s1  }
0x8c: {  	s16 =	sshll.u32 s0, $0xA;
	s2 =	sadd.s32 s3, s2  }
0x8d: {  	s2 =	sadd.s32 s2, s16  }
0x8e: {  	[smem:$0x3FBC] =	sst s2  }
0x8f: {  	_ = 	snop  }
0x90: {  	(tm) =	ssettm $0x1  }
0x91: {  	s17 =	sld [smem:$0x3FFB];
	_ =	sdelay $0x3  }
0x92: {  	_ =	strace s17  }
0x93: {  	s2 =	sld [smem:$0x3FFC];
	_ =	sdelay $0x3  }
0x94: {  	_ =	strace s2  }
0x95: {  	s2 =	sld [smem:$0x3FFD];
	_ =	sdelay $0x3  }
0x96: {  	_ =	strace s2  }
0x97: {  	_ =	strace $0x8FFFFFFF  }
0x98: {  	s18 =	sld [smem:$0x3FDB];
	_ =	sdelay $0x1  }
0x99: {  	s19 =	simm.s32 $_scs_section_size  }
0x9a: {  	s4 =	simm.s32 $_size__tile_overlayer_lowered;
	s5 =	simm.s32 $_tile_overlayer_lowered  }
0x9b: {  	s22 =	simm.s32 $0x1BFF;
	s21 =	sshll.u32 s5, $0x1;
	s2 =	sadd.s32 s19, s18  }
0x9c: {  	s6 =	simm.s32 $0x0;
	s20 =	sshll.u32 s4, $0x1;
	s4 =	sadd.s32 s21, s2  }
0x9d: {  	[timem:s6], [sflag:s22] =	dma.local [hbm:s4], s20  }
0x9e: {  	_ =	swait.ge [sflag:s22], s20  }
0x9f: {  	s3 =	ssub.s32 $0x0, s20;
	[sflag:s22] =	ssyncset.done $0x0  }
0xa0: {  	[sflag:s22] =	ssyncadd.s32 s3;
	_ =	sdelay $0x1  }
0xa1: {  	s23 =	simm.s32 $0x1B8B  }
0xa2: {  	_ =	swait.ge [sflag:s23], $0x1  }
0xa3: {  	[sflag:s23] =	ssyncset.done $0x0  }
0xa4: {  	s25 =	simm.s32 $0x1B8E;
	s24 =	sld [smem:$0x3FFE];
	[sflag:s23] =	ssyncadd.s32 $0xFFFFFFFF  }
0xa5: {  	s26 =	simm.s32 $execute0_lowered;
	[smem:$0x3FD2] =	sst s25  }
0xa6: {  	s4 =	sshll.u32 s26, $0x1;
	_ =	strace $0x8000004F;
	[dreg:$0x1] =	wrdreg $0xFFFFFFFF  }
0xa7: {  	s28 =	simm.s32 $_size_execute0_lowered;
	s2 =	sadd.s32 s2, s4;
	[dreg:$0x0] =	wrdreg $0x0  }
0xa8: {  	s4 =	sshll.u32 s28, $0x1;
	[dreg:$0x2] =	wrdreg s2  }
0xa9: {  	[dreg:$0x3] =	wrdreg s4  }
0xaa: {  	[dreg:$0x4] =	wrdreg $0xC0  }
0xab: {  	_ =	task [dreg:s6], $0x5FFFF  }
0xac: {  	[dreg:$0x1] =	wrdreg $0xFFFFFFFF  }
0xad: {  	[dreg:$0x0] =	wrdreg $0x60  }
0xae: {  	[dreg:$0x2] =	wrdreg s24  }
0xaf: {  	[dreg:$0x3] =	wrdreg $0x9  }
0xb0: {  	_ =	task.clear_ibuf [dreg:s6], $0x4FFFF;
	_ =	strace $0x9000004F  }
0xb1: {  	s29 =	simm.s32 $0x9;
	_ =	strace $0x80000051  }
0xb2: {  	_ =	swait.ge [sflag:s29], $0x1  }
0xb3: {  	[sflag:s29] =	ssyncadd.s32 $0xFFFFFFFF  }
0xb4: {  	_ =	strace $0x90000051  }
0xb5: {  	_ =	sfence  }
0xb6: {  	s30 =	sld [smem:$0x0];
	_ =	sdelay $0x2  }
0xb7: {  	s31 =	sshll.u32 s1, $0xD;
	s1 =	sshrl.u32 s1, $0x2  }
0xb8: {  	s3 =	sand.u32 $0x4000, s31;
	s1 =	sadd.s32 s1, s30  }
0xb9: {  	s0 =	sor.u32 s3, s0;
	s1 =	sshll.u32 s1, $0x11  }
0xba: {  	s0 =	sor.u32 s1, s0  }
0xbb: {  	s0 =	sadd.s32 $0x8F2B, s0  }
0xbc: {  	[sflag:s0] =	ssyncadd.remote.s32 $0x1  }
0xbd: {  	_ =	sfence.sel $0xFFFF  }
0xbe: {  	[dreg:$0x0] =	wrdreg $0xFFFFFFFF;
	(pc) =	sbr.abs _section_cstart, $3  }
0xbf: {  	[dreg:$0x1] =	wrdreg $0xFFFFFFFF  }
0xc0: {  	_ =	task.clear_ibuf [dreg:s6], $0x2FFFF;
	_ =	strace $0x9FFFFFFF  }
0xc1: {  	(tm) =	ssettm $0x7FFFFFFF  }
tec
execute0_lowered:
.L_overlay_start_1:
0x0: {  	(tag) =	ssettag $0x1  }
0x1: {  	s1 =	srdreg.scid  }
0x2: {  	s0 =	stileid.u32;
	s30 =	sand.u32 $0x1, s1  }
0x3: {  	s4 =	sshll.u32 s0, $0x7;
	s3 =	sshll.u32 s30, $0xB  }
0x4: {  	s25 =	rddreg [dreg:$0x0];
	s2 =	simm.s32 $0x0;
	s3 =	sor.u32 s4, s3  }
0x5: {  	[smem:$0x7FF] =	sst s2;
	s5 =	sadd.s32 s3, s25  }
0x6: {  	_ =	strace $0x80000050;
	s3 =	simm.s32 $0x3;
	s4 =	sadd.s32 $0x52000, s5  }
0x7: {  	[tilespmem:s2], [sflag:$0x3] =	stream.linear.gather [hbm4b:s4+s2], $0x280, $0x38;
	[tilespmem:$0x8800] =	vst v63  }
0x8: {  	_ =	swait.ge [sflag:s3], $0x280  }
0x9: {  	[sflag:s3] =	ssyncset.done $0x0  }
0xa: {  	s6 =	simm.s32 $0x400;
	s5 =	sadd.s32 $0x53000, s5;
	[sflag:s3] =	ssyncadd.s32 $0xFFFFFD80  }
0xb: {  	[tilespmem:s6], [sflag:$0x3] =	stream.linear.gather [hbm4b:s5+s2], $0x280, $0x38;
	[tilespmem:$0x8800] =	vst v63  }
0xc: {  	_ =	swait.ge [sflag:s3], $0x280  }
0xd: {  	s8 =	simm.s32 $0x80;
	s9 =	simm.s32 $0x800;
	[sflag:s3] =	ssyncset.done $0x0  }
0xe: {  	s7 =	sadd.s32 $0x3000, s25;
	s10 =	sshll.u32 s30, $0x4;
	[sflag:s3] =	ssyncadd.s32 $0xFFFFFD80  }
0xf: {  	[tilespmem:s9], [sflag:$0x1] =	stream.indirect.gather [hbm4b:s7+s8], $0x80, s2, s8, $0xb8;
	[tilespmem:$0x8800] =	vst v63  }
0x10: {  	s11 =	simm.s32 $0x1;
	s15 =	sor.u32 s0, s10;
	s10 =	simm.s32 $0x4800  }
0x11: {  	[tilespmem:s10], [sflag:$0x2] =	stream.indirect.gather [hbm4b:s7+s8], $0x80, s6, s8, $0xb8;
	[tilespmem:$0x8800] =	vst v63  }
0x12: {  	s14 =	smul.u32 $0x2800, s15;
	_ =	swait.ge [sflag:s11], $0x4000  }
0x13: {  	s29 =	sadd.s32 $0x54000, s25;
	[sflag:s11] =	ssyncset.done $0x0  }
0x14: {  	s12 =	sadd.s32 s29, s14;
	[sflag:s11] =	ssyncadd.s32 $0xFFFFC000  }
0x15: {  	[hbm4b:s12+s2] =	stream.linear.scatter [tilespmem:s9], [sflag:$0x3], $0x4000, $0x38;
	[tilespmem:$0x8800] =	vst v63  }
0x16: {  	_ =	swait.ge [sflag:s3], $0x4000  }
0x17: {  	[sflag:s3] =	ssyncset.done $0x0  }
0x18: {  	s13 =	simm.s32 $0x2;
	[sflag:s3] =	ssyncadd.s32 $0xFFFFC000  }
0x19: {  	[tilespmem:s9], [sflag:$0x1] =	stream.indirect.gather [hbm4b:s7+s8], $0x80, s8, s8, $0xb8;
	[tilespmem:$0x8800] =	vst v63  }
0x1a: {  	_ =	swait.ge [sflag:s13], $0x4000  }
0x1b: {  	s31 =	sadd.s32 $0xA4000, s25;
	[sflag:s13] =	ssyncset.done $0x0  }
0x1c: {  	s14 =	sadd.s32 s31, s14;
	[sflag:s13] =	ssyncadd.s32 $0xFFFFC000  }
0x1d: {  	[hbm4b:s14+s2] =	stream.linear.scatter [tilespmem:s10], [sflag:$0x3], $0x4000, $0x38;
	[tilespmem:$0x8800] =	vst v63  }
0x1e: {  	_ =	swait.ge [sflag:s3], $0x4000  }
0x1f: {  	[sflag:s3] =	ssyncset.done $0x0  }
0x20: {  	s26 =	smul.u32 $0x14000, s15;
	s15 =	simm.s32 $0x480;
	[sflag:s3] =	ssyncadd.s32 $0xFFFFC000  }
0x21: {  	[tilespmem:s10], [sflag:$0x2] =	stream.indirect.gather [hbm4b:s7+s8], $0x80, s15, s8, $0xb8;
	[tilespmem:$0x8800] =	vst v63  }
0x22: {  	s1 =	sshrl.u32 s26, $0x3;
	_ =	swait.ge [sflag:s11], $0x4000  }
0x23: {  	s18 =	sadd.s32 $0x800, s1;
	[sflag:s11] =	ssyncset.done $0x0  }
0x24: {  	s16 =	sadd.s32 s29, s18;
	[sflag:s11] =	ssyncadd.s32 $0xFFFFC000  }
0x25: {  	[hbm4b:s16+s2] =	stream.linear.scatter [tilespmem:s9], [sflag:$0x3], $0x4000, $0x38;
	[tilespmem:$0x8800] =	vst v63  }
0x26: {  	_ =	swait.ge [sflag:s3], $0x4000  }
0x27: {  	[sflag:s3] =	ssyncset.done $0x0  }
0x28: {  	s17 =	simm.s32 $0x100;
	[sflag:s3] =	ssyncadd.s32 $0xFFFFC000  }
0x29: {  	[tilespmem:s9], [sflag:$0x1] =	stream.indirect.gather [hbm4b:s7+s8], $0x80, s17, s8, $0xb8;
	[tilespmem:$0x8800] =	vst v63  }
0x2a: {  	_ =	swait.ge [sflag:s13], $0x4000  }
0x2b: {  	[sflag:s13] =	ssyncset.done $0x0  }
0x2c: {  	s18 =	sadd.s32 s31, s18;
	[sflag:s13] =	ssyncadd.s32 $0xFFFFC000  }
0x2d: {  	[hbm4b:s18+s2] =	stream.linear.scatter [tilespmem:s10], [sflag:$0x3], $0x4000, $0x38;
	[tilespmem:$0x8800] =	vst v63  }
0x2e: {  	_ =	swait.ge [sflag:s3], $0x4000  }
0x2f: {  	[sflag:s3] =	ssyncset.done $0x0  }
0x30: {  	s19 =	simm.s32 $0x500;
	[sflag:s3] =	ssyncadd.s32 $0xFFFFC000  }
0x31: {  	[tilespmem:s10], [sflag:$0x2] =	stream.indirect.gather [hbm4b:s7+s8], $0x80, s19, s8, $0xb8;
	[tilespmem:$0x8800] =	vst v63  }
0x32: {  	_ =	swait.ge [sflag:s11], $0x4000  }
0x33: {  	s22 =	sadd.s32 $0x1000, s1;
	[sflag:s11] =	ssyncset.done $0x0  }
0x34: {  	s20 =	sadd.s32 s29, s22;
	[sflag:s11] =	ssyncadd.s32 $0xFFFFC000  }
0x35: {  	[hbm4b:s20+s2] =	stream.linear.scatter [tilespmem:s9], [sflag:$0x3], $0x4000, $0x38;
	[tilespmem:$0x8800] =	vst v63  }
0x36: {  	_ =	swait.ge [sflag:s3], $0x4000  }
0x37: {  	[sflag:s3] =	ssyncset.done $0x0  }
0x38: {  	s21 =	simm.s32 $0x180;
	[sflag:s3] =	ssyncadd.s32 $0xFFFFC000  }
0x39: {  	[tilespmem:s9], [sflag:$0x1] =	stream.indirect.gather [hbm4b:s7+s8], $0x80, s21, s8, $0xb8;
	[tilespmem:$0x8800] =	vst v63  }
0x3a: {  	_ =	swait.ge [sflag:s13], $0x4000  }
0x3b: {  	[sflag:s13] =	ssyncset.done $0x0  }
0x3c: {  	s22 =	sadd.s32 s31, s22;
	[sflag:s13] =	ssyncadd.s32 $0xFFFFC000  }
0x3d: {  	[hbm4b:s22+s2] =	stream.linear.scatter [tilespmem:s10], [sflag:$0x3], $0x4000, $0x38;
	[tilespmem:$0x8800] =	vst v63  }
0x3e: {  	_ =	swait.ge [sflag:s3], $0x4000  }
0x3f: {  	[sflag:s3] =	ssyncset.done $0x0  }
0x40: {  	s23 =	simm.s32 $0x580;
	[sflag:s3] =	ssyncadd.s32 $0xFFFFC000  }
0x41: {  	[tilespmem:s10], [sflag:$0x2] =	stream.indirect.gather [hbm4b:s7+s8], $0x80, s23, s8, $0xb8;
	[tilespmem:$0x8800] =	vst v63  }
0x42: {  	_ =	swait.ge [sflag:s11], $0x4000  }
0x43: {  	s26 =	sadd.s32 $0x1800, s1;
	[sflag:s11] =	ssyncset.done $0x0  }
0x44: {  	s24 =	sadd.s32 s29, s26;
	[sflag:s11] =	ssyncadd.s32 $0xFFFFC000  }
0x45: {  	[hbm4b:s24+s2] =	stream.linear.scatter [tilespmem:s9], [sflag:$0x3], $0x4000, $0x38;
	[tilespmem:$0x8800] =	vst v63  }
0x46: {  	_ =	swait.ge [sflag:s3], $0x4000  }
0x47: {  	[sflag:s3] =	ssyncset.done $0x0  }
0x48: {  	s25 =	simm.s32 $0x200;
	[sflag:s3] =	ssyncadd.s32 $0xFFFFC000  }
0x49: {  	[tilespmem:s9], [sflag:$0x1] =	stream.indirect.gather [hbm4b:s7+s8], $0x80, s25, s8, $0xb8;
	[tilespmem:$0x8800] =	vst v63  }
0x4a: {  	_ =	swait.ge [sflag:s13], $0x4000  }
0x4b: {  	[sflag:s13] =	ssyncset.done $0x0  }
0x4c: {  	s26 =	sadd.s32 s31, s26;
	[sflag:s13] =	ssyncadd.s32 $0xFFFFC000  }
0x4d: {  	[hbm4b:s26+s2] =	stream.linear.scatter [tilespmem:s10], [sflag:$0x3], $0x4000, $0x38;
	[tilespmem:$0x8800] =	vst v63  }
0x4e: {  	_ =	swait.ge [sflag:s3], $0x4000  }
0x4f: {  	[sflag:s3] =	ssyncset.done $0x0  }
0x50: {  	s28 =	simm.s32 $0x600;
	[sflag:s3] =	ssyncadd.s32 $0xFFFFC000  }
0x51: {  	[tilespmem:s10], [sflag:$0x2] =	stream.indirect.gather [hbm4b:s7+s8], $0x80, s28, s8, $0xb8;
	[tilespmem:$0x8800] =	vst v63  }
0x52: {  	_ =	swait.ge [sflag:s11], $0x4000  }
0x53: {  	s1 =	sadd.s32 $0x2000, s1;
	[sflag:s11] =	ssyncset.done $0x0  }
0x54: {  	s30 =	ssub.s32 $0x2, s30;
	s29 =	sadd.s32 s29, s1;
	[sflag:s11] =	ssyncadd.s32 $0xFFFFC000  }
0x55: {  	[hbm4b:s29+s2] =	stream.linear.scatter [tilespmem:s9], [sflag:$0x3], $0x4000, $0x38;
	[tilespmem:$0x8800] =	vst v63  }
0x56: {  	s0 =	sshrl.u32 s30, $0x1;
	_ =	swait.ge [sflag:s3], $0x4000  }
0x57: {  	s0 =	ssub.s32 s30, s0;
	[sflag:s3] =	ssyncset.done $0x0  }
0x58: {  	s0 =	smax.u32 s0, $0x1;
	[sflag:s3] =	ssyncadd.s32 $0xFFFFC000  }
0x59: {  	p0 =	sne.s32 s0, $0x1;
	_ =	swait.ge [sflag:s13], $0x4000  }
.Ltmp0:
0x5a: {  	[sflag:s13] =	ssyncset.done $0x0;
	(pc) =	sbr.rel @!p0 .LBB2_2-.Ltmp0, $4  }
0x5b: {  	s30 =	sadd.s32 s31, s1;
	[sflag:s13] =	ssyncadd.s32 $0xFFFFC000  }
0x5c: {  	[hbm4b:s30+s2] =	stream.linear.scatter [tilespmem:s10], [sflag:$0x3], $0x4000, $0x38;
	[tilespmem:$0x8800] =	vst v63  }
0x5d: {  	_ =	swait.ge [sflag:s3], $0x4000  }
0x5e: {  	s31 =	sadd.s32 $0xFFFFFFFF, s0;
	[sflag:s3] =	ssyncset.done $0x0  }
.LBB2_1:
0x5f: {  	p0 =	sne.s32 s31, $0x1;
	s31 =	sadd.s32 $0xFFFFFFFF, s31;
	[sflag:s3] =	ssyncadd.s32 $0xFFFFC000  }
0x60: {  	[tilespmem:s2], [sflag:$0x3] =	stream.linear.gather [hbm4b:s4+s2], $0x280, $0x38;
	[tilespmem:$0x8800] =	vst v63  }
0x61: {  	_ =	swait.ge [sflag:s3], $0x280  }
0x62: {  	[sflag:s3] =	ssyncset.done $0x0  }
0x63: {  	[sflag:s3] =	ssyncadd.s32 $0xFFFFFD80  }
0x64: {  	[tilespmem:s6], [sflag:$0x3] =	stream.linear.gather [hbm4b:s5+s2], $0x280, $0x38;
	[tilespmem:$0x8800] =	vst v63  }
0x65: {  	_ =	swait.ge [sflag:s3], $0x280  }
0x66: {  	[sflag:s3] =	ssyncset.done $0x0  }
0x67: {  	[sflag:s3] =	ssyncadd.s32 $0xFFFFFD80  }
0x68: {  	[tilespmem:s9], [sflag:$0x1] =	stream.indirect.gather [hbm4b:s7+s8], $0x80, s2, s8, $0xb8;
	[tilespmem:$0x8800] =	vst v63  }
0x69: {  	_ = 	snop  }
0x6a: {  	[tilespmem:s10], [sflag:$0x2] =	stream.indirect.gather [hbm4b:s7+s8], $0x80, s6, s8, $0xb8;
	[tilespmem:$0x8800] =	vst v63  }
0x6b: {  	_ =	swait.ge [sflag:s11], $0x4000  }
0x6c: {  	[sflag:s11] =	ssyncset.done $0x0  }
0x6d: {  	[sflag:s11] =	ssyncadd.s32 $0xFFFFC000  }
0x6e: {  	[hbm4b:s12+s2] =	stream.linear.scatter [tilespmem:s9], [sflag:$0x3], $0x4000, $0x38;
	[tilespmem:$0x8800] =	vst v63  }
0x6f: {  	_ =	swait.ge [sflag:s3], $0x4000  }
0x70: {  	[sflag:s3] =	ssyncset.done $0x0  }
0x71: {  	[sflag:s3] =	ssyncadd.s32 $0xFFFFC000  }
0x72: {  	[tilespmem:s9], [sflag:$0x1] =	stream.indirect.gather [hbm4b:s7+s8], $0x80, s8, s8, $0xb8;
	[tilespmem:$0x8800] =	vst v63  }
0x73: {  	_ =	swait.ge [sflag:s13], $0x4000  }
0x74: {  	[sflag:s13] =	ssyncset.done $0x0  }
0x75: {  	[sflag:s13] =	ssyncadd.s32 $0xFFFFC000  }
0x76: {  	[hbm4b:s14+s2] =	stream.linear.scatter [tilespmem:s10], [sflag:$0x3], $0x4000, $0x38;
	[tilespmem:$0x8800] =	vst v63  }
0x77: {  	_ =	swait.ge [sflag:s3], $0x4000  }
0x78: {  	[sflag:s3] =	ssyncset.done $0x0  }
0x79: {  	[sflag:s3] =	ssyncadd.s32 $0xFFFFC000  }
0x7a: {  	[tilespmem:s10], [sflag:$0x2] =	stream.indirect.gather [hbm4b:s7+s8], $0x80, s15, s8, $0xb8;
	[tilespmem:$0x8800] =	vst v63  }
0x7b: {  	_ =	swait.ge [sflag:s11], $0x4000  }
0x7c: {  	[sflag:s11] =	ssyncset.done $0x0  }
0x7d: {  	[sflag:s11] =	ssyncadd.s32 $0xFFFFC000  }
0x7e: {  	[hbm4b:s16+s2] =	stream.linear.scatter [tilespmem:s9], [sflag:$0x3], $0x4000, $0x38;
	[tilespmem:$0x8800] =	vst v63  }
0x7f: {  	_ =	swait.ge [sflag:s3], $0x4000  }
0x80: {  	[sflag:s3] =	ssyncset.done $0x0  }
0x81: {  	[sflag:s3] =	ssyncadd.s32 $0xFFFFC000  }
0x82: {  	[tilespmem:s9], [sflag:$0x1] =	stream.indirect.gather [hbm4b:s7+s8], $0x80, s17, s8, $0xb8;
	[tilespmem:$0x8800] =	vst v63  }
0x83: {  	_ =	swait.ge [sflag:s13], $0x4000  }
0x84: {  	[sflag:s13] =	ssyncset.done $0x0  }
0x85: {  	[sflag:s13] =	ssyncadd.s32 $0xFFFFC000  }
0x86: {  	[hbm4b:s18+s2] =	stream.linear.scatter [tilespmem:s10], [sflag:$0x3], $0x4000, $0x38;
	[tilespmem:$0x8800] =	vst v63  }
0x87: {  	_ =	swait.ge [sflag:s3], $0x4000  }
0x88: {  	[sflag:s3] =	ssyncset.done $0x0  }
0x89: {  	[sflag:s3] =	ssyncadd.s32 $0xFFFFC000  }
0x8a: {  	[tilespmem:s10], [sflag:$0x2] =	stream.indirect.gather [hbm4b:s7+s8], $0x80, s19, s8, $0xb8;
	[tilespmem:$0x8800] =	vst v63  }
0x8b: {  	_ =	swait.ge [sflag:s11], $0x4000  }
0x8c: {  	[sflag:s11] =	ssyncset.done $0x0  }
0x8d: {  	[sflag:s11] =	ssyncadd.s32 $0xFFFFC000  }
0x8e: {  	[hbm4b:s20+s2] =	stream.linear.scatter [tilespmem:s9], [sflag:$0x3], $0x4000, $0x38;
	[tilespmem:$0x8800] =	vst v63  }
0x8f: {  	_ =	swait.ge [sflag:s3], $0x4000  }
0x90: {  	[sflag:s3] =	ssyncset.done $0x0  }
0x91: {  	[sflag:s3] =	ssyncadd.s32 $0xFFFFC000  }
0x92: {  	[tilespmem:s9], [sflag:$0x1] =	stream.indirect.gather [hbm4b:s7+s8], $0x80, s21, s8, $0xb8;
	[tilespmem:$0x8800] =	vst v63  }
0x93: {  	_ =	swait.ge [sflag:s13], $0x4000  }
0x94: {  	[sflag:s13] =	ssyncset.done $0x0  }
0x95: {  	[sflag:s13] =	ssyncadd.s32 $0xFFFFC000  }
0x96: {  	[hbm4b:s22+s2] =	stream.linear.scatter [tilespmem:s10], [sflag:$0x3], $0x4000, $0x38;
	[tilespmem:$0x8800] =	vst v63  }
0x97: {  	_ =	swait.ge [sflag:s3], $0x4000  }
0x98: {  	[sflag:s3] =	ssyncset.done $0x0  }
0x99: {  	[sflag:s3] =	ssyncadd.s32 $0xFFFFC000  }
0x9a: {  	[tilespmem:s10], [sflag:$0x2] =	stream.indirect.gather [hbm4b:s7+s8], $0x80, s23, s8, $0xb8;
	[tilespmem:$0x8800] =	vst v63  }
0x9b: {  	_ =	swait.ge [sflag:s11], $0x4000  }
0x9c: {  	[sflag:s11] =	ssyncset.done $0x0  }
0x9d: {  	[sflag:s11] =	ssyncadd.s32 $0xFFFFC000  }
0x9e: {  	[hbm4b:s24+s2] =	stream.linear.scatter [tilespmem:s9], [sflag:$0x3], $0x4000, $0x38;
	[tilespmem:$0x8800] =	vst v63  }
0x9f: {  	_ =	swait.ge [sflag:s3], $0x4000  }
0xa0: {  	[sflag:s3] =	ssyncset.done $0x0  }
0xa1: {  	[sflag:s3] =	ssyncadd.s32 $0xFFFFC000  }
0xa2: {  	[tilespmem:s9], [sflag:$0x1] =	stream.indirect.gather [hbm4b:s7+s8], $0x80, s25, s8, $0xb8;
	[tilespmem:$0x8800] =	vst v63  }
0xa3: {  	_ =	swait.ge [sflag:s13], $0x4000  }
0xa4: {  	[sflag:s13] =	ssyncset.done $0x0  }
0xa5: {  	[sflag:s13] =	ssyncadd.s32 $0xFFFFC000  }
0xa6: {  	[hbm4b:s26+s2] =	stream.linear.scatter [tilespmem:s10], [sflag:$0x3], $0x4000, $0x38;
	[tilespmem:$0x8800] =	vst v63  }
0xa7: {  	_ =	swait.ge [sflag:s3], $0x4000  }
0xa8: {  	[sflag:s3] =	ssyncset.done $0x0  }
0xa9: {  	[sflag:s3] =	ssyncadd.s32 $0xFFFFC000  }
0xaa: {  	[tilespmem:s10], [sflag:$0x2] =	stream.indirect.gather [hbm4b:s7+s8], $0x80, s28, s8, $0xb8;
	[tilespmem:$0x8800] =	vst v63  }
0xab: {  	_ =	swait.ge [sflag:s11], $0x4000  }
0xac: {  	[sflag:s11] =	ssyncset.done $0x0  }
0xad: {  	[sflag:s11] =	ssyncadd.s32 $0xFFFFC000  }
0xae: {  	[hbm4b:s29+s2] =	stream.linear.scatter [tilespmem:s9], [sflag:$0x3], $0x4000, $0x38;
	[tilespmem:$0x8800] =	vst v63  }
0xaf: {  	_ =	swait.ge [sflag:s3], $0x4000  }
0xb0: {  	[sflag:s3] =	ssyncset.done $0x0  }
0xb1: {  	[sflag:s3] =	ssyncadd.s32 $0xFFFFC000  }
0xb2: {  	_ =	swait.ge [sflag:s13], $0x4000  }
.Ltmp1:
0xb3: {  	[sflag:s13] =	ssyncset.done $0x0;
	(pc) =	sbr.rel @p0 .LBB2_1-.Ltmp1, $4  }
0xb4: {  	[sflag:s13] =	ssyncadd.s32 $0xFFFFC000  }
0xb5: {  	[hbm4b:s30+s2] =	stream.linear.scatter [tilespmem:s10], [sflag:$0x3], $0x4000, $0x38;
	[tilespmem:$0x8800] =	vst v63  }
0xb6: {  	_ =	swait.ge [sflag:s3], $0x4000  }
0xb7: {  	[sflag:s3] =	ssyncset.done $0x0  }
.LBB2_2:
0xb8: {  	[sflag:s3] =	ssyncadd.s32 $0xFFFFC000  }
0xb9: {  	_ =	sfence.sel $0x180000  }
0xba: {  	[bflag:$0x0] =	sbarrier.arrive $0xFFFF  }
0xbb: {  	_ =	strace $0x90000050  }
0xbc: {  	s0 =	stileid.u32;
	[bflag:$0x2] =	sbarrier.arrive $0xFFFF  }
0xbd: {  	p0 =	sne.s32 s0, $0x0;
	s0 =	rddreg [dreg:$0x1]  }
0xbe: {  	s0 =	sadd.s32 @!p0 $0x100000, s0  }
0xbf: {  	[sflag:s0] =	ssyncadd.tile.s32 @!p0 $0x1;
	_ =	shalt  }
.Lfunc_end2:
_tile_overlayer_lowered:
.L_overlay_start_2:
0xc0: {  	(tag) =	ssettag $0x2  }
0xc1: {  	s0 =	rddreg [dreg:$0x0];
	s2 =	stileid.u32  }
0xc2: {  	s1 =	rddreg [dreg:$0x1];
	p0 =	sne.s32 s2, $0x0  }
0xc3: {  	s3 =	rddreg [dreg:$0x2];
	[bflag:$0x3] =	sbarrier.arrive $0xFFFF;
	s2 =	simm.s32 @!p0 $0x1C03  }
0xc4: {  	[timem:s3], [sflag:s2] =	dma.local @!p0 [hbm:s0], s1  }
0xc5: {  	s0 =	simm.s32 @!p0 $0x3  }
0xc6: {  	_ =	swait.ge @!p0 [sflag:s0], s1  }
0xc7: {  	s1 =	ssub.s32 @!p0 $0x0, s1;
	[sflag:s0] =	ssyncset.done @!p0 $0x0  }
0xc8: {  	[sflag:s0] =	ssyncadd.s32 @!p0 s1  }
0xc9: {  	[bflag:$0x3] =	sbarrier.arrive $0xFFFF  }
0xca: {  	_ =	shalt  }

</sc_bundles>
